<compile_context>
chip_gen: v7x
topology: tpu7x:2x2x1
jax: 0.10.2.dev20260603
libtpu: 0.0.44.dev20260713+nightly
codegen_flags: <defaults>
</compile_context>

<pallas_src>
import functools

import jax
import jax.numpy as jnp
from jax import lax
from jax.experimental import pallas as pl
from jax.experimental.pallas import tpu as pltpu
from jax.experimental.pallas import tpu_sc as plsc

_N = 10000
_E = 320000
_H = 128
_L = 4
_G = 128
_C = 10

_NC = 2
_NS = 16
_NW = _NC * _NS
_EPT = _E // _NW
_CH = 125
_NCH = _EPT // _CH
_NSUP = _NCH // 4
_RPT = 624
_TAIL0 = _NS * _RPT
_TAIL = _N - _TAIL0


@functools.cache
def _make_agg():
    mesh = plsc.VectorSubcoreMesh(core_axis_name="c", subcore_axis_name="s")

    @functools.partial(
        pl.kernel,
        mesh=mesh,
        out_type=jax.ShapeDtypeStruct((_NC, _N, _H), jnp.float32),
        scratch_types=(
            [pltpu.VMEM((_CH,), jnp.int32) for _ in range(8)]
            + [pltpu.VMEM((_CH, _H), jnp.float32) for _ in range(2)]
            + [pltpu.VMEM_SHARED((_N, _H), jnp.float32)]
            + [pltpu.SemaphoreType.DMA for _ in range(8)]
        ),
    )
    def agg(h_hbm, src_hbm, dst_hbm, zeros_hbm, out_hbm, *scr):
        sidx = scr[0:4]
        didx = scr[4:8]
        rows = scr[8:10]
        acc = scr[10]
        si = scr[11:15]
        gsem = scr[15:17]
        ssem = scr[17:19]
        c = lax.axis_index("c")
        s = lax.axis_index("s")
        wid = c * _NS + s
        r0 = s * _RPT

        def is0_(j, q):
            pltpu.async_copy(src_hbm.at[wid, j], scr[q], scr[11 + q])
            pltpu.async_copy(dst_hbm.at[wid, j], scr[4 + q], scr[11 + q])

        for q in range(4):
            is0_(q, q)
        pltpu.make_async_copy(src_hbm.at[wid, 0], scr[0], scr[11]).wait()
        pltpu.make_async_copy(dst_hbm.at[wid, 0], scr[4], scr[11]).wait()
        pltpu.async_copy(h_hbm.at[scr[0]], scr[8], scr[15])

        @pl.when(c == 0)
        def _():
            pltpu.sync_copy(h_hbm.at[pl.ds(r0, _RPT)], acc.at[pl.ds(r0, _RPT)])

            @pl.when(s == 0)
            def _():
                pltpu.sync_copy(
                    h_hbm.at[pl.ds(_TAIL0, _TAIL)], acc.at[pl.ds(_TAIL0, _TAIL)]
                )

        @pl.when(c != 0)
        def _():
            pltpu.sync_copy(zeros_hbm.at[pl.ds(r0, _RPT)], acc.at[pl.ds(r0, _RPT)])

            @pl.when(s == 0)
            def _():
                pltpu.sync_copy(
                    zeros_hbm.at[pl.ds(_TAIL0, _TAIL)], acc.at[pl.ds(_TAIL0, _TAIL)]
                )

        plsc.subcore_barrier()

        def is_(j, q):
            pltpu.async_copy(src_hbm.at[wid, j], sidx[q], si[q])
            pltpu.async_copy(dst_hbm.at[wid, j], didx[q], si[q])

        def iw(q):
            pltpu.make_async_copy(src_hbm.at[wid, 0], sidx[q], si[q]).wait()
            pltpu.make_async_copy(dst_hbm.at[wid, 0], didx[q], si[q]).wait()

        def gs(q, r):
            pltpu.async_copy(h_hbm.at[sidx[q]], rows[r], gsem[r])

        def gw(q, r):
            pltpu.make_async_copy(h_hbm.at[sidx[q]], rows[r], gsem[r]).wait()

        def ss(q, r):
            pltpu.async_copy(rows[r], acc.at[didx[q]], ssem[r], add=True)

        def sw(q, r):
            pltpu.make_async_copy(rows[r], acc.at[didx[q]], ssem[r]).wait()

        @pl.loop(0, _NSUP)
        def _(m):
            base = m * 4
            not_last = m < _NSUP - 1
            gw(0, 0)
            ss(0, 0)
            iw(1)
            gs(1, 1)
            sw(0, 0)

            @pl.when(not_last)
            def _():
                is_(base + 4, 0)

            gw(1, 1)
            ss(1, 1)
            iw(2)
            gs(2, 0)
            sw(1, 1)

            @pl.when(not_last)
            def _():
                is_(base + 5, 1)

            gw(2, 0)
            ss(2, 0)
            iw(3)
            gs(3, 1)
            sw(2, 0)

            @pl.when(not_last)
            def _():
                is_(base + 6, 2)

            gw(3, 1)
            ss(3, 1)

            @pl.when(not_last)
            def _():
                iw(0)
                gs(0, 0)

            sw(3, 1)

            @pl.when(not_last)
            def _():
                is_(base + 7, 3)

        plsc.subcore_barrier()
        pltpu.sync_copy(acc.at[pl.ds(r0, _RPT)], out_hbm.at[c, pl.ds(r0, _RPT)])

        @pl.when(s == 0)
        def _():
            pltpu.sync_copy(
                acc.at[pl.ds(_TAIL0, _TAIL)], out_hbm.at[c, pl.ds(_TAIL0, _TAIL)]
            )

    return agg


def _layer_body(a0, a1, batch, w1, b1, g1, be1, w2, b2, g2, be2, z_out, pooled):
    zin = a0[...] + a1[...]
    z1 = jnp.dot(zin, w1[...], preferred_element_type=jnp.float32, precision=lax.Precision.HIGHEST) + b1[...]
    m1 = jnp.mean(z1, axis=0, keepdims=True)
    v1 = jnp.mean((z1 - m1) ** 2, axis=0, keepdims=True)
    z1 = jnp.maximum((z1 - m1) * lax.rsqrt(v1 + 1e-5) * g1[...] + be1[...], 0.0)
    z2 = jnp.dot(z1, w2[...], preferred_element_type=jnp.float32, precision=lax.Precision.HIGHEST) + b2[...]
    m2 = jnp.mean(z2, axis=0, keepdims=True)
    v2 = jnp.mean((z2 - m2) ** 2, axis=0, keepdims=True)
    z = jnp.maximum((z2 - m2) * lax.rsqrt(v2 + 1e-5) * g2[...] + be2[...], 0.0)
    z_out[...] = z
    onehot = (lax.broadcasted_iota(jnp.int32, (_G, _N), 0) == batch[...]).astype(
        jnp.float32
    )
    pooled[...] = jnp.dot(onehot, z, preferred_element_type=jnp.float32)


_layer_tc = pl.pallas_call(
    _layer_body,
    out_shape=(
        jax.ShapeDtypeStruct((_N, _H), jnp.float32),
        jax.ShapeDtypeStruct((_G, _H), jnp.float32),
    ),
)


def _last_body(a0, a1, batch, w1, b1, g1, be1, w2, b2, g2, be2,
               p0, p1, p2, fw10, fw11, fw12, fw13, fb1, fw2, fb2, out):
    zin = a0[...] + a1[...]
    z1 = jnp.dot(zin, w1[...], preferred_element_type=jnp.float32, precision=lax.Precision.HIGHEST) + b1[...]
    m1 = jnp.mean(z1, axis=0, keepdims=True)
    v1 = jnp.mean((z1 - m1) ** 2, axis=0, keepdims=True)
    z1 = jnp.maximum((z1 - m1) * lax.rsqrt(v1 + 1e-5) * g1[...] + be1[...], 0.0)
    z2 = jnp.dot(z1, w2[...], preferred_element_type=jnp.float32, precision=lax.Precision.HIGHEST) + b2[...]
    m2 = jnp.mean(z2, axis=0, keepdims=True)
    v2 = jnp.mean((z2 - m2) ** 2, axis=0, keepdims=True)
    z = jnp.maximum((z2 - m2) * lax.rsqrt(v2 + 1e-5) * g2[...] + be2[...], 0.0)
    onehot = (lax.broadcasted_iota(jnp.int32, (_G, _N), 0) == batch[...]).astype(
        jnp.float32
    )
    p3 = jnp.dot(onehot, z, preferred_element_type=jnp.float32)
    hdn = (
        jnp.dot(p0[...], fw10[...], preferred_element_type=jnp.float32, precision=lax.Precision.HIGHEST)
        + jnp.dot(p1[...], fw11[...], preferred_element_type=jnp.float32, precision=lax.Precision.HIGHEST)
        + jnp.dot(p2[...], fw12[...], preferred_element_type=jnp.float32, precision=lax.Precision.HIGHEST)
        + jnp.dot(p3, fw13[...], preferred_element_type=jnp.float32, precision=lax.Precision.HIGHEST)
        + fb1[...]
    )
    hdn = jnp.maximum(hdn, 0.0)
    out[...] = jnp.dot(hdn, fw2[...], preferred_element_type=jnp.float32, precision=lax.Precision.HIGHEST) + fb2[...]


_last_tc = pl.pallas_call(
    _last_body,
    out_shape=jax.ShapeDtypeStruct((_G, _C), jnp.float32),
)


def kernel(x, edge_index, batch, params):
    src = edge_index[0].reshape(_NW, _NCH, _CH)
    dst = edge_index[1].reshape(_NW, _NCH, _CH)
    zeros = jnp.zeros((_N, _H), jnp.float32)
    batch2d = batch.reshape(1, _N)

    agg = _make_agg()
    h = x
    pooled = []
    for i in range(_L - 1):
        acc = agg(h, src, dst, zeros)
        h, p = _layer_tc(
            acc[0],
            acc[1],
            batch2d,
            params[f"w1_{i}"],
            params[f"b1_{i}"].reshape(1, _H),
            params[f"g1_{i}"].reshape(1, _H),
            params[f"be1_{i}"].reshape(1, _H),
            params[f"w2_{i}"],
            params[f"b2_{i}"].reshape(1, _H),
            params[f"g2_{i}"].reshape(1, _H),
            params[f"be2_{i}"].reshape(1, _H),
        )
        pooled.append(p)

    i = _L - 1
    acc = agg(h, src, dst, zeros)
    fw1 = params["fc1_w"]
    return _last_tc(
        acc[0],
        acc[1],
        batch2d,
        params[f"w1_{i}"],
        params[f"b1_{i}"].reshape(1, _H),
        params[f"g1_{i}"].reshape(1, _H),
        params[f"be1_{i}"].reshape(1, _H),
        params[f"w2_{i}"],
        params[f"b2_{i}"].reshape(1, _H),
        params[f"g2_{i}"].reshape(1, _H),
        params[f"be2_{i}"].reshape(1, _H),
        pooled[0],
        pooled[1],
        pooled[2],
        fw1[0 * _H : 1 * _H],
        fw1[1 * _H : 2 * _H],
        fw1[2 * _H : 3 * _H],
        fw1[3 * _H : 4 * _H],
        params["fc1_b"].reshape(1, _H),
        params["fc2_w"],
        params["fc2_b"].reshape(1, _C),
    )

# --- scband reference (transcript-rebuilt; emitter-appended) ---
"""Pipeline reference for scband-ginmodel-36421322670666 (READ-ONLY COPY).

The authoritative reference and input builder live on the scoring server;
editing this copy changes nothing except your own understanding.
"""

import jax, jax.numpy as jnp
import numpy as np

N = 10000
E = 320000
D = 128
H = 128
L = 4
G = 128
C = 10


def _batchnorm(z, g, b):
    m = z.mean(axis=0)
    v = z.var(axis=0)
    return (z - m) / jnp.sqrt(v + 1e-5) * g + b


def setup_inputs(seed: int = 0) -> dict:
    key = jax.random.key(seed)
    ks = jax.random.split(key, 64)
    x = jax.random.normal(ks[0], (N, D), dtype=jnp.float32)
    edge_index = jax.random.randint(ks[1], (2, E), 0, N)
    batch = jnp.sort(jax.random.randint(ks[2], (N,), 0, G))
    params = {}
    ki = 3
    for i in range(L):
        in_dim = D if i == 0 else H
        params[f'w1_{i}'] = jax.random.normal(ks[ki], (in_dim, H), dtype=jnp.float32) * 0.05; ki += 1
        params[f'b1_{i}'] = jnp.zeros((H,), dtype=jnp.float32)
        params[f'g1_{i}'] = jnp.ones((H,), dtype=jnp.float32)
        params[f'be1_{i}'] = jnp.zeros((H,), dtype=jnp.float32)
        params[f'w2_{i}'] = jax.random.normal(ks[ki], (H, H), dtype=jnp.float32) * 0.05; ki += 1
        params[f'b2_{i}'] = jnp.zeros((H,), dtype=jnp.float32)
        params[f'g2_{i}'] = jnp.ones((H,), dtype=jnp.float32)
        params[f'be2_{i}'] = jnp.zeros((H,), dtype=jnp.float32)
    params['fc1_w'] = jax.random.normal(ks[ki], (H * L, H), dtype=jnp.float32) * 0.05; ki += 1
    params['fc1_b'] = jnp.zeros((H,), dtype=jnp.float32)
    params['fc2_w'] = jax.random.normal(ks[ki], (H, C), dtype=jnp.float32) * 0.05; ki += 1
    params['fc2_b'] = jnp.zeros((C,), dtype=jnp.float32)
    return {'x': x, 'edge_index': edge_index, 'batch': batch, 'params': params}


def reference(x, edge_index, batch, params):
    src = edge_index[0]
    dst = edge_index[1]
    h = x
    xs = []
    for i in range(L):
        # GINConv: (1 + eps) * h + sum_{j in N(i)} h_j  with eps = 0
        agg = jnp.zeros((h.shape[0], h.shape[1]), dtype=h.dtype).at[dst].add(h[src])
        z = h + agg
        # inner MLP: Linear -> BatchNorm1d -> ReLU -> Linear
        z = z @ params[f'w1_{i}'] + params[f'b1_{i}']
        z = jax.nn.relu(_batchnorm(z, params[f'g1_{i}'], params[f'be1_{i}']))
        z = z @ params[f'w2_{i}'] + params[f'b2_{i}']
        # outer BatchNorm1d + ReLU
        z = jax.nn.relu(_batchnorm(z, params[f'g2_{i}'], params[f'be2_{i}']))
        xs.append(z)
        h = z
    # global_add_pool per layer, concatenated
    pooled = jnp.concatenate([jax.ops.segment_sum(xi, batch, num_segments=G) for xi in xs], axis=-1)
    hdn = jax.nn.relu(pooled @ params['fc1_w'] + params['fc1_b'])  # dropout is identity at inference
    out = hdn @ params['fc2_w'] + params['fc2_b']
    return out

if __name__ == "__main__":
    import jax
    _d = setup_inputs()
    print(jax.jit(kernel)(*tuple(_d.values())))

</pallas_src>

<mosaic_0001>
#map = affine_map<(d0, d1) -> (0, 0)>
#map1 = affine_map<(d0, d1) -> (0, 0, 0)>
module attributes {stable_mosaic.version = 14 : i64} {
  func.func @agg(%arg0: i32, %arg1: i32, %arg2: memref<10000x128xf32, #tpu.memory_space<hbm>>, %arg3: memref<32x80x125xi32, #tpu.memory_space<hbm>>, %arg4: memref<32x80x125xi32, #tpu.memory_space<hbm>>, %arg5: memref<10000x128xf32, #tpu.memory_space<hbm>>, %arg6: memref<2x10000x128xf32, #tpu.memory_space<hbm>>, %arg7: memref<125xi32, #tpu.memory_space<vmem>>, %arg8: memref<125xi32, #tpu.memory_space<vmem>>, %arg9: memref<125xi32, #tpu.memory_space<vmem>>, %arg10: memref<125xi32, #tpu.memory_space<vmem>>, %arg11: memref<125xi32, #tpu.memory_space<vmem>>, %arg12: memref<125xi32, #tpu.memory_space<vmem>>, %arg13: memref<125xi32, #tpu.memory_space<vmem>>, %arg14: memref<125xi32, #tpu.memory_space<vmem>>, %arg15: memref<125x128xf32, #tpu.memory_space<vmem>>, %arg16: memref<125x128xf32, #tpu.memory_space<vmem>>, %arg17: memref<10000x128xf32, #tpu.memory_space<vmem_shared>>, %arg18: memref<!tpu.dma_semaphore, #tpu.memory_space<semaphore_mem>>, %arg19: memref<!tpu.dma_semaphore, #tpu.memory_space<semaphore_mem>>, %arg20: memref<!tpu.dma_semaphore, #tpu.memory_space<semaphore_mem>>, %arg21: memref<!tpu.dma_semaphore, #tpu.memory_space<semaphore_mem>>, %arg22: memref<!tpu.dma_semaphore, #tpu.memory_space<semaphore_mem>>, %arg23: memref<!tpu.dma_semaphore, #tpu.memory_space<semaphore_mem>>, %arg24: memref<!tpu.dma_semaphore, #tpu.memory_space<semaphore_mem>>, %arg25: memref<!tpu.dma_semaphore, #tpu.memory_space<semaphore_mem>>) attributes {dimension_semantics = [#tpu.dimension_semantics<core_parallel>, #tpu.dimension_semantics<subcore_parallel>], iteration_bounds = array<i64: 2, 16>, scalar_prefetch = 0 : i64, scratch_operands = 19 : i64, tpu.core_type = #tpu.core_type<sc_vector_subcore>, window_params = [{transform_indices = #map}, {transform_indices = #map1}, {transform_indices = #map1}, {transform_indices = #map}, {transform_indices = #map1}]} {
    %mul3A = arith.constant 16 : i32
    %mul3A_0 = arith.muli %arg0, %mul3A : i32
    %add3A = arith.addi %mul3A_0, %arg1 : i32
    %mul3A_1 = arith.constant 624 : i32
    %mul3A_2 = arith.muli %arg1, %mul3A_1 : i32
    %dma_start3A = arith.constant 0 : i32
    %dma_start3A_3 = arith.constant 0 : i32
    %dma_start3A_4 = tpu.memref_slice %arg3[%add3A, %dma_start3A, %dma_start3A_3] : memref<32x80x125xi32, #tpu.memory_space<hbm>> -> memref<1x1x125xi32, #tpu.memory_space<hbm>>
    %dma_start3A_5 = tpu.memref_squeeze %dma_start3A_4 : memref<1x1x125xi32, #tpu.memory_space<hbm>> -> memref<125xi32, #tpu.memory_space<hbm>>
    %dma_start3A_6 = arith.constant 0 : i32
    %dma_start3A_7 = tpu.memref_slice %arg3[%add3A, %dma_start3A, %dma_start3A_6] : memref<32x80x125xi32, #tpu.memory_space<hbm>> -> memref<1x1x125xi32, #tpu.memory_space<hbm>>
    %dma_start3A_8 = tpu.memref_squeeze %dma_start3A_7 : memref<1x1x125xi32, #tpu.memory_space<hbm>> -> memref<125xi32, #tpu.memory_space<hbm>>
    tpu.enqueue_dma source(%dma_start3A_8 : memref<125xi32, #tpu.memory_space<hbm>>) target(%arg7 : memref<125xi32, #tpu.memory_space<vmem>>) target_semaphore(%arg18 : memref<!tpu.dma_semaphore, #tpu.memory_space<semaphore_mem>>)
    %dma_start3A_9 = arith.constant 0 : i32
    %dma_start3A_10 = arith.constant 0 : i32
    %dma_start3A_11 = tpu.memref_slice %arg4[%add3A, %dma_start3A_9, %dma_start3A_10] : memref<32x80x125xi32, #tpu.memory_space<hbm>> -> memref<1x1x125xi32, #tpu.memory_space<hbm>>
    %dma_start3A_12 = tpu.memref_squeeze %dma_start3A_11 : memref<1x1x125xi32, #tpu.memory_space<hbm>> -> memref<125xi32, #tpu.memory_space<hbm>>
    %dma_start3A_13 = arith.constant 0 : i32
    %dma_start3A_14 = tpu.memref_slice %arg4[%add3A, %dma_start3A_9, %dma_start3A_13] : memref<32x80x125xi32, #tpu.memory_space<hbm>> -> memref<1x1x125xi32, #tpu.memory_space<hbm>>
    %dma_start3A_15 = tpu.memref_squeeze %dma_start3A_14 : memref<1x1x125xi32, #tpu.memory_space<hbm>> -> memref<125xi32, #tpu.memory_space<hbm>>
    tpu.enqueue_dma source(%dma_start3A_15 : memref<125xi32, #tpu.memory_space<hbm>>) target(%arg11 : memref<125xi32, #tpu.memory_space<vmem>>) target_semaphore(%arg18 : memref<!tpu.dma_semaphore, #tpu.memory_space<semaphore_mem>>)
    %dma_start3A_16 = arith.constant 1 : i32
    %dma_start3A_17 = arith.constant 0 : i32
    %dma_start3A_18 = tpu.memref_slice %arg3[%add3A, %dma_start3A_16, %dma_start3A_17] : memref<32x80x125xi32, #tpu.memory_space<hbm>> -> memref<1x1x125xi32, #tpu.memory_space<hbm>>
    %dma_start3A_19 = tpu.memref_squeeze %dma_start3A_18 : memref<1x1x125xi32, #tpu.memory_space<hbm>> -> memref<125xi32, #tpu.memory_space<hbm>>
    %dma_start3A_20 = arith.constant 0 : i32
    %dma_start3A_21 = tpu.memref_slice %arg3[%add3A, %dma_start3A_16, %dma_start3A_20] : memref<32x80x125xi32, #tpu.memory_space<hbm>> -> memref<1x1x125xi32, #tpu.memory_space<hbm>>
    %dma_start3A_22 = tpu.memref_squeeze %dma_start3A_21 : memref<1x1x125xi32, #tpu.memory_space<hbm>> -> memref<125xi32, #tpu.memory_space<hbm>>
    tpu.enqueue_dma source(%dma_start3A_22 : memref<125xi32, #tpu.memory_space<hbm>>) target(%arg8 : memref<125xi32, #tpu.memory_space<vmem>>) target_semaphore(%arg19 : memref<!tpu.dma_semaphore, #tpu.memory_space<semaphore_mem>>)
    %dma_start3A_23 = arith.constant 1 : i32
    %dma_start3A_24 = arith.constant 0 : i32
    %dma_start3A_25 = tpu.memref_slice %arg4[%add3A, %dma_start3A_23, %dma_start3A_24] : memref<32x80x125xi32, #tpu.memory_space<hbm>> -> memref<1x1x125xi32, #tpu.memory_space<hbm>>
    %dma_start3A_26 = tpu.memref_squeeze %dma_start3A_25 : memref<1x1x125xi32, #tpu.memory_space<hbm>> -> memref<125xi32, #tpu.memory_space<hbm>>
    %dma_start3A_27 = arith.constant 0 : i32
    %dma_start3A_28 = tpu.memref_slice %arg4[%add3A, %dma_start3A_23, %dma_start3A_27] : memref<32x80x125xi32, #tpu.memory_space<hbm>> -> memref<1x1x125xi32, #tpu.memory_space<hbm>>
    %dma_start3A_29 = tpu.memref_squeeze %dma_start3A_28 : memref<1x1x125xi32, #tpu.memory_space<hbm>> -> memref<125xi32, #tpu.memory_space<hbm>>
    tpu.enqueue_dma source(%dma_start3A_29 : memref<125xi32, #tpu.memory_space<hbm>>) target(%arg12 : memref<125xi32, #tpu.memory_space<vmem>>) target_semaphore(%arg19 : memref<!tpu.dma_semaphore, #tpu.memory_space<semaphore_mem>>)
    %dma_start3A_30 = arith.constant 2 : i32
    %dma_start3A_31 = arith.constant 0 : i32
    %dma_start3A_32 = tpu.memref_slice %arg3[%add3A, %dma_start3A_30, %dma_start3A_31] : memref<32x80x125xi32, #tpu.memory_space<hbm>> -> memref<1x1x125xi32, #tpu.memory_space<hbm>>
    %dma_start3A_33 = tpu.memref_squeeze %dma_start3A_32 : memref<1x1x125xi32, #tpu.memory_space<hbm>> -> memref<125xi32, #tpu.memory_space<hbm>>
    %dma_start3A_34 = arith.constant 0 : i32
    %dma_start3A_35 = tpu.memref_slice %arg3[%add3A, %dma_start3A_30, %dma_start3A_34] : memref<32x80x125xi32, #tpu.memory_space<hbm>> -> memref<1x1x125xi32, #tpu.memory_space<hbm>>
    %dma_start3A_36 = tpu.memref_squeeze %dma_start3A_35 : memref<1x1x125xi32, #tpu.memory_space<hbm>> -> memref<125xi32, #tpu.memory_space<hbm>>
    tpu.enqueue_dma source(%dma_start3A_36 : memref<125xi32, #tpu.memory_space<hbm>>) target(%arg9 : memref<125xi32, #tpu.memory_space<vmem>>) target_semaphore(%arg20 : memref<!tpu.dma_semaphore, #tpu.memory_space<semaphore_mem>>)
    %dma_start3A_37 = arith.constant 2 : i32
    %dma_start3A_38 = arith.constant 0 : i32
    %dma_start3A_39 = tpu.memref_slice %arg4[%add3A, %dma_start3A_37, %dma_start3A_38] : memref<32x80x125xi32, #tpu.memory_space<hbm>> -> memref<1x1x125xi32, #tpu.memory_space<hbm>>
    %dma_start3A_40 = tpu.memref_squeeze %dma_start3A_39 : memref<1x1x125xi32, #tpu.memory_space<hbm>> -> memref<125xi32, #tpu.memory_space<hbm>>
    %dma_start3A_41 = arith.constant 0 : i32
    %dma_start3A_42 = tpu.memref_slice %arg4[%add3A, %dma_start3A_37, %dma_start3A_41] : memref<32x80x125xi32, #tpu.memory_space<hbm>> -> memref<1x1x125xi32, #tpu.memory_space<hbm>>
    %dma_start3A_43 = tpu.memref_squeeze %dma_start3A_42 : memref<1x1x125xi32, #tpu.memory_space<hbm>> -> memref<125xi32, #tpu.memory_space<hbm>>
    tpu.enqueue_dma source(%dma_start3A_43 : memref<125xi32, #tpu.memory_space<hbm>>) target(%arg13 : memref<125xi32, #tpu.memory_space<vmem>>) target_semaphore(%arg20 : memref<!tpu.dma_semaphore, #tpu.memory_space<semaphore_mem>>)
    %dma_start3A_44 = arith.constant 3 : i32
    %dma_start3A_45 = arith.constant 0 : i32
    %dma_start3A_46 = tpu.memref_slice %arg3[%add3A, %dma_start3A_44, %dma_start3A_45] : memref<32x80x125xi32, #tpu.memory_space<hbm>> -> memref<1x1x125xi32, #tpu.memory_space<hbm>>
    %dma_start3A_47 = tpu.memref_squeeze %dma_start3A_46 : memref<1x1x125xi32, #tpu.memory_space<hbm>> -> memref<125xi32, #tpu.memory_space<hbm>>
    %dma_start3A_48 = arith.constant 0 : i32
    %dma_start3A_49 = tpu.memref_slice %arg3[%add3A, %dma_start3A_44, %dma_start3A_48] : memref<32x80x125xi32, #tpu.memory_space<hbm>> -> memref<1x1x125xi32, #tpu.memory_space<hbm>>
    %dma_start3A_50 = tpu.memref_squeeze %dma_start3A_49 : memref<1x1x125xi32, #tpu.memory_space<hbm>> -> memref<125xi32, #tpu.memory_space<hbm>>
    tpu.enqueue_dma source(%dma_start3A_50 : memref<125xi32, #tpu.memory_space<hbm>>) target(%arg10 : memref<125xi32, #tpu.memory_space<vmem>>) target_semaphore(%arg21 : memref<!tpu.dma_semaphore, #tpu.memory_space<semaphore_mem>>)
    %dma_start3A_51 = arith.constant 3 : i32
    %dma_start3A_52 = arith.constant 0 : i32
    %dma_start3A_53 = tpu.memref_slice %arg4[%add3A, %dma_start3A_51, %dma_start3A_52] : memref<32x80x125xi32, #tpu.memory_space<hbm>> -> memref<1x1x125xi32, #tpu.memory_space<hbm>>
    %dma_start3A_54 = tpu.memref_squeeze %dma_start3A_53 : memref<1x1x125xi32, #tpu.memory_space<hbm>> -> memref<125xi32, #tpu.memory_space<hbm>>
    %dma_start3A_55 = arith.constant 0 : i32
    %dma_start3A_56 = tpu.memref_slice %arg4[%add3A, %dma_start3A_51, %dma_start3A_55] : memref<32x80x125xi32, #tpu.memory_space<hbm>> -> memref<1x1x125xi32, #tpu.memory_space<hbm>>
    %dma_start3A_57 = tpu.memref_squeeze %dma_start3A_56 : memref<1x1x125xi32, #tpu.memory_space<hbm>> -> memref<125xi32, #tpu.memory_space<hbm>>
    tpu.enqueue_dma source(%dma_start3A_57 : memref<125xi32, #tpu.memory_space<hbm>>) target(%arg14 : memref<125xi32, #tpu.memory_space<vmem>>) target_semaphore(%arg21 : memref<!tpu.dma_semaphore, #tpu.memory_space<semaphore_mem>>)
    %dma_wait3A = arith.constant 0 : i32
    %dma_wait3A_58 = arith.constant 0 : i32
    %dma_wait3A_59 = tpu.memref_slice %arg3[%add3A, %dma_wait3A, %dma_wait3A_58] : memref<32x80x125xi32, #tpu.memory_space<hbm>> -> memref<1x1x125xi32, #tpu.memory_space<hbm>>
    %dma_wait3A_60 = tpu.memref_squeeze %dma_wait3A_59 : memref<1x1x125xi32, #tpu.memory_space<hbm>> -> memref<125xi32, #tpu.memory_space<hbm>>
    %dma_wait3A_61 = arith.constant 0 : i32
    %dma_wait3A_62 = tpu.memref_slice %arg3[%add3A, %dma_wait3A, %dma_wait3A_61] : memref<32x80x125xi32, #tpu.memory_space<hbm>> -> memref<1x1x125xi32, #tpu.memory_space<hbm>>
    %dma_wait3A_63 = tpu.memref_squeeze %dma_wait3A_62 : memref<1x1x125xi32, #tpu.memory_space<hbm>> -> memref<125xi32, #tpu.memory_space<hbm>>
    tpu.wait_dma2 semaphore(%arg18 : memref<!tpu.dma_semaphore, #tpu.memory_space<semaphore_mem>>) src(%dma_wait3A_63 : memref<125xi32, #tpu.memory_space<hbm>>) dst(%arg7 : memref<125xi32, #tpu.memory_space<vmem>>)
    %dma_wait3A_64 = arith.constant 0 : i32
    %dma_wait3A_65 = arith.constant 0 : i32
    %dma_wait3A_66 = tpu.memref_slice %arg4[%add3A, %dma_wait3A_64, %dma_wait3A_65] : memref<32x80x125xi32, #tpu.memory_space<hbm>> -> memref<1x1x125xi32, #tpu.memory_space<hbm>>
    %dma_wait3A_67 = tpu.memref_squeeze %dma_wait3A_66 : memref<1x1x125xi32, #tpu.memory_space<hbm>> -> memref<125xi32, #tpu.memory_space<hbm>>
    %dma_wait3A_68 = arith.constant 0 : i32
    %dma_wait3A_69 = tpu.memref_slice %arg4[%add3A, %dma_wait3A_64, %dma_wait3A_68] : memref<32x80x125xi32, #tpu.memory_space<hbm>> -> memref<1x1x125xi32, #tpu.memory_space<hbm>>
    %dma_wait3A_70 = tpu.memref_squeeze %dma_wait3A_69 : memref<1x1x125xi32, #tpu.memory_space<hbm>> -> memref<125xi32, #tpu.memory_space<hbm>>
    tpu.wait_dma2 semaphore(%arg18 : memref<!tpu.dma_semaphore, #tpu.memory_space<semaphore_mem>>) src(%dma_wait3A_70 : memref<125xi32, #tpu.memory_space<hbm>>) dst(%arg11 : memref<125xi32, #tpu.memory_space<vmem>>)
    %dma_start3A_71 = arith.constant 0 : i32
    %dma_start3A_72 = arith.constant 0 : i32
    %dma_start3A_73 = tpu.memref_slice %arg2[%dma_start3A_71, %dma_start3A_72] : memref<10000x128xf32, #tpu.memory_space<hbm>> -> memref<10000x128xf32, #tpu.memory_space<hbm>>
    tpu.enqueue_indirect_dma source(%dma_start3A_73 : memref<10000x128xf32, #tpu.memory_space<hbm>>) target(%arg15 : memref<125x128xf32, #tpu.memory_space<vmem>>) offsets(%arg7 : memref<125xi32, #tpu.memory_space<vmem>>) semaphore(%arg22 : memref<!tpu.dma_semaphore, #tpu.memory_space<semaphore_mem>>)
    %eq3A = arith.constant 0 : i32
    %eq3A_74 = arith.cmpi eq, %arg0, %eq3A : i32
    %convert_element_type3A = arith.extui %eq3A_74 : i1 to i32
    %cond3A = arith.constant 0 : i32
    %cond3A_75 = arith.cmpi ne, %convert_element_type3A, %cond3A : i32
    scf.if %cond3A_75 {
      "tpu.region"() ({
        %run_scoped3A = tpu.sem_alloc : memref<!tpu.dma_semaphore, #tpu.memory_space<semaphore_mem>>
        %dma_start3A_95 = arith.constant 0 : i32
        %dma_start3A_96 = tpu.memref_slice %arg17[%mul3A_2, %dma_start3A_95] : memref<10000x128xf32, #tpu.memory_space<vmem_shared>> -> memref<624x128xf32, #tpu.memory_space<vmem_shared>>
        %dma_start3A_97 = arith.constant 0 : i32
        %dma_start3A_98 = tpu.memref_slice %arg2[%mul3A_2, %dma_start3A_97] : memref<10000x128xf32, #tpu.memory_space<hbm>> -> memref<624x128xf32, #tpu.memory_space<hbm>>
        tpu.enqueue_dma source(%dma_start3A_98 : memref<624x128xf32, #tpu.memory_space<hbm>>) target(%dma_start3A_96 : memref<624x128xf32, #tpu.memory_space<vmem_shared>>) target_semaphore(%run_scoped3A : memref<!tpu.dma_semaphore, #tpu.memory_space<semaphore_mem>>)
        %dma_wait3A_99 = arith.constant 0 : i32
        %dma_wait3A_100 = tpu.memref_slice %arg17[%mul3A_2, %dma_wait3A_99] : memref<10000x128xf32, #tpu.memory_space<vmem_shared>> -> memref<624x128xf32, #tpu.memory_space<vmem_shared>>
        %dma_wait3A_101 = arith.constant 0 : i32
        %dma_wait3A_102 = tpu.memref_slice %arg2[%mul3A_2, %dma_wait3A_101] : memref<10000x128xf32, #tpu.memory_space<hbm>> -> memref<624x128xf32, #tpu.memory_space<hbm>>
        tpu.wait_dma2 semaphore(%run_scoped3A : memref<!tpu.dma_semaphore, #tpu.memory_space<semaphore_mem>>) src(%dma_wait3A_102 : memref<624x128xf32, #tpu.memory_space<hbm>>) dst(%dma_wait3A_100 : memref<624x128xf32, #tpu.memory_space<vmem_shared>>)
        tpu.yield
      }) : () -> ()
      %eq3A_90 = arith.constant 0 : i32
      %eq3A_91 = arith.cmpi eq, %arg1, %eq3A_90 : i32
      %convert_element_type3A_92 = arith.extui %eq3A_91 : i1 to i32
      %cond3A_93 = arith.constant 0 : i32
      %cond3A_94 = arith.cmpi ne, %convert_element_type3A_92, %cond3A_93 : i32
      scf.if %cond3A_94 {
        "tpu.region"() ({
          %run_scoped3A = tpu.sem_alloc : memref<!tpu.dma_semaphore, #tpu.memory_space<semaphore_mem>>
          %dma_start3A_95 = arith.constant 9984 : i32
          %dma_start3A_96 = arith.constant 0 : i32
          %dma_start3A_97 = tpu.memref_slice %arg17[%dma_start3A_95, %dma_start3A_96] : memref<10000x128xf32, #tpu.memory_space<vmem_shared>> -> memref<16x128xf32, #tpu.memory_space<vmem_shared>>
          %dma_start3A_98 = arith.constant 9984 : i32
          %dma_start3A_99 = arith.constant 0 : i32
          %dma_start3A_100 = tpu.memref_slice %arg2[%dma_start3A_98, %dma_start3A_99] : memref<10000x128xf32, #tpu.memory_space<hbm>> -> memref<16x128xf32, #tpu.memory_space<hbm>>
          tpu.enqueue_dma source(%dma_start3A_100 : memref<16x128xf32, #tpu.memory_space<hbm>>) target(%dma_start3A_97 : memref<16x128xf32, #tpu.memory_space<vmem_shared>>) target_semaphore(%run_scoped3A : memref<!tpu.dma_semaphore, #tpu.memory_space<semaphore_mem>>)
          %dma_wait3A_101 = arith.constant 9984 : i32
          %dma_wait3A_102 = arith.constant 0 : i32
          %dma_wait3A_103 = tpu.memref_slice %arg17[%dma_wait3A_101, %dma_wait3A_102] : memref<10000x128xf32, #tpu.memory_space<vmem_shared>> -> memref<16x128xf32, #tpu.memory_space<vmem_shared>>
          %dma_wait3A_104 = arith.constant 9984 : i32
          %dma_wait3A_105 = arith.constant 0 : i32
          %dma_wait3A_106 = tpu.memref_slice %arg2[%dma_wait3A_104, %dma_wait3A_105] : memref<10000x128xf32, #tpu.memory_space<hbm>> -> memref<16x128xf32, #tpu.memory_space<hbm>>
          tpu.wait_dma2 semaphore(%run_scoped3A : memref<!tpu.dma_semaphore, #tpu.memory_space<semaphore_mem>>) src(%dma_wait3A_106 : memref<16x128xf32, #tpu.memory_space<hbm>>) dst(%dma_wait3A_103 : memref<16x128xf32, #tpu.memory_space<vmem_shared>>)
          tpu.yield
        }) : () -> ()
      } else {
      }
    } else {
    }
    %ne3A = arith.constant 0 : i32
    %ne3A_76 = arith.cmpi ne, %arg0, %ne3A : i32
    %convert_element_type3A_77 = arith.extui %ne3A_76 : i1 to i32
    %cond3A_78 = arith.constant 0 : i32
    %cond3A_79 = arith.cmpi ne, %convert_element_type3A_77, %cond3A_78 : i32
    scf.if %cond3A_79 {
      "tpu.region"() ({
        %run_scoped3A = tpu.sem_alloc : memref<!tpu.dma_semaphore, #tpu.memory_space<semaphore_mem>>
        %dma_start3A_95 = arith.constant 0 : i32
        %dma_start3A_96 = tpu.memref_slice %arg17[%mul3A_2, %dma_start3A_95] : memref<10000x128xf32, #tpu.memory_space<vmem_shared>> -> memref<624x128xf32, #tpu.memory_space<vmem_shared>>
        %dma_start3A_97 = arith.constant 0 : i32
        %dma_start3A_98 = tpu.memref_slice %arg5[%mul3A_2, %dma_start3A_97] : memref<10000x128xf32, #tpu.memory_space<hbm>> -> memref<624x128xf32, #tpu.memory_space<hbm>>
        tpu.enqueue_dma source(%dma_start3A_98 : memref<624x128xf32, #tpu.memory_space<hbm>>) target(%dma_start3A_96 : memref<624x128xf32, #tpu.memory_space<vmem_shared>>) target_semaphore(%run_scoped3A : memref<!tpu.dma_semaphore, #tpu.memory_space<semaphore_mem>>)
        %dma_wait3A_99 = arith.constant 0 : i32
        %dma_wait3A_100 = tpu.memref_slice %arg17[%mul3A_2, %dma_wait3A_99] : memref<10000x128xf32, #tpu.memory_space<vmem_shared>> -> memref<624x128xf32, #tpu.memory_space<vmem_shared>>
        %dma_wait3A_101 = arith.constant 0 : i32
        %dma_wait3A_102 = tpu.memref_slice %arg5[%mul3A_2, %dma_wait3A_101] : memref<10000x128xf32, #tpu.memory_space<hbm>> -> memref<624x128xf32, #tpu.memory_space<hbm>>
        tpu.wait_dma2 semaphore(%run_scoped3A : memref<!tpu.dma_semaphore, #tpu.memory_space<semaphore_mem>>) src(%dma_wait3A_102 : memref<624x128xf32, #tpu.memory_space<hbm>>) dst(%dma_wait3A_100 : memref<624x128xf32, #tpu.memory_space<vmem_shared>>)
        tpu.yield
      }) : () -> ()
      %eq3A_90 = arith.constant 0 : i32
      %eq3A_91 = arith.cmpi eq, %arg1, %eq3A_90 : i32
      %convert_element_type3A_92 = arith.extui %eq3A_91 : i1 to i32
      %cond3A_93 = arith.constant 0 : i32
      %cond3A_94 = arith.cmpi ne, %convert_element_type3A_92, %cond3A_93 : i32
      scf.if %cond3A_94 {
        "tpu.region"() ({
          %run_scoped3A = tpu.sem_alloc : memref<!tpu.dma_semaphore, #tpu.memory_space<semaphore_mem>>
          %dma_start3A_95 = arith.constant 9984 : i32
          %dma_start3A_96 = arith.constant 0 : i32
          %dma_start3A_97 = tpu.memref_slice %arg17[%dma_start3A_95, %dma_start3A_96] : memref<10000x128xf32, #tpu.memory_space<vmem_shared>> -> memref<16x128xf32, #tpu.memory_space<vmem_shared>>
          %dma_start3A_98 = arith.constant 9984 : i32
          %dma_start3A_99 = arith.constant 0 : i32
          %dma_start3A_100 = tpu.memref_slice %arg5[%dma_start3A_98, %dma_start3A_99] : memref<10000x128xf32, #tpu.memory_space<hbm>> -> memref<16x128xf32, #tpu.memory_space<hbm>>
          tpu.enqueue_dma source(%dma_start3A_100 : memref<16x128xf32, #tpu.memory_space<hbm>>) target(%dma_start3A_97 : memref<16x128xf32, #tpu.memory_space<vmem_shared>>) target_semaphore(%run_scoped3A : memref<!tpu.dma_semaphore, #tpu.memory_space<semaphore_mem>>)
          %dma_wait3A_101 = arith.constant 9984 : i32
          %dma_wait3A_102 = arith.constant 0 : i32
          %dma_wait3A_103 = tpu.memref_slice %arg17[%dma_wait3A_101, %dma_wait3A_102] : memref<10000x128xf32, #tpu.memory_space<vmem_shared>> -> memref<16x128xf32, #tpu.memory_space<vmem_shared>>
          %dma_wait3A_104 = arith.constant 9984 : i32
          %dma_wait3A_105 = arith.constant 0 : i32
          %dma_wait3A_106 = tpu.memref_slice %arg5[%dma_wait3A_104, %dma_wait3A_105] : memref<10000x128xf32, #tpu.memory_space<hbm>> -> memref<16x128xf32, #tpu.memory_space<hbm>>
          tpu.wait_dma2 semaphore(%run_scoped3A : memref<!tpu.dma_semaphore, #tpu.memory_space<semaphore_mem>>) src(%dma_wait3A_106 : memref<16x128xf32, #tpu.memory_space<hbm>>) dst(%dma_wait3A_103 : memref<16x128xf32, #tpu.memory_space<vmem_shared>>)
          tpu.yield
        }) : () -> ()
      } else {
      }
    } else {
    }
    %barrier3A = arith.constant 0 : index
    tpu.barrier barrier_id(%barrier3A)
    %scan3A = arith.constant 0 : i32
    %scan3A_80 = arith.constant 20 : i32
    %scan3A_81 = arith.addi %scan3A, %scan3A_80 : i32
    %scan3A_82 = arith.constant 1 : i32
    scf.for %scan3A_90 = %scan3A to %scan3A_81 step %scan3A_82  : i32 {
      %mul3A_91 = arith.constant 1 : i32
      %mul3A_92 = arith.muli %scan3A_90, %mul3A_91 : i32
      %add3A_93 = arith.constant 0 : i32
      %add3A_94 = arith.addi %add3A_93, %mul3A_92 : i32
      %mul3A_95 = arith.constant 4 : i32
      %mul3A_96 = arith.muli %add3A_94, %mul3A_95 : i32
      %lt3A = arith.constant 19 : i32
      %lt3A_97 = arith.cmpi slt, %add3A_94, %lt3A : i32
      %dma_wait3A_98 = arith.constant 0 : i32
      %dma_wait3A_99 = arith.constant 0 : i32
      %dma_wait3A_100 = tpu.memref_slice %arg2[%dma_wait3A_98, %dma_wait3A_99] : memref<10000x128xf32, #tpu.memory_space<hbm>> -> memref<10000x128xf32, #tpu.memory_space<hbm>>
      tpu.wait_indirect_dma semaphore(%arg22 : memref<!tpu.dma_semaphore, #tpu.memory_space<semaphore_mem>>) src(%dma_wait3A_100 : memref<10000x128xf32, #tpu.memory_space<hbm>>) dst(%arg15 : memref<125x128xf32, #tpu.memory_space<vmem>>)
      %dma_start3A_101 = arith.constant 0 : i32
      %dma_start3A_102 = arith.constant 0 : i32
      %dma_start3A_103 = tpu.memref_slice %arg17[%dma_start3A_101, %dma_start3A_102] : memref<10000x128xf32, #tpu.memory_space<vmem_shared>> -> memref<10000x128xf32, #tpu.memory_space<vmem_shared>>
      tpu.enqueue_indirect_dma source(%arg15 : memref<125x128xf32, #tpu.memory_space<vmem>>) target(%dma_start3A_103 : memref<10000x128xf32, #tpu.memory_space<vmem_shared>>) offsets(%arg11 : memref<125xi32, #tpu.memory_space<vmem>>) semaphore(%arg24 : memref<!tpu.dma_semaphore, #tpu.memory_space<semaphore_mem>>) {add = true}
      %dma_wait3A_104 = arith.constant 0 : i32
      %dma_wait3A_105 = arith.constant 0 : i32
      %dma_wait3A_106 = tpu.memref_slice %arg3[%add3A, %dma_wait3A_104, %dma_wait3A_105] : memref<32x80x125xi32, #tpu.memory_space<hbm>> -> memref<1x1x125xi32, #tpu.memory_space<hbm>>
      %dma_wait3A_107 = tpu.memref_squeeze %dma_wait3A_106 : memref<1x1x125xi32, #tpu.memory_space<hbm>> -> memref<125xi32, #tpu.memory_space<hbm>>
      %dma_wait3A_108 = arith.constant 0 : i32
      %dma_wait3A_109 = tpu.memref_slice %arg3[%add3A, %dma_wait3A_104, %dma_wait3A_108] : memref<32x80x125xi32, #tpu.memory_space<hbm>> -> memref<1x1x125xi32, #tpu.memory_space<hbm>>
      %dma_wait3A_110 = tpu.memref_squeeze %dma_wait3A_109 : memref<1x1x125xi32, #tpu.memory_space<hbm>> -> memref<125xi32, #tpu.memory_space<hbm>>
      tpu.wait_dma2 semaphore(%arg19 : memref<!tpu.dma_semaphore, #tpu.memory_space<semaphore_mem>>) src(%dma_wait3A_110 : memref<125xi32, #tpu.memory_space<hbm>>) dst(%arg8 : memref<125xi32, #tpu.memory_space<vmem>>)
      %dma_wait3A_111 = arith.constant 0 : i32
      %dma_wait3A_112 = arith.constant 0 : i32
      %dma_wait3A_113 = tpu.memref_slice %arg4[%add3A, %dma_wait3A_111, %dma_wait3A_112] : memref<32x80x125xi32, #tpu.memory_space<hbm>> -> memref<1x1x125xi32, #tpu.memory_space<hbm>>
      %dma_wait3A_114 = tpu.memref_squeeze %dma_wait3A_113 : memref<1x1x125xi32, #tpu.memory_space<hbm>> -> memref<125xi32, #tpu.memory_space<hbm>>
      %dma_wait3A_115 = arith.constant 0 : i32
      %dma_wait3A_116 = tpu.memref_slice %arg4[%add3A, %dma_wait3A_111, %dma_wait3A_115] : memref<32x80x125xi32, #tpu.memory_space<hbm>> -> memref<1x1x125xi32, #tpu.memory_space<hbm>>
      %dma_wait3A_117 = tpu.memref_squeeze %dma_wait3A_116 : memref<1x1x125xi32, #tpu.memory_space<hbm>> -> memref<125xi32, #tpu.memory_space<hbm>>
      tpu.wait_dma2 semaphore(%arg19 : memref<!tpu.dma_semaphore, #tpu.memory_space<semaphore_mem>>) src(%dma_wait3A_117 : memref<125xi32, #tpu.memory_space<hbm>>) dst(%arg12 : memref<125xi32, #tpu.memory_space<vmem>>)
      %dma_start3A_118 = arith.constant 0 : i32
      %dma_start3A_119 = arith.constant 0 : i32
      %dma_start3A_120 = tpu.memref_slice %arg2[%dma_start3A_118, %dma_start3A_119] : memref<10000x128xf32, #tpu.memory_space<hbm>> -> memref<10000x128xf32, #tpu.memory_space<hbm>>
      tpu.enqueue_indirect_dma source(%dma_start3A_120 : memref<10000x128xf32, #tpu.memory_space<hbm>>) target(%arg16 : memref<125x128xf32, #tpu.memory_space<vmem>>) offsets(%arg8 : memref<125xi32, #tpu.memory_space<vmem>>) semaphore(%arg23 : memref<!tpu.dma_semaphore, #tpu.memory_space<semaphore_mem>>)
      %dma_wait3A_121 = arith.constant 0 : i32
      %dma_wait3A_122 = arith.constant 0 : i32
      %dma_wait3A_123 = tpu.memref_slice %arg17[%dma_wait3A_121, %dma_wait3A_122] : memref<10000x128xf32, #tpu.memory_space<vmem_shared>> -> memref<10000x128xf32, #tpu.memory_space<vmem_shared>>
      tpu.wait_indirect_dma semaphore(%arg24 : memref<!tpu.dma_semaphore, #tpu.memory_space<semaphore_mem>>) src(%arg15 : memref<125x128xf32, #tpu.memory_space<vmem>>) dst(%dma_wait3A_123 : memref<10000x128xf32, #tpu.memory_space<vmem_shared>>)
      %convert_element_type3A_124 = arith.extui %lt3A_97 : i1 to i32
      %cond3A_125 = arith.constant 0 : i32
      %cond3A_126 = arith.cmpi ne, %convert_element_type3A_124, %cond3A_125 : i32
      scf.if %cond3A_126 {
        %add3A_200 = arith.constant 4 : i32
        %add3A_201 = arith.addi %mul3A_96, %add3A_200 : i32
        %dma_start3A_202 = arith.constant 0 : i32
        %dma_start3A_203 = tpu.memref_slice %arg3[%add3A, %add3A_201, %dma_start3A_202] : memref<32x80x125xi32, #tpu.memory_space<hbm>> -> memref<1x1x125xi32, #tpu.memory_space<hbm>>
        %dma_start3A_204 = tpu.memref_squeeze %dma_start3A_203 : memref<1x1x125xi32, #tpu.memory_space<hbm>> -> memref<125xi32, #tpu.memory_space<hbm>>
        %dma_start3A_205 = arith.constant 0 : i32
        %dma_start3A_206 = tpu.memref_slice %arg3[%add3A, %add3A_201, %dma_start3A_205] : memref<32x80x125xi32, #tpu.memory_space<hbm>> -> memref<1x1x125xi32, #tpu.memory_space<hbm>>
        %dma_start3A_207 = tpu.memref_squeeze %dma_start3A_206 : memref<1x1x125xi32, #tpu.memory_space<hbm>> -> memref<125xi32, #tpu.memory_space<hbm>>
        tpu.enqueue_dma source(%dma_start3A_207 : memref<125xi32, #tpu.memory_space<hbm>>) target(%arg7 : memref<125xi32, #tpu.memory_space<vmem>>) target_semaphore(%arg18 : memref<!tpu.dma_semaphore, #tpu.memory_space<semaphore_mem>>)
        %dma_start3A_208 = arith.constant 0 : i32
        %dma_start3A_209 = tpu.memref_slice %arg4[%add3A, %add3A_201, %dma_start3A_208] : memref<32x80x125xi32, #tpu.memory_space<hbm>> -> memref<1x1x125xi32, #tpu.memory_space<hbm>>
        %dma_start3A_210 = tpu.memref_squeeze %dma_start3A_209 : memref<1x1x125xi32, #tpu.memory_space<hbm>> -> memref<125xi32, #tpu.memory_space<hbm>>
        %dma_start3A_211 = arith.constant 0 : i32
        %dma_start3A_212 = tpu.memref_slice %arg4[%add3A, %add3A_201, %dma_start3A_211] : memref<32x80x125xi32, #tpu.memory_space<hbm>> -> memref<1x1x125xi32, #tpu.memory_space<hbm>>
        %dma_start3A_213 = tpu.memref_squeeze %dma_start3A_212 : memref<1x1x125xi32, #tpu.memory_space<hbm>> -> memref<125xi32, #tpu.memory_space<hbm>>
        tpu.enqueue_dma source(%dma_start3A_213 : memref<125xi32, #tpu.memory_space<hbm>>) target(%arg11 : memref<125xi32, #tpu.memory_space<vmem>>) target_semaphore(%arg18 : memref<!tpu.dma_semaphore, #tpu.memory_space<semaphore_mem>>)
      } else {
      }
      %dma_wait3A_127 = arith.constant 0 : i32
      %dma_wait3A_128 = arith.constant 0 : i32
      %dma_wait3A_129 = tpu.memref_slice %arg2[%dma_wait3A_127, %dma_wait3A_128] : memref<10000x128xf32, #tpu.memory_space<hbm>> -> memref<10000x128xf32, #tpu.memory_space<hbm>>
      tpu.wait_indirect_dma semaphore(%arg23 : memref<!tpu.dma_semaphore, #tpu.memory_space<semaphore_mem>>) src(%dma_wait3A_129 : memref<10000x128xf32, #tpu.memory_space<hbm>>) dst(%arg16 : memref<125x128xf32, #tpu.memory_space<vmem>>)
      %dma_start3A_130 = arith.constant 0 : i32
      %dma_start3A_131 = arith.constant 0 : i32
      %dma_start3A_132 = tpu.memref_slice %arg17[%dma_start3A_130, %dma_start3A_131] : memref<10000x128xf32, #tpu.memory_space<vmem_shared>> -> memref<10000x128xf32, #tpu.memory_space<vmem_shared>>
      tpu.enqueue_indirect_dma source(%arg16 : memref<125x128xf32, #tpu.memory_space<vmem>>) target(%dma_start3A_132 : memref<10000x128xf32, #tpu.memory_space<vmem_shared>>) offsets(%arg12 : memref<125xi32, #tpu.memory_space<vmem>>) semaphore(%arg25 : memref<!tpu.dma_semaphore, #tpu.memory_space<semaphore_mem>>) {add = true}
      %dma_wait3A_133 = arith.constant 0 : i32
      %dma_wait3A_134 = arith.constant 0 : i32
      %dma_wait3A_135 = tpu.memref_slice %arg3[%add3A, %dma_wait3A_133, %dma_wait3A_134] : memref<32x80x125xi32, #tpu.memory_space<hbm>> -> memref<1x1x125xi32, #tpu.memory_space<hbm>>
      %dma_wait3A_136 = tpu.memref_squeeze %dma_wait3A_135 : memref<1x1x125xi32, #tpu.memory_space<hbm>> -> memref<125xi32, #tpu.memory_space<hbm>>
      %dma_wait3A_137 = arith.constant 0 : i32
      %dma_wait3A_138 = tpu.memref_slice %arg3[%add3A, %dma_wait3A_133, %dma_wait3A_137] : memref<32x80x125xi32, #tpu.memory_space<hbm>> -> memref<1x1x125xi32, #tpu.memory_space<hbm>>
      %dma_wait3A_139 = tpu.memref_squeeze %dma_wait3A_138 : memref<1x1x125xi32, #tpu.memory_space<hbm>> -> memref<125xi32, #tpu.memory_space<hbm>>
      tpu.wait_dma2 semaphore(%arg20 : memref<!tpu.dma_semaphore, #tpu.memory_space<semaphore_mem>>) src(%dma_wait3A_139 : memref<125xi32, #tpu.memory_space<hbm>>) dst(%arg9 : memref<125xi32, #tpu.memory_space<vmem>>)
      %dma_wait3A_140 = arith.constant 0 : i32
      %dma_wait3A_141 = arith.constant 0 : i32
      %dma_wait3A_142 = tpu.memref_slice %arg4[%add3A, %dma_wait3A_140, %dma_wait3A_141] : memref<32x80x125xi32, #tpu.memory_space<hbm>> -> memref<1x1x125xi32, #tpu.memory_space<hbm>>
      %dma_wait3A_143 = tpu.memref_squeeze %dma_wait3A_142 : memref<1x1x125xi32, #tpu.memory_space<hbm>> -> memref<125xi32, #tpu.memory_space<hbm>>
      %dma_wait3A_144 = arith.constant 0 : i32
      %dma_wait3A_145 = tpu.memref_slice %arg4[%add3A, %dma_wait3A_140, %dma_wait3A_144] : memref<32x80x125xi32, #tpu.memory_space<hbm>> -> memref<1x1x125xi32, #tpu.memory_space<hbm>>
      %dma_wait3A_146 = tpu.memref_squeeze %dma_wait3A_145 : memref<1x1x125xi32, #tpu.memory_space<hbm>> -> memref<125xi32, #tpu.memory_space<hbm>>
      tpu.wait_dma2 semaphore(%arg20 : memref<!tpu.dma_semaphore, #tpu.memory_space<semaphore_mem>>) src(%dma_wait3A_146 : memref<125xi32, #tpu.memory_space<hbm>>) dst(%arg13 : memref<125xi32, #tpu.memory_space<vmem>>)
      %dma_start3A_147 = arith.constant 0 : i32
      %dma_start3A_148 = arith.constant 0 : i32
      %dma_start3A_149 = tpu.memref_slice %arg2[%dma_start3A_147, %dma_start3A_148] : memref<10000x128xf32, #tpu.memory_space<hbm>> -> memref<10000x128xf32, #tpu.memory_space<hbm>>
      tpu.enqueue_indirect_dma source(%dma_start3A_149 : memref<10000x128xf32, #tpu.memory_space<hbm>>) target(%arg15 : memref<125x128xf32, #tpu.memory_space<vmem>>) offsets(%arg9 : memref<125xi32, #tpu.memory_space<vmem>>) semaphore(%arg22 : memref<!tpu.dma_semaphore, #tpu.memory_space<semaphore_mem>>)
      %dma_wait3A_150 = arith.constant 0 : i32
      %dma_wait3A_151 = arith.constant 0 : i32
      %dma_wait3A_152 = tpu.memref_slice %arg17[%dma_wait3A_150, %dma_wait3A_151] : memref<10000x128xf32, #tpu.memory_space<vmem_shared>> -> memref<10000x128xf32, #tpu.memory_space<vmem_shared>>
      tpu.wait_indirect_dma semaphore(%arg25 : memref<!tpu.dma_semaphore, #tpu.memory_space<semaphore_mem>>) src(%arg16 : memref<125x128xf32, #tpu.memory_space<vmem>>) dst(%dma_wait3A_152 : memref<10000x128xf32, #tpu.memory_space<vmem_shared>>)
      %convert_element_type3A_153 = arith.extui %lt3A_97 : i1 to i32
      %cond3A_154 = arith.constant 0 : i32
      %cond3A_155 = arith.cmpi ne, %convert_element_type3A_153, %cond3A_154 : i32
      scf.if %cond3A_155 {
        %add3A_200 = arith.constant 5 : i32
        %add3A_201 = arith.addi %mul3A_96, %add3A_200 : i32
        %dma_start3A_202 = arith.constant 0 : i32
        %dma_start3A_203 = tpu.memref_slice %arg3[%add3A, %add3A_201, %dma_start3A_202] : memref<32x80x125xi32, #tpu.memory_space<hbm>> -> memref<1x1x125xi32, #tpu.memory_space<hbm>>
        %dma_start3A_204 = tpu.memref_squeeze %dma_start3A_203 : memref<1x1x125xi32, #tpu.memory_space<hbm>> -> memref<125xi32, #tpu.memory_space<hbm>>
        %dma_start3A_205 = arith.constant 0 : i32
        %dma_start3A_206 = tpu.memref_slice %arg3[%add3A, %add3A_201, %dma_start3A_205] : memref<32x80x125xi32, #tpu.memory_space<hbm>> -> memref<1x1x125xi32, #tpu.memory_space<hbm>>
        %dma_start3A_207 = tpu.memref_squeeze %dma_start3A_206 : memref<1x1x125xi32, #tpu.memory_space<hbm>> -> memref<125xi32, #tpu.memory_space<hbm>>
        tpu.enqueue_dma source(%dma_start3A_207 : memref<125xi32, #tpu.memory_space<hbm>>) target(%arg8 : memref<125xi32, #tpu.memory_space<vmem>>) target_semaphore(%arg19 : memref<!tpu.dma_semaphore, #tpu.memory_space<semaphore_mem>>)
        %dma_start3A_208 = arith.constant 0 : i32
        %dma_start3A_209 = tpu.memref_slice %arg4[%add3A, %add3A_201, %dma_start3A_208] : memref<32x80x125xi32, #tpu.memory_space<hbm>> -> memref<1x1x125xi32, #tpu.memory_space<hbm>>
        %dma_start3A_210 = tpu.memref_squeeze %dma_start3A_209 : memref<1x1x125xi32, #tpu.memory_space<hbm>> -> memref<125xi32, #tpu.memory_space<hbm>>
        %dma_start3A_211 = arith.constant 0 : i32
        %dma_start3A_212 = tpu.memref_slice %arg4[%add3A, %add3A_201, %dma_start3A_211] : memref<32x80x125xi32, #tpu.memory_space<hbm>> -> memref<1x1x125xi32, #tpu.memory_space<hbm>>
        %dma_start3A_213 = tpu.memref_squeeze %dma_start3A_212 : memref<1x1x125xi32, #tpu.memory_space<hbm>> -> memref<125xi32, #tpu.memory_space<hbm>>
        tpu.enqueue_dma source(%dma_start3A_213 : memref<125xi32, #tpu.memory_space<hbm>>) target(%arg12 : memref<125xi32, #tpu.memory_space<vmem>>) target_semaphore(%arg19 : memref<!tpu.dma_semaphore, #tpu.memory_space<semaphore_mem>>)
      } else {
      }
      %dma_wait3A_156 = arith.constant 0 : i32
      %dma_wait3A_157 = arith.constant 0 : i32
      %dma_wait3A_158 = tpu.memref_slice %arg2[%dma_wait3A_156, %dma_wait3A_157] : memref<10000x128xf32, #tpu.memory_space<hbm>> -> memref<10000x128xf32, #tpu.memory_space<hbm>>
      tpu.wait_indirect_dma semaphore(%arg22 : memref<!tpu.dma_semaphore, #tpu.memory_space<semaphore_mem>>) src(%dma_wait3A_158 : memref<10000x128xf32, #tpu.memory_space<hbm>>) dst(%arg15 : memref<125x128xf32, #tpu.memory_space<vmem>>)
      %dma_start3A_159 = arith.constant 0 : i32
      %dma_start3A_160 = arith.constant 0 : i32
      %dma_start3A_161 = tpu.memref_slice %arg17[%dma_start3A_159, %dma_start3A_160] : memref<10000x128xf32, #tpu.memory_space<vmem_shared>> -> memref<10000x128xf32, #tpu.memory_space<vmem_shared>>
      tpu.enqueue_indirect_dma source(%arg15 : memref<125x128xf32, #tpu.memory_space<vmem>>) target(%dma_start3A_161 : memref<10000x128xf32, #tpu.memory_space<vmem_shared>>) offsets(%arg13 : memref<125xi32, #tpu.memory_space<vmem>>) semaphore(%arg24 : memref<!tpu.dma_semaphore, #tpu.memory_space<semaphore_mem>>) {add = true}
      %dma_wait3A_162 = arith.constant 0 : i32
      %dma_wait3A_163 = arith.constant 0 : i32
      %dma_wait3A_164 = tpu.memref_slice %arg3[%add3A, %dma_wait3A_162, %dma_wait3A_163] : memref<32x80x125xi32, #tpu.memory_space<hbm>> -> memref<1x1x125xi32, #tpu.memory_space<hbm>>
      %dma_wait3A_165 = tpu.memref_squeeze %dma_wait3A_164 : memref<1x1x125xi32, #tpu.memory_space<hbm>> -> memref<125xi32, #tpu.memory_space<hbm>>
      %dma_wait3A_166 = arith.constant 0 : i32
      %dma_wait3A_167 = tpu.memref_slice %arg3[%add3A, %dma_wait3A_162, %dma_wait3A_166] : memref<32x80x125xi32, #tpu.memory_space<hbm>> -> memref<1x1x125xi32, #tpu.memory_space<hbm>>
      %dma_wait3A_168 = tpu.memref_squeeze %dma_wait3A_167 : memref<1x1x125xi32, #tpu.memory_space<hbm>> -> memref<125xi32, #tpu.memory_space<hbm>>
      tpu.wait_dma2 semaphore(%arg21 : memref<!tpu.dma_semaphore, #tpu.memory_space<semaphore_mem>>) src(%dma_wait3A_168 : memref<125xi32, #tpu.memory_space<hbm>>) dst(%arg10 : memref<125xi32, #tpu.memory_space<vmem>>)
      %dma_wait3A_169 = arith.constant 0 : i32
      %dma_wait3A_170 = arith.constant 0 : i32
      %dma_wait3A_171 = tpu.memref_slice %arg4[%add3A, %dma_wait3A_169, %dma_wait3A_170] : memref<32x80x125xi32, #tpu.memory_space<hbm>> -> memref<1x1x125xi32, #tpu.memory_space<hbm>>
      %dma_wait3A_172 = tpu.memref_squeeze %dma_wait3A_171 : memref<1x1x125xi32, #tpu.memory_space<hbm>> -> memref<125xi32, #tpu.memory_space<hbm>>
      %dma_wait3A_173 = arith.constant 0 : i32
      %dma_wait3A_174 = tpu.memref_slice %arg4[%add3A, %dma_wait3A_169, %dma_wait3A_173] : memref<32x80x125xi32, #tpu.memory_space<hbm>> -> memref<1x1x125xi32, #tpu.memory_space<hbm>>
      %dma_wait3A_175 = tpu.memref_squeeze %dma_wait3A_174 : memref<1x1x125xi32, #tpu.memory_space<hbm>> -> memref<125xi32, #tpu.memory_space<hbm>>
      tpu.wait_dma2 semaphore(%arg21 : memref<!tpu.dma_semaphore, #tpu.memory_space<semaphore_mem>>) src(%dma_wait3A_175 : memref<125xi32, #tpu.memory_space<hbm>>) dst(%arg14 : memref<125xi32, #tpu.memory_space<vmem>>)
      %dma_start3A_176 = arith.constant 0 : i32
      %dma_start3A_177 = arith.constant 0 : i32
      %dma_start3A_178 = tpu.memref_slice %arg2[%dma_start3A_176, %dma_start3A_177] : memref<10000x128xf32, #tpu.memory_space<hbm>> -> memref<10000x128xf32, #tpu.memory_space<hbm>>
      tpu.enqueue_indirect_dma source(%dma_start3A_178 : memref<10000x128xf32, #tpu.memory_space<hbm>>) target(%arg16 : memref<125x128xf32, #tpu.memory_space<vmem>>) offsets(%arg10 : memref<125xi32, #tpu.memory_space<vmem>>) semaphore(%arg23 : memref<!tpu.dma_semaphore, #tpu.memory_space<semaphore_mem>>)
      %dma_wait3A_179 = arith.constant 0 : i32
      %dma_wait3A_180 = arith.constant 0 : i32
      %dma_wait3A_181 = tpu.memref_slice %arg17[%dma_wait3A_179, %dma_wait3A_180] : memref<10000x128xf32, #tpu.memory_space<vmem_shared>> -> memref<10000x128xf32, #tpu.memory_space<vmem_shared>>
      tpu.wait_indirect_dma semaphore(%arg24 : memref<!tpu.dma_semaphore, #tpu.memory_space<semaphore_mem>>) src(%arg15 : memref<125x128xf32, #tpu.memory_space<vmem>>) dst(%dma_wait3A_181 : memref<10000x128xf32, #tpu.memory_space<vmem_shared>>)
      %convert_element_type3A_182 = arith.extui %lt3A_97 : i1 to i32
      %cond3A_183 = arith.constant 0 : i32
      %cond3A_184 = arith.cmpi ne, %convert_element_type3A_182, %cond3A_183 : i32
      scf.if %cond3A_184 {
        %add3A_200 = arith.constant 6 : i32
        %add3A_201 = arith.addi %mul3A_96, %add3A_200 : i32
        %dma_start3A_202 = arith.constant 0 : i32
        %dma_start3A_203 = tpu.memref_slice %arg3[%add3A, %add3A_201, %dma_start3A_202] : memref<32x80x125xi32, #tpu.memory_space<hbm>> -> memref<1x1x125xi32, #tpu.memory_space<hbm>>
        %dma_start3A_204 = tpu.memref_squeeze %dma_start3A_203 : memref<1x1x125xi32, #tpu.memory_space<hbm>> -> memref<125xi32, #tpu.memory_space<hbm>>
        %dma_start3A_205 = arith.constant 0 : i32
        %dma_start3A_206 = tpu.memref_slice %arg3[%add3A, %add3A_201, %dma_start3A_205] : memref<32x80x125xi32, #tpu.memory_space<hbm>> -> memref<1x1x125xi32, #tpu.memory_space<hbm>>
        %dma_start3A_207 = tpu.memref_squeeze %dma_start3A_206 : memref<1x1x125xi32, #tpu.memory_space<hbm>> -> memref<125xi32, #tpu.memory_space<hbm>>
        tpu.enqueue_dma source(%dma_start3A_207 : memref<125xi32, #tpu.memory_space<hbm>>) target(%arg9 : memref<125xi32, #tpu.memory_space<vmem>>) target_semaphore(%arg20 : memref<!tpu.dma_semaphore, #tpu.memory_space<semaphore_mem>>)
        %dma_start3A_208 = arith.constant 0 : i32
        %dma_start3A_209 = tpu.memref_slice %arg4[%add3A, %add3A_201, %dma_start3A_208] : memref<32x80x125xi32, #tpu.memory_space<hbm>> -> memref<1x1x125xi32, #tpu.memory_space<hbm>>
        %dma_start3A_210 = tpu.memref_squeeze %dma_start3A_209 : memref<1x1x125xi32, #tpu.memory_space<hbm>> -> memref<125xi32, #tpu.memory_space<hbm>>
        %dma_start3A_211 = arith.constant 0 : i32
        %dma_start3A_212 = tpu.memref_slice %arg4[%add3A, %add3A_201, %dma_start3A_211] : memref<32x80x125xi32, #tpu.memory_space<hbm>> -> memref<1x1x125xi32, #tpu.memory_space<hbm>>
        %dma_start3A_213 = tpu.memref_squeeze %dma_start3A_212 : memref<1x1x125xi32, #tpu.memory_space<hbm>> -> memref<125xi32, #tpu.memory_space<hbm>>
        tpu.enqueue_dma source(%dma_start3A_213 : memref<125xi32, #tpu.memory_space<hbm>>) target(%arg13 : memref<125xi32, #tpu.memory_space<vmem>>) target_semaphore(%arg20 : memref<!tpu.dma_semaphore, #tpu.memory_space<semaphore_mem>>)
      } else {
      }
      %dma_wait3A_185 = arith.constant 0 : i32
      %dma_wait3A_186 = arith.constant 0 : i32
      %dma_wait3A_187 = tpu.memref_slice %arg2[%dma_wait3A_185, %dma_wait3A_186] : memref<10000x128xf32, #tpu.memory_space<hbm>> -> memref<10000x128xf32, #tpu.memory_space<hbm>>
      tpu.wait_indirect_dma semaphore(%arg23 : memref<!tpu.dma_semaphore, #tpu.memory_space<semaphore_mem>>) src(%dma_wait3A_187 : memref<10000x128xf32, #tpu.memory_space<hbm>>) dst(%arg16 : memref<125x128xf32, #tpu.memory_space<vmem>>)
      %dma_start3A_188 = arith.constant 0 : i32
      %dma_start3A_189 = arith.constant 0 : i32
      %dma_start3A_190 = tpu.memref_slice %arg17[%dma_start3A_188, %dma_start3A_189] : memref<10000x128xf32, #tpu.memory_space<vmem_shared>> -> memref<10000x128xf32, #tpu.memory_space<vmem_shared>>
      tpu.enqueue_indirect_dma source(%arg16 : memref<125x128xf32, #tpu.memory_space<vmem>>) target(%dma_start3A_190 : memref<10000x128xf32, #tpu.memory_space<vmem_shared>>) offsets(%arg14 : memref<125xi32, #tpu.memory_space<vmem>>) semaphore(%arg25 : memref<!tpu.dma_semaphore, #tpu.memory_space<semaphore_mem>>) {add = true}
      %convert_element_type3A_191 = arith.extui %lt3A_97 : i1 to i32
      %cond3A_192 = arith.constant 0 : i32
      %cond3A_193 = arith.cmpi ne, %convert_element_type3A_191, %cond3A_192 : i32
      scf.if %cond3A_193 {
        %dma_wait3A_200 = arith.constant 0 : i32
        %dma_wait3A_201 = arith.constant 0 : i32
        %dma_wait3A_202 = tpu.memref_slice %arg3[%add3A, %dma_wait3A_200, %dma_wait3A_201] : memref<32x80x125xi32, #tpu.memory_space<hbm>> -> memref<1x1x125xi32, #tpu.memory_space<hbm>>
        %dma_wait3A_203 = tpu.memref_squeeze %dma_wait3A_202 : memref<1x1x125xi32, #tpu.memory_space<hbm>> -> memref<125xi32, #tpu.memory_space<hbm>>
        %dma_wait3A_204 = arith.constant 0 : i32
        %dma_wait3A_205 = tpu.memref_slice %arg3[%add3A, %dma_wait3A_200, %dma_wait3A_204] : memref<32x80x125xi32, #tpu.memory_space<hbm>> -> memref<1x1x125xi32, #tpu.memory_space<hbm>>
        %dma_wait3A_206 = tpu.memref_squeeze %dma_wait3A_205 : memref<1x1x125xi32, #tpu.memory_space<hbm>> -> memref<125xi32, #tpu.memory_space<hbm>>
        tpu.wait_dma2 semaphore(%arg18 : memref<!tpu.dma_semaphore, #tpu.memory_space<semaphore_mem>>) src(%dma_wait3A_206 : memref<125xi32, #tpu.memory_space<hbm>>) dst(%arg7 : memref<125xi32, #tpu.memory_space<vmem>>)
        %dma_wait3A_207 = arith.constant 0 : i32
        %dma_wait3A_208 = arith.constant 0 : i32
        %dma_wait3A_209 = tpu.memref_slice %arg4[%add3A, %dma_wait3A_207, %dma_wait3A_208] : memref<32x80x125xi32, #tpu.memory_space<hbm>> -> memref<1x1x125xi32, #tpu.memory_space<hbm>>
        %dma_wait3A_210 = tpu.memref_squeeze %dma_wait3A_209 : memref<1x1x125xi32, #tpu.memory_space<hbm>> -> memref<125xi32, #tpu.memory_space<hbm>>
        %dma_wait3A_211 = arith.constant 0 : i32
        %dma_wait3A_212 = tpu.memref_slice %arg4[%add3A, %dma_wait3A_207, %dma_wait3A_211] : memref<32x80x125xi32, #tpu.memory_space<hbm>> -> memref<1x1x125xi32, #tpu.memory_space<hbm>>
        %dma_wait3A_213 = tpu.memref_squeeze %dma_wait3A_212 : memref<1x1x125xi32, #tpu.memory_space<hbm>> -> memref<125xi32, #tpu.memory_space<hbm>>
        tpu.wait_dma2 semaphore(%arg18 : memref<!tpu.dma_semaphore, #tpu.memory_space<semaphore_mem>>) src(%dma_wait3A_213 : memref<125xi32, #tpu.memory_space<hbm>>) dst(%arg11 : memref<125xi32, #tpu.memory_space<vmem>>)
        %dma_start3A_214 = arith.constant 0 : i32
        %dma_start3A_215 = arith.constant 0 : i32
        %dma_start3A_216 = tpu.memref_slice %arg2[%dma_start3A_214, %dma_start3A_215] : memref<10000x128xf32, #tpu.memory_space<hbm>> -> memref<10000x128xf32, #tpu.memory_space<hbm>>
        tpu.enqueue_indirect_dma source(%dma_start3A_216 : memref<10000x128xf32, #tpu.memory_space<hbm>>) target(%arg15 : memref<125x128xf32, #tpu.memory_space<vmem>>) offsets(%arg7 : memref<125xi32, #tpu.memory_space<vmem>>) semaphore(%arg22 : memref<!tpu.dma_semaphore, #tpu.memory_space<semaphore_mem>>)
      } else {
      }
      %dma_wait3A_194 = arith.constant 0 : i32
      %dma_wait3A_195 = arith.constant 0 : i32
      %dma_wait3A_196 = tpu.memref_slice %arg17[%dma_wait3A_194, %dma_wait3A_195] : memref<10000x128xf32, #tpu.memory_space<vmem_shared>> -> memref<10000x128xf32, #tpu.memory_space<vmem_shared>>
      tpu.wait_indirect_dma semaphore(%arg25 : memref<!tpu.dma_semaphore, #tpu.memory_space<semaphore_mem>>) src(%arg16 : memref<125x128xf32, #tpu.memory_space<vmem>>) dst(%dma_wait3A_196 : memref<10000x128xf32, #tpu.memory_space<vmem_shared>>)
      %convert_element_type3A_197 = arith.extui %lt3A_97 : i1 to i32
      %cond3A_198 = arith.constant 0 : i32
      %cond3A_199 = arith.cmpi ne, %convert_element_type3A_197, %cond3A_198 : i32
      scf.if %cond3A_199 {
        %add3A_200 = arith.constant 7 : i32
        %add3A_201 = arith.addi %mul3A_96, %add3A_200 : i32
        %dma_start3A_202 = arith.constant 0 : i32
        %dma_start3A_203 = tpu.memref_slice %arg3[%add3A, %add3A_201, %dma_start3A_202] : memref<32x80x125xi32, #tpu.memory_space<hbm>> -> memref<1x1x125xi32, #tpu.memory_space<hbm>>
        %dma_start3A_204 = tpu.memref_squeeze %dma_start3A_203 : memref<1x1x125xi32, #tpu.memory_space<hbm>> -> memref<125xi32, #tpu.memory_space<hbm>>
        %dma_start3A_205 = arith.constant 0 : i32
        %dma_start3A_206 = tpu.memref_slice %arg3[%add3A, %add3A_201, %dma_start3A_205] : memref<32x80x125xi32, #tpu.memory_space<hbm>> -> memref<1x1x125xi32, #tpu.memory_space<hbm>>
        %dma_start3A_207 = tpu.memref_squeeze %dma_start3A_206 : memref<1x1x125xi32, #tpu.memory_space<hbm>> -> memref<125xi32, #tpu.memory_space<hbm>>
        tpu.enqueue_dma source(%dma_start3A_207 : memref<125xi32, #tpu.memory_space<hbm>>) target(%arg10 : memref<125xi32, #tpu.memory_space<vmem>>) target_semaphore(%arg21 : memref<!tpu.dma_semaphore, #tpu.memory_space<semaphore_mem>>)
        %dma_start3A_208 = arith.constant 0 : i32
        %dma_start3A_209 = tpu.memref_slice %arg4[%add3A, %add3A_201, %dma_start3A_208] : memref<32x80x125xi32, #tpu.memory_space<hbm>> -> memref<1x1x125xi32, #tpu.memory_space<hbm>>
        %dma_start3A_210 = tpu.memref_squeeze %dma_start3A_209 : memref<1x1x125xi32, #tpu.memory_space<hbm>> -> memref<125xi32, #tpu.memory_space<hbm>>
        %dma_start3A_211 = arith.constant 0 : i32
        %dma_start3A_212 = tpu.memref_slice %arg4[%add3A, %add3A_201, %dma_start3A_211] : memref<32x80x125xi32, #tpu.memory_space<hbm>> -> memref<1x1x125xi32, #tpu.memory_space<hbm>>
        %dma_start3A_213 = tpu.memref_squeeze %dma_start3A_212 : memref<1x1x125xi32, #tpu.memory_space<hbm>> -> memref<125xi32, #tpu.memory_space<hbm>>
        tpu.enqueue_dma source(%dma_start3A_213 : memref<125xi32, #tpu.memory_space<hbm>>) target(%arg14 : memref<125xi32, #tpu.memory_space<vmem>>) target_semaphore(%arg21 : memref<!tpu.dma_semaphore, #tpu.memory_space<semaphore_mem>>)
      } else {
      }
    }
    %scan3A_83 = arith.constant 20 : i32
    %barrier3A_84 = arith.constant 0 : index
    tpu.barrier barrier_id(%barrier3A_84)
    "tpu.region"() ({
      %run_scoped3A = tpu.sem_alloc : memref<!tpu.dma_semaphore, #tpu.memory_space<semaphore_mem>>
      %dma_start3A_90 = arith.constant 0 : i32
      %dma_start3A_91 = tpu.memref_slice %arg6[%arg0, %mul3A_2, %dma_start3A_90] : memref<2x10000x128xf32, #tpu.memory_space<hbm>> -> memref<1x624x128xf32, #tpu.memory_space<hbm>>
      %dma_start3A_92 = tpu.memref_squeeze %dma_start3A_91 : memref<1x624x128xf32, #tpu.memory_space<hbm>> -> memref<624x128xf32, #tpu.memory_space<hbm>>
      %dma_start3A_93 = arith.constant 0 : i32
      %dma_start3A_94 = tpu.memref_slice %arg17[%mul3A_2, %dma_start3A_93] : memref<10000x128xf32, #tpu.memory_space<vmem_shared>> -> memref<624x128xf32, #tpu.memory_space<vmem_shared>>
      tpu.enqueue_dma source(%dma_start3A_94 : memref<624x128xf32, #tpu.memory_space<vmem_shared>>) target(%dma_start3A_92 : memref<624x128xf32, #tpu.memory_space<hbm>>) target_semaphore(%run_scoped3A : memref<!tpu.dma_semaphore, #tpu.memory_space<semaphore_mem>>)
      %dma_wait3A_95 = arith.constant 0 : i32
      %dma_wait3A_96 = tpu.memref_slice %arg6[%arg0, %mul3A_2, %dma_wait3A_95] : memref<2x10000x128xf32, #tpu.memory_space<hbm>> -> memref<1x624x128xf32, #tpu.memory_space<hbm>>
      %dma_wait3A_97 = tpu.memref_squeeze %dma_wait3A_96 : memref<1x624x128xf32, #tpu.memory_space<hbm>> -> memref<624x128xf32, #tpu.memory_space<hbm>>
      %dma_wait3A_98 = arith.constant 0 : i32
      %dma_wait3A_99 = tpu.memref_slice %arg17[%mul3A_2, %dma_wait3A_98] : memref<10000x128xf32, #tpu.memory_space<vmem_shared>> -> memref<624x128xf32, #tpu.memory_space<vmem_shared>>
      tpu.wait_dma2 semaphore(%run_scoped3A : memref<!tpu.dma_semaphore, #tpu.memory_space<semaphore_mem>>) src(%dma_wait3A_99 : memref<624x128xf32, #tpu.memory_space<vmem_shared>>) dst(%dma_wait3A_97 : memref<624x128xf32, #tpu.memory_space<hbm>>)
      tpu.yield
    }) : () -> ()
    %eq3A_85 = arith.constant 0 : i32
    %eq3A_86 = arith.cmpi eq, %arg1, %eq3A_85 : i32
    %convert_element_type3A_87 = arith.extui %eq3A_86 : i1 to i32
    %cond3A_88 = arith.constant 0 : i32
    %cond3A_89 = arith.cmpi ne, %convert_element_type3A_87, %cond3A_88 : i32
    scf.if %cond3A_89 {
      "tpu.region"() ({
        %run_scoped3A = tpu.sem_alloc : memref<!tpu.dma_semaphore, #tpu.memory_space<semaphore_mem>>
        %dma_start3A_90 = arith.constant 9984 : i32
        %dma_start3A_91 = arith.constant 0 : i32
        %dma_start3A_92 = tpu.memref_slice %arg6[%arg0, %dma_start3A_90, %dma_start3A_91] : memref<2x10000x128xf32, #tpu.memory_space<hbm>> -> memref<1x16x128xf32, #tpu.memory_space<hbm>>
        %dma_start3A_93 = tpu.memref_squeeze %dma_start3A_92 : memref<1x16x128xf32, #tpu.memory_space<hbm>> -> memref<16x128xf32, #tpu.memory_space<hbm>>
        %dma_start3A_94 = arith.constant 9984 : i32
        %dma_start3A_95 = arith.constant 0 : i32
        %dma_start3A_96 = tpu.memref_slice %arg17[%dma_start3A_94, %dma_start3A_95] : memref<10000x128xf32, #tpu.memory_space<vmem_shared>> -> memref<16x128xf32, #tpu.memory_space<vmem_shared>>
        tpu.enqueue_dma source(%dma_start3A_96 : memref<16x128xf32, #tpu.memory_space<vmem_shared>>) target(%dma_start3A_93 : memref<16x128xf32, #tpu.memory_space<hbm>>) target_semaphore(%run_scoped3A : memref<!tpu.dma_semaphore, #tpu.memory_space<semaphore_mem>>)
        %dma_wait3A_97 = arith.constant 9984 : i32
        %dma_wait3A_98 = arith.constant 0 : i32
        %dma_wait3A_99 = tpu.memref_slice %arg6[%arg0, %dma_wait3A_97, %dma_wait3A_98] : memref<2x10000x128xf32, #tpu.memory_space<hbm>> -> memref<1x16x128xf32, #tpu.memory_space<hbm>>
        %dma_wait3A_100 = tpu.memref_squeeze %dma_wait3A_99 : memref<1x16x128xf32, #tpu.memory_space<hbm>> -> memref<16x128xf32, #tpu.memory_space<hbm>>
        %dma_wait3A_101 = arith.constant 9984 : i32
        %dma_wait3A_102 = arith.constant 0 : i32
        %dma_wait3A_103 = tpu.memref_slice %arg17[%dma_wait3A_101, %dma_wait3A_102] : memref<10000x128xf32, #tpu.memory_space<vmem_shared>> -> memref<16x128xf32, #tpu.memory_space<vmem_shared>>
        tpu.wait_dma2 semaphore(%run_scoped3A : memref<!tpu.dma_semaphore, #tpu.memory_space<semaphore_mem>>) src(%dma_wait3A_103 : memref<16x128xf32, #tpu.memory_space<vmem_shared>>) dst(%dma_wait3A_100 : memref<16x128xf32, #tpu.memory_space<hbm>>)
        tpu.yield
      }) : () -> ()
    } else {
    }
    return
  }
}

#map = affine_map<(d0, d1) -> (0, 0)>
#map1 = affine_map<(d0, d1) -> (0, 0, 0)>
module attributes {stable_mosaic.version = 14 : i64} {
  func.func @agg(%arg0: i32, %arg1: i32, %arg2: memref<10000x128xf32, #tpu.memory_space<hbm>>, %arg3: memref<32x80x125xi32, #tpu.memory_space<hbm>>, %arg4: memref<32x80x125xi32, #tpu.memory_space<hbm>>, %arg5: memref<10000x128xf32, #tpu.memory_space<hbm>>, %arg6: memref<2x10000x128xf32, #tpu.memory_space<hbm>>, %arg7: memref<125xi32, #tpu.memory_space<vmem>>, %arg8: memref<125xi32, #tpu.memory_space<vmem>>, %arg9: memref<125xi32, #tpu.memory_space<vmem>>, %arg10: memref<125xi32, #tpu.memory_space<vmem>>, %arg11: memref<125xi32, #tpu.memory_space<vmem>>, %arg12: memref<125xi32, #tpu.memory_space<vmem>>, %arg13: memref<125xi32, #tpu.memory_space<vmem>>, %arg14: memref<125xi32, #tpu.memory_space<vmem>>, %arg15: memref<125x128xf32, #tpu.memory_space<vmem>>, %arg16: memref<125x128xf32, #tpu.memory_space<vmem>>, %arg17: memref<10000x128xf32, #tpu.memory_space<vmem_shared>>, %arg18: memref<!tpu.dma_semaphore, #tpu.memory_space<semaphore_mem>>, %arg19: memref<!tpu.dma_semaphore, #tpu.memory_space<semaphore_mem>>, %arg20: memref<!tpu.dma_semaphore, #tpu.memory_space<semaphore_mem>>, %arg21: memref<!tpu.dma_semaphore, #tpu.memory_space<semaphore_mem>>, %arg22: memref<!tpu.dma_semaphore, #tpu.memory_space<semaphore_mem>>, %arg23: memref<!tpu.dma_semaphore, #tpu.memory_space<semaphore_mem>>, %arg24: memref<!tpu.dma_semaphore, #tpu.memory_space<semaphore_mem>>, %arg25: memref<!tpu.dma_semaphore, #tpu.memory_space<semaphore_mem>>) attributes {dimension_semantics = [#tpu.dimension_semantics<core_parallel>, #tpu.dimension_semantics<subcore_parallel>], iteration_bounds = array<i64: 2, 16>, scalar_prefetch = 0 : i64, scratch_operands = 19 : i64, tpu.core_type = #tpu.core_type<sc_vector_subcore>, window_params = [{transform_indices = #map}, {transform_indices = #map1}, {transform_indices = #map1}, {transform_indices = #map}, {transform_indices = #map1}]} {
    %mul3A = arith.constant 16 : i32
    %mul3A_0 = arith.muli %arg0, %mul3A : i32
    %add3A = arith.addi %mul3A_0, %arg1 : i32
    %mul3A_1 = arith.constant 624 : i32
    %mul3A_2 = arith.muli %arg1, %mul3A_1 : i32
    %dma_start3A = arith.constant 0 : i32
    %dma_start3A_3 = arith.constant 0 : i32
    %dma_start3A_4 = tpu.memref_slice %arg3[%add3A, %dma_start3A, %dma_start3A_3] : memref<32x80x125xi32, #tpu.memory_space<hbm>> -> memref<1x1x125xi32, #tpu.memory_space<hbm>>
    %dma_start3A_5 = tpu.memref_squeeze %dma_start3A_4 : memref<1x1x125xi32, #tpu.memory_space<hbm>> -> memref<125xi32, #tpu.memory_space<hbm>>
    %dma_start3A_6 = arith.constant 0 : i32
    %dma_start3A_7 = tpu.memref_slice %arg3[%add3A, %dma_start3A, %dma_start3A_6] : memref<32x80x125xi32, #tpu.memory_space<hbm>> -> memref<1x1x125xi32, #tpu.memory_space<hbm>>
    %dma_start3A_8 = tpu.memref_squeeze %dma_start3A_7 : memref<1x1x125xi32, #tpu.memory_space<hbm>> -> memref<125xi32, #tpu.memory_space<hbm>>
    tpu.enqueue_dma source(%dma_start3A_8 : memref<125xi32, #tpu.memory_space<hbm>>) target(%arg7 : memref<125xi32, #tpu.memory_space<vmem>>) target_semaphore(%arg18 : memref<!tpu.dma_semaphore, #tpu.memory_space<semaphore_mem>>)
    %dma_start3A_9 = arith.constant 0 : i32
    %dma_start3A_10 = arith.constant 0 : i32
    %dma_start3A_11 = tpu.memref_slice %arg4[%add3A, %dma_start3A_9, %dma_start3A_10] : memref<32x80x125xi32, #tpu.memory_space<hbm>> -> memref<1x1x125xi32, #tpu.memory_space<hbm>>
    %dma_start3A_12 = tpu.memref_squeeze %dma_start3A_11 : memref<1x1x125xi32, #tpu.memory_space<hbm>> -> memref<125xi32, #tpu.memory_space<hbm>>
    %dma_start3A_13 = arith.constant 0 : i32
    %dma_start3A_14 = tpu.memref_slice %arg4[%add3A, %dma_start3A_9, %dma_start3A_13] : memref<32x80x125xi32, #tpu.memory_space<hbm>> -> memref<1x1x125xi32, #tpu.memory_space<hbm>>
    %dma_start3A_15 = tpu.memref_squeeze %dma_start3A_14 : memref<1x1x125xi32, #tpu.memory_space<hbm>> -> memref<125xi32, #tpu.memory_space<hbm>>
    tpu.enqueue_dma source(%dma_start3A_15 : memref<125xi32, #tpu.memory_space<hbm>>) target(%arg11 : memref<125xi32, #tpu.memory_space<vmem>>) target_semaphore(%arg18 : memref<!tpu.dma_semaphore, #tpu.memory_space<semaphore_mem>>)
    %dma_start3A_16 = arith.constant 1 : i32
    %dma_start3A_17 = arith.constant 0 : i32
    %dma_start3A_18 = tpu.memref_slice %arg3[%add3A, %dma_start3A_16, %dma_start3A_17] : memref<32x80x125xi32, #tpu.memory_space<hbm>> -> memref<1x1x125xi32, #tpu.memory_space<hbm>>
    %dma_start3A_19 = tpu.memref_squeeze %dma_start3A_18 : memref<1x1x125xi32, #tpu.memory_space<hbm>> -> memref<125xi32, #tpu.memory_space<hbm>>
    %dma_start3A_20 = arith.constant 0 : i32
    %dma_start3A_21 = tpu.memref_slice %arg3[%add3A, %dma_start3A_16, %dma_start3A_20] : memref<32x80x125xi32, #tpu.memory_space<hbm>> -> memref<1x1x125xi32, #tpu.memory_space<hbm>>
    %dma_start3A_22 = tpu.memref_squeeze %dma_start3A_21 : memref<1x1x125xi32, #tpu.memory_space<hbm>> -> memref<125xi32, #tpu.memory_space<hbm>>
    tpu.enqueue_dma source(%dma_start3A_22 : memref<125xi32, #tpu.memory_space<hbm>>) target(%arg8 : memref<125xi32, #tpu.memory_space<vmem>>) target_semaphore(%arg19 : memref<!tpu.dma_semaphore, #tpu.memory_space<semaphore_mem>>)
    %dma_start3A_23 = arith.constant 1 : i32
    %dma_start3A_24 = arith.constant 0 : i32
    %dma_start3A_25 = tpu.memref_slice %arg4[%add3A, %dma_start3A_23, %dma_start3A_24] : memref<32x80x125xi32, #tpu.memory_space<hbm>> -> memref<1x1x125xi32, #tpu.memory_space<hbm>>
    %dma_start3A_26 = tpu.memref_squeeze %dma_start3A_25 : memref<1x1x125xi32, #tpu.memory_space<hbm>> -> memref<125xi32, #tpu.memory_space<hbm>>
    %dma_start3A_27 = arith.constant 0 : i32
    %dma_start3A_28 = tpu.memref_slice %arg4[%add3A, %dma_start3A_23, %dma_start3A_27] : memref<32x80x125xi32, #tpu.memory_space<hbm>> -> memref<1x1x125xi32, #tpu.memory_space<hbm>>
    %dma_start3A_29 = tpu.memref_squeeze %dma_start3A_28 : memref<1x1x125xi32, #tpu.memory_space<hbm>> -> memref<125xi32, #tpu.memory_space<hbm>>
    tpu.enqueue_dma source(%dma_start3A_29 : memref<125xi32, #tpu.memory_space<hbm>>) target(%arg12 : memref<125xi32, #tpu.memory_space<vmem>>) target_semaphore(%arg19 : memref<!tpu.dma_semaphore, #tpu.memory_space<semaphore_mem>>)
    %dma_start3A_30 = arith.constant 2 : i32
    %dma_start3A_31 = arith.constant 0 : i32
    %dma_start3A_32 = tpu.memref_slice %arg3[%add3A, %dma_start3A_30, %dma_start3A_31] : memref<32x80x125xi32, #tpu.memory_space<hbm>> -> memref<1x1x125xi32, #tpu.memory_space<hbm>>
    %dma_start3A_33 = tpu.memref_squeeze %dma_start3A_32 : memref<1x1x125xi32, #tpu.memory_space<hbm>> -> memref<125xi32, #tpu.memory_space<hbm>>
    %dma_start3A_34 = arith.constant 0 : i32
    %dma_start3A_35 = tpu.memref_slice %arg3[%add3A, %dma_start3A_30, %dma_start3A_34] : memref<32x80x125xi32, #tpu.memory_space<hbm>> -> memref<1x1x125xi32, #tpu.memory_space<hbm>>
    %dma_start3A_36 = tpu.memref_squeeze %dma_start3A_35 : memref<1x1x125xi32, #tpu.memory_space<hbm>> -> memref<125xi32, #tpu.memory_space<hbm>>
    tpu.enqueue_dma source(%dma_start3A_36 : memref<125xi32, #tpu.memory_space<hbm>>) target(%arg9 : memref<125xi32, #tpu.memory_space<vmem>>) target_semaphore(%arg20 : memref<!tpu.dma_semaphore, #tpu.memory_space<semaphore_mem>>)
    %dma_start3A_37 = arith.constant 2 : i32
    %dma_start3A_38 = arith.constant 0 : i32
    %dma_start3A_39 = tpu.memref_slice %arg4[%add3A, %dma_start3A_37, %dma_start3A_38] : memref<32x80x125xi32, #tpu.memory_space<hbm>> -> memref<1x1x125xi32, #tpu.memory_space<hbm>>
    %dma_start3A_40 = tpu.memref_squeeze %dma_start3A_39 : memref<1x1x125xi32, #tpu.memory_space<hbm>> -> memref<125xi32, #tpu.memory_space<hbm>>
    %dma_start3A_41 = arith.constant 0 : i32
    %dma_start3A_42 = tpu.memref_slice %arg4[%add3A, %dma_start3A_37, %dma_start3A_41] : memref<32x80x125xi32, #tpu.memory_space<hbm>> -> memref<1x1x125xi32, #tpu.memory_space<hbm>>
    %dma_start3A_43 = tpu.memref_squeeze %dma_start3A_42 : memref<1x1x125xi32, #tpu.memory_space<hbm>> -> memref<125xi32, #tpu.memory_space<hbm>>
    tpu.enqueue_dma source(%dma_start3A_43 : memref<125xi32, #tpu.memory_space<hbm>>) target(%arg13 : memref<125xi32, #tpu.memory_space<vmem>>) target_semaphore(%arg20 : memref<!tpu.dma_semaphore, #tpu.memory_space<semaphore_mem>>)
    %dma_start3A_44 = arith.constant 3 : i32
    %dma_start3A_45 = arith.constant 0 : i32
    %dma_start3A_46 = tpu.memref_slice %arg3[%add3A, %dma_start3A_44, %dma_start3A_45] : memref<32x80x125xi32, #tpu.memory_space<hbm>> -> memref<1x1x125xi32, #tpu.memory_space<hbm>>
    %dma_start3A_47 = tpu.memref_squeeze %dma_start3A_46 : memref<1x1x125xi32, #tpu.memory_space<hbm>> -> memref<125xi32, #tpu.memory_space<hbm>>
    %dma_start3A_48 = arith.constant 0 : i32
    %dma_start3A_49 = tpu.memref_slice %arg3[%add3A, %dma_start3A_44, %dma_start3A_48] : memref<32x80x125xi32, #tpu.memory_space<hbm>> -> memref<1x1x125xi32, #tpu.memory_space<hbm>>
    %dma_start3A_50 = tpu.memref_squeeze %dma_start3A_49 : memref<1x1x125xi32, #tpu.memory_space<hbm>> -> memref<125xi32, #tpu.memory_space<hbm>>
    tpu.enqueue_dma source(%dma_start3A_50 : memref<125xi32, #tpu.memory_space<hbm>>) target(%arg10 : memref<125xi32, #tpu.memory_space<vmem>>) target_semaphore(%arg21 : memref<!tpu.dma_semaphore, #tpu.memory_space<semaphore_mem>>)
    %dma_start3A_51 = arith.constant 3 : i32
    %dma_start3A_52 = arith.constant 0 : i32
    %dma_start3A_53 = tpu.memref_slice %arg4[%add3A, %dma_start3A_51, %dma_start3A_52] : memref<32x80x125xi32, #tpu.memory_space<hbm>> -> memref<1x1x125xi32, #tpu.memory_space<hbm>>
    %dma_start3A_54 = tpu.memref_squeeze %dma_start3A_53 : memref<1x1x125xi32, #tpu.memory_space<hbm>> -> memref<125xi32, #tpu.memory_space<hbm>>
    %dma_start3A_55 = arith.constant 0 : i32
    %dma_start3A_56 = tpu.memref_slice %arg4[%add3A, %dma_start3A_51, %dma_start3A_55] : memref<32x80x125xi32, #tpu.memory_space<hbm>> -> memref<1x1x125xi32, #tpu.memory_space<hbm>>
    %dma_start3A_57 = tpu.memref_squeeze %dma_start3A_56 : memref<1x1x125xi32, #tpu.memory_space<hbm>> -> memref<125xi32, #tpu.memory_space<hbm>>
    tpu.enqueue_dma source(%dma_start3A_57 : memref<125xi32, #tpu.memory_space<hbm>>) target(%arg14 : memref<125xi32, #tpu.memory_space<vmem>>) target_semaphore(%arg21 : memref<!tpu.dma_semaphore, #tpu.memory_space<semaphore_mem>>)
    %dma_wait3A = arith.constant 0 : i32
    %dma_wait3A_58 = arith.constant 0 : i32
    %dma_wait3A_59 = tpu.memref_slice %arg3[%add3A, %dma_wait3A, %dma_wait3A_58] : memref<32x80x125xi32, #tpu.memory_space<hbm>> -> memref<1x1x125xi32, #tpu.memory_space<hbm>>
    %dma_wait3A_60 = tpu.memref_squeeze %dma_wait3A_59 : memref<1x1x125xi32, #tpu.memory_space<hbm>> -> memref<125xi32, #tpu.memory_space<hbm>>
    %dma_wait3A_61 = arith.constant 0 : i32
    %dma_wait3A_62 = tpu.memref_slice %arg3[%add3A, %dma_wait3A, %dma_wait3A_61] : memref<32x80x125xi32, #tpu.memory_space<hbm>> -> memref<1x1x125xi32, #tpu.memory_space<hbm>>
    %dma_wait3A_63 = tpu.memref_squeeze %dma_wait3A_62 : memref<1x1x125xi32, #tpu.memory_space<hbm>> -> memref<125xi32, #tpu.memory_space<hbm>>
    tpu.wait_dma2 semaphore(%arg18 : memref<!tpu.dma_semaphore, #tpu.memory_space<semaphore_mem>>) src(%dma_wait3A_63 : memref<125xi32, #tpu.memory_space<hbm>>) dst(%arg7 : memref<125xi32, #tpu.memory_space<vmem>>)
    %dma_wait3A_64 = arith.constant 0 : i32
    %dma_wait3A_65 = arith.constant 0 : i32
    %dma_wait3A_66 = tpu.memref_slice %arg4[%add3A, %dma_wait3A_64, %dma_wait3A_65] : memref<32x80x125xi32, #tpu.memory_space<hbm>> -> memref<1x1x125xi32, #tpu.memory_space<hbm>>
    %dma_wait3A_67 = tpu.memref_squeeze %dma_wait3A_66 : memref<1x1x125xi32, #tpu.memory_space<hbm>> -> memref<125xi32, #tpu.memory_space<hbm>>
    %dma_wait3A_68 = arith.constant 0 : i32
    %dma_wait3A_69 = tpu.memref_slice %arg4[%add3A, %dma_wait3A_64, %dma_wait3A_68] : memref<32x80x125xi32, #tpu.memory_space<hbm>> -> memref<1x1x125xi32, #tpu.memory_space<hbm>>
    %dma_wait3A_70 = tpu.memref_squeeze %dma_wait3A_69 : memref<1x1x125xi32, #tpu.memory_space<hbm>> -> memref<125xi32, #tpu.memory_space<hbm>>
    tpu.wait_dma2 semaphore(%arg18 : memref<!tpu.dma_semaphore, #tpu.memory_space<semaphore_mem>>) src(%dma_wait3A_70 : memref<125xi32, #tpu.memory_space<hbm>>) dst(%arg11 : memref<125xi32, #tpu.memory_space<vmem>>)
    %dma_start3A_71 = arith.constant 0 : i32
    %dma_start3A_72 = arith.constant 0 : i32
    %dma_start3A_73 = tpu.memref_slice %arg2[%dma_start3A_71, %dma_start3A_72] : memref<10000x128xf32, #tpu.memory_space<hbm>> -> memref<10000x128xf32, #tpu.memory_space<hbm>>
    tpu.enqueue_indirect_dma source(%dma_start3A_73 : memref<10000x128xf32, #tpu.memory_space<hbm>>) target(%arg15 : memref<125x128xf32, #tpu.memory_space<vmem>>) offsets(%arg7 : memref<125xi32, #tpu.memory_space<vmem>>) semaphore(%arg22 : memref<!tpu.dma_semaphore, #tpu.memory_space<semaphore_mem>>)
    %eq3A = arith.constant 0 : i32
    %eq3A_74 = arith.cmpi eq, %arg0, %eq3A : i32
    %convert_element_type3A = arith.extui %eq3A_74 : i1 to i32
    %cond3A = arith.constant 0 : i32
    %cond3A_75 = arith.cmpi ne, %convert_element_type3A, %cond3A : i32
    scf.if %cond3A_75 {
      "tpu.region"() ({
        %run_scoped3A = tpu.sem_alloc : memref<!tpu.dma_semaphore, #tpu.memory_space<semaphore_mem>>
        %dma_start3A_95 = arith.constant 0 : i32
        %dma_start3A_96 = tpu.memref_slice %arg17[%mul3A_2, %dma_start3A_95] : memref<10000x128xf32, #tpu.memory_space<vmem_shared>> -> memref<624x128xf32, #tpu.memory_space<vmem_shared>>
        %dma_start3A_97 = arith.constant 0 : i32
        %dma_start3A_98 = tpu.memref_slice %arg2[%mul3A_2, %dma_start3A_97] : memref<10000x128xf32, #tpu.memory_space<hbm>> -> memref<624x128xf32, #tpu.memory_space<hbm>>
        tpu.enqueue_dma source(%dma_start3A_98 : memref<624x128xf32, #tpu.memory_space<hbm>>) target(%dma_start3A_96 : memref<624x128xf32, #tpu.memory_space<vmem_shared>>) target_semaphore(%run_scoped3A : memref<!tpu.dma_semaphore, #tpu.memory_space<semaphore_mem>>)
        %dma_wait3A_99 = arith.constant 0 : i32
        %dma_wait3A_100 = tpu.memref_slice %arg17[%mul3A_2, %dma_wait3A_99] : memref<10000x128xf32, #tpu.memory_space<vmem_shared>> -> memref<624x128xf32, #tpu.memory_space<vmem_shared>>
        %dma_wait3A_101 = arith.constant 0 : i32
        %dma_wait3A_102 = tpu.memref_slice %arg2[%mul3A_2, %dma_wait3A_101] : memref<10000x128xf32, #tpu.memory_space<hbm>> -> memref<624x128xf32, #tpu.memory_space<hbm>>
        tpu.wait_dma2 semaphore(%run_scoped3A : memref<!tpu.dma_semaphore, #tpu.memory_space<semaphore_mem>>) src(%dma_wait3A_102 : memref<624x128xf32, #tpu.memory_space<hbm>>) dst(%dma_wait3A_100 : memref<624x128xf32, #tpu.memory_space<vmem_shared>>)
        tpu.yield
      }) : () -> ()
      %eq3A_90 = arith.constant 0 : i32
      %eq3A_91 = arith.cmpi eq, %arg1, %eq3A_90 : i32
      %convert_element_type3A_92 = arith.extui %eq3A_91 : i1 to i32
      %cond3A_93 = arith.constant 0 : i32
      %cond3A_94 = arith.cmpi ne, %convert_element_type3A_92, %cond3A_93 : i32
      scf.if %cond3A_94 {
        "tpu.region"() ({
          %run_scoped3A = tpu.sem_alloc : memref<!tpu.dma_semaphore, #tpu.memory_space<semaphore_mem>>
          %dma_start3A_95 = arith.constant 9984 : i32
          %dma_start3A_96 = arith.constant 0 : i32
          %dma_start3A_97 = tpu.memref_slice %arg17[%dma_start3A_95, %dma_start3A_96] : memref<10000x128xf32, #tpu.memory_space<vmem_shared>> -> memref<16x128xf32, #tpu.memory_space<vmem_shared>>
          %dma_start3A_98 = arith.constant 9984 : i32
          %dma_start3A_99 = arith.constant 0 : i32
          %dma_start3A_100 = tpu.memref_slice %arg2[%dma_start3A_98, %dma_start3A_99] : memref<10000x128xf32, #tpu.memory_space<hbm>> -> memref<16x128xf32, #tpu.memory_space<hbm>>
          tpu.enqueue_dma source(%dma_start3A_100 : memref<16x128xf32, #tpu.memory_space<hbm>>) target(%dma_start3A_97 : memref<16x128xf32, #tpu.memory_space<vmem_shared>>) target_semaphore(%run_scoped3A : memref<!tpu.dma_semaphore, #tpu.memory_space<semaphore_mem>>)
          %dma_wait3A_101 = arith.constant 9984 : i32
          %dma_wait3A_102 = arith.constant 0 : i32
          %dma_wait3A_103 = tpu.memref_slice %arg17[%dma_wait3A_101, %dma_wait3A_102] : memref<10000x128xf32, #tpu.memory_space<vmem_shared>> -> memref<16x128xf32, #tpu.memory_space<vmem_shared>>
          %dma_wait3A_104 = arith.constant 9984 : i32
          %dma_wait3A_105 = arith.constant 0 : i32
          %dma_wait3A_106 = tpu.memref_slice %arg2[%dma_wait3A_104, %dma_wait3A_105] : memref<10000x128xf32, #tpu.memory_space<hbm>> -> memref<16x128xf32, #tpu.memory_space<hbm>>
          tpu.wait_dma2 semaphore(%run_scoped3A : memref<!tpu.dma_semaphore, #tpu.memory_space<semaphore_mem>>) src(%dma_wait3A_106 : memref<16x128xf32, #tpu.memory_space<hbm>>) dst(%dma_wait3A_103 : memref<16x128xf32, #tpu.memory_space<vmem_shared>>)
          tpu.yield
        }) : () -> ()
      } else {
      }
    } else {
    }
    %ne3A = arith.constant 0 : i32
    %ne3A_76 = arith.cmpi ne, %arg0, %ne3A : i32
    %convert_element_type3A_77 = arith.extui %ne3A_76 : i1 to i32
    %cond3A_78 = arith.constant 0 : i32
    %cond3A_79 = arith.cmpi ne, %convert_element_type3A_77, %cond3A_78 : i32
    scf.if %cond3A_79 {
      "tpu.region"() ({
        %run_scoped3A = tpu.sem_alloc : memref<!tpu.dma_semaphore, #tpu.memory_space<semaphore_mem>>
        %dma_start3A_95 = arith.constant 0 : i32
        %dma_start3A_96 = tpu.memref_slice %arg17[%mul3A_2, %dma_start3A_95] : memref<10000x128xf32, #tpu.memory_space<vmem_shared>> -> memref<624x128xf32, #tpu.memory_space<vmem_shared>>
        %dma_start3A_97 = arith.constant 0 : i32
        %dma_start3A_98 = tpu.memref_slice %arg5[%mul3A_2, %dma_start3A_97] : memref<10000x128xf32, #tpu.memory_space<hbm>> -> memref<624x128xf32, #tpu.memory_space<hbm>>
        tpu.enqueue_dma source(%dma_start3A_98 : memref<624x128xf32, #tpu.memory_space<hbm>>) target(%dma_start3A_96 : memref<624x128xf32, #tpu.memory_space<vmem_shared>>) target_semaphore(%run_scoped3A : memref<!tpu.dma_semaphore, #tpu.memory_space<semaphore_mem>>)
        %dma_wait3A_99 = arith.constant 0 : i32
        %dma_wait3A_100 = tpu.memref_slice %arg17[%mul3A_2, %dma_wait3A_99] : memref<10000x128xf32, #tpu.memory_space<vmem_shared>> -> memref<624x128xf32, #tpu.memory_space<vmem_shared>>
        %dma_wait3A_101 = arith.constant 0 : i32
        %dma_wait3A_102 = tpu.memref_slice %arg5[%mul3A_2, %dma_wait3A_101] : memref<10000x128xf32, #tpu.memory_space<hbm>> -> memref<624x128xf32, #tpu.memory_space<hbm>>
        tpu.wait_dma2 semaphore(%run_scoped3A : memref<!tpu.dma_semaphore, #tpu.memory_space<semaphore_mem>>) src(%dma_wait3A_102 : memref<624x128xf32, #tpu.memory_space<hbm>>) dst(%dma_wait3A_100 : memref<624x128xf32, #tpu.memory_space<vmem_shared>>)
        tpu.yield
      }) : () -> ()
      %eq3A_90 = arith.constant 0 : i32
      %eq3A_91 = arith.cmpi eq, %arg1, %eq3A_90 : i32
      %convert_element_type3A_92 = arith.extui %eq3A_91 : i1 to i32
      %cond3A_93 = arith.constant 0 : i32
      %cond3A_94 = arith.cmpi ne, %convert_element_type3A_92, %cond3A_93 : i32
      scf.if %cond3A_94 {
        "tpu.region"() ({
          %run_scoped3A = tpu.sem_alloc : memref<!tpu.dma_semaphore, #tpu.memory_space<semaphore_mem>>
          %dma_start3A_95 = arith.constant 9984 : i32
          %dma_start3A_96 = arith.constant 0 : i32
          %dma_start3A_97 = tpu.memref_slice %arg17[%dma_start3A_95, %dma_start3A_96] : memref<10000x128xf32, #tpu.memory_space<vmem_shared>> -> memref<16x128xf32, #tpu.memory_space<vmem_shared>>
          %dma_start3A_98 = arith.constant 9984 : i32
          %dma_start3A_99 = arith.constant 0 : i32
          %dma_start3A_100 = tpu.memref_slice %arg5[%dma_start3A_98, %dma_start3A_99] : memref<10000x128xf32, #tpu.memory_space<hbm>> -> memref<16x128xf32, #tpu.memory_space<hbm>>
          tpu.enqueue_dma source(%dma_start3A_100 : memref<16x128xf32, #tpu.memory_space<hbm>>) target(%dma_start3A_97 : memref<16x128xf32, #tpu.memory_space<vmem_shared>>) target_semaphore(%run_scoped3A : memref<!tpu.dma_semaphore, #tpu.memory_space<semaphore_mem>>)
          %dma_wait3A_101 = arith.constant 9984 : i32
          %dma_wait3A_102 = arith.constant 0 : i32
          %dma_wait3A_103 = tpu.memref_slice %arg17[%dma_wait3A_101, %dma_wait3A_102] : memref<10000x128xf32, #tpu.memory_space<vmem_shared>> -> memref<16x128xf32, #tpu.memory_space<vmem_shared>>
          %dma_wait3A_104 = arith.constant 9984 : i32
          %dma_wait3A_105 = arith.constant 0 : i32
          %dma_wait3A_106 = tpu.memref_slice %arg5[%dma_wait3A_104, %dma_wait3A_105] : memref<10000x128xf32, #tpu.memory_space<hbm>> -> memref<16x128xf32, #tpu.memory_space<hbm>>
          tpu.wait_dma2 semaphore(%run_scoped3A : memref<!tpu.dma_semaphore, #tpu.memory_space<semaphore_mem>>) src(%dma_wait3A_106 : memref<16x128xf32, #tpu.memory_space<hbm>>) dst(%dma_wait3A_103 : memref<16x128xf32, #tpu.memory_space<vmem_shared>>)
          tpu.yield
        }) : () -> ()
      } else {
      }
    } else {
    }
    %barrier3A = arith.constant 0 : index
    tpu.barrier barrier_id(%barrier3A)
    %scan3A = arith.constant 0 : i32
    %scan3A_80 = arith.constant 20 : i32
    %scan3A_81 = arith.addi %scan3A, %scan3A_80 : i32
    %scan3A_82 = arith.constant 1 : i32
    scf.for %scan3A_90 = %scan3A to %scan3A_81 step %scan3A_82  : i32 {
      %mul3A_91 = arith.constant 1 : i32
      %mul3A_92 = arith.muli %scan3A_90, %mul3A_91 : i32
      %add3A_93 = arith.constant 0 : i32
      %add3A_94 = arith.addi %add3A_93, %mul3A_92 : i32
      %mul3A_95 = arith.constant 4 : i32
      %mul3A_96 = arith.muli %add3A_94, %mul3A_95 : i32
      %lt3A = arith.constant 19 : i32
      %lt3A_97 = arith.cmpi slt, %add3A_94, %lt3A : i32
      %dma_wait3A_98 = arith.constant 0 : i32
      %dma_wait3A_99 = arith.constant 0 : i32
      %dma_wait3A_100 = tpu.memref_slice %arg2[%dma_wait3A_98, %dma_wait3A_99] : memref<10000x128xf32, #tpu.memory_space<hbm>> -> memref<10000x128xf32, #tpu.memory_space<hbm>>
      tpu.wait_indirect_dma semaphore(%arg22 : memref<!tpu.dma_semaphore, #tpu.memory_space<semaphore_mem>>) src(%dma_wait3A_100 : memref<10000x128xf32, #tpu.memory_space<hbm>>) dst(%arg15 : memref<125x128xf32, #tpu.memory_space<vmem>>)
      %dma_start3A_101 = arith.constant 0 : i32
      %dma_start3A_102 = arith.constant 0 : i32
      %dma_start3A_103 = tpu.memref_slice %arg17[%dma_start3A_101, %dma_start3A_102] : memref<10000x128xf32, #tpu.memory_space<vmem_shared>> -> memref<10000x128xf32, #tpu.memory_space<vmem_shared>>
      tpu.enqueue_indirect_dma source(%arg15 : memref<125x128xf32, #tpu.memory_space<vmem>>) target(%dma_start3A_103 : memref<10000x128xf32, #tpu.memory_space<vmem_shared>>) offsets(%arg11 : memref<125xi32, #tpu.memory_space<vmem>>) semaphore(%arg24 : memref<!tpu.dma_semaphore, #tpu.memory_space<semaphore_mem>>) {add = true}
      %dma_wait3A_104 = arith.constant 0 : i32
      %dma_wait3A_105 = arith.constant 0 : i32
      %dma_wait3A_106 = tpu.memref_slice %arg3[%add3A, %dma_wait3A_104, %dma_wait3A_105] : memref<32x80x125xi32, #tpu.memory_space<hbm>> -> memref<1x1x125xi32, #tpu.memory_space<hbm>>
      %dma_wait3A_107 = tpu.memref_squeeze %dma_wait3A_106 : memref<1x1x125xi32, #tpu.memory_space<hbm>> -> memref<125xi32, #tpu.memory_space<hbm>>
      %dma_wait3A_108 = arith.constant 0 : i32
      %dma_wait3A_109 = tpu.memref_slice %arg3[%add3A, %dma_wait3A_104, %dma_wait3A_108] : memref<32x80x125xi32, #tpu.memory_space<hbm>> -> memref<1x1x125xi32, #tpu.memory_space<hbm>>
      %dma_wait3A_110 = tpu.memref_squeeze %dma_wait3A_109 : memref<1x1x125xi32, #tpu.memory_space<hbm>> -> memref<125xi32, #tpu.memory_space<hbm>>
      tpu.wait_dma2 semaphore(%arg19 : memref<!tpu.dma_semaphore, #tpu.memory_space<semaphore_mem>>) src(%dma_wait3A_110 : memref<125xi32, #tpu.memory_space<hbm>>) dst(%arg8 : memref<125xi32, #tpu.memory_space<vmem>>)
      %dma_wait3A_111 = arith.constant 0 : i32
      %dma_wait3A_112 = arith.constant 0 : i32
      %dma_wait3A_113 = tpu.memref_slice %arg4[%add3A, %dma_wait3A_111, %dma_wait3A_112] : memref<32x80x125xi32, #tpu.memory_space<hbm>> -> memref<1x1x125xi32, #tpu.memory_space<hbm>>
      %dma_wait3A_114 = tpu.memref_squeeze %dma_wait3A_113 : memref<1x1x125xi32, #tpu.memory_space<hbm>> -> memref<125xi32, #tpu.memory_space<hbm>>
      %dma_wait3A_115 = arith.constant 0 : i32
      %dma_wait3A_116 = tpu.memref_slice %arg4[%add3A, %dma_wait3A_111, %dma_wait3A_115] : memref<32x80x125xi32, #tpu.memory_space<hbm>> -> memref<1x1x125xi32, #tpu.memory_space<hbm>>
      %dma_wait3A_117 = tpu.memref_squeeze %dma_wait3A_116 : memref<1x1x125xi32, #tpu.memory_space<hbm>> -> memref<125xi32, #tpu.memory_space<hbm>>
      tpu.wait_dma2 semaphore(%arg19 : memref<!tpu.dma_semaphore, #tpu.memory_space<semaphore_mem>>) src(%dma_wait3A_117 : memref<125xi32, #tpu.memory_space<hbm>>) dst(%arg12 : memref<125xi32, #tpu.memory_space<vmem>>)
      %dma_start3A_118 = arith.constant 0 : i32
      %dma_start3A_119 = arith.constant 0 : i32
      %dma_start3A_120 = tpu.memref_slice %arg2[%dma_start3A_118, %dma_start3A_119] : memref<10000x128xf32, #tpu.memory_space<hbm>> -> memref<10000x128xf32, #tpu.memory_space<hbm>>
      tpu.enqueue_indirect_dma source(%dma_start3A_120 : memref<10000x128xf32, #tpu.memory_space<hbm>>) target(%arg16 : memref<125x128xf32, #tpu.memory_space<vmem>>) offsets(%arg8 : memref<125xi32, #tpu.memory_space<vmem>>) semaphore(%arg23 : memref<!tpu.dma_semaphore, #tpu.memory_space<semaphore_mem>>)
      %dma_wait3A_121 = arith.constant 0 : i32
      %dma_wait3A_122 = arith.constant 0 : i32
      %dma_wait3A_123 = tpu.memref_slice %arg17[%dma_wait3A_121, %dma_wait3A_122] : memref<10000x128xf32, #tpu.memory_space<vmem_shared>> -> memref<10000x128xf32, #tpu.memory_space<vmem_shared>>
      tpu.wait_indirect_dma semaphore(%arg24 : memref<!tpu.dma_semaphore, #tpu.memory_space<semaphore_mem>>) src(%arg15 : memref<125x128xf32, #tpu.memory_space<vmem>>) dst(%dma_wait3A_123 : memref<10000x128xf32, #tpu.memory_space<vmem_shared>>)
      %convert_element_type3A_124 = arith.extui %lt3A_97 : i1 to i32
      %cond3A_125 = arith.constant 0 : i32
      %cond3A_126 = arith.cmpi ne, %convert_element_type3A_124, %cond3A_125 : i32
      scf.if %cond3A_126 {
        %add3A_200 = arith.constant 4 : i32
        %add3A_201 = arith.addi %mul3A_96, %add3A_200 : i32
        %dma_start3A_202 = arith.constant 0 : i32
        %dma_start3A_203 = tpu.memref_slice %arg3[%add3A, %add3A_201, %dma_start3A_202] : memref<32x80x125xi32, #tpu.memory_space<hbm>> -> memref<1x1x125xi32, #tpu.memory_space<hbm>>
        %dma_start3A_204 = tpu.memref_squeeze %dma_start3A_203 : memref<1x1x125xi32, #tpu.memory_space<hbm>> -> memref<125xi32, #tpu.memory_space<hbm>>
        %dma_start3A_205 = arith.constant 0 : i32
        %dma_start3A_206 = tpu.memref_slice %arg3[%add3A, %add3A_201, %dma_start3A_205] : memref<32x80x125xi32, #tpu.memory_space<hbm>> -> memref<1x1x125xi32, #tpu.memory_space<hbm>>
        %dma_start3A_207 = tpu.memref_squeeze %dma_start3A_206 : memref<1x1x125xi32, #tpu.memory_space<hbm>> -> memref<125xi32, #tpu.memory_space<hbm>>
        tpu.enqueue_dma source(%dma_start3A_207 : memref<125xi32, #tpu.memory_space<hbm>>) target(%arg7 : memref<125xi32, #tpu.memory_space<vmem>>) target_semaphore(%arg18 : memref<!tpu.dma_semaphore, #tpu.memory_space<semaphore_mem>>)
        %dma_start3A_208 = arith.constant 0 : i32
        %dma_start3A_209 = tpu.memref_slice %arg4[%add3A, %add3A_201, %dma_start3A_208] : memref<32x80x125xi32, #tpu.memory_space<hbm>> -> memref<1x1x125xi32, #tpu.memory_space<hbm>>
        %dma_start3A_210 = tpu.memref_squeeze %dma_start3A_209 : memref<1x1x125xi32, #tpu.memory_space<hbm>> -> memref<125xi32, #tpu.memory_space<hbm>>
        %dma_start3A_211 = arith.constant 0 : i32
        %dma_start3A_212 = tpu.memref_slice %arg4[%add3A, %add3A_201, %dma_start3A_211] : memref<32x80x125xi32, #tpu.memory_space<hbm>> -> memref<1x1x125xi32, #tpu.memory_space<hbm>>
        %dma_start3A_213 = tpu.memref_squeeze %dma_start3A_212 : memref<1x1x125xi32, #tpu.memory_space<hbm>> -> memref<125xi32, #tpu.memory_space<hbm>>
        tpu.enqueue_dma source(%dma_start3A_213 : memref<125xi32, #tpu.memory_space<hbm>>) target(%arg11 : memref<125xi32, #tpu.memory_space<vmem>>) target_semaphore(%arg18 : memref<!tpu.dma_semaphore, #tpu.memory_space<semaphore_mem>>)
      } else {
      }
      %dma_wait3A_127 = arith.constant 0 : i32
      %dma_wait3A_128 = arith.constant 0 : i32
      %dma_wait3A_129 = tpu.memref_slice %arg2[%dma_wait3A_127, %dma_wait3A_128] : memref<10000x128xf32, #tpu.memory_space<hbm>> -> memref<10000x128xf32, #tpu.memory_space<hbm>>
      tpu.wait_indirect_dma semaphore(%arg23 : memref<!tpu.dma_semaphore, #tpu.memory_space<semaphore_mem>>) src(%dma_wait3A_129 : memref<10000x128xf32, #tpu.memory_space<hbm>>) dst(%arg16 : memref<125x128xf32, #tpu.memory_space<vmem>>)
      %dma_start3A_130 = arith.constant 0 : i32
      %dma_start3A_131 = arith.constant 0 : i32
      %dma_start3A_132 = tpu.memref_slice %arg17[%dma_start3A_130, %dma_start3A_131] : memref<10000x128xf32, #tpu.memory_space<vmem_shared>> -> memref<10000x128xf32, #tpu.memory_space<vmem_shared>>
      tpu.enqueue_indirect_dma source(%arg16 : memref<125x128xf32, #tpu.memory_space<vmem>>) target(%dma_start3A_132 : memref<10000x128xf32, #tpu.memory_space<vmem_shared>>) offsets(%arg12 : memref<125xi32, #tpu.memory_space<vmem>>) semaphore(%arg25 : memref<!tpu.dma_semaphore, #tpu.memory_space<semaphore_mem>>) {add = true}
      %dma_wait3A_133 = arith.constant 0 : i32
      %dma_wait3A_134 = arith.constant 0 : i32
      %dma_wait3A_135 = tpu.memref_slice %arg3[%add3A, %dma_wait3A_133, %dma_wait3A_134] : memref<32x80x125xi32, #tpu.memory_space<hbm>> -> memref<1x1x125xi32, #tpu.memory_space<hbm>>
      %dma_wait3A_136 = tpu.memref_squeeze %dma_wait3A_135 : memref<1x1x125xi32, #tpu.memory_space<hbm>> -> memref<125xi32, #tpu.memory_space<hbm>>
      %dma_wait3A_137 = arith.constant 0 : i32
      %dma_wait3A_138 = tpu.memref_slice %arg3[%add3A, %dma_wait3A_133, %dma_wait3A_137] : memref<32x80x125xi32, #tpu.memory_space<hbm>> -> memref<1x1x125xi32, #tpu.memory_space<hbm>>
      %dma_wait3A_139 = tpu.memref_squeeze %dma_wait3A_138 : memref<1x1x125xi32, #tpu.memory_space<hbm>> -> memref<125xi32, #tpu.memory_space<hbm>>
      tpu.wait_dma2 semaphore(%arg20 : memref<!tpu.dma_semaphore, #tpu.memory_space<semaphore_mem>>) src(%dma_wait3A_139 : memref<125xi32, #tpu.memory_space<hbm>>) dst(%arg9 : memref<125xi32, #tpu.memory_space<vmem>>)
      %dma_wait3A_140 = arith.constant 0 : i32
      %dma_wait3A_141 = arith.constant 0 : i32
      %dma_wait3A_142 = tpu.memref_slice %arg4[%add3A, %dma_wait3A_140, %dma_wait3A_141] : memref<32x80x125xi32, #tpu.memory_space<hbm>> -> memref<1x1x125xi32, #tpu.memory_space<hbm>>
      %dma_wait3A_143 = tpu.memref_squeeze %dma_wait3A_142 : memref<1x1x125xi32, #tpu.memory_space<hbm>> -> memref<125xi32, #tpu.memory_space<hbm>>
      %dma_wait3A_144 = arith.constant 0 : i32
      %dma_wait3A_145 = tpu.memref_slice %arg4[%add3A, %dma_wait3A_140, %dma_wait3A_144] : memref<32x80x125xi32, #tpu.memory_space<hbm>> -> memref<1x1x125xi32, #tpu.memory_space<hbm>>
      %dma_wait3A_146 = tpu.memref_squeeze %dma_wait3A_145 : memref<1x1x125xi32, #tpu.memory_space<hbm>> -> memref<125xi32, #tpu.memory_space<hbm>>
      tpu.wait_dma2 semaphore(%arg20 : memref<!tpu.dma_semaphore, #tpu.memory_space<semaphore_mem>>) src(%dma_wait3A_146 : memref<125xi32, #tpu.memory_space<hbm>>) dst(%arg13 : memref<125xi32, #tpu.memory_space<vmem>>)
      %dma_start3A_147 = arith.constant 0 : i32
      %dma_start3A_148 = arith.constant 0 : i32
      %dma_start3A_149 = tpu.memref_slice %arg2[%dma_start3A_147, %dma_start3A_148] : memref<10000x128xf32, #tpu.memory_space<hbm>> -> memref<10000x128xf32, #tpu.memory_space<hbm>>
      tpu.enqueue_indirect_dma source(%dma_start3A_149 : memref<10000x128xf32, #tpu.memory_space<hbm>>) target(%arg15 : memref<125x128xf32, #tpu.memory_space<vmem>>) offsets(%arg9 : memref<125xi32, #tpu.memory_space<vmem>>) semaphore(%arg22 : memref<!tpu.dma_semaphore, #tpu.memory_space<semaphore_mem>>)
      %dma_wait3A_150 = arith.constant 0 : i32
      %dma_wait3A_151 = arith.constant 0 : i32
      %dma_wait3A_152 = tpu.memref_slice %arg17[%dma_wait3A_150, %dma_wait3A_151] : memref<10000x128xf32, #tpu.memory_space<vmem_shared>> -> memref<10000x128xf32, #tpu.memory_space<vmem_shared>>
      tpu.wait_indirect_dma semaphore(%arg25 : memref<!tpu.dma_semaphore, #tpu.memory_space<semaphore_mem>>) src(%arg16 : memref<125x128xf32, #tpu.memory_space<vmem>>) dst(%dma_wait3A_152 : memref<10000x128xf32, #tpu.memory_space<vmem_shared>>)
      %convert_element_type3A_153 = arith.extui %lt3A_97 : i1 to i32
      %cond3A_154 = arith.constant 0 : i32
      %cond3A_155 = arith.cmpi ne, %convert_element_type3A_153, %cond3A_154 : i32
      scf.if %cond3A_155 {
        %add3A_200 = arith.constant 5 : i32
        %add3A_201 = arith.addi %mul3A_96, %add3A_200 : i32
        %dma_start3A_202 = arith.constant 0 : i32
        %dma_start3A_203 = tpu.memref_slice %arg3[%add3A, %add3A_201, %dma_start3A_202] : memref<32x80x125xi32, #tpu.memory_space<hbm>> -> memref<1x1x125xi32, #tpu.memory_space<hbm>>
        %dma_start3A_204 = tpu.memref_squeeze %dma_start3A_203 : memref<1x1x125xi32, #tpu.memory_space<hbm>> -> memref<125xi32, #tpu.memory_space<hbm>>
        %dma_start3A_205 = arith.constant 0 : i32
        %dma_start3A_206 = tpu.memref_slice %arg3[%add3A, %add3A_201, %dma_start3A_205] : memref<32x80x125xi32, #tpu.memory_space<hbm>> -> memref<1x1x125xi32, #tpu.memory_space<hbm>>
        %dma_start3A_207 = tpu.memref_squeeze %dma_start3A_206 : memref<1x1x125xi32, #tpu.memory_space<hbm>> -> memref<125xi32, #tpu.memory_space<hbm>>
        tpu.enqueue_dma source(%dma_start3A_207 : memref<125xi32, #tpu.memory_space<hbm>>) target(%arg8 : memref<125xi32, #tpu.memory_space<vmem>>) target_semaphore(%arg19 : memref<!tpu.dma_semaphore, #tpu.memory_space<semaphore_mem>>)
        %dma_start3A_208 = arith.constant 0 : i32
        %dma_start3A_209 = tpu.memref_slice %arg4[%add3A, %add3A_201, %dma_start3A_208] : memref<32x80x125xi32, #tpu.memory_space<hbm>> -> memref<1x1x125xi32, #tpu.memory_space<hbm>>
        %dma_start3A_210 = tpu.memref_squeeze %dma_start3A_209 : memref<1x1x125xi32, #tpu.memory_space<hbm>> -> memref<125xi32, #tpu.memory_space<hbm>>
        %dma_start3A_211 = arith.constant 0 : i32
        %dma_start3A_212 = tpu.memref_slice %arg4[%add3A, %add3A_201, %dma_start3A_211] : memref<32x80x125xi32, #tpu.memory_space<hbm>> -> memref<1x1x125xi32, #tpu.memory_space<hbm>>
        %dma_start3A_213 = tpu.memref_squeeze %dma_start3A_212 : memref<1x1x125xi32, #tpu.memory_space<hbm>> -> memref<125xi32, #tpu.memory_space<hbm>>
        tpu.enqueue_dma source(%dma_start3A_213 : memref<125xi32, #tpu.memory_space<hbm>>) target(%arg12 : memref<125xi32, #tpu.memory_space<vmem>>) target_semaphore(%arg19 : memref<!tpu.dma_semaphore, #tpu.memory_space<semaphore_mem>>)
      } else {
      }
      %dma_wait3A_156 = arith.constant 0 : i32
      %dma_wait3A_157 = arith.constant 0 : i32
      %dma_wait3A_158 = tpu.memref_slice %arg2[%dma_wait3A_156, %dma_wait3A_157] : memref<10000x128xf32, #tpu.memory_space<hbm>> -> memref<10000x128xf32, #tpu.memory_space<hbm>>
      tpu.wait_indirect_dma semaphore(%arg22 : memref<!tpu.dma_semaphore, #tpu.memory_space<semaphore_mem>>) src(%dma_wait3A_158 : memref<10000x128xf32, #tpu.memory_space<hbm>>) dst(%arg15 : memref<125x128xf32, #tpu.memory_space<vmem>>)
      %dma_start3A_159 = arith.constant 0 : i32
      %dma_start3A_160 = arith.constant 0 : i32
      %dma_start3A_161 = tpu.memref_slice %arg17[%dma_start3A_159, %dma_start3A_160] : memref<10000x128xf32, #tpu.memory_space<vmem_shared>> -> memref<10000x128xf32, #tpu.memory_space<vmem_shared>>
      tpu.enqueue_indirect_dma source(%arg15 : memref<125x128xf32, #tpu.memory_space<vmem>>) target(%dma_start3A_161 : memref<10000x128xf32, #tpu.memory_space<vmem_shared>>) offsets(%arg13 : memref<125xi32, #tpu.memory_space<vmem>>) semaphore(%arg24 : memref<!tpu.dma_semaphore, #tpu.memory_space<semaphore_mem>>) {add = true}
      %dma_wait3A_162 = arith.constant 0 : i32
      %dma_wait3A_163 = arith.constant 0 : i32
      %dma_wait3A_164 = tpu.memref_slice %arg3[%add3A, %dma_wait3A_162, %dma_wait3A_163] : memref<32x80x125xi32, #tpu.memory_space<hbm>> -> memref<1x1x125xi32, #tpu.memory_space<hbm>>
      %dma_wait3A_165 = tpu.memref_squeeze %dma_wait3A_164 : memref<1x1x125xi32, #tpu.memory_space<hbm>> -> memref<125xi32, #tpu.memory_space<hbm>>
      %dma_wait3A_166 = arith.constant 0 : i32
      %dma_wait3A_167 = tpu.memref_slice %arg3[%add3A, %dma_wait3A_162, %dma_wait3A_166] : memref<32x80x125xi32, #tpu.memory_space<hbm>> -> memref<1x1x125xi32, #tpu.memory_space<hbm>>
      %dma_wait3A_168 = tpu.memref_squeeze %dma_wait3A_167 : memref<1x1x125xi32, #tpu.memory_space<hbm>> -> memref<125xi32, #tpu.memory_space<hbm>>
      tpu.wait_dma2 semaphore(%arg21 : memref<!tpu.dma_semaphore, #tpu.memory_space<semaphore_mem>>) src(%dma_wait3A_168 : memref<125xi32, #tpu.memory_space<hbm>>) dst(%arg10 : memref<125xi32, #tpu.memory_space<vmem>>)
      %dma_wait3A_169 = arith.constant 0 : i32
      %dma_wait3A_170 = arith.constant 0 : i32
      %dma_wait3A_171 = tpu.memref_slice %arg4[%add3A, %dma_wait3A_169, %dma_wait3A_170] : memref<32x80x125xi32, #tpu.memory_space<hbm>> -> memref<1x1x125xi32, #tpu.memory_space<hbm>>
      %dma_wait3A_172 = tpu.memref_squeeze %dma_wait3A_171 : memref<1x1x125xi32, #tpu.memory_space<hbm>> -> memref<125xi32, #tpu.memory_space<hbm>>
      %dma_wait3A_173 = arith.constant 0 : i32
      %dma_wait3A_174 = tpu.memref_slice %arg4[%add3A, %dma_wait3A_169, %dma_wait3A_173] : memref<32x80x125xi32, #tpu.memory_space<hbm>> -> memref<1x1x125xi32, #tpu.memory_space<hbm>>
      %dma_wait3A_175 = tpu.memref_squeeze %dma_wait3A_174 : memref<1x1x125xi32, #tpu.memory_space<hbm>> -> memref<125xi32, #tpu.memory_space<hbm>>
      tpu.wait_dma2 semaphore(%arg21 : memref<!tpu.dma_semaphore, #tpu.memory_space<semaphore_mem>>) src(%dma_wait3A_175 : memref<125xi32, #tpu.memory_space<hbm>>) dst(%arg14 : memref<125xi32, #tpu.memory_space<vmem>>)
      %dma_start3A_176 = arith.constant 0 : i32
      %dma_start3A_177 = arith.constant 0 : i32
      %dma_start3A_178 = tpu.memref_slice %arg2[%dma_start3A_176, %dma_start3A_177] : memref<10000x128xf32, #tpu.memory_space<hbm>> -> memref<10000x128xf32, #tpu.memory_space<hbm>>
      tpu.enqueue_indirect_dma source(%dma_start3A_178 : memref<10000x128xf32, #tpu.memory_space<hbm>>) target(%arg16 : memref<125x128xf32, #tpu.memory_space<vmem>>) offsets(%arg10 : memref<125xi32, #tpu.memory_space<vmem>>) semaphore(%arg23 : memref<!tpu.dma_semaphore, #tpu.memory_space<semaphore_mem>>)
      %dma_wait3A_179 = arith.constant 0 : i32
      %dma_wait3A_180 = arith.constant 0 : i32
      %dma_wait3A_181 = tpu.memref_slice %arg17[%dma_wait3A_179, %dma_wait3A_180] : memref<10000x128xf32, #tpu.memory_space<vmem_shared>> -> memref<10000x128xf32, #tpu.memory_space<vmem_shared>>
      tpu.wait_indirect_dma semaphore(%arg24 : memref<!tpu.dma_semaphore, #tpu.memory_space<semaphore_mem>>) src(%arg15 : memref<125x128xf32, #tpu.memory_space<vmem>>) dst(%dma_wait3A_181 : memref<10000x128xf32, #tpu.memory_space<vmem_shared>>)
      %convert_element_type3A_182 = arith.extui %lt3A_97 : i1 to i32
      %cond3A_183 = arith.constant 0 : i32
      %cond3A_184 = arith.cmpi ne, %convert_element_type3A_182, %cond3A_183 : i32
      scf.if %cond3A_184 {
        %add3A_200 = arith.constant 6 : i32
        %add3A_201 = arith.addi %mul3A_96, %add3A_200 : i32
        %dma_start3A_202 = arith.constant 0 : i32
        %dma_start3A_203 = tpu.memref_slice %arg3[%add3A, %add3A_201, %dma_start3A_202] : memref<32x80x125xi32, #tpu.memory_space<hbm>> -> memref<1x1x125xi32, #tpu.memory_space<hbm>>
        %dma_start3A_204 = tpu.memref_squeeze %dma_start3A_203 : memref<1x1x125xi32, #tpu.memory_space<hbm>> -> memref<125xi32, #tpu.memory_space<hbm>>
        %dma_start3A_205 = arith.constant 0 : i32
        %dma_start3A_206 = tpu.memref_slice %arg3[%add3A, %add3A_201, %dma_start3A_205] : memref<32x80x125xi32, #tpu.memory_space<hbm>> -> memref<1x1x125xi32, #tpu.memory_space<hbm>>
        %dma_start3A_207 = tpu.memref_squeeze %dma_start3A_206 : memref<1x1x125xi32, #tpu.memory_space<hbm>> -> memref<125xi32, #tpu.memory_space<hbm>>
        tpu.enqueue_dma source(%dma_start3A_207 : memref<125xi32, #tpu.memory_space<hbm>>) target(%arg9 : memref<125xi32, #tpu.memory_space<vmem>>) target_semaphore(%arg20 : memref<!tpu.dma_semaphore, #tpu.memory_space<semaphore_mem>>)
        %dma_start3A_208 = arith.constant 0 : i32
        %dma_start3A_209 = tpu.memref_slice %arg4[%add3A, %add3A_201, %dma_start3A_208] : memref<32x80x125xi32, #tpu.memory_space<hbm>> -> memref<1x1x125xi32, #tpu.memory_space<hbm>>
        %dma_start3A_210 = tpu.memref_squeeze %dma_start3A_209 : memref<1x1x125xi32, #tpu.memory_space<hbm>> -> memref<125xi32, #tpu.memory_space<hbm>>
        %dma_start3A_211 = arith.constant 0 : i32
        %dma_start3A_212 = tpu.memref_slice %arg4[%add3A, %add3A_201, %dma_start3A_211] : memref<32x80x125xi32, #tpu.memory_space<hbm>> -> memref<1x1x125xi32, #tpu.memory_space<hbm>>
        %dma_start3A_213 = tpu.memref_squeeze %dma_start3A_212 : memref<1x1x125xi32, #tpu.memory_space<hbm>> -> memref<125xi32, #tpu.memory_space<hbm>>
        tpu.enqueue_dma source(%dma_start3A_213 : memref<125xi32, #tpu.memory_space<hbm>>) target(%arg13 : memref<125xi32, #tpu.memory_space<vmem>>) target_semaphore(%arg20 : memref<!tpu.dma_semaphore, #tpu.memory_space<semaphore_mem>>)
      } else {
      }
      %dma_wait3A_185 = arith.constant 0 : i32
      %dma_wait3A_186 = arith.constant 0 : i32
      %dma_wait3A_187 = tpu.memref_slice %arg2[%dma_wait3A_185, %dma_wait3A_186] : memref<10000x128xf32, #tpu.memory_space<hbm>> -> memref<10000x128xf32, #tpu.memory_space<hbm>>
      tpu.wait_indirect_dma semaphore(%arg23 : memref<!tpu.dma_semaphore, #tpu.memory_space<semaphore_mem>>) src(%dma_wait3A_187 : memref<10000x128xf32, #tpu.memory_space<hbm>>) dst(%arg16 : memref<125x128xf32, #tpu.memory_space<vmem>>)
      %dma_start3A_188 = arith.constant 0 : i32
      %dma_start3A_189 = arith.constant 0 : i32
      %dma_start3A_190 = tpu.memref_slice %arg17[%dma_start3A_188, %dma_start3A_189] : memref<10000x128xf32, #tpu.memory_space<vmem_shared>> -> memref<10000x128xf32, #tpu.memory_space<vmem_shared>>
      tpu.enqueue_indirect_dma source(%arg16 : memref<125x128xf32, #tpu.memory_space<vmem>>) target(%dma_start3A_190 : memref<10000x128xf32, #tpu.memory_space<vmem_shared>>) offsets(%arg14 : memref<125xi32, #tpu.memory_space<vmem>>) semaphore(%arg25 : memref<!tpu.dma_semaphore, #tpu.memory_space<semaphore_mem>>) {add = true}
      %convert_element_type3A_191 = arith.extui %lt3A_97 : i1 to i32
      %cond3A_192 = arith.constant 0 : i32
      %cond3A_193 = arith.cmpi ne, %convert_element_type3A_191, %cond3A_192 : i32
      scf.if %cond3A_193 {
        %dma_wait3A_200 = arith.constant 0 : i32
        %dma_wait3A_201 = arith.constant 0 : i32
        %dma_wait3A_202 = tpu.memref_slice %arg3[%add3A, %dma_wait3A_200, %dma_wait3A_201] : memref<32x80x125xi32, #tpu.memory_space<hbm>> -> memref<1x1x125xi32, #tpu.memory_space<hbm>>
        %dma_wait3A_203 = tpu.memref_squeeze %dma_wait3A_202 : memref<1x1x125xi32, #tpu.memory_space<hbm>> -> memref<125xi32, #tpu.memory_space<hbm>>
        %dma_wait3A_204 = arith.constant 0 : i32
        %dma_wait3A_205 = tpu.memref_slice %arg3[%add3A, %dma_wait3A_200, %dma_wait3A_204] : memref<32x80x125xi32, #tpu.memory_space<hbm>> -> memref<1x1x125xi32, #tpu.memory_space<hbm>>
        %dma_wait3A_206 = tpu.memref_squeeze %dma_wait3A_205 : memref<1x1x125xi32, #tpu.memory_space<hbm>> -> memref<125xi32, #tpu.memory_space<hbm>>
        tpu.wait_dma2 semaphore(%arg18 : memref<!tpu.dma_semaphore, #tpu.memory_space<semaphore_mem>>) src(%dma_wait3A_206 : memref<125xi32, #tpu.memory_space<hbm>>) dst(%arg7 : memref<125xi32, #tpu.memory_space<vmem>>)
        %dma_wait3A_207 = arith.constant 0 : i32
        %dma_wait3A_208 = arith.constant 0 : i32
        %dma_wait3A_209 = tpu.memref_slice %arg4[%add3A, %dma_wait3A_207, %dma_wait3A_208] : memref<32x80x125xi32, #tpu.memory_space<hbm>> -> memref<1x1x125xi32, #tpu.memory_space<hbm>>
        %dma_wait3A_210 = tpu.memref_squeeze %dma_wait3A_209 : memref<1x1x125xi32, #tpu.memory_space<hbm>> -> memref<125xi32, #tpu.memory_space<hbm>>
        %dma_wait3A_211 = arith.constant 0 : i32
        %dma_wait3A_212 = tpu.memref_slice %arg4[%add3A, %dma_wait3A_207, %dma_wait3A_211] : memref<32x80x125xi32, #tpu.memory_space<hbm>> -> memref<1x1x125xi32, #tpu.memory_space<hbm>>
        %dma_wait3A_213 = tpu.memref_squeeze %dma_wait3A_212 : memref<1x1x125xi32, #tpu.memory_space<hbm>> -> memref<125xi32, #tpu.memory_space<hbm>>
        tpu.wait_dma2 semaphore(%arg18 : memref<!tpu.dma_semaphore, #tpu.memory_space<semaphore_mem>>) src(%dma_wait3A_213 : memref<125xi32, #tpu.memory_space<hbm>>) dst(%arg11 : memref<125xi32, #tpu.memory_space<vmem>>)
        %dma_start3A_214 = arith.constant 0 : i32
        %dma_start3A_215 = arith.constant 0 : i32
        %dma_start3A_216 = tpu.memref_slice %arg2[%dma_start3A_214, %dma_start3A_215] : memref<10000x128xf32, #tpu.memory_space<hbm>> -> memref<10000x128xf32, #tpu.memory_space<hbm>>
        tpu.enqueue_indirect_dma source(%dma_start3A_216 : memref<10000x128xf32, #tpu.memory_space<hbm>>) target(%arg15 : memref<125x128xf32, #tpu.memory_space<vmem>>) offsets(%arg7 : memref<125xi32, #tpu.memory_space<vmem>>) semaphore(%arg22 : memref<!tpu.dma_semaphore, #tpu.memory_space<semaphore_mem>>)
      } else {
      }
      %dma_wait3A_194 = arith.constant 0 : i32
      %dma_wait3A_195 = arith.constant 0 : i32
      %dma_wait3A_196 = tpu.memref_slice %arg17[%dma_wait3A_194, %dma_wait3A_195] : memref<10000x128xf32, #tpu.memory_space<vmem_shared>> -> memref<10000x128xf32, #tpu.memory_space<vmem_shared>>
      tpu.wait_indirect_dma semaphore(%arg25 : memref<!tpu.dma_semaphore, #tpu.memory_space<semaphore_mem>>) src(%arg16 : memref<125x128xf32, #tpu.memory_space<vmem>>) dst(%dma_wait3A_196 : memref<10000x128xf32, #tpu.memory_space<vmem_shared>>)
      %convert_element_type3A_197 = arith.extui %lt3A_97 : i1 to i32
      %cond3A_198 = arith.constant 0 : i32
      %cond3A_199 = arith.cmpi ne, %convert_element_type3A_197, %cond3A_198 : i32
      scf.if %cond3A_199 {
        %add3A_200 = arith.constant 7 : i32
        %add3A_201 = arith.addi %mul3A_96, %add3A_200 : i32
        %dma_start3A_202 = arith.constant 0 : i32
        %dma_start3A_203 = tpu.memref_slice %arg3[%add3A, %add3A_201, %dma_start3A_202] : memref<32x80x125xi32, #tpu.memory_space<hbm>> -> memref<1x1x125xi32, #tpu.memory_space<hbm>>
        %dma_start3A_204 = tpu.memref_squeeze %dma_start3A_203 : memref<1x1x125xi32, #tpu.memory_space<hbm>> -> memref<125xi32, #tpu.memory_space<hbm>>
        %dma_start3A_205 = arith.constant 0 : i32
        %dma_start3A_206 = tpu.memref_slice %arg3[%add3A, %add3A_201, %dma_start3A_205] : memref<32x80x125xi32, #tpu.memory_space<hbm>> -> memref<1x1x125xi32, #tpu.memory_space<hbm>>
        %dma_start3A_207 = tpu.memref_squeeze %dma_start3A_206 : memref<1x1x125xi32, #tpu.memory_space<hbm>> -> memref<125xi32, #tpu.memory_space<hbm>>
        tpu.enqueue_dma source(%dma_start3A_207 : memref<125xi32, #tpu.memory_space<hbm>>) target(%arg10 : memref<125xi32, #tpu.memory_space<vmem>>) target_semaphore(%arg21 : memref<!tpu.dma_semaphore, #tpu.memory_space<semaphore_mem>>)
        %dma_start3A_208 = arith.constant 0 : i32
        %dma_start3A_209 = tpu.memref_slice %arg4[%add3A, %add3A_201, %dma_start3A_208] : memref<32x80x125xi32, #tpu.memory_space<hbm>> -> memref<1x1x125xi32, #tpu.memory_space<hbm>>
        %dma_start3A_210 = tpu.memref_squeeze %dma_start3A_209 : memref<1x1x125xi32, #tpu.memory_space<hbm>> -> memref<125xi32, #tpu.memory_space<hbm>>
        %dma_start3A_211 = arith.constant 0 : i32
        %dma_start3A_212 = tpu.memref_slice %arg4[%add3A, %add3A_201, %dma_start3A_211] : memref<32x80x125xi32, #tpu.memory_space<hbm>> -> memref<1x1x125xi32, #tpu.memory_space<hbm>>
        %dma_start3A_213 = tpu.memref_squeeze %dma_start3A_212 : memref<1x1x125xi32, #tpu.memory_space<hbm>> -> memref<125xi32, #tpu.memory_space<hbm>>
        tpu.enqueue_dma source(%dma_start3A_213 : memref<125xi32, #tpu.memory_space<hbm>>) target(%arg14 : memref<125xi32, #tpu.memory_space<vmem>>) target_semaphore(%arg21 : memref<!tpu.dma_semaphore, #tpu.memory_space<semaphore_mem>>)
      } else {
      }
    }
    %scan3A_83 = arith.constant 20 : i32
    %barrier3A_84 = arith.constant 0 : index
    tpu.barrier barrier_id(%barrier3A_84)
    "tpu.region"() ({
      %run_scoped3A = tpu.sem_alloc : memref<!tpu.dma_semaphore, #tpu.memory_space<semaphore_mem>>
      %dma_start3A_90 = arith.constant 0 : i32
      %dma_start3A_91 = tpu.memref_slice %arg6[%arg0, %mul3A_2, %dma_start3A_90] : memref<2x10000x128xf32, #tpu.memory_space<hbm>> -> memref<1x624x128xf32, #tpu.memory_space<hbm>>
      %dma_start3A_92 = tpu.memref_squeeze %dma_start3A_91 : memref<1x624x128xf32, #tpu.memory_space<hbm>> -> memref<624x128xf32, #tpu.memory_space<hbm>>
      %dma_start3A_93 = arith.constant 0 : i32
      %dma_start3A_94 = tpu.memref_slice %arg17[%mul3A_2, %dma_start3A_93] : memref<10000x128xf32, #tpu.memory_space<vmem_shared>> -> memref<624x128xf32, #tpu.memory_space<vmem_shared>>
      tpu.enqueue_dma source(%dma_start3A_94 : memref<624x128xf32, #tpu.memory_space<vmem_shared>>) target(%dma_start3A_92 : memref<624x128xf32, #tpu.memory_space<hbm>>) target_semaphore(%run_scoped3A : memref<!tpu.dma_semaphore, #tpu.memory_space<semaphore_mem>>)
      %dma_wait3A_95 = arith.constant 0 : i32
      %dma_wait3A_96 = tpu.memref_slice %arg6[%arg0, %mul3A_2, %dma_wait3A_95] : memref<2x10000x128xf32, #tpu.memory_space<hbm>> -> memref<1x624x128xf32, #tpu.memory_space<hbm>>
      %dma_wait3A_97 = tpu.memref_squeeze %dma_wait3A_96 : memref<1x624x128xf32, #tpu.memory_space<hbm>> -> memref<624x128xf32, #tpu.memory_space<hbm>>
      %dma_wait3A_98 = arith.constant 0 : i32
      %dma_wait3A_99 = tpu.memref_slice %arg17[%mul3A_2, %dma_wait3A_98] : memref<10000x128xf32, #tpu.memory_space<vmem_shared>> -> memref<624x128xf32, #tpu.memory_space<vmem_shared>>
      tpu.wait_dma2 semaphore(%run_scoped3A : memref<!tpu.dma_semaphore, #tpu.memory_space<semaphore_mem>>) src(%dma_wait3A_99 : memref<624x128xf32, #tpu.memory_space<vmem_shared>>) dst(%dma_wait3A_97 : memref<624x128xf32, #tpu.memory_space<hbm>>)
      tpu.yield
    }) : () -> ()
    %eq3A_85 = arith.constant 0 : i32
    %eq3A_86 = arith.cmpi eq, %arg1, %eq3A_85 : i32
    %convert_element_type3A_87 = arith.extui %eq3A_86 : i1 to i32
    %cond3A_88 = arith.constant 0 : i32
    %cond3A_89 = arith.cmpi ne, %convert_element_type3A_87, %cond3A_88 : i32
    scf.if %cond3A_89 {
      "tpu.region"() ({
        %run_scoped3A = tpu.sem_alloc : memref<!tpu.dma_semaphore, #tpu.memory_space<semaphore_mem>>
        %dma_start3A_90 = arith.constant 9984 : i32
        %dma_start3A_91 = arith.constant 0 : i32
        %dma_start3A_92 = tpu.memref_slice %arg6[%arg0, %dma_start3A_90, %dma_start3A_91] : memref<2x10000x128xf32, #tpu.memory_space<hbm>> -> memref<1x16x128xf32, #tpu.memory_space<hbm>>
        %dma_start3A_93 = tpu.memref_squeeze %dma_start3A_92 : memref<1x16x128xf32, #tpu.memory_space<hbm>> -> memref<16x128xf32, #tpu.memory_space<hbm>>
        %dma_start3A_94 = arith.constant 9984 : i32
        %dma_start3A_95 = arith.constant 0 : i32
        %dma_start3A_96 = tpu.memref_slice %arg17[%dma_start3A_94, %dma_start3A_95] : memref<10000x128xf32, #tpu.memory_space<vmem_shared>> -> memref<16x128xf32, #tpu.memory_space<vmem_shared>>
        tpu.enqueue_dma source(%dma_start3A_96 : memref<16x128xf32, #tpu.memory_space<vmem_shared>>) target(%dma_start3A_93 : memref<16x128xf32, #tpu.memory_space<hbm>>) target_semaphore(%run_scoped3A : memref<!tpu.dma_semaphore, #tpu.memory_space<semaphore_mem>>)
        %dma_wait3A_97 = arith.constant 9984 : i32
        %dma_wait3A_98 = arith.constant 0 : i32
        %dma_wait3A_99 = tpu.memref_slice %arg6[%arg0, %dma_wait3A_97, %dma_wait3A_98] : memref<2x10000x128xf32, #tpu.memory_space<hbm>> -> memref<1x16x128xf32, #tpu.memory_space<hbm>>
        %dma_wait3A_100 = tpu.memref_squeeze %dma_wait3A_99 : memref<1x16x128xf32, #tpu.memory_space<hbm>> -> memref<16x128xf32, #tpu.memory_space<hbm>>
        %dma_wait3A_101 = arith.constant 9984 : i32
        %dma_wait3A_102 = arith.constant 0 : i32
        %dma_wait3A_103 = tpu.memref_slice %arg17[%dma_wait3A_101, %dma_wait3A_102] : memref<10000x128xf32, #tpu.memory_space<vmem_shared>> -> memref<16x128xf32, #tpu.memory_space<vmem_shared>>
        tpu.wait_dma2 semaphore(%run_scoped3A : memref<!tpu.dma_semaphore, #tpu.memory_space<semaphore_mem>>) src(%dma_wait3A_103 : memref<16x128xf32, #tpu.memory_space<vmem_shared>>) dst(%dma_wait3A_100 : memref<16x128xf32, #tpu.memory_space<hbm>>)
        tpu.yield
      }) : () -> ()
    } else {
    }
    return
  }
}

#map = affine_map<(d0, d1) -> (0, 0)>
#map1 = affine_map<(d0, d1) -> (0, 0, 0)>
module attributes {stable_mosaic.version = 14 : i64} {
  func.func @agg(%arg0: i32, %arg1: i32, %arg2: memref<10000x128xf32, #tpu.memory_space<hbm>>, %arg3: memref<32x80x125xi32, #tpu.memory_space<hbm>>, %arg4: memref<32x80x125xi32, #tpu.memory_space<hbm>>, %arg5: memref<10000x128xf32, #tpu.memory_space<hbm>>, %arg6: memref<2x10000x128xf32, #tpu.memory_space<hbm>>, %arg7: memref<125xi32, #tpu.memory_space<vmem>>, %arg8: memref<125xi32, #tpu.memory_space<vmem>>, %arg9: memref<125xi32, #tpu.memory_space<vmem>>, %arg10: memref<125xi32, #tpu.memory_space<vmem>>, %arg11: memref<125xi32, #tpu.memory_space<vmem>>, %arg12: memref<125xi32, #tpu.memory_space<vmem>>, %arg13: memref<125xi32, #tpu.memory_space<vmem>>, %arg14: memref<125xi32, #tpu.memory_space<vmem>>, %arg15: memref<125x128xf32, #tpu.memory_space<vmem>>, %arg16: memref<125x128xf32, #tpu.memory_space<vmem>>, %arg17: memref<10000x128xf32, #tpu.memory_space<vmem_shared>>, %arg18: memref<!tpu.dma_semaphore, #tpu.memory_space<semaphore_mem>>, %arg19: memref<!tpu.dma_semaphore, #tpu.memory_space<semaphore_mem>>, %arg20: memref<!tpu.dma_semaphore, #tpu.memory_space<semaphore_mem>>, %arg21: memref<!tpu.dma_semaphore, #tpu.memory_space<semaphore_mem>>, %arg22: memref<!tpu.dma_semaphore, #tpu.memory_space<semaphore_mem>>, %arg23: memref<!tpu.dma_semaphore, #tpu.memory_space<semaphore_mem>>, %arg24: memref<!tpu.dma_semaphore, #tpu.memory_space<semaphore_mem>>, %arg25: memref<!tpu.dma_semaphore, #tpu.memory_space<semaphore_mem>>) attributes {dimension_semantics = [#tpu.dimension_semantics<core_parallel>, #tpu.dimension_semantics<subcore_parallel>], iteration_bounds = array<i64: 2, 16>, scalar_prefetch = 0 : i64, scratch_operands = 19 : i64, tpu.core_type = #tpu.core_type<sc_vector_subcore>, window_params = [{transform_indices = #map}, {transform_indices = #map1}, {transform_indices = #map1}, {transform_indices = #map}, {transform_indices = #map1}]} {
    %mul3A = arith.constant 16 : i32
    %mul3A_0 = arith.muli %arg0, %mul3A : i32
    %add3A = arith.addi %mul3A_0, %arg1 : i32
    %mul3A_1 = arith.constant 624 : i32
    %mul3A_2 = arith.muli %arg1, %mul3A_1 : i32
    %dma_start3A = arith.constant 0 : i32
    %dma_start3A_3 = arith.constant 0 : i32
    %dma_start3A_4 = tpu.memref_slice %arg3[%add3A, %dma_start3A, %dma_start3A_3] : memref<32x80x125xi32, #tpu.memory_space<hbm>> -> memref<1x1x125xi32, #tpu.memory_space<hbm>>
    %dma_start3A_5 = tpu.memref_squeeze %dma_start3A_4 : memref<1x1x125xi32, #tpu.memory_space<hbm>> -> memref<125xi32, #tpu.memory_space<hbm>>
    %dma_start3A_6 = arith.constant 0 : i32
    %dma_start3A_7 = tpu.memref_slice %arg3[%add3A, %dma_start3A, %dma_start3A_6] : memref<32x80x125xi32, #tpu.memory_space<hbm>> -> memref<1x1x125xi32, #tpu.memory_space<hbm>>
    %dma_start3A_8 = tpu.memref_squeeze %dma_start3A_7 : memref<1x1x125xi32, #tpu.memory_space<hbm>> -> memref<125xi32, #tpu.memory_space<hbm>>
    tpu.enqueue_dma source(%dma_start3A_8 : memref<125xi32, #tpu.memory_space<hbm>>) target(%arg7 : memref<125xi32, #tpu.memory_space<vmem>>) target_semaphore(%arg18 : memref<!tpu.dma_semaphore, #tpu.memory_space<semaphore_mem>>)
    %dma_start3A_9 = arith.constant 0 : i32
    %dma_start3A_10 = arith.constant 0 : i32
    %dma_start3A_11 = tpu.memref_slice %arg4[%add3A, %dma_start3A_9, %dma_start3A_10] : memref<32x80x125xi32, #tpu.memory_space<hbm>> -> memref<1x1x125xi32, #tpu.memory_space<hbm>>
    %dma_start3A_12 = tpu.memref_squeeze %dma_start3A_11 : memref<1x1x125xi32, #tpu.memory_space<hbm>> -> memref<125xi32, #tpu.memory_space<hbm>>
    %dma_start3A_13 = arith.constant 0 : i32
    %dma_start3A_14 = tpu.memref_slice %arg4[%add3A, %dma_start3A_9, %dma_start3A_13] : memref<32x80x125xi32, #tpu.memory_space<hbm>> -> memref<1x1x125xi32, #tpu.memory_space<hbm>>
    %dma_start3A_15 = tpu.memref_squeeze %dma_start3A_14 : memref<1x1x125xi32, #tpu.memory_space<hbm>> -> memref<125xi32, #tpu.memory_space<hbm>>
    tpu.enqueue_dma source(%dma_start3A_15 : memref<125xi32, #tpu.memory_space<hbm>>) target(%arg11 : memref<125xi32, #tpu.memory_space<vmem>>) target_semaphore(%arg18 : memref<!tpu.dma_semaphore, #tpu.memory_space<semaphore_mem>>)
    %dma_start3A_16 = arith.constant 1 : i32
    %dma_start3A_17 = arith.constant 0 : i32
    %dma_start3A_18 = tpu.memref_slice %arg3[%add3A, %dma_start3A_16, %dma_start3A_17] : memref<32x80x125xi32, #tpu.memory_space<hbm>> -> memref<1x1x125xi32, #tpu.memory_space<hbm>>
    %dma_start3A_19 = tpu.memref_squeeze %dma_start3A_18 : memref<1x1x125xi32, #tpu.memory_space<hbm>> -> memref<125xi32, #tpu.memory_space<hbm>>
    %dma_start3A_20 = arith.constant 0 : i32
    %dma_start3A_21 = tpu.memref_slice %arg3[%add3A, %dma_start3A_16, %dma_start3A_20] : memref<32x80x125xi32, #tpu.memory_space<hbm>> -> memref<1x1x125xi32, #tpu.memory_space<hbm>>
    %dma_start3A_22 = tpu.memref_squeeze %dma_start3A_21 : memref<1x1x125xi32, #tpu.memory_space<hbm>> -> memref<125xi32, #tpu.memory_space<hbm>>
    tpu.enqueue_dma source(%dma_start3A_22 : memref<125xi32, #tpu.memory_space<hbm>>) target(%arg8 : memref<125xi32, #tpu.memory_space<vmem>>) target_semaphore(%arg19 : memref<!tpu.dma_semaphore, #tpu.memory_space<semaphore_mem>>)
    %dma_start3A_23 = arith.constant 1 : i32
    %dma_start3A_24 = arith.constant 0 : i32
    %dma_start3A_25 = tpu.memref_slice %arg4[%add3A, %dma_start3A_23, %dma_start3A_24] : memref<32x80x125xi32, #tpu.memory_space<hbm>> -> memref<1x1x125xi32, #tpu.memory_space<hbm>>
    %dma_start3A_26 = tpu.memref_squeeze %dma_start3A_25 : memref<1x1x125xi32, #tpu.memory_space<hbm>> -> memref<125xi32, #tpu.memory_space<hbm>>
    %dma_start3A_27 = arith.constant 0 : i32
    %dma_start3A_28 = tpu.memref_slice %arg4[%add3A, %dma_start3A_23, %dma_start3A_27] : memref<32x80x125xi32, #tpu.memory_space<hbm>> -> memref<1x1x125xi32, #tpu.memory_space<hbm>>
    %dma_start3A_29 = tpu.memref_squeeze %dma_start3A_28 : memref<1x1x125xi32, #tpu.memory_space<hbm>> -> memref<125xi32, #tpu.memory_space<hbm>>
    tpu.enqueue_dma source(%dma_start3A_29 : memref<125xi32, #tpu.memory_space<hbm>>) target(%arg12 : memref<125xi32, #tpu.memory_space<vmem>>) target_semaphore(%arg19 : memref<!tpu.dma_semaphore, #tpu.memory_space<semaphore_mem>>)
    %dma_start3A_30 = arith.constant 2 : i32
    %dma_start3A_31 = arith.constant 0 : i32
    %dma_start3A_32 = tpu.memref_slice %arg3[%add3A, %dma_start3A_30, %dma_start3A_31] : memref<32x80x125xi32, #tpu.memory_space<hbm>> -> memref<1x1x125xi32, #tpu.memory_space<hbm>>
    %dma_start3A_33 = tpu.memref_squeeze %dma_start3A_32 : memref<1x1x125xi32, #tpu.memory_space<hbm>> -> memref<125xi32, #tpu.memory_space<hbm>>
    %dma_start3A_34 = arith.constant 0 : i32
    %dma_start3A_35 = tpu.memref_slice %arg3[%add3A, %dma_start3A_30, %dma_start3A_34] : memref<32x80x125xi32, #tpu.memory_space<hbm>> -> memref<1x1x125xi32, #tpu.memory_space<hbm>>
    %dma_start3A_36 = tpu.memref_squeeze %dma_start3A_35 : memref<1x1x125xi32, #tpu.memory_space<hbm>> -> memref<125xi32, #tpu.memory_space<hbm>>
    tpu.enqueue_dma source(%dma_start3A_36 : memref<125xi32, #tpu.memory_space<hbm>>) target(%arg9 : memref<125xi32, #tpu.memory_space<vmem>>) target_semaphore(%arg20 : memref<!tpu.dma_semaphore, #tpu.memory_space<semaphore_mem>>)
    %dma_start3A_37 = arith.constant 2 : i32
    %dma_start3A_38 = arith.constant 0 : i32
    %dma_start3A_39 = tpu.memref_slice %arg4[%add3A, %dma_start3A_37, %dma_start3A_38] : memref<32x80x125xi32, #tpu.memory_space<hbm>> -> memref<1x1x125xi32, #tpu.memory_space<hbm>>
    %dma_start3A_40 = tpu.memref_squeeze %dma_start3A_39 : memref<1x1x125xi32, #tpu.memory_space<hbm>> -> memref<125xi32, #tpu.memory_space<hbm>>
    %dma_start3A_41 = arith.constant 0 : i32
    %dma_start3A_42 = tpu.memref_slice %arg4[%add3A, %dma_start3A_37, %dma_start3A_41] : memref<32x80x125xi32, #tpu.memory_space<hbm>> -> memref<1x1x125xi32, #tpu.memory_space<hbm>>
    %dma_start3A_43 = tpu.memref_squeeze %dma_start3A_42 : memref<1x1x125xi32, #tpu.memory_space<hbm>> -> memref<125xi32, #tpu.memory_space<hbm>>
    tpu.enqueue_dma source(%dma_start3A_43 : memref<125xi32, #tpu.memory_space<hbm>>) target(%arg13 : memref<125xi32, #tpu.memory_space<vmem>>) target_semaphore(%arg20 : memref<!tpu.dma_semaphore, #tpu.memory_space<semaphore_mem>>)
    %dma_start3A_44 = arith.constant 3 : i32
    %dma_start3A_45 = arith.constant 0 : i32
    %dma_start3A_46 = tpu.memref_slice %arg3[%add3A, %dma_start3A_44, %dma_start3A_45] : memref<32x80x125xi32, #tpu.memory_space<hbm>> -> memref<1x1x125xi32, #tpu.memory_space<hbm>>
    %dma_start3A_47 = tpu.memref_squeeze %dma_start3A_46 : memref<1x1x125xi32, #tpu.memory_space<hbm>> -> memref<125xi32, #tpu.memory_space<hbm>>
    %dma_start3A_48 = arith.constant 0 : i32
    %dma_start3A_49 = tpu.memref_slice %arg3[%add3A, %dma_start3A_44, %dma_start3A_48] : memref<32x80x125xi32, #tpu.memory_space<hbm>> -> memref<1x1x125xi32, #tpu.memory_space<hbm>>
    %dma_start3A_50 = tpu.memref_squeeze %dma_start3A_49 : memref<1x1x125xi32, #tpu.memory_space<hbm>> -> memref<125xi32, #tpu.memory_space<hbm>>
    tpu.enqueue_dma source(%dma_start3A_50 : memref<125xi32, #tpu.memory_space<hbm>>) target(%arg10 : memref<125xi32, #tpu.memory_space<vmem>>) target_semaphore(%arg21 : memref<!tpu.dma_semaphore, #tpu.memory_space<semaphore_mem>>)
    %dma_start3A_51 = arith.constant 3 : i32
    %dma_start3A_52 = arith.constant 0 : i32
    %dma_start3A_53 = tpu.memref_slice %arg4[%add3A, %dma_start3A_51, %dma_start3A_52] : memref<32x80x125xi32, #tpu.memory_space<hbm>> -> memref<1x1x125xi32, #tpu.memory_space<hbm>>
    %dma_start3A_54 = tpu.memref_squeeze %dma_start3A_53 : memref<1x1x125xi32, #tpu.memory_space<hbm>> -> memref<125xi32, #tpu.memory_space<hbm>>
    %dma_start3A_55 = arith.constant 0 : i32
    %dma_start3A_56 = tpu.memref_slice %arg4[%add3A, %dma_start3A_51, %dma_start3A_55] : memref<32x80x125xi32, #tpu.memory_space<hbm>> -> memref<1x1x125xi32, #tpu.memory_space<hbm>>
    %dma_start3A_57 = tpu.memref_squeeze %dma_start3A_56 : memref<1x1x125xi32, #tpu.memory_space<hbm>> -> memref<125xi32, #tpu.memory_space<hbm>>
    tpu.enqueue_dma source(%dma_start3A_57 : memref<125xi32, #tpu.memory_space<hbm>>) target(%arg14 : memref<125xi32, #tpu.memory_space<vmem>>) target_semaphore(%arg21 : memref<!tpu.dma_semaphore, #tpu.memory_space<semaphore_mem>>)
    %dma_wait3A = arith.constant 0 : i32
    %dma_wait3A_58 = arith.constant 0 : i32
    %dma_wait3A_59 = tpu.memref_slice %arg3[%add3A, %dma_wait3A, %dma_wait3A_58] : memref<32x80x125xi32, #tpu.memory_space<hbm>> -> memref<1x1x125xi32, #tpu.memory_space<hbm>>
    %dma_wait3A_60 = tpu.memref_squeeze %dma_wait3A_59 : memref<1x1x125xi32, #tpu.memory_space<hbm>> -> memref<125xi32, #tpu.memory_space<hbm>>
    %dma_wait3A_61 = arith.constant 0 : i32
    %dma_wait3A_62 = tpu.memref_slice %arg3[%add3A, %dma_wait3A, %dma_wait3A_61] : memref<32x80x125xi32, #tpu.memory_space<hbm>> -> memref<1x1x125xi32, #tpu.memory_space<hbm>>
    %dma_wait3A_63 = tpu.memref_squeeze %dma_wait3A_62 : memref<1x1x125xi32, #tpu.memory_space<hbm>> -> memref<125xi32, #tpu.memory_space<hbm>>
    tpu.wait_dma2 semaphore(%arg18 : memref<!tpu.dma_semaphore, #tpu.memory_space<semaphore_mem>>) src(%dma_wait3A_63 : memref<125xi32, #tpu.memory_space<hbm>>) dst(%arg7 : memref<125xi32, #tpu.memory_space<vmem>>)
    %dma_wait3A_64 = arith.constant 0 : i32
    %dma_wait3A_65 = arith.constant 0 : i32
    %dma_wait3A_66 = tpu.memref_slice %arg4[%add3A, %dma_wait3A_64, %dma_wait3A_65] : memref<32x80x125xi32, #tpu.memory_space<hbm>> -> memref<1x1x125xi32, #tpu.memory_space<hbm>>
    %dma_wait3A_67 = tpu.memref_squeeze %dma_wait3A_66 : memref<1x1x125xi32, #tpu.memory_space<hbm>> -> memref<125xi32, #tpu.memory_space<hbm>>
    %dma_wait3A_68 = arith.constant 0 : i32
    %dma_wait3A_69 = tpu.memref_slice %arg4[%add3A, %dma_wait3A_64, %dma_wait3A_68] : memref<32x80x125xi32, #tpu.memory_space<hbm>> -> memref<1x1x125xi32, #tpu.memory_space<hbm>>
    %dma_wait3A_70 = tpu.memref_squeeze %dma_wait3A_69 : memref<1x1x125xi32, #tpu.memory_space<hbm>> -> memref<125xi32, #tpu.memory_space<hbm>>
    tpu.wait_dma2 semaphore(%arg18 : memref<!tpu.dma_semaphore, #tpu.memory_space<semaphore_mem>>) src(%dma_wait3A_70 : memref<125xi32, #tpu.memory_space<hbm>>) dst(%arg11 : memref<125xi32, #tpu.memory_space<vmem>>)
    %dma_start3A_71 = arith.constant 0 : i32
    %dma_start3A_72 = arith.constant 0 : i32
    %dma_start3A_73 = tpu.memref_slice %arg2[%dma_start3A_71, %dma_start3A_72] : memref<10000x128xf32, #tpu.memory_space<hbm>> -> memref<10000x128xf32, #tpu.memory_space<hbm>>
    tpu.enqueue_indirect_dma source(%dma_start3A_73 : memref<10000x128xf32, #tpu.memory_space<hbm>>) target(%arg15 : memref<125x128xf32, #tpu.memory_space<vmem>>) offsets(%arg7 : memref<125xi32, #tpu.memory_space<vmem>>) semaphore(%arg22 : memref<!tpu.dma_semaphore, #tpu.memory_space<semaphore_mem>>)
    %eq3A = arith.constant 0 : i32
    %eq3A_74 = arith.cmpi eq, %arg0, %eq3A : i32
    %convert_element_type3A = arith.extui %eq3A_74 : i1 to i32
    %cond3A = arith.constant 0 : i32
    %cond3A_75 = arith.cmpi ne, %convert_element_type3A, %cond3A : i32
    scf.if %cond3A_75 {
      "tpu.region"() ({
        %run_scoped3A = tpu.sem_alloc : memref<!tpu.dma_semaphore, #tpu.memory_space<semaphore_mem>>
        %dma_start3A_95 = arith.constant 0 : i32
        %dma_start3A_96 = tpu.memref_slice %arg17[%mul3A_2, %dma_start3A_95] : memref<10000x128xf32, #tpu.memory_space<vmem_shared>> -> memref<624x128xf32, #tpu.memory_space<vmem_shared>>
        %dma_start3A_97 = arith.constant 0 : i32
        %dma_start3A_98 = tpu.memref_slice %arg2[%mul3A_2, %dma_start3A_97] : memref<10000x128xf32, #tpu.memory_space<hbm>> -> memref<624x128xf32, #tpu.memory_space<hbm>>
        tpu.enqueue_dma source(%dma_start3A_98 : memref<624x128xf32, #tpu.memory_space<hbm>>) target(%dma_start3A_96 : memref<624x128xf32, #tpu.memory_space<vmem_shared>>) target_semaphore(%run_scoped3A : memref<!tpu.dma_semaphore, #tpu.memory_space<semaphore_mem>>)
        %dma_wait3A_99 = arith.constant 0 : i32
        %dma_wait3A_100 = tpu.memref_slice %arg17[%mul3A_2, %dma_wait3A_99] : memref<10000x128xf32, #tpu.memory_space<vmem_shared>> -> memref<624x128xf32, #tpu.memory_space<vmem_shared>>
        %dma_wait3A_101 = arith.constant 0 : i32
        %dma_wait3A_102 = tpu.memref_slice %arg2[%mul3A_2, %dma_wait3A_101] : memref<10000x128xf32, #tpu.memory_space<hbm>> -> memref<624x128xf32, #tpu.memory_space<hbm>>
        tpu.wait_dma2 semaphore(%run_scoped3A : memref<!tpu.dma_semaphore, #tpu.memory_space<semaphore_mem>>) src(%dma_wait3A_102 : memref<624x128xf32, #tpu.memory_space<hbm>>) dst(%dma_wait3A_100 : memref<624x128xf32, #tpu.memory_space<vmem_shared>>)
        tpu.yield
      }) : () -> ()
      %eq3A_90 = arith.constant 0 : i32
      %eq3A_91 = arith.cmpi eq, %arg1, %eq3A_90 : i32
      %convert_element_type3A_92 = arith.extui %eq3A_91 : i1 to i32
      %cond3A_93 = arith.constant 0 : i32
      %cond3A_94 = arith.cmpi ne, %convert_element_type3A_92, %cond3A_93 : i32
      scf.if %cond3A_94 {
        "tpu.region"() ({
          %run_scoped3A = tpu.sem_alloc : memref<!tpu.dma_semaphore, #tpu.memory_space<semaphore_mem>>
          %dma_start3A_95 = arith.constant 9984 : i32
          %dma_start3A_96 = arith.constant 0 : i32
          %dma_start3A_97 = tpu.memref_slice %arg17[%dma_start3A_95, %dma_start3A_96] : memref<10000x128xf32, #tpu.memory_space<vmem_shared>> -> memref<16x128xf32, #tpu.memory_space<vmem_shared>>
          %dma_start3A_98 = arith.constant 9984 : i32
          %dma_start3A_99 = arith.constant 0 : i32
          %dma_start3A_100 = tpu.memref_slice %arg2[%dma_start3A_98, %dma_start3A_99] : memref<10000x128xf32, #tpu.memory_space<hbm>> -> memref<16x128xf32, #tpu.memory_space<hbm>>
          tpu.enqueue_dma source(%dma_start3A_100 : memref<16x128xf32, #tpu.memory_space<hbm>>) target(%dma_start3A_97 : memref<16x128xf32, #tpu.memory_space<vmem_shared>>) target_semaphore(%run_scoped3A : memref<!tpu.dma_semaphore, #tpu.memory_space<semaphore_mem>>)
          %dma_wait3A_101 = arith.constant 9984 : i32
          %dma_wait3A_102 = arith.constant 0 : i32
          %dma_wait3A_103 = tpu.memref_slice %arg17[%dma_wait3A_101, %dma_wait3A_102] : memref<10000x128xf32, #tpu.memory_space<vmem_shared>> -> memref<16x128xf32, #tpu.memory_space<vmem_shared>>
          %dma_wait3A_104 = arith.constant 9984 : i32
          %dma_wait3A_105 = arith.constant 0 : i32
          %dma_wait3A_106 = tpu.memref_slice %arg2[%dma_wait3A_104, %dma_wait3A_105] : memref<10000x128xf32, #tpu.memory_space<hbm>> -> memref<16x128xf32, #tpu.memory_space<hbm>>
          tpu.wait_dma2 semaphore(%run_scoped3A : memref<!tpu.dma_semaphore, #tpu.memory_space<semaphore_mem>>) src(%dma_wait3A_106 : memref<16x128xf32, #tpu.memory_space<hbm>>) dst(%dma_wait3A_103 : memref<16x128xf32, #tpu.memory_space<vmem_shared>>)
          tpu.yield
        }) : () -> ()
      } else {
      }
    } else {
    }
    %ne3A = arith.constant 0 : i32
    %ne3A_76 = arith.cmpi ne, %arg0, %ne3A : i32
    %convert_element_type3A_77 = arith.extui %ne3A_76 : i1 to i32
    %cond3A_78 = arith.constant 0 : i32
    %cond3A_79 = arith.cmpi ne, %convert_element_type3A_77, %cond3A_78 : i32
    scf.if %cond3A_79 {
      "tpu.region"() ({
        %run_scoped3A = tpu.sem_alloc : memref<!tpu.dma_semaphore, #tpu.memory_space<semaphore_mem>>
        %dma_start3A_95 = arith.constant 0 : i32
        %dma_start3A_96 = tpu.memref_slice %arg17[%mul3A_2, %dma_start3A_95] : memref<10000x128xf32, #tpu.memory_space<vmem_shared>> -> memref<624x128xf32, #tpu.memory_space<vmem_shared>>
        %dma_start3A_97 = arith.constant 0 : i32
        %dma_start3A_98 = tpu.memref_slice %arg5[%mul3A_2, %dma_start3A_97] : memref<10000x128xf32, #tpu.memory_space<hbm>> -> memref<624x128xf32, #tpu.memory_space<hbm>>
        tpu.enqueue_dma source(%dma_start3A_98 : memref<624x128xf32, #tpu.memory_space<hbm>>) target(%dma_start3A_96 : memref<624x128xf32, #tpu.memory_space<vmem_shared>>) target_semaphore(%run_scoped3A : memref<!tpu.dma_semaphore, #tpu.memory_space<semaphore_mem>>)
        %dma_wait3A_99 = arith.constant 0 : i32
        %dma_wait3A_100 = tpu.memref_slice %arg17[%mul3A_2, %dma_wait3A_99] : memref<10000x128xf32, #tpu.memory_space<vmem_shared>> -> memref<624x128xf32, #tpu.memory_space<vmem_shared>>
        %dma_wait3A_101 = arith.constant 0 : i32
        %dma_wait3A_102 = tpu.memref_slice %arg5[%mul3A_2, %dma_wait3A_101] : memref<10000x128xf32, #tpu.memory_space<hbm>> -> memref<624x128xf32, #tpu.memory_space<hbm>>
        tpu.wait_dma2 semaphore(%run_scoped3A : memref<!tpu.dma_semaphore, #tpu.memory_space<semaphore_mem>>) src(%dma_wait3A_102 : memref<624x128xf32, #tpu.memory_space<hbm>>) dst(%dma_wait3A_100 : memref<624x128xf32, #tpu.memory_space<vmem_shared>>)
        tpu.yield
      }) : () -> ()
      %eq3A_90 = arith.constant 0 : i32
      %eq3A_91 = arith.cmpi eq, %arg1, %eq3A_90 : i32
      %convert_element_type3A_92 = arith.extui %eq3A_91 : i1 to i32
      %cond3A_93 = arith.constant 0 : i32
      %cond3A_94 = arith.cmpi ne, %convert_element_type3A_92, %cond3A_93 : i32
      scf.if %cond3A_94 {
        "tpu.region"() ({
          %run_scoped3A = tpu.sem_alloc : memref<!tpu.dma_semaphore, #tpu.memory_space<semaphore_mem>>
          %dma_start3A_95 = arith.constant 9984 : i32
          %dma_start3A_96 = arith.constant 0 : i32
          %dma_start3A_97 = tpu.memref_slice %arg17[%dma_start3A_95, %dma_start3A_96] : memref<10000x128xf32, #tpu.memory_space<vmem_shared>> -> memref<16x128xf32, #tpu.memory_space<vmem_shared>>
          %dma_start3A_98 = arith.constant 9984 : i32
          %dma_start3A_99 = arith.constant 0 : i32
          %dma_start3A_100 = tpu.memref_slice %arg5[%dma_start3A_98, %dma_start3A_99] : memref<10000x128xf32, #tpu.memory_space<hbm>> -> memref<16x128xf32, #tpu.memory_space<hbm>>
          tpu.enqueue_dma source(%dma_start3A_100 : memref<16x128xf32, #tpu.memory_space<hbm>>) target(%dma_start3A_97 : memref<16x128xf32, #tpu.memory_space<vmem_shared>>) target_semaphore(%run_scoped3A : memref<!tpu.dma_semaphore, #tpu.memory_space<semaphore_mem>>)
          %dma_wait3A_101 = arith.constant 9984 : i32
          %dma_wait3A_102 = arith.constant 0 : i32
          %dma_wait3A_103 = tpu.memref_slice %arg17[%dma_wait3A_101, %dma_wait3A_102] : memref<10000x128xf32, #tpu.memory_space<vmem_shared>> -> memref<16x128xf32, #tpu.memory_space<vmem_shared>>
          %dma_wait3A_104 = arith.constant 9984 : i32
          %dma_wait3A_105 = arith.constant 0 : i32
          %dma_wait3A_106 = tpu.memref_slice %arg5[%dma_wait3A_104, %dma_wait3A_105] : memref<10000x128xf32, #tpu.memory_space<hbm>> -> memref<16x128xf32, #tpu.memory_space<hbm>>
          tpu.wait_dma2 semaphore(%run_scoped3A : memref<!tpu.dma_semaphore, #tpu.memory_space<semaphore_mem>>) src(%dma_wait3A_106 : memref<16x128xf32, #tpu.memory_space<hbm>>) dst(%dma_wait3A_103 : memref<16x128xf32, #tpu.memory_space<vmem_shared>>)
          tpu.yield
        }) : () -> ()
      } else {
      }
    } else {
    }
    %barrier3A = arith.constant 0 : index
    tpu.barrier barrier_id(%barrier3A)
    %scan3A = arith.constant 0 : i32
    %scan3A_80 = arith.constant 20 : i32
    %scan3A_81 = arith.addi %scan3A, %scan3A_80 : i32
    %scan3A_82 = arith.constant 1 : i32
    scf.for %scan3A_90 = %scan3A to %scan3A_81 step %scan3A_82  : i32 {
      %mul3A_91 = arith.constant 1 : i32
      %mul3A_92 = arith.muli %scan3A_90, %mul3A_91 : i32
      %add3A_93 = arith.constant 0 : i32
      %add3A_94 = arith.addi %add3A_93, %mul3A_92 : i32
      %mul3A_95 = arith.constant 4 : i32
      %mul3A_96 = arith.muli %add3A_94, %mul3A_95 : i32
      %lt3A = arith.constant 19 : i32
      %lt3A_97 = arith.cmpi slt, %add3A_94, %lt3A : i32
      %dma_wait3A_98 = arith.constant 0 : i32
      %dma_wait3A_99 = arith.constant 0 : i32
      %dma_wait3A_100 = tpu.memref_slice %arg2[%dma_wait3A_98, %dma_wait3A_99] : memref<10000x128xf32, #tpu.memory_space<hbm>> -> memref<10000x128xf32, #tpu.memory_space<hbm>>
      tpu.wait_indirect_dma semaphore(%arg22 : memref<!tpu.dma_semaphore, #tpu.memory_space<semaphore_mem>>) src(%dma_wait3A_100 : memref<10000x128xf32, #tpu.memory_space<hbm>>) dst(%arg15 : memref<125x128xf32, #tpu.memory_space<vmem>>)
      %dma_start3A_101 = arith.constant 0 : i32
      %dma_start3A_102 = arith.constant 0 : i32
      %dma_start3A_103 = tpu.memref_slice %arg17[%dma_start3A_101, %dma_start3A_102] : memref<10000x128xf32, #tpu.memory_space<vmem_shared>> -> memref<10000x128xf32, #tpu.memory_space<vmem_shared>>
      tpu.enqueue_indirect_dma source(%arg15 : memref<125x128xf32, #tpu.memory_space<vmem>>) target(%dma_start3A_103 : memref<10000x128xf32, #tpu.memory_space<vmem_shared>>) offsets(%arg11 : memref<125xi32, #tpu.memory_space<vmem>>) semaphore(%arg24 : memref<!tpu.dma_semaphore, #tpu.memory_space<semaphore_mem>>) {add = true}
      %dma_wait3A_104 = arith.constant 0 : i32
      %dma_wait3A_105 = arith.constant 0 : i32
      %dma_wait3A_106 = tpu.memref_slice %arg3[%add3A, %dma_wait3A_104, %dma_wait3A_105] : memref<32x80x125xi32, #tpu.memory_space<hbm>> -> memref<1x1x125xi32, #tpu.memory_space<hbm>>
      %dma_wait3A_107 = tpu.memref_squeeze %dma_wait3A_106 : memref<1x1x125xi32, #tpu.memory_space<hbm>> -> memref<125xi32, #tpu.memory_space<hbm>>
      %dma_wait3A_108 = arith.constant 0 : i32
      %dma_wait3A_109 = tpu.memref_slice %arg3[%add3A, %dma_wait3A_104, %dma_wait3A_108] : memref<32x80x125xi32, #tpu.memory_space<hbm>> -> memref<1x1x125xi32, #tpu.memory_space<hbm>>
      %dma_wait3A_110 = tpu.memref_squeeze %dma_wait3A_109 : memref<1x1x125xi32, #tpu.memory_space<hbm>> -> memref<125xi32, #tpu.memory_space<hbm>>
      tpu.wait_dma2 semaphore(%arg19 : memref<!tpu.dma_semaphore, #tpu.memory_space<semaphore_mem>>) src(%dma_wait3A_110 : memref<125xi32, #tpu.memory_space<hbm>>) dst(%arg8 : memref<125xi32, #tpu.memory_space<vmem>>)
      %dma_wait3A_111 = arith.constant 0 : i32
      %dma_wait3A_112 = arith.constant 0 : i32
      %dma_wait3A_113 = tpu.memref_slice %arg4[%add3A, %dma_wait3A_111, %dma_wait3A_112] : memref<32x80x125xi32, #tpu.memory_space<hbm>> -> memref<1x1x125xi32, #tpu.memory_space<hbm>>
      %dma_wait3A_114 = tpu.memref_squeeze %dma_wait3A_113 : memref<1x1x125xi32, #tpu.memory_space<hbm>> -> memref<125xi32, #tpu.memory_space<hbm>>
      %dma_wait3A_115 = arith.constant 0 : i32
      %dma_wait3A_116 = tpu.memref_slice %arg4[%add3A, %dma_wait3A_111, %dma_wait3A_115] : memref<32x80x125xi32, #tpu.memory_space<hbm>> -> memref<1x1x125xi32, #tpu.memory_space<hbm>>
      %dma_wait3A_117 = tpu.memref_squeeze %dma_wait3A_116 : memref<1x1x125xi32, #tpu.memory_space<hbm>> -> memref<125xi32, #tpu.memory_space<hbm>>
      tpu.wait_dma2 semaphore(%arg19 : memref<!tpu.dma_semaphore, #tpu.memory_space<semaphore_mem>>) src(%dma_wait3A_117 : memref<125xi32, #tpu.memory_space<hbm>>) dst(%arg12 : memref<125xi32, #tpu.memory_space<vmem>>)
      %dma_start3A_118 = arith.constant 0 : i32
      %dma_start3A_119 = arith.constant 0 : i32
      %dma_start3A_120 = tpu.memref_slice %arg2[%dma_start3A_118, %dma_start3A_119] : memref<10000x128xf32, #tpu.memory_space<hbm>> -> memref<10000x128xf32, #tpu.memory_space<hbm>>
      tpu.enqueue_indirect_dma source(%dma_start3A_120 : memref<10000x128xf32, #tpu.memory_space<hbm>>) target(%arg16 : memref<125x128xf32, #tpu.memory_space<vmem>>) offsets(%arg8 : memref<125xi32, #tpu.memory_space<vmem>>) semaphore(%arg23 : memref<!tpu.dma_semaphore, #tpu.memory_space<semaphore_mem>>)
      %dma_wait3A_121 = arith.constant 0 : i32
      %dma_wait3A_122 = arith.constant 0 : i32
      %dma_wait3A_123 = tpu.memref_slice %arg17[%dma_wait3A_121, %dma_wait3A_122] : memref<10000x128xf32, #tpu.memory_space<vmem_shared>> -> memref<10000x128xf32, #tpu.memory_space<vmem_shared>>
      tpu.wait_indirect_dma semaphore(%arg24 : memref<!tpu.dma_semaphore, #tpu.memory_space<semaphore_mem>>) src(%arg15 : memref<125x128xf32, #tpu.memory_space<vmem>>) dst(%dma_wait3A_123 : memref<10000x128xf32, #tpu.memory_space<vmem_shared>>)
      %convert_element_type3A_124 = arith.extui %lt3A_97 : i1 to i32
      %cond3A_125 = arith.constant 0 : i32
      %cond3A_126 = arith.cmpi ne, %convert_element_type3A_124, %cond3A_125 : i32
      scf.if %cond3A_126 {
        %add3A_200 = arith.constant 4 : i32
        %add3A_201 = arith.addi %mul3A_96, %add3A_200 : i32
        %dma_start3A_202 = arith.constant 0 : i32
        %dma_start3A_203 = tpu.memref_slice %arg3[%add3A, %add3A_201, %dma_start3A_202] : memref<32x80x125xi32, #tpu.memory_space<hbm>> -> memref<1x1x125xi32, #tpu.memory_space<hbm>>
        %dma_start3A_204 = tpu.memref_squeeze %dma_start3A_203 : memref<1x1x125xi32, #tpu.memory_space<hbm>> -> memref<125xi32, #tpu.memory_space<hbm>>
        %dma_start3A_205 = arith.constant 0 : i32
        %dma_start3A_206 = tpu.memref_slice %arg3[%add3A, %add3A_201, %dma_start3A_205] : memref<32x80x125xi32, #tpu.memory_space<hbm>> -> memref<1x1x125xi32, #tpu.memory_space<hbm>>
        %dma_start3A_207 = tpu.memref_squeeze %dma_start3A_206 : memref<1x1x125xi32, #tpu.memory_space<hbm>> -> memref<125xi32, #tpu.memory_space<hbm>>
        tpu.enqueue_dma source(%dma_start3A_207 : memref<125xi32, #tpu.memory_space<hbm>>) target(%arg7 : memref<125xi32, #tpu.memory_space<vmem>>) target_semaphore(%arg18 : memref<!tpu.dma_semaphore, #tpu.memory_space<semaphore_mem>>)
        %dma_start3A_208 = arith.constant 0 : i32
        %dma_start3A_209 = tpu.memref_slice %arg4[%add3A, %add3A_201, %dma_start3A_208] : memref<32x80x125xi32, #tpu.memory_space<hbm>> -> memref<1x1x125xi32, #tpu.memory_space<hbm>>
        %dma_start3A_210 = tpu.memref_squeeze %dma_start3A_209 : memref<1x1x125xi32, #tpu.memory_space<hbm>> -> memref<125xi32, #tpu.memory_space<hbm>>
        %dma_start3A_211 = arith.constant 0 : i32
        %dma_start3A_212 = tpu.memref_slice %arg4[%add3A, %add3A_201, %dma_start3A_211] : memref<32x80x125xi32, #tpu.memory_space<hbm>> -> memref<1x1x125xi32, #tpu.memory_space<hbm>>
        %dma_start3A_213 = tpu.memref_squeeze %dma_start3A_212 : memref<1x1x125xi32, #tpu.memory_space<hbm>> -> memref<125xi32, #tpu.memory_space<hbm>>
        tpu.enqueue_dma source(%dma_start3A_213 : memref<125xi32, #tpu.memory_space<hbm>>) target(%arg11 : memref<125xi32, #tpu.memory_space<vmem>>) target_semaphore(%arg18 : memref<!tpu.dma_semaphore, #tpu.memory_space<semaphore_mem>>)
      } else {
      }
      %dma_wait3A_127 = arith.constant 0 : i32
      %dma_wait3A_128 = arith.constant 0 : i32
      %dma_wait3A_129 = tpu.memref_slice %arg2[%dma_wait3A_127, %dma_wait3A_128] : memref<10000x128xf32, #tpu.memory_space<hbm>> -> memref<10000x128xf32, #tpu.memory_space<hbm>>
      tpu.wait_indirect_dma semaphore(%arg23 : memref<!tpu.dma_semaphore, #tpu.memory_space<semaphore_mem>>) src(%dma_wait3A_129 : memref<10000x128xf32, #tpu.memory_space<hbm>>) dst(%arg16 : memref<125x128xf32, #tpu.memory_space<vmem>>)
      %dma_start3A_130 = arith.constant 0 : i32
      %dma_start3A_131 = arith.constant 0 : i32
      %dma_start3A_132 = tpu.memref_slice %arg17[%dma_start3A_130, %dma_start3A_131] : memref<10000x128xf32, #tpu.memory_space<vmem_shared>> -> memref<10000x128xf32, #tpu.memory_space<vmem_shared>>
      tpu.enqueue_indirect_dma source(%arg16 : memref<125x128xf32, #tpu.memory_space<vmem>>) target(%dma_start3A_132 : memref<10000x128xf32, #tpu.memory_space<vmem_shared>>) offsets(%arg12 : memref<125xi32, #tpu.memory_space<vmem>>) semaphore(%arg25 : memref<!tpu.dma_semaphore, #tpu.memory_space<semaphore_mem>>) {add = true}
      %dma_wait3A_133 = arith.constant 0 : i32
      %dma_wait3A_134 = arith.constant 0 : i32
      %dma_wait3A_135 = tpu.memref_slice %arg3[%add3A, %dma_wait3A_133, %dma_wait3A_134] : memref<32x80x125xi32, #tpu.memory_space<hbm>> -> memref<1x1x125xi32, #tpu.memory_space<hbm>>
      %dma_wait3A_136 = tpu.memref_squeeze %dma_wait3A_135 : memref<1x1x125xi32, #tpu.memory_space<hbm>> -> memref<125xi32, #tpu.memory_space<hbm>>
      %dma_wait3A_137 = arith.constant 0 : i32
      %dma_wait3A_138 = tpu.memref_slice %arg3[%add3A, %dma_wait3A_133, %dma_wait3A_137] : memref<32x80x125xi32, #tpu.memory_space<hbm>> -> memref<1x1x125xi32, #tpu.memory_space<hbm>>
      %dma_wait3A_139 = tpu.memref_squeeze %dma_wait3A_138 : memref<1x1x125xi32, #tpu.memory_space<hbm>> -> memref<125xi32, #tpu.memory_space<hbm>>
      tpu.wait_dma2 semaphore(%arg20 : memref<!tpu.dma_semaphore, #tpu.memory_space<semaphore_mem>>) src(%dma_wait3A_139 : memref<125xi32, #tpu.memory_space<hbm>>) dst(%arg9 : memref<125xi32, #tpu.memory_space<vmem>>)
      %dma_wait3A_140 = arith.constant 0 : i32
      %dma_wait3A_141 = arith.constant 0 : i32
      %dma_wait3A_142 = tpu.memref_slice %arg4[%add3A, %dma_wait3A_140, %dma_wait3A_141] : memref<32x80x125xi32, #tpu.memory_space<hbm>> -> memref<1x1x125xi32, #tpu.memory_space<hbm>>
      %dma_wait3A_143 = tpu.memref_squeeze %dma_wait3A_142 : memref<1x1x125xi32, #tpu.memory_space<hbm>> -> memref<125xi32, #tpu.memory_space<hbm>>
      %dma_wait3A_144 = arith.constant 0 : i32
      %dma_wait3A_145 = tpu.memref_slice %arg4[%add3A, %dma_wait3A_140, %dma_wait3A_144] : memref<32x80x125xi32, #tpu.memory_space<hbm>> -> memref<1x1x125xi32, #tpu.memory_space<hbm>>
      %dma_wait3A_146 = tpu.memref_squeeze %dma_wait3A_145 : memref<1x1x125xi32, #tpu.memory_space<hbm>> -> memref<125xi32, #tpu.memory_space<hbm>>
      tpu.wait_dma2 semaphore(%arg20 : memref<!tpu.dma_semaphore, #tpu.memory_space<semaphore_mem>>) src(%dma_wait3A_146 : memref<125xi32, #tpu.memory_space<hbm>>) dst(%arg13 : memref<125xi32, #tpu.memory_space<vmem>>)
      %dma_start3A_147 = arith.constant 0 : i32
      %dma_start3A_148 = arith.constant 0 : i32
      %dma_start3A_149 = tpu.memref_slice %arg2[%dma_start3A_147, %dma_start3A_148] : memref<10000x128xf32, #tpu.memory_space<hbm>> -> memref<10000x128xf32, #tpu.memory_space<hbm>>
      tpu.enqueue_indirect_dma source(%dma_start3A_149 : memref<10000x128xf32, #tpu.memory_space<hbm>>) target(%arg15 : memref<125x128xf32, #tpu.memory_space<vmem>>) offsets(%arg9 : memref<125xi32, #tpu.memory_space<vmem>>) semaphore(%arg22 : memref<!tpu.dma_semaphore, #tpu.memory_space<semaphore_mem>>)
      %dma_wait3A_150 = arith.constant 0 : i32
      %dma_wait3A_151 = arith.constant 0 : i32
      %dma_wait3A_152 = tpu.memref_slice %arg17[%dma_wait3A_150, %dma_wait3A_151] : memref<10000x128xf32, #tpu.memory_space<vmem_shared>> -> memref<10000x128xf32, #tpu.memory_space<vmem_shared>>
      tpu.wait_indirect_dma semaphore(%arg25 : memref<!tpu.dma_semaphore, #tpu.memory_space<semaphore_mem>>) src(%arg16 : memref<125x128xf32, #tpu.memory_space<vmem>>) dst(%dma_wait3A_152 : memref<10000x128xf32, #tpu.memory_space<vmem_shared>>)
      %convert_element_type3A_153 = arith.extui %lt3A_97 : i1 to i32
      %cond3A_154 = arith.constant 0 : i32
      %cond3A_155 = arith.cmpi ne, %convert_element_type3A_153, %cond3A_154 : i32
      scf.if %cond3A_155 {
        %add3A_200 = arith.constant 5 : i32
        %add3A_201 = arith.addi %mul3A_96, %add3A_200 : i32
        %dma_start3A_202 = arith.constant 0 : i32
        %dma_start3A_203 = tpu.memref_slice %arg3[%add3A, %add3A_201, %dma_start3A_202] : memref<32x80x125xi32, #tpu.memory_space<hbm>> -> memref<1x1x125xi32, #tpu.memory_space<hbm>>
        %dma_start3A_204 = tpu.memref_squeeze %dma_start3A_203 : memref<1x1x125xi32, #tpu.memory_space<hbm>> -> memref<125xi32, #tpu.memory_space<hbm>>
        %dma_start3A_205 = arith.constant 0 : i32
        %dma_start3A_206 = tpu.memref_slice %arg3[%add3A, %add3A_201, %dma_start3A_205] : memref<32x80x125xi32, #tpu.memory_space<hbm>> -> memref<1x1x125xi32, #tpu.memory_space<hbm>>
        %dma_start3A_207 = tpu.memref_squeeze %dma_start3A_206 : memref<1x1x125xi32, #tpu.memory_space<hbm>> -> memref<125xi32, #tpu.memory_space<hbm>>
        tpu.enqueue_dma source(%dma_start3A_207 : memref<125xi32, #tpu.memory_space<hbm>>) target(%arg8 : memref<125xi32, #tpu.memory_space<vmem>>) target_semaphore(%arg19 : memref<!tpu.dma_semaphore, #tpu.memory_space<semaphore_mem>>)
        %dma_start3A_208 = arith.constant 0 : i32
        %dma_start3A_209 = tpu.memref_slice %arg4[%add3A, %add3A_201, %dma_start3A_208] : memref<32x80x125xi32, #tpu.memory_space<hbm>> -> memref<1x1x125xi32, #tpu.memory_space<hbm>>
        %dma_start3A_210 = tpu.memref_squeeze %dma_start3A_209 : memref<1x1x125xi32, #tpu.memory_space<hbm>> -> memref<125xi32, #tpu.memory_space<hbm>>
        %dma_start3A_211 = arith.constant 0 : i32
        %dma_start3A_212 = tpu.memref_slice %arg4[%add3A, %add3A_201, %dma_start3A_211] : memref<32x80x125xi32, #tpu.memory_space<hbm>> -> memref<1x1x125xi32, #tpu.memory_space<hbm>>
        %dma_start3A_213 = tpu.memref_squeeze %dma_start3A_212 : memref<1x1x125xi32, #tpu.memory_space<hbm>> -> memref<125xi32, #tpu.memory_space<hbm>>
        tpu.enqueue_dma source(%dma_start3A_213 : memref<125xi32, #tpu.memory_space<hbm>>) target(%arg12 : memref<125xi32, #tpu.memory_space<vmem>>) target_semaphore(%arg19 : memref<!tpu.dma_semaphore, #tpu.memory_space<semaphore_mem>>)
      } else {
      }
      %dma_wait3A_156 = arith.constant 0 : i32
      %dma_wait3A_157 = arith.constant 0 : i32
      %dma_wait3A_158 = tpu.memref_slice %arg2[%dma_wait3A_156, %dma_wait3A_157] : memref<10000x128xf32, #tpu.memory_space<hbm>> -> memref<10000x128xf32, #tpu.memory_space<hbm>>
      tpu.wait_indirect_dma semaphore(%arg22 : memref<!tpu.dma_semaphore, #tpu.memory_space<semaphore_mem>>) src(%dma_wait3A_158 : memref<10000x128xf32, #tpu.memory_space<hbm>>) dst(%arg15 : memref<125x128xf32, #tpu.memory_space<vmem>>)
      %dma_start3A_159 = arith.constant 0 : i32
      %dma_start3A_160 = arith.constant 0 : i32
      %dma_start3A_161 = tpu.memref_slice %arg17[%dma_start3A_159, %dma_start3A_160] : memref<10000x128xf32, #tpu.memory_space<vmem_shared>> -> memref<10000x128xf32, #tpu.memory_space<vmem_shared>>
      tpu.enqueue_indirect_dma source(%arg15 : memref<125x128xf32, #tpu.memory_space<vmem>>) target(%dma_start3A_161 : memref<10000x128xf32, #tpu.memory_space<vmem_shared>>) offsets(%arg13 : memref<125xi32, #tpu.memory_space<vmem>>) semaphore(%arg24 : memref<!tpu.dma_semaphore, #tpu.memory_space<semaphore_mem>>) {add = true}
      %dma_wait3A_162 = arith.constant 0 : i32
      %dma_wait3A_163 = arith.constant 0 : i32
      %dma_wait3A_164 = tpu.memref_slice %arg3[%add3A, %dma_wait3A_162, %dma_wait3A_163] : memref<32x80x125xi32, #tpu.memory_space<hbm>> -> memref<1x1x125xi32, #tpu.memory_space<hbm>>
      %dma_wait3A_165 = tpu.memref_squeeze %dma_wait3A_164 : memref<1x1x125xi32, #tpu.memory_space<hbm>> -> memref<125xi32, #tpu.memory_space<hbm>>
      %dma_wait3A_166 = arith.constant 0 : i32
      %dma_wait3A_167 = tpu.memref_slice %arg3[%add3A, %dma_wait3A_162, %dma_wait3A_166] : memref<32x80x125xi32, #tpu.memory_space<hbm>> -> memref<1x1x125xi32, #tpu.memory_space<hbm>>
      %dma_wait3A_168 = tpu.memref_squeeze %dma_wait3A_167 : memref<1x1x125xi32, #tpu.memory_space<hbm>> -> memref<125xi32, #tpu.memory_space<hbm>>
      tpu.wait_dma2 semaphore(%arg21 : memref<!tpu.dma_semaphore, #tpu.memory_space<semaphore_mem>>) src(%dma_wait3A_168 : memref<125xi32, #tpu.memory_space<hbm>>) dst(%arg10 : memref<125xi32, #tpu.memory_space<vmem>>)
      %dma_wait3A_169 = arith.constant 0 : i32
      %dma_wait3A_170 = arith.constant 0 : i32
      %dma_wait3A_171 = tpu.memref_slice %arg4[%add3A, %dma_wait3A_169, %dma_wait3A_170] : memref<32x80x125xi32, #tpu.memory_space<hbm>> -> memref<1x1x125xi32, #tpu.memory_space<hbm>>
      %dma_wait3A_172 = tpu.memref_squeeze %dma_wait3A_171 : memref<1x1x125xi32, #tpu.memory_space<hbm>> -> memref<125xi32, #tpu.memory_space<hbm>>
      %dma_wait3A_173 = arith.constant 0 : i32
      %dma_wait3A_174 = tpu.memref_slice %arg4[%add3A, %dma_wait3A_169, %dma_wait3A_173] : memref<32x80x125xi32, #tpu.memory_space<hbm>> -> memref<1x1x125xi32, #tpu.memory_space<hbm>>
      %dma_wait3A_175 = tpu.memref_squeeze %dma_wait3A_174 : memref<1x1x125xi32, #tpu.memory_space<hbm>> -> memref<125xi32, #tpu.memory_space<hbm>>
      tpu.wait_dma2 semaphore(%arg21 : memref<!tpu.dma_semaphore, #tpu.memory_space<semaphore_mem>>) src(%dma_wait3A_175 : memref<125xi32, #tpu.memory_space<hbm>>) dst(%arg14 : memref<125xi32, #tpu.memory_space<vmem>>)
      %dma_start3A_176 = arith.constant 0 : i32
      %dma_start3A_177 = arith.constant 0 : i32
      %dma_start3A_178 = tpu.memref_slice %arg2[%dma_start3A_176, %dma_start3A_177] : memref<10000x128xf32, #tpu.memory_space<hbm>> -> memref<10000x128xf32, #tpu.memory_space<hbm>>
      tpu.enqueue_indirect_dma source(%dma_start3A_178 : memref<10000x128xf32, #tpu.memory_space<hbm>>) target(%arg16 : memref<125x128xf32, #tpu.memory_space<vmem>>) offsets(%arg10 : memref<125xi32, #tpu.memory_space<vmem>>) semaphore(%arg23 : memref<!tpu.dma_semaphore, #tpu.memory_space<semaphore_mem>>)
      %dma_wait3A_179 = arith.constant 0 : i32
      %dma_wait3A_180 = arith.constant 0 : i32
      %dma_wait3A_181 = tpu.memref_slice %arg17[%dma_wait3A_179, %dma_wait3A_180] : memref<10000x128xf32, #tpu.memory_space<vmem_shared>> -> memref<10000x128xf32, #tpu.memory_space<vmem_shared>>
      tpu.wait_indirect_dma semaphore(%arg24 : memref<!tpu.dma_semaphore, #tpu.memory_space<semaphore_mem>>) src(%arg15 : memref<125x128xf32, #tpu.memory_space<vmem>>) dst(%dma_wait3A_181 : memref<10000x128xf32, #tpu.memory_space<vmem_shared>>)
      %convert_element_type3A_182 = arith.extui %lt3A_97 : i1 to i32
      %cond3A_183 = arith.constant 0 : i32
      %cond3A_184 = arith.cmpi ne, %convert_element_type3A_182, %cond3A_183 : i32
      scf.if %cond3A_184 {
        %add3A_200 = arith.constant 6 : i32
        %add3A_201 = arith.addi %mul3A_96, %add3A_200 : i32
        %dma_start3A_202 = arith.constant 0 : i32
        %dma_start3A_203 = tpu.memref_slice %arg3[%add3A, %add3A_201, %dma_start3A_202] : memref<32x80x125xi32, #tpu.memory_space<hbm>> -> memref<1x1x125xi32, #tpu.memory_space<hbm>>
        %dma_start3A_204 = tpu.memref_squeeze %dma_start3A_203 : memref<1x1x125xi32, #tpu.memory_space<hbm>> -> memref<125xi32, #tpu.memory_space<hbm>>
        %dma_start3A_205 = arith.constant 0 : i32
        %dma_start3A_206 = tpu.memref_slice %arg3[%add3A, %add3A_201, %dma_start3A_205] : memref<32x80x125xi32, #tpu.memory_space<hbm>> -> memref<1x1x125xi32, #tpu.memory_space<hbm>>
        %dma_start3A_207 = tpu.memref_squeeze %dma_start3A_206 : memref<1x1x125xi32, #tpu.memory_space<hbm>> -> memref<125xi32, #tpu.memory_space<hbm>>
        tpu.enqueue_dma source(%dma_start3A_207 : memref<125xi32, #tpu.memory_space<hbm>>) target(%arg9 : memref<125xi32, #tpu.memory_space<vmem>>) target_semaphore(%arg20 : memref<!tpu.dma_semaphore, #tpu.memory_space<semaphore_mem>>)
        %dma_start3A_208 = arith.constant 0 : i32
        %dma_start3A_209 = tpu.memref_slice %arg4[%add3A, %add3A_201, %dma_start3A_208] : memref<32x80x125xi32, #tpu.memory_space<hbm>> -> memref<1x1x125xi32, #tpu.memory_space<hbm>>
        %dma_start3A_210 = tpu.memref_squeeze %dma_start3A_209 : memref<1x1x125xi32, #tpu.memory_space<hbm>> -> memref<125xi32, #tpu.memory_space<hbm>>
        %dma_start3A_211 = arith.constant 0 : i32
        %dma_start3A_212 = tpu.memref_slice %arg4[%add3A, %add3A_201, %dma_start3A_211] : memref<32x80x125xi32, #tpu.memory_space<hbm>> -> memref<1x1x125xi32, #tpu.memory_space<hbm>>
        %dma_start3A_213 = tpu.memref_squeeze %dma_start3A_212 : memref<1x1x125xi32, #tpu.memory_space<hbm>> -> memref<125xi32, #tpu.memory_space<hbm>>
        tpu.enqueue_dma source(%dma_start3A_213 : memref<125xi32, #tpu.memory_space<hbm>>) target(%arg13 : memref<125xi32, #tpu.memory_space<vmem>>) target_semaphore(%arg20 : memref<!tpu.dma_semaphore, #tpu.memory_space<semaphore_mem>>)
      } else {
      }
      %dma_wait3A_185 = arith.constant 0 : i32
      %dma_wait3A_186 = arith.constant 0 : i32
      %dma_wait3A_187 = tpu.memref_slice %arg2[%dma_wait3A_185, %dma_wait3A_186] : memref<10000x128xf32, #tpu.memory_space<hbm>> -> memref<10000x128xf32, #tpu.memory_space<hbm>>
      tpu.wait_indirect_dma semaphore(%arg23 : memref<!tpu.dma_semaphore, #tpu.memory_space<semaphore_mem>>) src(%dma_wait3A_187 : memref<10000x128xf32, #tpu.memory_space<hbm>>) dst(%arg16 : memref<125x128xf32, #tpu.memory_space<vmem>>)
      %dma_start3A_188 = arith.constant 0 : i32
      %dma_start3A_189 = arith.constant 0 : i32
      %dma_start3A_190 = tpu.memref_slice %arg17[%dma_start3A_188, %dma_start3A_189] : memref<10000x128xf32, #tpu.memory_space<vmem_shared>> -> memref<10000x128xf32, #tpu.memory_space<vmem_shared>>
      tpu.enqueue_indirect_dma source(%arg16 : memref<125x128xf32, #tpu.memory_space<vmem>>) target(%dma_start3A_190 : memref<10000x128xf32, #tpu.memory_space<vmem_shared>>) offsets(%arg14 : memref<125xi32, #tpu.memory_space<vmem>>) semaphore(%arg25 : memref<!tpu.dma_semaphore, #tpu.memory_space<semaphore_mem>>) {add = true}
      %convert_element_type3A_191 = arith.extui %lt3A_97 : i1 to i32
      %cond3A_192 = arith.constant 0 : i32
      %cond3A_193 = arith.cmpi ne, %convert_element_type3A_191, %cond3A_192 : i32
      scf.if %cond3A_193 {
        %dma_wait3A_200 = arith.constant 0 : i32
        %dma_wait3A_201 = arith.constant 0 : i32
        %dma_wait3A_202 = tpu.memref_slice %arg3[%add3A, %dma_wait3A_200, %dma_wait3A_201] : memref<32x80x125xi32, #tpu.memory_space<hbm>> -> memref<1x1x125xi32, #tpu.memory_space<hbm>>
        %dma_wait3A_203 = tpu.memref_squeeze %dma_wait3A_202 : memref<1x1x125xi32, #tpu.memory_space<hbm>> -> memref<125xi32, #tpu.memory_space<hbm>>
        %dma_wait3A_204 = arith.constant 0 : i32
        %dma_wait3A_205 = tpu.memref_slice %arg3[%add3A, %dma_wait3A_200, %dma_wait3A_204] : memref<32x80x125xi32, #tpu.memory_space<hbm>> -> memref<1x1x125xi32, #tpu.memory_space<hbm>>
        %dma_wait3A_206 = tpu.memref_squeeze %dma_wait3A_205 : memref<1x1x125xi32, #tpu.memory_space<hbm>> -> memref<125xi32, #tpu.memory_space<hbm>>
        tpu.wait_dma2 semaphore(%arg18 : memref<!tpu.dma_semaphore, #tpu.memory_space<semaphore_mem>>) src(%dma_wait3A_206 : memref<125xi32, #tpu.memory_space<hbm>>) dst(%arg7 : memref<125xi32, #tpu.memory_space<vmem>>)
        %dma_wait3A_207 = arith.constant 0 : i32
        %dma_wait3A_208 = arith.constant 0 : i32
        %dma_wait3A_209 = tpu.memref_slice %arg4[%add3A, %dma_wait3A_207, %dma_wait3A_208] : memref<32x80x125xi32, #tpu.memory_space<hbm>> -> memref<1x1x125xi32, #tpu.memory_space<hbm>>
        %dma_wait3A_210 = tpu.memref_squeeze %dma_wait3A_209 : memref<1x1x125xi32, #tpu.memory_space<hbm>> -> memref<125xi32, #tpu.memory_space<hbm>>
        %dma_wait3A_211 = arith.constant 0 : i32
        %dma_wait3A_212 = tpu.memref_slice %arg4[%add3A, %dma_wait3A_207, %dma_wait3A_211] : memref<32x80x125xi32, #tpu.memory_space<hbm>> -> memref<1x1x125xi32, #tpu.memory_space<hbm>>
        %dma_wait3A_213 = tpu.memref_squeeze %dma_wait3A_212 : memref<1x1x125xi32, #tpu.memory_space<hbm>> -> memref<125xi32, #tpu.memory_space<hbm>>
        tpu.wait_dma2 semaphore(%arg18 : memref<!tpu.dma_semaphore, #tpu.memory_space<semaphore_mem>>) src(%dma_wait3A_213 : memref<125xi32, #tpu.memory_space<hbm>>) dst(%arg11 : memref<125xi32, #tpu.memory_space<vmem>>)
        %dma_start3A_214 = arith.constant 0 : i32
        %dma_start3A_215 = arith.constant 0 : i32
        %dma_start3A_216 = tpu.memref_slice %arg2[%dma_start3A_214, %dma_start3A_215] : memref<10000x128xf32, #tpu.memory_space<hbm>> -> memref<10000x128xf32, #tpu.memory_space<hbm>>
        tpu.enqueue_indirect_dma source(%dma_start3A_216 : memref<10000x128xf32, #tpu.memory_space<hbm>>) target(%arg15 : memref<125x128xf32, #tpu.memory_space<vmem>>) offsets(%arg7 : memref<125xi32, #tpu.memory_space<vmem>>) semaphore(%arg22 : memref<!tpu.dma_semaphore, #tpu.memory_space<semaphore_mem>>)
      } else {
      }
      %dma_wait3A_194 = arith.constant 0 : i32
      %dma_wait3A_195 = arith.constant 0 : i32
      %dma_wait3A_196 = tpu.memref_slice %arg17[%dma_wait3A_194, %dma_wait3A_195] : memref<10000x128xf32, #tpu.memory_space<vmem_shared>> -> memref<10000x128xf32, #tpu.memory_space<vmem_shared>>
      tpu.wait_indirect_dma semaphore(%arg25 : memref<!tpu.dma_semaphore, #tpu.memory_space<semaphore_mem>>) src(%arg16 : memref<125x128xf32, #tpu.memory_space<vmem>>) dst(%dma_wait3A_196 : memref<10000x128xf32, #tpu.memory_space<vmem_shared>>)
      %convert_element_type3A_197 = arith.extui %lt3A_97 : i1 to i32
      %cond3A_198 = arith.constant 0 : i32
      %cond3A_199 = arith.cmpi ne, %convert_element_type3A_197, %cond3A_198 : i32
      scf.if %cond3A_199 {
        %add3A_200 = arith.constant 7 : i32
        %add3A_201 = arith.addi %mul3A_96, %add3A_200 : i32
        %dma_start3A_202 = arith.constant 0 : i32
        %dma_start3A_203 = tpu.memref_slice %arg3[%add3A, %add3A_201, %dma_start3A_202] : memref<32x80x125xi32, #tpu.memory_space<hbm>> -> memref<1x1x125xi32, #tpu.memory_space<hbm>>
        %dma_start3A_204 = tpu.memref_squeeze %dma_start3A_203 : memref<1x1x125xi32, #tpu.memory_space<hbm>> -> memref<125xi32, #tpu.memory_space<hbm>>
        %dma_start3A_205 = arith.constant 0 : i32
        %dma_start3A_206 = tpu.memref_slice %arg3[%add3A, %add3A_201, %dma_start3A_205] : memref<32x80x125xi32, #tpu.memory_space<hbm>> -> memref<1x1x125xi32, #tpu.memory_space<hbm>>
        %dma_start3A_207 = tpu.memref_squeeze %dma_start3A_206 : memref<1x1x125xi32, #tpu.memory_space<hbm>> -> memref<125xi32, #tpu.memory_space<hbm>>
        tpu.enqueue_dma source(%dma_start3A_207 : memref<125xi32, #tpu.memory_space<hbm>>) target(%arg10 : memref<125xi32, #tpu.memory_space<vmem>>) target_semaphore(%arg21 : memref<!tpu.dma_semaphore, #tpu.memory_space<semaphore_mem>>)
        %dma_start3A_208 = arith.constant 0 : i32
        %dma_start3A_209 = tpu.memref_slice %arg4[%add3A, %add3A_201, %dma_start3A_208] : memref<32x80x125xi32, #tpu.memory_space<hbm>> -> memref<1x1x125xi32, #tpu.memory_space<hbm>>
        %dma_start3A_210 = tpu.memref_squeeze %dma_start3A_209 : memref<1x1x125xi32, #tpu.memory_space<hbm>> -> memref<125xi32, #tpu.memory_space<hbm>>
        %dma_start3A_211 = arith.constant 0 : i32
        %dma_start3A_212 = tpu.memref_slice %arg4[%add3A, %add3A_201, %dma_start3A_211] : memref<32x80x125xi32, #tpu.memory_space<hbm>> -> memref<1x1x125xi32, #tpu.memory_space<hbm>>
        %dma_start3A_213 = tpu.memref_squeeze %dma_start3A_212 : memref<1x1x125xi32, #tpu.memory_space<hbm>> -> memref<125xi32, #tpu.memory_space<hbm>>
        tpu.enqueue_dma source(%dma_start3A_213 : memref<125xi32, #tpu.memory_space<hbm>>) target(%arg14 : memref<125xi32, #tpu.memory_space<vmem>>) target_semaphore(%arg21 : memref<!tpu.dma_semaphore, #tpu.memory_space<semaphore_mem>>)
      } else {
      }
    }
    %scan3A_83 = arith.constant 20 : i32
    %barrier3A_84 = arith.constant 0 : index
    tpu.barrier barrier_id(%barrier3A_84)
    "tpu.region"() ({
      %run_scoped3A = tpu.sem_alloc : memref<!tpu.dma_semaphore, #tpu.memory_space<semaphore_mem>>
      %dma_start3A_90 = arith.constant 0 : i32
      %dma_start3A_91 = tpu.memref_slice %arg6[%arg0, %mul3A_2, %dma_start3A_90] : memref<2x10000x128xf32, #tpu.memory_space<hbm>> -> memref<1x624x128xf32, #tpu.memory_space<hbm>>
      %dma_start3A_92 = tpu.memref_squeeze %dma_start3A_91 : memref<1x624x128xf32, #tpu.memory_space<hbm>> -> memref<624x128xf32, #tpu.memory_space<hbm>>
      %dma_start3A_93 = arith.constant 0 : i32
      %dma_start3A_94 = tpu.memref_slice %arg17[%mul3A_2, %dma_start3A_93] : memref<10000x128xf32, #tpu.memory_space<vmem_shared>> -> memref<624x128xf32, #tpu.memory_space<vmem_shared>>
      tpu.enqueue_dma source(%dma_start3A_94 : memref<624x128xf32, #tpu.memory_space<vmem_shared>>) target(%dma_start3A_92 : memref<624x128xf32, #tpu.memory_space<hbm>>) target_semaphore(%run_scoped3A : memref<!tpu.dma_semaphore, #tpu.memory_space<semaphore_mem>>)
      %dma_wait3A_95 = arith.constant 0 : i32
      %dma_wait3A_96 = tpu.memref_slice %arg6[%arg0, %mul3A_2, %dma_wait3A_95] : memref<2x10000x128xf32, #tpu.memory_space<hbm>> -> memref<1x624x128xf32, #tpu.memory_space<hbm>>
      %dma_wait3A_97 = tpu.memref_squeeze %dma_wait3A_96 : memref<1x624x128xf32, #tpu.memory_space<hbm>> -> memref<624x128xf32, #tpu.memory_space<hbm>>
      %dma_wait3A_98 = arith.constant 0 : i32
      %dma_wait3A_99 = tpu.memref_slice %arg17[%mul3A_2, %dma_wait3A_98] : memref<10000x128xf32, #tpu.memory_space<vmem_shared>> -> memref<624x128xf32, #tpu.memory_space<vmem_shared>>
      tpu.wait_dma2 semaphore(%run_scoped3A : memref<!tpu.dma_semaphore, #tpu.memory_space<semaphore_mem>>) src(%dma_wait3A_99 : memref<624x128xf32, #tpu.memory_space<vmem_shared>>) dst(%dma_wait3A_97 : memref<624x128xf32, #tpu.memory_space<hbm>>)
      tpu.yield
    }) : () -> ()
    %eq3A_85 = arith.constant 0 : i32
    %eq3A_86 = arith.cmpi eq, %arg1, %eq3A_85 : i32
    %convert_element_type3A_87 = arith.extui %eq3A_86 : i1 to i32
    %cond3A_88 = arith.constant 0 : i32
    %cond3A_89 = arith.cmpi ne, %convert_element_type3A_87, %cond3A_88 : i32
    scf.if %cond3A_89 {
      "tpu.region"() ({
        %run_scoped3A = tpu.sem_alloc : memref<!tpu.dma_semaphore, #tpu.memory_space<semaphore_mem>>
        %dma_start3A_90 = arith.constant 9984 : i32
        %dma_start3A_91 = arith.constant 0 : i32
        %dma_start3A_92 = tpu.memref_slice %arg6[%arg0, %dma_start3A_90, %dma_start3A_91] : memref<2x10000x128xf32, #tpu.memory_space<hbm>> -> memref<1x16x128xf32, #tpu.memory_space<hbm>>
        %dma_start3A_93 = tpu.memref_squeeze %dma_start3A_92 : memref<1x16x128xf32, #tpu.memory_space<hbm>> -> memref<16x128xf32, #tpu.memory_space<hbm>>
        %dma_start3A_94 = arith.constant 9984 : i32
        %dma_start3A_95 = arith.constant 0 : i32
        %dma_start3A_96 = tpu.memref_slice %arg17[%dma_start3A_94, %dma_start3A_95] : memref<10000x128xf32, #tpu.memory_space<vmem_shared>> -> memref<16x128xf32, #tpu.memory_space<vmem_shared>>
        tpu.enqueue_dma source(%dma_start3A_96 : memref<16x128xf32, #tpu.memory_space<vmem_shared>>) target(%dma_start3A_93 : memref<16x128xf32, #tpu.memory_space<hbm>>) target_semaphore(%run_scoped3A : memref<!tpu.dma_semaphore, #tpu.memory_space<semaphore_mem>>)
        %dma_wait3A_97 = arith.constant 9984 : i32
        %dma_wait3A_98 = arith.constant 0 : i32
        %dma_wait3A_99 = tpu.memref_slice %arg6[%arg0, %dma_wait3A_97, %dma_wait3A_98] : memref<2x10000x128xf32, #tpu.memory_space<hbm>> -> memref<1x16x128xf32, #tpu.memory_space<hbm>>
        %dma_wait3A_100 = tpu.memref_squeeze %dma_wait3A_99 : memref<1x16x128xf32, #tpu.memory_space<hbm>> -> memref<16x128xf32, #tpu.memory_space<hbm>>
        %dma_wait3A_101 = arith.constant 9984 : i32
        %dma_wait3A_102 = arith.constant 0 : i32
        %dma_wait3A_103 = tpu.memref_slice %arg17[%dma_wait3A_101, %dma_wait3A_102] : memref<10000x128xf32, #tpu.memory_space<vmem_shared>> -> memref<16x128xf32, #tpu.memory_space<vmem_shared>>
        tpu.wait_dma2 semaphore(%run_scoped3A : memref<!tpu.dma_semaphore, #tpu.memory_space<semaphore_mem>>) src(%dma_wait3A_103 : memref<16x128xf32, #tpu.memory_space<vmem_shared>>) dst(%dma_wait3A_100 : memref<16x128xf32, #tpu.memory_space<hbm>>)
        tpu.yield
      }) : () -> ()
    } else {
    }
    return
  }
}

#map = affine_map<(d0, d1) -> (0, 0)>
#map1 = affine_map<(d0, d1) -> (0, 0, 0)>
module attributes {stable_mosaic.version = 14 : i64} {
  func.func @agg(%arg0: i32, %arg1: i32, %arg2: memref<10000x128xf32, #tpu.memory_space<hbm>>, %arg3: memref<32x80x125xi32, #tpu.memory_space<hbm>>, %arg4: memref<32x80x125xi32, #tpu.memory_space<hbm>>, %arg5: memref<10000x128xf32, #tpu.memory_space<hbm>>, %arg6: memref<2x10000x128xf32, #tpu.memory_space<hbm>>, %arg7: memref<125xi32, #tpu.memory_space<vmem>>, %arg8: memref<125xi32, #tpu.memory_space<vmem>>, %arg9: memref<125xi32, #tpu.memory_space<vmem>>, %arg10: memref<125xi32, #tpu.memory_space<vmem>>, %arg11: memref<125xi32, #tpu.memory_space<vmem>>, %arg12: memref<125xi32, #tpu.memory_space<vmem>>, %arg13: memref<125xi32, #tpu.memory_space<vmem>>, %arg14: memref<125xi32, #tpu.memory_space<vmem>>, %arg15: memref<125x128xf32, #tpu.memory_space<vmem>>, %arg16: memref<125x128xf32, #tpu.memory_space<vmem>>, %arg17: memref<10000x128xf32, #tpu.memory_space<vmem_shared>>, %arg18: memref<!tpu.dma_semaphore, #tpu.memory_space<semaphore_mem>>, %arg19: memref<!tpu.dma_semaphore, #tpu.memory_space<semaphore_mem>>, %arg20: memref<!tpu.dma_semaphore, #tpu.memory_space<semaphore_mem>>, %arg21: memref<!tpu.dma_semaphore, #tpu.memory_space<semaphore_mem>>, %arg22: memref<!tpu.dma_semaphore, #tpu.memory_space<semaphore_mem>>, %arg23: memref<!tpu.dma_semaphore, #tpu.memory_space<semaphore_mem>>, %arg24: memref<!tpu.dma_semaphore, #tpu.memory_space<semaphore_mem>>, %arg25: memref<!tpu.dma_semaphore, #tpu.memory_space<semaphore_mem>>) attributes {dimension_semantics = [#tpu.dimension_semantics<core_parallel>, #tpu.dimension_semantics<subcore_parallel>], iteration_bounds = array<i64: 2, 16>, scalar_prefetch = 0 : i64, scratch_operands = 19 : i64, tpu.core_type = #tpu.core_type<sc_vector_subcore>, window_params = [{transform_indices = #map}, {transform_indices = #map1}, {transform_indices = #map1}, {transform_indices = #map}, {transform_indices = #map1}]} {
    %mul3A = arith.constant 16 : i32
    %mul3A_0 = arith.muli %arg0, %mul3A : i32
    %add3A = arith.addi %mul3A_0, %arg1 : i32
    %mul3A_1 = arith.constant 624 : i32
    %mul3A_2 = arith.muli %arg1, %mul3A_1 : i32
    %dma_start3A = arith.constant 0 : i32
    %dma_start3A_3 = arith.constant 0 : i32
    %dma_start3A_4 = tpu.memref_slice %arg3[%add3A, %dma_start3A, %dma_start3A_3] : memref<32x80x125xi32, #tpu.memory_space<hbm>> -> memref<1x1x125xi32, #tpu.memory_space<hbm>>
    %dma_start3A_5 = tpu.memref_squeeze %dma_start3A_4 : memref<1x1x125xi32, #tpu.memory_space<hbm>> -> memref<125xi32, #tpu.memory_space<hbm>>
    %dma_start3A_6 = arith.constant 0 : i32
    %dma_start3A_7 = tpu.memref_slice %arg3[%add3A, %dma_start3A, %dma_start3A_6] : memref<32x80x125xi32, #tpu.memory_space<hbm>> -> memref<1x1x125xi32, #tpu.memory_space<hbm>>
    %dma_start3A_8 = tpu.memref_squeeze %dma_start3A_7 : memref<1x1x125xi32, #tpu.memory_space<hbm>> -> memref<125xi32, #tpu.memory_space<hbm>>
    tpu.enqueue_dma source(%dma_start3A_8 : memref<125xi32, #tpu.memory_space<hbm>>) target(%arg7 : memref<125xi32, #tpu.memory_space<vmem>>) target_semaphore(%arg18 : memref<!tpu.dma_semaphore, #tpu.memory_space<semaphore_mem>>)
    %dma_start3A_9 = arith.constant 0 : i32
    %dma_start3A_10 = arith.constant 0 : i32
    %dma_start3A_11 = tpu.memref_slice %arg4[%add3A, %dma_start3A_9, %dma_start3A_10] : memref<32x80x125xi32, #tpu.memory_space<hbm>> -> memref<1x1x125xi32, #tpu.memory_space<hbm>>
    %dma_start3A_12 = tpu.memref_squeeze %dma_start3A_11 : memref<1x1x125xi32, #tpu.memory_space<hbm>> -> memref<125xi32, #tpu.memory_space<hbm>>
    %dma_start3A_13 = arith.constant 0 : i32
    %dma_start3A_14 = tpu.memref_slice %arg4[%add3A, %dma_start3A_9, %dma_start3A_13] : memref<32x80x125xi32, #tpu.memory_space<hbm>> -> memref<1x1x125xi32, #tpu.memory_space<hbm>>
    %dma_start3A_15 = tpu.memref_squeeze %dma_start3A_14 : memref<1x1x125xi32, #tpu.memory_space<hbm>> -> memref<125xi32, #tpu.memory_space<hbm>>
    tpu.enqueue_dma source(%dma_start3A_15 : memref<125xi32, #tpu.memory_space<hbm>>) target(%arg11 : memref<125xi32, #tpu.memory_space<vmem>>) target_semaphore(%arg18 : memref<!tpu.dma_semaphore, #tpu.memory_space<semaphore_mem>>)
    %dma_start3A_16 = arith.constant 1 : i32
    %dma_start3A_17 = arith.constant 0 : i32
    %dma_start3A_18 = tpu.memref_slice %arg3[%add3A, %dma_start3A_16, %dma_start3A_17] : memref<32x80x125xi32, #tpu.memory_space<hbm>> -> memref<1x1x125xi32, #tpu.memory_space<hbm>>
    %dma_start3A_19 = tpu.memref_squeeze %dma_start3A_18 : memref<1x1x125xi32, #tpu.memory_space<hbm>> -> memref<125xi32, #tpu.memory_space<hbm>>
    %dma_start3A_20 = arith.constant 0 : i32
    %dma_start3A_21 = tpu.memref_slice %arg3[%add3A, %dma_start3A_16, %dma_start3A_20] : memref<32x80x125xi32, #tpu.memory_space<hbm>> -> memref<1x1x125xi32, #tpu.memory_space<hbm>>
    %dma_start3A_22 = tpu.memref_squeeze %dma_start3A_21 : memref<1x1x125xi32, #tpu.memory_space<hbm>> -> memref<125xi32, #tpu.memory_space<hbm>>
    tpu.enqueue_dma source(%dma_start3A_22 : memref<125xi32, #tpu.memory_space<hbm>>) target(%arg8 : memref<125xi32, #tpu.memory_space<vmem>>) target_semaphore(%arg19 : memref<!tpu.dma_semaphore, #tpu.memory_space<semaphore_mem>>)
    %dma_start3A_23 = arith.constant 1 : i32
    %dma_start3A_24 = arith.constant 0 : i32
    %dma_start3A_25 = tpu.memref_slice %arg4[%add3A, %dma_start3A_23, %dma_start3A_24] : memref<32x80x125xi32, #tpu.memory_space<hbm>> -> memref<1x1x125xi32, #tpu.memory_space<hbm>>
    %dma_start3A_26 = tpu.memref_squeeze %dma_start3A_25 : memref<1x1x125xi32, #tpu.memory_space<hbm>> -> memref<125xi32, #tpu.memory_space<hbm>>
    %dma_start3A_27 = arith.constant 0 : i32
    %dma_start3A_28 = tpu.memref_slice %arg4[%add3A, %dma_start3A_23, %dma_start3A_27] : memref<32x80x125xi32, #tpu.memory_space<hbm>> -> memref<1x1x125xi32, #tpu.memory_space<hbm>>
    %dma_start3A_29 = tpu.memref_squeeze %dma_start3A_28 : memref<1x1x125xi32, #tpu.memory_space<hbm>> -> memref<125xi32, #tpu.memory_space<hbm>>
    tpu.enqueue_dma source(%dma_start3A_29 : memref<125xi32, #tpu.memory_space<hbm>>) target(%arg12 : memref<125xi32, #tpu.memory_space<vmem>>) target_semaphore(%arg19 : memref<!tpu.dma_semaphore, #tpu.memory_space<semaphore_mem>>)
    %dma_start3A_30 = arith.constant 2 : i32
    %dma_start3A_31 = arith.constant 0 : i32
    %dma_start3A_32 = tpu.memref_slice %arg3[%add3A, %dma_start3A_30, %dma_start3A_31] : memref<32x80x125xi32, #tpu.memory_space<hbm>> -> memref<1x1x125xi32, #tpu.memory_space<hbm>>
    %dma_start3A_33 = tpu.memref_squeeze %dma_start3A_32 : memref<1x1x125xi32, #tpu.memory_space<hbm>> -> memref<125xi32, #tpu.memory_space<hbm>>
    %dma_start3A_34 = arith.constant 0 : i32
    %dma_start3A_35 = tpu.memref_slice %arg3[%add3A, %dma_start3A_30, %dma_start3A_34] : memref<32x80x125xi32, #tpu.memory_space<hbm>> -> memref<1x1x125xi32, #tpu.memory_space<hbm>>
    %dma_start3A_36 = tpu.memref_squeeze %dma_start3A_35 : memref<1x1x125xi32, #tpu.memory_space<hbm>> -> memref<125xi32, #tpu.memory_space<hbm>>
    tpu.enqueue_dma source(%dma_start3A_36 : memref<125xi32, #tpu.memory_space<hbm>>) target(%arg9 : memref<125xi32, #tpu.memory_space<vmem>>) target_semaphore(%arg20 : memref<!tpu.dma_semaphore, #tpu.memory_space<semaphore_mem>>)
    %dma_start3A_37 = arith.constant 2 : i32
    %dma_start3A_38 = arith.constant 0 : i32
    %dma_start3A_39 = tpu.memref_slice %arg4[%add3A, %dma_start3A_37, %dma_start3A_38] : memref<32x80x125xi32, #tpu.memory_space<hbm>> -> memref<1x1x125xi32, #tpu.memory_space<hbm>>
    %dma_start3A_40 = tpu.memref_squeeze %dma_start3A_39 : memref<1x1x125xi32, #tpu.memory_space<hbm>> -> memref<125xi32, #tpu.memory_space<hbm>>
    %dma_start3A_41 = arith.constant 0 : i32
    %dma_start3A_42 = tpu.memref_slice %arg4[%add3A, %dma_start3A_37, %dma_start3A_41] : memref<32x80x125xi32, #tpu.memory_space<hbm>> -> memref<1x1x125xi32, #tpu.memory_space<hbm>>
    %dma_start3A_43 = tpu.memref_squeeze %dma_start3A_42 : memref<1x1x125xi32, #tpu.memory_space<hbm>> -> memref<125xi32, #tpu.memory_space<hbm>>
    tpu.enqueue_dma source(%dma_start3A_43 : memref<125xi32, #tpu.memory_space<hbm>>) target(%arg13 : memref<125xi32, #tpu.memory_space<vmem>>) target_semaphore(%arg20 : memref<!tpu.dma_semaphore, #tpu.memory_space<semaphore_mem>>)
    %dma_start3A_44 = arith.constant 3 : i32
    %dma_start3A_45 = arith.constant 0 : i32
    %dma_start3A_46 = tpu.memref_slice %arg3[%add3A, %dma_start3A_44, %dma_start3A_45] : memref<32x80x125xi32, #tpu.memory_space<hbm>> -> memref<1x1x125xi32, #tpu.memory_space<hbm>>
    %dma_start3A_47 = tpu.memref_squeeze %dma_start3A_46 : memref<1x1x125xi32, #tpu.memory_space<hbm>> -> memref<125xi32, #tpu.memory_space<hbm>>
    %dma_start3A_48 = arith.constant 0 : i32
    %dma_start3A_49 = tpu.memref_slice %arg3[%add3A, %dma_start3A_44, %dma_start3A_48] : memref<32x80x125xi32, #tpu.memory_space<hbm>> -> memref<1x1x125xi32, #tpu.memory_space<hbm>>
    %dma_start3A_50 = tpu.memref_squeeze %dma_start3A_49 : memref<1x1x125xi32, #tpu.memory_space<hbm>> -> memref<125xi32, #tpu.memory_space<hbm>>
    tpu.enqueue_dma source(%dma_start3A_50 : memref<125xi32, #tpu.memory_space<hbm>>) target(%arg10 : memref<125xi32, #tpu.memory_space<vmem>>) target_semaphore(%arg21 : memref<!tpu.dma_semaphore, #tpu.memory_space<semaphore_mem>>)
    %dma_start3A_51 = arith.constant 3 : i32
    %dma_start3A_52 = arith.constant 0 : i32
    %dma_start3A_53 = tpu.memref_slice %arg4[%add3A, %dma_start3A_51, %dma_start3A_52] : memref<32x80x125xi32, #tpu.memory_space<hbm>> -> memref<1x1x125xi32, #tpu.memory_space<hbm>>
    %dma_start3A_54 = tpu.memref_squeeze %dma_start3A_53 : memref<1x1x125xi32, #tpu.memory_space<hbm>> -> memref<125xi32, #tpu.memory_space<hbm>>
    %dma_start3A_55 = arith.constant 0 : i32
    %dma_start3A_56 = tpu.memref_slice %arg4[%add3A, %dma_start3A_51, %dma_start3A_55] : memref<32x80x125xi32, #tpu.memory_space<hbm>> -> memref<1x1x125xi32, #tpu.memory_space<hbm>>
    %dma_start3A_57 = tpu.memref_squeeze %dma_start3A_56 : memref<1x1x125xi32, #tpu.memory_space<hbm>> -> memref<125xi32, #tpu.memory_space<hbm>>
    tpu.enqueue_dma source(%dma_start3A_57 : memref<125xi32, #tpu.memory_space<hbm>>) target(%arg14 : memref<125xi32, #tpu.memory_space<vmem>>) target_semaphore(%arg21 : memref<!tpu.dma_semaphore, #tpu.memory_space<semaphore_mem>>)
    %dma_wait3A = arith.constant 0 : i32
    %dma_wait3A_58 = arith.constant 0 : i32
    %dma_wait3A_59 = tpu.memref_slice %arg3[%add3A, %dma_wait3A, %dma_wait3A_58] : memref<32x80x125xi32, #tpu.memory_space<hbm>> -> memref<1x1x125xi32, #tpu.memory_space<hbm>>
    %dma_wait3A_60 = tpu.memref_squeeze %dma_wait3A_59 : memref<1x1x125xi32, #tpu.memory_space<hbm>> -> memref<125xi32, #tpu.memory_space<hbm>>
    %dma_wait3A_61 = arith.constant 0 : i32
    %dma_wait3A_62 = tpu.memref_slice %arg3[%add3A, %dma_wait3A, %dma_wait3A_61] : memref<32x80x125xi32, #tpu.memory_space<hbm>> -> memref<1x1x125xi32, #tpu.memory_space<hbm>>
    %dma_wait3A_63 = tpu.memref_squeeze %dma_wait3A_62 : memref<1x1x125xi32, #tpu.memory_space<hbm>> -> memref<125xi32, #tpu.memory_space<hbm>>
    tpu.wait_dma2 semaphore(%arg18 : memref<!tpu.dma_semaphore, #tpu.memory_space<semaphore_mem>>) src(%dma_wait3A_63 : memref<125xi32, #tpu.memory_space<hbm>>) dst(%arg7 : memref<125xi32, #tpu.memory_space<vmem>>)
    %dma_wait3A_64 = arith.constant 0 : i32
    %dma_wait3A_65 = arith.constant 0 : i32
    %dma_wait3A_66 = tpu.memref_slice %arg4[%add3A, %dma_wait3A_64, %dma_wait3A_65] : memref<32x80x125xi32, #tpu.memory_space<hbm>> -> memref<1x1x125xi32, #tpu.memory_space<hbm>>
    %dma_wait3A_67 = tpu.memref_squeeze %dma_wait3A_66 : memref<1x1x125xi32, #tpu.memory_space<hbm>> -> memref<125xi32, #tpu.memory_space<hbm>>
    %dma_wait3A_68 = arith.constant 0 : i32
    %dma_wait3A_69 = tpu.memref_slice %arg4[%add3A, %dma_wait3A_64, %dma_wait3A_68] : memref<32x80x125xi32, #tpu.memory_space<hbm>> -> memref<1x1x125xi32, #tpu.memory_space<hbm>>
    %dma_wait3A_70 = tpu.memref_squeeze %dma_wait3A_69 : memref<1x1x125xi32, #tpu.memory_space<hbm>> -> memref<125xi32, #tpu.memory_space<hbm>>
    tpu.wait_dma2 semaphore(%arg18 : memref<!tpu.dma_semaphore, #tpu.memory_space<semaphore_mem>>) src(%dma_wait3A_70 : memref<125xi32, #tpu.memory_space<hbm>>) dst(%arg11 : memref<125xi32, #tpu.memory_space<vmem>>)
    %dma_start3A_71 = arith.constant 0 : i32
    %dma_start3A_72 = arith.constant 0 : i32
    %dma_start3A_73 = tpu.memref_slice %arg2[%dma_start3A_71, %dma_start3A_72] : memref<10000x128xf32, #tpu.memory_space<hbm>> -> memref<10000x128xf32, #tpu.memory_space<hbm>>
    tpu.enqueue_indirect_dma source(%dma_start3A_73 : memref<10000x128xf32, #tpu.memory_space<hbm>>) target(%arg15 : memref<125x128xf32, #tpu.memory_space<vmem>>) offsets(%arg7 : memref<125xi32, #tpu.memory_space<vmem>>) semaphore(%arg22 : memref<!tpu.dma_semaphore, #tpu.memory_space<semaphore_mem>>)
    %eq3A = arith.constant 0 : i32
    %eq3A_74 = arith.cmpi eq, %arg0, %eq3A : i32
    %convert_element_type3A = arith.extui %eq3A_74 : i1 to i32
    %cond3A = arith.constant 0 : i32
    %cond3A_75 = arith.cmpi ne, %convert_element_type3A, %cond3A : i32
    scf.if %cond3A_75 {
      "tpu.region"() ({
        %run_scoped3A = tpu.sem_alloc : memref<!tpu.dma_semaphore, #tpu.memory_space<semaphore_mem>>
        %dma_start3A_95 = arith.constant 0 : i32
        %dma_start3A_96 = tpu.memref_slice %arg17[%mul3A_2, %dma_start3A_95] : memref<10000x128xf32, #tpu.memory_space<vmem_shared>> -> memref<624x128xf32, #tpu.memory_space<vmem_shared>>
        %dma_start3A_97 = arith.constant 0 : i32
        %dma_start3A_98 = tpu.memref_slice %arg2[%mul3A_2, %dma_start3A_97] : memref<10000x128xf32, #tpu.memory_space<hbm>> -> memref<624x128xf32, #tpu.memory_space<hbm>>
        tpu.enqueue_dma source(%dma_start3A_98 : memref<624x128xf32, #tpu.memory_space<hbm>>) target(%dma_start3A_96 : memref<624x128xf32, #tpu.memory_space<vmem_shared>>) target_semaphore(%run_scoped3A : memref<!tpu.dma_semaphore, #tpu.memory_space<semaphore_mem>>)
        %dma_wait3A_99 = arith.constant 0 : i32
        %dma_wait3A_100 = tpu.memref_slice %arg17[%mul3A_2, %dma_wait3A_99] : memref<10000x128xf32, #tpu.memory_space<vmem_shared>> -> memref<624x128xf32, #tpu.memory_space<vmem_shared>>
        %dma_wait3A_101 = arith.constant 0 : i32
        %dma_wait3A_102 = tpu.memref_slice %arg2[%mul3A_2, %dma_wait3A_101] : memref<10000x128xf32, #tpu.memory_space<hbm>> -> memref<624x128xf32, #tpu.memory_space<hbm>>
        tpu.wait_dma2 semaphore(%run_scoped3A : memref<!tpu.dma_semaphore, #tpu.memory_space<semaphore_mem>>) src(%dma_wait3A_102 : memref<624x128xf32, #tpu.memory_space<hbm>>) dst(%dma_wait3A_100 : memref<624x128xf32, #tpu.memory_space<vmem_shared>>)
        tpu.yield
      }) : () -> ()
      %eq3A_90 = arith.constant 0 : i32
      %eq3A_91 = arith.cmpi eq, %arg1, %eq3A_90 : i32
      %convert_element_type3A_92 = arith.extui %eq3A_91 : i1 to i32
      %cond3A_93 = arith.constant 0 : i32
      %cond3A_94 = arith.cmpi ne, %convert_element_type3A_92, %cond3A_93 : i32
      scf.if %cond3A_94 {
        "tpu.region"() ({
          %run_scoped3A = tpu.sem_alloc : memref<!tpu.dma_semaphore, #tpu.memory_space<semaphore_mem>>
          %dma_start3A_95 = arith.constant 9984 : i32
          %dma_start3A_96 = arith.constant 0 : i32
          %dma_start3A_97 = tpu.memref_slice %arg17[%dma_start3A_95, %dma_start3A_96] : memref<10000x128xf32, #tpu.memory_space<vmem_shared>> -> memref<16x128xf32, #tpu.memory_space<vmem_shared>>
          %dma_start3A_98 = arith.constant 9984 : i32
          %dma_start3A_99 = arith.constant 0 : i32
          %dma_start3A_100 = tpu.memref_slice %arg2[%dma_start3A_98, %dma_start3A_99] : memref<10000x128xf32, #tpu.memory_space<hbm>> -> memref<16x128xf32, #tpu.memory_space<hbm>>
          tpu.enqueue_dma source(%dma_start3A_100 : memref<16x128xf32, #tpu.memory_space<hbm>>) target(%dma_start3A_97 : memref<16x128xf32, #tpu.memory_space<vmem_shared>>) target_semaphore(%run_scoped3A : memref<!tpu.dma_semaphore, #tpu.memory_space<semaphore_mem>>)
          %dma_wait3A_101 = arith.constant 9984 : i32
          %dma_wait3A_102 = arith.constant 0 : i32
          %dma_wait3A_103 = tpu.memref_slice %arg17[%dma_wait3A_101, %dma_wait3A_102] : memref<10000x128xf32, #tpu.memory_space<vmem_shared>> -> memref<16x128xf32, #tpu.memory_space<vmem_shared>>
          %dma_wait3A_104 = arith.constant 9984 : i32
          %dma_wait3A_105 = arith.constant 0 : i32
          %dma_wait3A_106 = tpu.memref_slice %arg2[%dma_wait3A_104, %dma_wait3A_105] : memref<10000x128xf32, #tpu.memory_space<hbm>> -> memref<16x128xf32, #tpu.memory_space<hbm>>
          tpu.wait_dma2 semaphore(%run_scoped3A : memref<!tpu.dma_semaphore, #tpu.memory_space<semaphore_mem>>) src(%dma_wait3A_106 : memref<16x128xf32, #tpu.memory_space<hbm>>) dst(%dma_wait3A_103 : memref<16x128xf32, #tpu.memory_space<vmem_shared>>)
          tpu.yield
        }) : () -> ()
      } else {
      }
    } else {
    }
    %ne3A = arith.constant 0 : i32
    %ne3A_76 = arith.cmpi ne, %arg0, %ne3A : i32
    %convert_element_type3A_77 = arith.extui %ne3A_76 : i1 to i32
    %cond3A_78 = arith.constant 0 : i32
    %cond3A_79 = arith.cmpi ne, %convert_element_type3A_77, %cond3A_78 : i32
    scf.if %cond3A_79 {
      "tpu.region"() ({
        %run_scoped3A = tpu.sem_alloc : memref<!tpu.dma_semaphore, #tpu.memory_space<semaphore_mem>>
        %dma_start3A_95 = arith.constant 0 : i32
        %dma_start3A_96 = tpu.memref_slice %arg17[%mul3A_2, %dma_start3A_95] : memref<10000x128xf32, #tpu.memory_space<vmem_shared>> -> memref<624x128xf32, #tpu.memory_space<vmem_shared>>
        %dma_start3A_97 = arith.constant 0 : i32
        %dma_start3A_98 = tpu.memref_slice %arg5[%mul3A_2, %dma_start3A_97] : memref<10000x128xf32, #tpu.memory_space<hbm>> -> memref<624x128xf32, #tpu.memory_space<hbm>>
        tpu.enqueue_dma source(%dma_start3A_98 : memref<624x128xf32, #tpu.memory_space<hbm>>) target(%dma_start3A_96 : memref<624x128xf32, #tpu.memory_space<vmem_shared>>) target_semaphore(%run_scoped3A : memref<!tpu.dma_semaphore, #tpu.memory_space<semaphore_mem>>)
        %dma_wait3A_99 = arith.constant 0 : i32
        %dma_wait3A_100 = tpu.memref_slice %arg17[%mul3A_2, %dma_wait3A_99] : memref<10000x128xf32, #tpu.memory_space<vmem_shared>> -> memref<624x128xf32, #tpu.memory_space<vmem_shared>>
        %dma_wait3A_101 = arith.constant 0 : i32
        %dma_wait3A_102 = tpu.memref_slice %arg5[%mul3A_2, %dma_wait3A_101] : memref<10000x128xf32, #tpu.memory_space<hbm>> -> memref<624x128xf32, #tpu.memory_space<hbm>>
        tpu.wait_dma2 semaphore(%run_scoped3A : memref<!tpu.dma_semaphore, #tpu.memory_space<semaphore_mem>>) src(%dma_wait3A_102 : memref<624x128xf32, #tpu.memory_space<hbm>>) dst(%dma_wait3A_100 : memref<624x128xf32, #tpu.memory_space<vmem_shared>>)
        tpu.yield
      }) : () -> ()
      %eq3A_90 = arith.constant 0 : i32
      %eq3A_91 = arith.cmpi eq, %arg1, %eq3A_90 : i32
      %convert_element_type3A_92 = arith.extui %eq3A_91 : i1 to i32
      %cond3A_93 = arith.constant 0 : i32
      %cond3A_94 = arith.cmpi ne, %convert_element_type3A_92, %cond3A_93 : i32
      scf.if %cond3A_94 {
        "tpu.region"() ({
          %run_scoped3A = tpu.sem_alloc : memref<!tpu.dma_semaphore, #tpu.memory_space<semaphore_mem>>
          %dma_start3A_95 = arith.constant 9984 : i32
          %dma_start3A_96 = arith.constant 0 : i32
          %dma_start3A_97 = tpu.memref_slice %arg17[%dma_start3A_95, %dma_start3A_96] : memref<10000x128xf32, #tpu.memory_space<vmem_shared>> -> memref<16x128xf32, #tpu.memory_space<vmem_shared>>
          %dma_start3A_98 = arith.constant 9984 : i32
          %dma_start3A_99 = arith.constant 0 : i32
          %dma_start3A_100 = tpu.memref_slice %arg5[%dma_start3A_98, %dma_start3A_99] : memref<10000x128xf32, #tpu.memory_space<hbm>> -> memref<16x128xf32, #tpu.memory_space<hbm>>
          tpu.enqueue_dma source(%dma_start3A_100 : memref<16x128xf32, #tpu.memory_space<hbm>>) target(%dma_start3A_97 : memref<16x128xf32, #tpu.memory_space<vmem_shared>>) target_semaphore(%run_scoped3A : memref<!tpu.dma_semaphore, #tpu.memory_space<semaphore_mem>>)
          %dma_wait3A_101 = arith.constant 9984 : i32
          %dma_wait3A_102 = arith.constant 0 : i32
          %dma_wait3A_103 = tpu.memref_slice %arg17[%dma_wait3A_101, %dma_wait3A_102] : memref<10000x128xf32, #tpu.memory_space<vmem_shared>> -> memref<16x128xf32, #tpu.memory_space<vmem_shared>>
          %dma_wait3A_104 = arith.constant 9984 : i32
          %dma_wait3A_105 = arith.constant 0 : i32
          %dma_wait3A_106 = tpu.memref_slice %arg5[%dma_wait3A_104, %dma_wait3A_105] : memref<10000x128xf32, #tpu.memory_space<hbm>> -> memref<16x128xf32, #tpu.memory_space<hbm>>
          tpu.wait_dma2 semaphore(%run_scoped3A : memref<!tpu.dma_semaphore, #tpu.memory_space<semaphore_mem>>) src(%dma_wait3A_106 : memref<16x128xf32, #tpu.memory_space<hbm>>) dst(%dma_wait3A_103 : memref<16x128xf32, #tpu.memory_space<vmem_shared>>)
          tpu.yield
        }) : () -> ()
      } else {
      }
    } else {
    }
    %barrier3A = arith.constant 0 : index
    tpu.barrier barrier_id(%barrier3A)
    %scan3A = arith.constant 0 : i32
    %scan3A_80 = arith.constant 20 : i32
    %scan3A_81 = arith.addi %scan3A, %scan3A_80 : i32
    %scan3A_82 = arith.constant 1 : i32
    scf.for %scan3A_90 = %scan3A to %scan3A_81 step %scan3A_82  : i32 {
      %mul3A_91 = arith.constant 1 : i32
      %mul3A_92 = arith.muli %scan3A_90, %mul3A_91 : i32
      %add3A_93 = arith.constant 0 : i32
      %add3A_94 = arith.addi %add3A_93, %mul3A_92 : i32
      %mul3A_95 = arith.constant 4 : i32
      %mul3A_96 = arith.muli %add3A_94, %mul3A_95 : i32
      %lt3A = arith.constant 19 : i32
      %lt3A_97 = arith.cmpi slt, %add3A_94, %lt3A : i32
      %dma_wait3A_98 = arith.constant 0 : i32
      %dma_wait3A_99 = arith.constant 0 : i32
      %dma_wait3A_100 = tpu.memref_slice %arg2[%dma_wait3A_98, %dma_wait3A_99] : memref<10000x128xf32, #tpu.memory_space<hbm>> -> memref<10000x128xf32, #tpu.memory_space<hbm>>
      tpu.wait_indirect_dma semaphore(%arg22 : memref<!tpu.dma_semaphore, #tpu.memory_space<semaphore_mem>>) src(%dma_wait3A_100 : memref<10000x128xf32, #tpu.memory_space<hbm>>) dst(%arg15 : memref<125x128xf32, #tpu.memory_space<vmem>>)
      %dma_start3A_101 = arith.constant 0 : i32
      %dma_start3A_102 = arith.constant 0 : i32
      %dma_start3A_103 = tpu.memref_slice %arg17[%dma_start3A_101, %dma_start3A_102] : memref<10000x128xf32, #tpu.memory_space<vmem_shared>> -> memref<10000x128xf32, #tpu.memory_space<vmem_shared>>
      tpu.enqueue_indirect_dma source(%arg15 : memref<125x128xf32, #tpu.memory_space<vmem>>) target(%dma_start3A_103 : memref<10000x128xf32, #tpu.memory_space<vmem_shared>>) offsets(%arg11 : memref<125xi32, #tpu.memory_space<vmem>>) semaphore(%arg24 : memref<!tpu.dma_semaphore, #tpu.memory_space<semaphore_mem>>) {add = true}
      %dma_wait3A_104 = arith.constant 0 : i32
      %dma_wait3A_105 = arith.constant 0 : i32
      %dma_wait3A_106 = tpu.memref_slice %arg3[%add3A, %dma_wait3A_104, %dma_wait3A_105] : memref<32x80x125xi32, #tpu.memory_space<hbm>> -> memref<1x1x125xi32, #tpu.memory_space<hbm>>
      %dma_wait3A_107 = tpu.memref_squeeze %dma_wait3A_106 : memref<1x1x125xi32, #tpu.memory_space<hbm>> -> memref<125xi32, #tpu.memory_space<hbm>>
      %dma_wait3A_108 = arith.constant 0 : i32
      %dma_wait3A_109 = tpu.memref_slice %arg3[%add3A, %dma_wait3A_104, %dma_wait3A_108] : memref<32x80x125xi32, #tpu.memory_space<hbm>> -> memref<1x1x125xi32, #tpu.memory_space<hbm>>
      %dma_wait3A_110 = tpu.memref_squeeze %dma_wait3A_109 : memref<1x1x125xi32, #tpu.memory_space<hbm>> -> memref<125xi32, #tpu.memory_space<hbm>>
      tpu.wait_dma2 semaphore(%arg19 : memref<!tpu.dma_semaphore, #tpu.memory_space<semaphore_mem>>) src(%dma_wait3A_110 : memref<125xi32, #tpu.memory_space<hbm>>) dst(%arg8 : memref<125xi32, #tpu.memory_space<vmem>>)
      %dma_wait3A_111 = arith.constant 0 : i32
      %dma_wait3A_112 = arith.constant 0 : i32
      %dma_wait3A_113 = tpu.memref_slice %arg4[%add3A, %dma_wait3A_111, %dma_wait3A_112] : memref<32x80x125xi32, #tpu.memory_space<hbm>> -> memref<1x1x125xi32, #tpu.memory_space<hbm>>
      %dma_wait3A_114 = tpu.memref_squeeze %dma_wait3A_113 : memref<1x1x125xi32, #tpu.memory_space<hbm>> -> memref<125xi32, #tpu.memory_space<hbm>>
      %dma_wait3A_115 = arith.constant 0 : i32
      %dma_wait3A_116 = tpu.memref_slice %arg4[%add3A, %dma_wait3A_111, %dma_wait3A_115] : memref<32x80x125xi32, #tpu.memory_space<hbm>> -> memref<1x1x125xi32, #tpu.memory_space<hbm>>
      %dma_wait3A_117 = tpu.memref_squeeze %dma_wait3A_116 : memref<1x1x125xi32, #tpu.memory_space<hbm>> -> memref<125xi32, #tpu.memory_space<hbm>>
      tpu.wait_dma2 semaphore(%arg19 : memref<!tpu.dma_semaphore, #tpu.memory_space<semaphore_mem>>) src(%dma_wait3A_117 : memref<125xi32, #tpu.memory_space<hbm>>) dst(%arg12 : memref<125xi32, #tpu.memory_space<vmem>>)
      %dma_start3A_118 = arith.constant 0 : i32
      %dma_start3A_119 = arith.constant 0 : i32
      %dma_start3A_120 = tpu.memref_slice %arg2[%dma_start3A_118, %dma_start3A_119] : memref<10000x128xf32, #tpu.memory_space<hbm>> -> memref<10000x128xf32, #tpu.memory_space<hbm>>
      tpu.enqueue_indirect_dma source(%dma_start3A_120 : memref<10000x128xf32, #tpu.memory_space<hbm>>) target(%arg16 : memref<125x128xf32, #tpu.memory_space<vmem>>) offsets(%arg8 : memref<125xi32, #tpu.memory_space<vmem>>) semaphore(%arg23 : memref<!tpu.dma_semaphore, #tpu.memory_space<semaphore_mem>>)
      %dma_wait3A_121 = arith.constant 0 : i32
      %dma_wait3A_122 = arith.constant 0 : i32
      %dma_wait3A_123 = tpu.memref_slice %arg17[%dma_wait3A_121, %dma_wait3A_122] : memref<10000x128xf32, #tpu.memory_space<vmem_shared>> -> memref<10000x128xf32, #tpu.memory_space<vmem_shared>>
      tpu.wait_indirect_dma semaphore(%arg24 : memref<!tpu.dma_semaphore, #tpu.memory_space<semaphore_mem>>) src(%arg15 : memref<125x128xf32, #tpu.memory_space<vmem>>) dst(%dma_wait3A_123 : memref<10000x128xf32, #tpu.memory_space<vmem_shared>>)
      %convert_element_type3A_124 = arith.extui %lt3A_97 : i1 to i32
      %cond3A_125 = arith.constant 0 : i32
      %cond3A_126 = arith.cmpi ne, %convert_element_type3A_124, %cond3A_125 : i32
      scf.if %cond3A_126 {
        %add3A_200 = arith.constant 4 : i32
        %add3A_201 = arith.addi %mul3A_96, %add3A_200 : i32
        %dma_start3A_202 = arith.constant 0 : i32
        %dma_start3A_203 = tpu.memref_slice %arg3[%add3A, %add3A_201, %dma_start3A_202] : memref<32x80x125xi32, #tpu.memory_space<hbm>> -> memref<1x1x125xi32, #tpu.memory_space<hbm>>
        %dma_start3A_204 = tpu.memref_squeeze %dma_start3A_203 : memref<1x1x125xi32, #tpu.memory_space<hbm>> -> memref<125xi32, #tpu.memory_space<hbm>>
        %dma_start3A_205 = arith.constant 0 : i32
        %dma_start3A_206 = tpu.memref_slice %arg3[%add3A, %add3A_201, %dma_start3A_205] : memref<32x80x125xi32, #tpu.memory_space<hbm>> -> memref<1x1x125xi32, #tpu.memory_space<hbm>>
        %dma_start3A_207 = tpu.memref_squeeze %dma_start3A_206 : memref<1x1x125xi32, #tpu.memory_space<hbm>> -> memref<125xi32, #tpu.memory_space<hbm>>
        tpu.enqueue_dma source(%dma_start3A_207 : memref<125xi32, #tpu.memory_space<hbm>>) target(%arg7 : memref<125xi32, #tpu.memory_space<vmem>>) target_semaphore(%arg18 : memref<!tpu.dma_semaphore, #tpu.memory_space<semaphore_mem>>)
        %dma_start3A_208 = arith.constant 0 : i32
        %dma_start3A_209 = tpu.memref_slice %arg4[%add3A, %add3A_201, %dma_start3A_208] : memref<32x80x125xi32, #tpu.memory_space<hbm>> -> memref<1x1x125xi32, #tpu.memory_space<hbm>>
        %dma_start3A_210 = tpu.memref_squeeze %dma_start3A_209 : memref<1x1x125xi32, #tpu.memory_space<hbm>> -> memref<125xi32, #tpu.memory_space<hbm>>
        %dma_start3A_211 = arith.constant 0 : i32
        %dma_start3A_212 = tpu.memref_slice %arg4[%add3A, %add3A_201, %dma_start3A_211] : memref<32x80x125xi32, #tpu.memory_space<hbm>> -> memref<1x1x125xi32, #tpu.memory_space<hbm>>
        %dma_start3A_213 = tpu.memref_squeeze %dma_start3A_212 : memref<1x1x125xi32, #tpu.memory_space<hbm>> -> memref<125xi32, #tpu.memory_space<hbm>>
        tpu.enqueue_dma source(%dma_start3A_213 : memref<125xi32, #tpu.memory_space<hbm>>) target(%arg11 : memref<125xi32, #tpu.memory_space<vmem>>) target_semaphore(%arg18 : memref<!tpu.dma_semaphore, #tpu.memory_space<semaphore_mem>>)
      } else {
      }
      %dma_wait3A_127 = arith.constant 0 : i32
      %dma_wait3A_128 = arith.constant 0 : i32
      %dma_wait3A_129 = tpu.memref_slice %arg2[%dma_wait3A_127, %dma_wait3A_128] : memref<10000x128xf32, #tpu.memory_space<hbm>> -> memref<10000x128xf32, #tpu.memory_space<hbm>>
      tpu.wait_indirect_dma semaphore(%arg23 : memref<!tpu.dma_semaphore, #tpu.memory_space<semaphore_mem>>) src(%dma_wait3A_129 : memref<10000x128xf32, #tpu.memory_space<hbm>>) dst(%arg16 : memref<125x128xf32, #tpu.memory_space<vmem>>)
      %dma_start3A_130 = arith.constant 0 : i32
      %dma_start3A_131 = arith.constant 0 : i32
      %dma_start3A_132 = tpu.memref_slice %arg17[%dma_start3A_130, %dma_start3A_131] : memref<10000x128xf32, #tpu.memory_space<vmem_shared>> -> memref<10000x128xf32, #tpu.memory_space<vmem_shared>>
      tpu.enqueue_indirect_dma source(%arg16 : memref<125x128xf32, #tpu.memory_space<vmem>>) target(%dma_start3A_132 : memref<10000x128xf32, #tpu.memory_space<vmem_shared>>) offsets(%arg12 : memref<125xi32, #tpu.memory_space<vmem>>) semaphore(%arg25 : memref<!tpu.dma_semaphore, #tpu.memory_space<semaphore_mem>>) {add = true}
      %dma_wait3A_133 = arith.constant 0 : i32
      %dma_wait3A_134 = arith.constant 0 : i32
      %dma_wait3A_135 = tpu.memref_slice %arg3[%add3A, %dma_wait3A_133, %dma_wait3A_134] : memref<32x80x125xi32, #tpu.memory_space<hbm>> -> memref<1x1x125xi32, #tpu.memory_space<hbm>>
      %dma_wait3A_136 = tpu.memref_squeeze %dma_wait3A_135 : memref<1x1x125xi32, #tpu.memory_space<hbm>> -> memref<125xi32, #tpu.memory_space<hbm>>
      %dma_wait3A_137 = arith.constant 0 : i32
      %dma_wait3A_138 = tpu.memref_slice %arg3[%add3A, %dma_wait3A_133, %dma_wait3A_137] : memref<32x80x125xi32, #tpu.memory_space<hbm>> -> memref<1x1x125xi32, #tpu.memory_space<hbm>>
      %dma_wait3A_139 = tpu.memref_squeeze %dma_wait3A_138 : memref<1x1x125xi32, #tpu.memory_space<hbm>> -> memref<125xi32, #tpu.memory_space<hbm>>
      tpu.wait_dma2 semaphore(%arg20 : memref<!tpu.dma_semaphore, #tpu.memory_space<semaphore_mem>>) src(%dma_wait3A_139 : memref<125xi32, #tpu.memory_space<hbm>>) dst(%arg9 : memref<125xi32, #tpu.memory_space<vmem>>)
      %dma_wait3A_140 = arith.constant 0 : i32
      %dma_wait3A_141 = arith.constant 0 : i32
      %dma_wait3A_142 = tpu.memref_slice %arg4[%add3A, %dma_wait3A_140, %dma_wait3A_141] : memref<32x80x125xi32, #tpu.memory_space<hbm>> -> memref<1x1x125xi32, #tpu.memory_space<hbm>>
      %dma_wait3A_143 = tpu.memref_squeeze %dma_wait3A_142 : memref<1x1x125xi32, #tpu.memory_space<hbm>> -> memref<125xi32, #tpu.memory_space<hbm>>
      %dma_wait3A_144 = arith.constant 0 : i32
      %dma_wait3A_145 = tpu.memref_slice %arg4[%add3A, %dma_wait3A_140, %dma_wait3A_144] : memref<32x80x125xi32, #tpu.memory_space<hbm>> -> memref<1x1x125xi32, #tpu.memory_space<hbm>>
      %dma_wait3A_146 = tpu.memref_squeeze %dma_wait3A_145 : memref<1x1x125xi32, #tpu.memory_space<hbm>> -> memref<125xi32, #tpu.memory_space<hbm>>
      tpu.wait_dma2 semaphore(%arg20 : memref<!tpu.dma_semaphore, #tpu.memory_space<semaphore_mem>>) src(%dma_wait3A_146 : memref<125xi32, #tpu.memory_space<hbm>>) dst(%arg13 : memref<125xi32, #tpu.memory_space<vmem>>)
      %dma_start3A_147 = arith.constant 0 : i32
      %dma_start3A_148 = arith.constant 0 : i32
      %dma_start3A_149 = tpu.memref_slice %arg2[%dma_start3A_147, %dma_start3A_148] : memref<10000x128xf32, #tpu.memory_space<hbm>> -> memref<10000x128xf32, #tpu.memory_space<hbm>>
      tpu.enqueue_indirect_dma source(%dma_start3A_149 : memref<10000x128xf32, #tpu.memory_space<hbm>>) target(%arg15 : memref<125x128xf32, #tpu.memory_space<vmem>>) offsets(%arg9 : memref<125xi32, #tpu.memory_space<vmem>>) semaphore(%arg22 : memref<!tpu.dma_semaphore, #tpu.memory_space<semaphore_mem>>)
      %dma_wait3A_150 = arith.constant 0 : i32
      %dma_wait3A_151 = arith.constant 0 : i32
      %dma_wait3A_152 = tpu.memref_slice %arg17[%dma_wait3A_150, %dma_wait3A_151] : memref<10000x128xf32, #tpu.memory_space<vmem_shared>> -> memref<10000x128xf32, #tpu.memory_space<vmem_shared>>
      tpu.wait_indirect_dma semaphore(%arg25 : memref<!tpu.dma_semaphore, #tpu.memory_space<semaphore_mem>>) src(%arg16 : memref<125x128xf32, #tpu.memory_space<vmem>>) dst(%dma_wait3A_152 : memref<10000x128xf32, #tpu.memory_space<vmem_shared>>)
      %convert_element_type3A_153 = arith.extui %lt3A_97 : i1 to i32
      %cond3A_154 = arith.constant 0 : i32
      %cond3A_155 = arith.cmpi ne, %convert_element_type3A_153, %cond3A_154 : i32
      scf.if %cond3A_155 {
        %add3A_200 = arith.constant 5 : i32
        %add3A_201 = arith.addi %mul3A_96, %add3A_200 : i32
        %dma_start3A_202 = arith.constant 0 : i32
        %dma_start3A_203 = tpu.memref_slice %arg3[%add3A, %add3A_201, %dma_start3A_202] : memref<32x80x125xi32, #tpu.memory_space<hbm>> -> memref<1x1x125xi32, #tpu.memory_space<hbm>>
        %dma_start3A_204 = tpu.memref_squeeze %dma_start3A_203 : memref<1x1x125xi32, #tpu.memory_space<hbm>> -> memref<125xi32, #tpu.memory_space<hbm>>
        %dma_start3A_205 = arith.constant 0 : i32
        %dma_start3A_206 = tpu.memref_slice %arg3[%add3A, %add3A_201, %dma_start3A_205] : memref<32x80x125xi32, #tpu.memory_space<hbm>> -> memref<1x1x125xi32, #tpu.memory_space<hbm>>
        %dma_start3A_207 = tpu.memref_squeeze %dma_start3A_206 : memref<1x1x125xi32, #tpu.memory_space<hbm>> -> memref<125xi32, #tpu.memory_space<hbm>>
        tpu.enqueue_dma source(%dma_start3A_207 : memref<125xi32, #tpu.memory_space<hbm>>) target(%arg8 : memref<125xi32, #tpu.memory_space<vmem>>) target_semaphore(%arg19 : memref<!tpu.dma_semaphore, #tpu.memory_space<semaphore_mem>>)
        %dma_start3A_208 = arith.constant 0 : i32
        %dma_start3A_209 = tpu.memref_slice %arg4[%add3A, %add3A_201, %dma_start3A_208] : memref<32x80x125xi32, #tpu.memory_space<hbm>> -> memref<1x1x125xi32, #tpu.memory_space<hbm>>
        %dma_start3A_210 = tpu.memref_squeeze %dma_start3A_209 : memref<1x1x125xi32, #tpu.memory_space<hbm>> -> memref<125xi32, #tpu.memory_space<hbm>>
        %dma_start3A_211 = arith.constant 0 : i32
        %dma_start3A_212 = tpu.memref_slice %arg4[%add3A, %add3A_201, %dma_start3A_211] : memref<32x80x125xi32, #tpu.memory_space<hbm>> -> memref<1x1x125xi32, #tpu.memory_space<hbm>>
        %dma_start3A_213 = tpu.memref_squeeze %dma_start3A_212 : memref<1x1x125xi32, #tpu.memory_space<hbm>> -> memref<125xi32, #tpu.memory_space<hbm>>
        tpu.enqueue_dma source(%dma_start3A_213 : memref<125xi32, #tpu.memory_space<hbm>>) target(%arg12 : memref<125xi32, #tpu.memory_space<vmem>>) target_semaphore(%arg19 : memref<!tpu.dma_semaphore, #tpu.memory_space<semaphore_mem>>)
      } else {
      }
      %dma_wait3A_156 = arith.constant 0 : i32
      %dma_wait3A_157 = arith.constant 0 : i32
      %dma_wait3A_158 = tpu.memref_slice %arg2[%dma_wait3A_156, %dma_wait3A_157] : memref<10000x128xf32, #tpu.memory_space<hbm>> -> memref<10000x128xf32, #tpu.memory_space<hbm>>
      tpu.wait_indirect_dma semaphore(%arg22 : memref<!tpu.dma_semaphore, #tpu.memory_space<semaphore_mem>>) src(%dma_wait3A_158 : memref<10000x128xf32, #tpu.memory_space<hbm>>) dst(%arg15 : memref<125x128xf32, #tpu.memory_space<vmem>>)
      %dma_start3A_159 = arith.constant 0 : i32
      %dma_start3A_160 = arith.constant 0 : i32
      %dma_start3A_161 = tpu.memref_slice %arg17[%dma_start3A_159, %dma_start3A_160] : memref<10000x128xf32, #tpu.memory_space<vmem_shared>> -> memref<10000x128xf32, #tpu.memory_space<vmem_shared>>
      tpu.enqueue_indirect_dma source(%arg15 : memref<125x128xf32, #tpu.memory_space<vmem>>) target(%dma_start3A_161 : memref<10000x128xf32, #tpu.memory_space<vmem_shared>>) offsets(%arg13 : memref<125xi32, #tpu.memory_space<vmem>>) semaphore(%arg24 : memref<!tpu.dma_semaphore, #tpu.memory_space<semaphore_mem>>) {add = true}
      %dma_wait3A_162 = arith.constant 0 : i32
      %dma_wait3A_163 = arith.constant 0 : i32
      %dma_wait3A_164 = tpu.memref_slice %arg3[%add3A, %dma_wait3A_162, %dma_wait3A_163] : memref<32x80x125xi32, #tpu.memory_space<hbm>> -> memref<1x1x125xi32, #tpu.memory_space<hbm>>
      %dma_wait3A_165 = tpu.memref_squeeze %dma_wait3A_164 : memref<1x1x125xi32, #tpu.memory_space<hbm>> -> memref<125xi32, #tpu.memory_space<hbm>>
      %dma_wait3A_166 = arith.constant 0 : i32
      %dma_wait3A_167 = tpu.memref_slice %arg3[%add3A, %dma_wait3A_162, %dma_wait3A_166] : memref<32x80x125xi32, #tpu.memory_space<hbm>> -> memref<1x1x125xi32, #tpu.memory_space<hbm>>
      %dma_wait3A_168 = tpu.memref_squeeze %dma_wait3A_167 : memref<1x1x125xi32, #tpu.memory_space<hbm>> -> memref<125xi32, #tpu.memory_space<hbm>>
      tpu.wait_dma2 semaphore(%arg21 : memref<!tpu.dma_semaphore, #tpu.memory_space<semaphore_mem>>) src(%dma_wait3A_168 : memref<125xi32, #tpu.memory_space<hbm>>) dst(%arg10 : memref<125xi32, #tpu.memory_space<vmem>>)
      %dma_wait3A_169 = arith.constant 0 : i32
      %dma_wait3A_170 = arith.constant 0 : i32
      %dma_wait3A_171 = tpu.memref_slice %arg4[%add3A, %dma_wait3A_169, %dma_wait3A_170] : memref<32x80x125xi32, #tpu.memory_space<hbm>> -> memref<1x1x125xi32, #tpu.memory_space<hbm>>
      %dma_wait3A_172 = tpu.memref_squeeze %dma_wait3A_171 : memref<1x1x125xi32, #tpu.memory_space<hbm>> -> memref<125xi32, #tpu.memory_space<hbm>>
      %dma_wait3A_173 = arith.constant 0 : i32
      %dma_wait3A_174 = tpu.memref_slice %arg4[%add3A, %dma_wait3A_169, %dma_wait3A_173] : memref<32x80x125xi32, #tpu.memory_space<hbm>> -> memref<1x1x125xi32, #tpu.memory_space<hbm>>
      %dma_wait3A_175 = tpu.memref_squeeze %dma_wait3A_174 : memref<1x1x125xi32, #tpu.memory_space<hbm>> -> memref<125xi32, #tpu.memory_space<hbm>>
      tpu.wait_dma2 semaphore(%arg21 : memref<!tpu.dma_semaphore, #tpu.memory_space<semaphore_mem>>) src(%dma_wait3A_175 : memref<125xi32, #tpu.memory_space<hbm>>) dst(%arg14 : memref<125xi32, #tpu.memory_space<vmem>>)
      %dma_start3A_176 = arith.constant 0 : i32
      %dma_start3A_177 = arith.constant 0 : i32
      %dma_start3A_178 = tpu.memref_slice %arg2[%dma_start3A_176, %dma_start3A_177] : memref<10000x128xf32, #tpu.memory_space<hbm>> -> memref<10000x128xf32, #tpu.memory_space<hbm>>
      tpu.enqueue_indirect_dma source(%dma_start3A_178 : memref<10000x128xf32, #tpu.memory_space<hbm>>) target(%arg16 : memref<125x128xf32, #tpu.memory_space<vmem>>) offsets(%arg10 : memref<125xi32, #tpu.memory_space<vmem>>) semaphore(%arg23 : memref<!tpu.dma_semaphore, #tpu.memory_space<semaphore_mem>>)
      %dma_wait3A_179 = arith.constant 0 : i32
      %dma_wait3A_180 = arith.constant 0 : i32
      %dma_wait3A_181 = tpu.memref_slice %arg17[%dma_wait3A_179, %dma_wait3A_180] : memref<10000x128xf32, #tpu.memory_space<vmem_shared>> -> memref<10000x128xf32, #tpu.memory_space<vmem_shared>>
      tpu.wait_indirect_dma semaphore(%arg24 : memref<!tpu.dma_semaphore, #tpu.memory_space<semaphore_mem>>) src(%arg15 : memref<125x128xf32, #tpu.memory_space<vmem>>) dst(%dma_wait3A_181 : memref<10000x128xf32, #tpu.memory_space<vmem_shared>>)
      %convert_element_type3A_182 = arith.extui %lt3A_97 : i1 to i32
      %cond3A_183 = arith.constant 0 : i32
      %cond3A_184 = arith.cmpi ne, %convert_element_type3A_182, %cond3A_183 : i32
      scf.if %cond3A_184 {
        %add3A_200 = arith.constant 6 : i32
        %add3A_201 = arith.addi %mul3A_96, %add3A_200 : i32
        %dma_start3A_202 = arith.constant 0 : i32
        %dma_start3A_203 = tpu.memref_slice %arg3[%add3A, %add3A_201, %dma_start3A_202] : memref<32x80x125xi32, #tpu.memory_space<hbm>> -> memref<1x1x125xi32, #tpu.memory_space<hbm>>
        %dma_start3A_204 = tpu.memref_squeeze %dma_start3A_203 : memref<1x1x125xi32, #tpu.memory_space<hbm>> -> memref<125xi32, #tpu.memory_space<hbm>>
        %dma_start3A_205 = arith.constant 0 : i32
        %dma_start3A_206 = tpu.memref_slice %arg3[%add3A, %add3A_201, %dma_start3A_205] : memref<32x80x125xi32, #tpu.memory_space<hbm>> -> memref<1x1x125xi32, #tpu.memory_space<hbm>>
        %dma_start3A_207 = tpu.memref_squeeze %dma_start3A_206 : memref<1x1x125xi32, #tpu.memory_space<hbm>> -> memref<125xi32, #tpu.memory_space<hbm>>
        tpu.enqueue_dma source(%dma_start3A_207 : memref<125xi32, #tpu.memory_space<hbm>>) target(%arg9 : memref<125xi32, #tpu.memory_space<vmem>>) target_semaphore(%arg20 : memref<!tpu.dma_semaphore, #tpu.memory_space<semaphore_mem>>)
        %dma_start3A_208 = arith.constant 0 : i32
        %dma_start3A_209 = tpu.memref_slice %arg4[%add3A, %add3A_201, %dma_start3A_208] : memref<32x80x125xi32, #tpu.memory_space<hbm>> -> memref<1x1x125xi32, #tpu.memory_space<hbm>>
        %dma_start3A_210 = tpu.memref_squeeze %dma_start3A_209 : memref<1x1x125xi32, #tpu.memory_space<hbm>> -> memref<125xi32, #tpu.memory_space<hbm>>
        %dma_start3A_211 = arith.constant 0 : i32
        %dma_start3A_212 = tpu.memref_slice %arg4[%add3A, %add3A_201, %dma_start3A_211] : memref<32x80x125xi32, #tpu.memory_space<hbm>> -> memref<1x1x125xi32, #tpu.memory_space<hbm>>
        %dma_start3A_213 = tpu.memref_squeeze %dma_start3A_212 : memref<1x1x125xi32, #tpu.memory_space<hbm>> -> memref<125xi32, #tpu.memory_space<hbm>>
        tpu.enqueue_dma source(%dma_start3A_213 : memref<125xi32, #tpu.memory_space<hbm>>) target(%arg13 : memref<125xi32, #tpu.memory_space<vmem>>) target_semaphore(%arg20 : memref<!tpu.dma_semaphore, #tpu.memory_space<semaphore_mem>>)
      } else {
      }
      %dma_wait3A_185 = arith.constant 0 : i32
      %dma_wait3A_186 = arith.constant 0 : i32
      %dma_wait3A_187 = tpu.memref_slice %arg2[%dma_wait3A_185, %dma_wait3A_186] : memref<10000x128xf32, #tpu.memory_space<hbm>> -> memref<10000x128xf32, #tpu.memory_space<hbm>>
      tpu.wait_indirect_dma semaphore(%arg23 : memref<!tpu.dma_semaphore, #tpu.memory_space<semaphore_mem>>) src(%dma_wait3A_187 : memref<10000x128xf32, #tpu.memory_space<hbm>>) dst(%arg16 : memref<125x128xf32, #tpu.memory_space<vmem>>)
      %dma_start3A_188 = arith.constant 0 : i32
      %dma_start3A_189 = arith.constant 0 : i32
      %dma_start3A_190 = tpu.memref_slice %arg17[%dma_start3A_188, %dma_start3A_189] : memref<10000x128xf32, #tpu.memory_space<vmem_shared>> -> memref<10000x128xf32, #tpu.memory_space<vmem_shared>>
      tpu.enqueue_indirect_dma source(%arg16 : memref<125x128xf32, #tpu.memory_space<vmem>>) target(%dma_start3A_190 : memref<10000x128xf32, #tpu.memory_space<vmem_shared>>) offsets(%arg14 : memref<125xi32, #tpu.memory_space<vmem>>) semaphore(%arg25 : memref<!tpu.dma_semaphore, #tpu.memory_space<semaphore_mem>>) {add = true}
      %convert_element_type3A_191 = arith.extui %lt3A_97 : i1 to i32
      %cond3A_192 = arith.constant 0 : i32
      %cond3A_193 = arith.cmpi ne, %convert_element_type3A_191, %cond3A_192 : i32
      scf.if %cond3A_193 {
        %dma_wait3A_200 = arith.constant 0 : i32
        %dma_wait3A_201 = arith.constant 0 : i32
        %dma_wait3A_202 = tpu.memref_slice %arg3[%add3A, %dma_wait3A_200, %dma_wait3A_201] : memref<32x80x125xi32, #tpu.memory_space<hbm>> -> memref<1x1x125xi32, #tpu.memory_space<hbm>>
        %dma_wait3A_203 = tpu.memref_squeeze %dma_wait3A_202 : memref<1x1x125xi32, #tpu.memory_space<hbm>> -> memref<125xi32, #tpu.memory_space<hbm>>
        %dma_wait3A_204 = arith.constant 0 : i32
        %dma_wait3A_205 = tpu.memref_slice %arg3[%add3A, %dma_wait3A_200, %dma_wait3A_204] : memref<32x80x125xi32, #tpu.memory_space<hbm>> -> memref<1x1x125xi32, #tpu.memory_space<hbm>>
        %dma_wait3A_206 = tpu.memref_squeeze %dma_wait3A_205 : memref<1x1x125xi32, #tpu.memory_space<hbm>> -> memref<125xi32, #tpu.memory_space<hbm>>
        tpu.wait_dma2 semaphore(%arg18 : memref<!tpu.dma_semaphore, #tpu.memory_space<semaphore_mem>>) src(%dma_wait3A_206 : memref<125xi32, #tpu.memory_space<hbm>>) dst(%arg7 : memref<125xi32, #tpu.memory_space<vmem>>)
        %dma_wait3A_207 = arith.constant 0 : i32
        %dma_wait3A_208 = arith.constant 0 : i32
        %dma_wait3A_209 = tpu.memref_slice %arg4[%add3A, %dma_wait3A_207, %dma_wait3A_208] : memref<32x80x125xi32, #tpu.memory_space<hbm>> -> memref<1x1x125xi32, #tpu.memory_space<hbm>>
        %dma_wait3A_210 = tpu.memref_squeeze %dma_wait3A_209 : memref<1x1x125xi32, #tpu.memory_space<hbm>> -> memref<125xi32, #tpu.memory_space<hbm>>
        %dma_wait3A_211 = arith.constant 0 : i32
        %dma_wait3A_212 = tpu.memref_slice %arg4[%add3A, %dma_wait3A_207, %dma_wait3A_211] : memref<32x80x125xi32, #tpu.memory_space<hbm>> -> memref<1x1x125xi32, #tpu.memory_space<hbm>>
        %dma_wait3A_213 = tpu.memref_squeeze %dma_wait3A_212 : memref<1x1x125xi32, #tpu.memory_space<hbm>> -> memref<125xi32, #tpu.memory_space<hbm>>
        tpu.wait_dma2 semaphore(%arg18 : memref<!tpu.dma_semaphore, #tpu.memory_space<semaphore_mem>>) src(%dma_wait3A_213 : memref<125xi32, #tpu.memory_space<hbm>>) dst(%arg11 : memref<125xi32, #tpu.memory_space<vmem>>)
        %dma_start3A_214 = arith.constant 0 : i32
        %dma_start3A_215 = arith.constant 0 : i32
        %dma_start3A_216 = tpu.memref_slice %arg2[%dma_start3A_214, %dma_start3A_215] : memref<10000x128xf32, #tpu.memory_space<hbm>> -> memref<10000x128xf32, #tpu.memory_space<hbm>>
        tpu.enqueue_indirect_dma source(%dma_start3A_216 : memref<10000x128xf32, #tpu.memory_space<hbm>>) target(%arg15 : memref<125x128xf32, #tpu.memory_space<vmem>>) offsets(%arg7 : memref<125xi32, #tpu.memory_space<vmem>>) semaphore(%arg22 : memref<!tpu.dma_semaphore, #tpu.memory_space<semaphore_mem>>)
      } else {
      }
      %dma_wait3A_194 = arith.constant 0 : i32
      %dma_wait3A_195 = arith.constant 0 : i32
      %dma_wait3A_196 = tpu.memref_slice %arg17[%dma_wait3A_194, %dma_wait3A_195] : memref<10000x128xf32, #tpu.memory_space<vmem_shared>> -> memref<10000x128xf32, #tpu.memory_space<vmem_shared>>
      tpu.wait_indirect_dma semaphore(%arg25 : memref<!tpu.dma_semaphore, #tpu.memory_space<semaphore_mem>>) src(%arg16 : memref<125x128xf32, #tpu.memory_space<vmem>>) dst(%dma_wait3A_196 : memref<10000x128xf32, #tpu.memory_space<vmem_shared>>)
      %convert_element_type3A_197 = arith.extui %lt3A_97 : i1 to i32
      %cond3A_198 = arith.constant 0 : i32
      %cond3A_199 = arith.cmpi ne, %convert_element_type3A_197, %cond3A_198 : i32
      scf.if %cond3A_199 {
        %add3A_200 = arith.constant 7 : i32
        %add3A_201 = arith.addi %mul3A_96, %add3A_200 : i32
        %dma_start3A_202 = arith.constant 0 : i32
        %dma_start3A_203 = tpu.memref_slice %arg3[%add3A, %add3A_201, %dma_start3A_202] : memref<32x80x125xi32, #tpu.memory_space<hbm>> -> memref<1x1x125xi32, #tpu.memory_space<hbm>>
        %dma_start3A_204 = tpu.memref_squeeze %dma_start3A_203 : memref<1x1x125xi32, #tpu.memory_space<hbm>> -> memref<125xi32, #tpu.memory_space<hbm>>
        %dma_start3A_205 = arith.constant 0 : i32
        %dma_start3A_206 = tpu.memref_slice %arg3[%add3A, %add3A_201, %dma_start3A_205] : memref<32x80x125xi32, #tpu.memory_space<hbm>> -> memref<1x1x125xi32, #tpu.memory_space<hbm>>
        %dma_start3A_207 = tpu.memref_squeeze %dma_start3A_206 : memref<1x1x125xi32, #tpu.memory_space<hbm>> -> memref<125xi32, #tpu.memory_space<hbm>>
        tpu.enqueue_dma source(%dma_start3A_207 : memref<125xi32, #tpu.memory_space<hbm>>) target(%arg10 : memref<125xi32, #tpu.memory_space<vmem>>) target_semaphore(%arg21 : memref<!tpu.dma_semaphore, #tpu.memory_space<semaphore_mem>>)
        %dma_start3A_208 = arith.constant 0 : i32
        %dma_start3A_209 = tpu.memref_slice %arg4[%add3A, %add3A_201, %dma_start3A_208] : memref<32x80x125xi32, #tpu.memory_space<hbm>> -> memref<1x1x125xi32, #tpu.memory_space<hbm>>
        %dma_start3A_210 = tpu.memref_squeeze %dma_start3A_209 : memref<1x1x125xi32, #tpu.memory_space<hbm>> -> memref<125xi32, #tpu.memory_space<hbm>>
        %dma_start3A_211 = arith.constant 0 : i32
        %dma_start3A_212 = tpu.memref_slice %arg4[%add3A, %add3A_201, %dma_start3A_211] : memref<32x80x125xi32, #tpu.memory_space<hbm>> -> memref<1x1x125xi32, #tpu.memory_space<hbm>>
        %dma_start3A_213 = tpu.memref_squeeze %dma_start3A_212 : memref<1x1x125xi32, #tpu.memory_space<hbm>> -> memref<125xi32, #tpu.memory_space<hbm>>
        tpu.enqueue_dma source(%dma_start3A_213 : memref<125xi32, #tpu.memory_space<hbm>>) target(%arg14 : memref<125xi32, #tpu.memory_space<vmem>>) target_semaphore(%arg21 : memref<!tpu.dma_semaphore, #tpu.memory_space<semaphore_mem>>)
      } else {
      }
    }
    %scan3A_83 = arith.constant 20 : i32
    %barrier3A_84 = arith.constant 0 : index
    tpu.barrier barrier_id(%barrier3A_84)
    "tpu.region"() ({
      %run_scoped3A = tpu.sem_alloc : memref<!tpu.dma_semaphore, #tpu.memory_space<semaphore_mem>>
      %dma_start3A_90 = arith.constant 0 : i32
      %dma_start3A_91 = tpu.memref_slice %arg6[%arg0, %mul3A_2, %dma_start3A_90] : memref<2x10000x128xf32, #tpu.memory_space<hbm>> -> memref<1x624x128xf32, #tpu.memory_space<hbm>>
      %dma_start3A_92 = tpu.memref_squeeze %dma_start3A_91 : memref<1x624x128xf32, #tpu.memory_space<hbm>> -> memref<624x128xf32, #tpu.memory_space<hbm>>
      %dma_start3A_93 = arith.constant 0 : i32
      %dma_start3A_94 = tpu.memref_slice %arg17[%mul3A_2, %dma_start3A_93] : memref<10000x128xf32, #tpu.memory_space<vmem_shared>> -> memref<624x128xf32, #tpu.memory_space<vmem_shared>>
      tpu.enqueue_dma source(%dma_start3A_94 : memref<624x128xf32, #tpu.memory_space<vmem_shared>>) target(%dma_start3A_92 : memref<624x128xf32, #tpu.memory_space<hbm>>) target_semaphore(%run_scoped3A : memref<!tpu.dma_semaphore, #tpu.memory_space<semaphore_mem>>)
      %dma_wait3A_95 = arith.constant 0 : i32
      %dma_wait3A_96 = tpu.memref_slice %arg6[%arg0, %mul3A_2, %dma_wait3A_95] : memref<2x10000x128xf32, #tpu.memory_space<hbm>> -> memref<1x624x128xf32, #tpu.memory_space<hbm>>
      %dma_wait3A_97 = tpu.memref_squeeze %dma_wait3A_96 : memref<1x624x128xf32, #tpu.memory_space<hbm>> -> memref<624x128xf32, #tpu.memory_space<hbm>>
      %dma_wait3A_98 = arith.constant 0 : i32
      %dma_wait3A_99 = tpu.memref_slice %arg17[%mul3A_2, %dma_wait3A_98] : memref<10000x128xf32, #tpu.memory_space<vmem_shared>> -> memref<624x128xf32, #tpu.memory_space<vmem_shared>>
      tpu.wait_dma2 semaphore(%run_scoped3A : memref<!tpu.dma_semaphore, #tpu.memory_space<semaphore_mem>>) src(%dma_wait3A_99 : memref<624x128xf32, #tpu.memory_space<vmem_shared>>) dst(%dma_wait3A_97 : memref<624x128xf32, #tpu.memory_space<hbm>>)
      tpu.yield
    }) : () -> ()
    %eq3A_85 = arith.constant 0 : i32
    %eq3A_86 = arith.cmpi eq, %arg1, %eq3A_85 : i32
    %convert_element_type3A_87 = arith.extui %eq3A_86 : i1 to i32
    %cond3A_88 = arith.constant 0 : i32
    %cond3A_89 = arith.cmpi ne, %convert_element_type3A_87, %cond3A_88 : i32
    scf.if %cond3A_89 {
      "tpu.region"() ({
        %run_scoped3A = tpu.sem_alloc : memref<!tpu.dma_semaphore, #tpu.memory_space<semaphore_mem>>
        %dma_start3A_90 = arith.constant 9984 : i32
        %dma_start3A_91 = arith.constant 0 : i32
        %dma_start3A_92 = tpu.memref_slice %arg6[%arg0, %dma_start3A_90, %dma_start3A_91] : memref<2x10000x128xf32, #tpu.memory_space<hbm>> -> memref<1x16x128xf32, #tpu.memory_space<hbm>>
        %dma_start3A_93 = tpu.memref_squeeze %dma_start3A_92 : memref<1x16x128xf32, #tpu.memory_space<hbm>> -> memref<16x128xf32, #tpu.memory_space<hbm>>
        %dma_start3A_94 = arith.constant 9984 : i32
        %dma_start3A_95 = arith.constant 0 : i32
        %dma_start3A_96 = tpu.memref_slice %arg17[%dma_start3A_94, %dma_start3A_95] : memref<10000x128xf32, #tpu.memory_space<vmem_shared>> -> memref<16x128xf32, #tpu.memory_space<vmem_shared>>
        tpu.enqueue_dma source(%dma_start3A_96 : memref<16x128xf32, #tpu.memory_space<vmem_shared>>) target(%dma_start3A_93 : memref<16x128xf32, #tpu.memory_space<hbm>>) target_semaphore(%run_scoped3A : memref<!tpu.dma_semaphore, #tpu.memory_space<semaphore_mem>>)
        %dma_wait3A_97 = arith.constant 9984 : i32
        %dma_wait3A_98 = arith.constant 0 : i32
        %dma_wait3A_99 = tpu.memref_slice %arg6[%arg0, %dma_wait3A_97, %dma_wait3A_98] : memref<2x10000x128xf32, #tpu.memory_space<hbm>> -> memref<1x16x128xf32, #tpu.memory_space<hbm>>
        %dma_wait3A_100 = tpu.memref_squeeze %dma_wait3A_99 : memref<1x16x128xf32, #tpu.memory_space<hbm>> -> memref<16x128xf32, #tpu.memory_space<hbm>>
        %dma_wait3A_101 = arith.constant 9984 : i32
        %dma_wait3A_102 = arith.constant 0 : i32
        %dma_wait3A_103 = tpu.memref_slice %arg17[%dma_wait3A_101, %dma_wait3A_102] : memref<10000x128xf32, #tpu.memory_space<vmem_shared>> -> memref<16x128xf32, #tpu.memory_space<vmem_shared>>
        tpu.wait_dma2 semaphore(%run_scoped3A : memref<!tpu.dma_semaphore, #tpu.memory_space<semaphore_mem>>) src(%dma_wait3A_103 : memref<16x128xf32, #tpu.memory_space<vmem_shared>>) dst(%dma_wait3A_100 : memref<16x128xf32, #tpu.memory_space<hbm>>)
        tpu.yield
      }) : () -> ()
    } else {
    }
    return
  }
}

module attributes {stable_mosaic.version = 14 : i64} {
  func.func @_layer_body(%arg0: memref<10000x128xf32, #tpu.memory_space<vmem>>, %arg1: memref<10000x128xf32, #tpu.memory_space<vmem>>, %arg2: memref<1x10000xi32, #tpu.memory_space<vmem>>, %arg3: memref<128x128xf32, #tpu.memory_space<vmem>>, %arg4: memref<1x128xf32, #tpu.memory_space<vmem>>, %arg5: memref<1x128xf32, #tpu.memory_space<vmem>>, %arg6: memref<1x128xf32, #tpu.memory_space<vmem>>, %arg7: memref<128x128xf32, #tpu.memory_space<vmem>>, %arg8: memref<1x128xf32, #tpu.memory_space<vmem>>, %arg9: memref<1x128xf32, #tpu.memory_space<vmem>>, %arg10: memref<1x128xf32, #tpu.memory_space<vmem>>, %arg11: memref<10000x128xf32, #tpu.memory_space<vmem>>, %arg12: memref<128x128xf32, #tpu.memory_space<vmem>>) attributes {dimension_semantics = [], scalar_prefetch = 0 : i64, scratch_operands = 0 : i64, tpu.core_type = #tpu.core_type<tc>} {
    %get3A = arith.constant 0 : index
    %get3A_0 = arith.constant 0 : index
    %get3A_1 = vector.load %arg0[%get3A, %get3A_0] : memref<10000x128xf32, #tpu.memory_space<vmem>>, vector<10000x128xf32>
    %get3A_2 = arith.constant 0 : index
    %get3A_3 = arith.constant 0 : index
    %get3A_4 = vector.load %arg1[%get3A_2, %get3A_3] : memref<10000x128xf32, #tpu.memory_space<vmem>>, vector<10000x128xf32>
    %add3A = arith.addf %get3A_1, %get3A_4 : vector<10000x128xf32>
    %get3A_5 = arith.constant 0 : index
    %get3A_6 = arith.constant 0 : index
    %get3A_7 = vector.load %arg3[%get3A_5, %get3A_6] : memref<128x128xf32, #tpu.memory_space<vmem>>, vector<128x128xf32>
    %dot_general3A = arith.constant dense<0.000000e+00> : vector<10000x128xf32>
    %dot_general3A_8 = tpu.matmul %add3A, %get3A_7, %dot_general3A {dimension_numbers = #tpu.dot_dimension_numbers<[1], [0], [0], [1], [0, 0, 1, 1], [], []>, precision = #tpu.contract_precision<fp32>, transpose_lhs_hint = false} : vector<10000x128xf32>, vector<128x128xf32>, vector<10000x128xf32> -> vector<10000x128xf32>
    %get3A_9 = arith.constant 0 : index
    %get3A_10 = arith.constant 0 : index
    %get3A_11 = vector.load %arg4[%get3A_9, %get3A_10] : memref<1x128xf32, #tpu.memory_space<vmem>>, vector<1x128xf32>
    %add3A_12 = vector.broadcast %get3A_11 : vector<1x128xf32> to vector<10000x128xf32>
    %add3A_13 = arith.addf %dot_general3A_8, %add3A_12 : vector<10000x128xf32>
    %reduce_sum3A = arith.constant dense<0.000000e+00> : vector<128xf32>
    %reduce_sum3A_14 = vector.multi_reduction <add>, %add3A_13, %reduce_sum3A [0] : vector<10000x128xf32> to vector<128xf32>
    %broadcast_in_dim3A = vector.shape_cast %reduce_sum3A_14 : vector<128xf32> to vector<1x128xf32>
    %div3A = arith.constant 1.000000e+04 : f32
    %div3A_15 = vector.broadcast %div3A : f32 to vector<1x128xf32>
    %div3A_16 = arith.divf %broadcast_in_dim3A, %div3A_15 : vector<1x128xf32>
    %sub3A = vector.broadcast %div3A_16 : vector<1x128xf32> to vector<10000x128xf32>
    %sub3A_17 = arith.subf %add3A_13, %sub3A : vector<10000x128xf32>
    %integer_pow3A = arith.mulf %sub3A_17, %sub3A_17 : vector<10000x128xf32>
    %reduce_sum3A_18 = arith.constant dense<0.000000e+00> : vector<128xf32>
    %reduce_sum3A_19 = vector.multi_reduction <add>, %integer_pow3A, %reduce_sum3A_18 [0] : vector<10000x128xf32> to vector<128xf32>
    %broadcast_in_dim3A_20 = vector.shape_cast %reduce_sum3A_19 : vector<128xf32> to vector<1x128xf32>
    %div3A_21 = arith.constant 1.000000e+04 : f32
    %div3A_22 = vector.broadcast %div3A_21 : f32 to vector<1x128xf32>
    %div3A_23 = arith.divf %broadcast_in_dim3A_20, %div3A_22 : vector<1x128xf32>
    %sub3A_24 = vector.broadcast %div3A_16 : vector<1x128xf32> to vector<10000x128xf32>
    %sub3A_25 = arith.subf %add3A_13, %sub3A_24 : vector<10000x128xf32>
    %add3A_26 = arith.constant 9.99999974E-6 : f32
    %add3A_27 = vector.broadcast %add3A_26 : f32 to vector<1x128xf32>
    %add3A_28 = arith.addf %div3A_23, %add3A_27 : vector<1x128xf32>
    %rsqrt3A = math.rsqrt %add3A_28 : vector<1x128xf32>
    %mul3A = vector.broadcast %rsqrt3A : vector<1x128xf32> to vector<10000x128xf32>
    %mul3A_29 = arith.mulf %sub3A_25, %mul3A : vector<10000x128xf32>
    %get3A_30 = arith.constant 0 : index
    %get3A_31 = arith.constant 0 : index
    %get3A_32 = vector.load %arg5[%get3A_30, %get3A_31] : memref<1x128xf32, #tpu.memory_space<vmem>>, vector<1x128xf32>
    %mul3A_33 = vector.broadcast %get3A_32 : vector<1x128xf32> to vector<10000x128xf32>
    %mul3A_34 = arith.mulf %mul3A_29, %mul3A_33 : vector<10000x128xf32>
    %get3A_35 = arith.constant 0 : index
    %get3A_36 = arith.constant 0 : index
    %get3A_37 = vector.load %arg6[%get3A_35, %get3A_36] : memref<1x128xf32, #tpu.memory_space<vmem>>, vector<1x128xf32>
    %add3A_38 = vector.broadcast %get3A_37 : vector<1x128xf32> to vector<10000x128xf32>
    %add3A_39 = arith.addf %mul3A_34, %add3A_38 : vector<10000x128xf32>
    %max3A = arith.constant 0.000000e+00 : f32
    %max3A_40 = vector.broadcast %max3A : f32 to vector<10000x128xf32>
    %max3A_41 = arith.maximumf %add3A_39, %max3A_40 : vector<10000x128xf32>
    %get3A_42 = arith.constant 0 : index
    %get3A_43 = arith.constant 0 : index
    %get3A_44 = vector.load %arg7[%get3A_42, %get3A_43] : memref<128x128xf32, #tpu.memory_space<vmem>>, vector<128x128xf32>
    %dot_general3A_45 = arith.constant dense<0.000000e+00> : vector<10000x128xf32>
    %dot_general3A_46 = tpu.matmul %max3A_41, %get3A_44, %dot_general3A_45 {dimension_numbers = #tpu.dot_dimension_numbers<[1], [0], [0], [1], [0, 0, 1, 1], [], []>, precision = #tpu.contract_precision<fp32>, transpose_lhs_hint = false} : vector<10000x128xf32>, vector<128x128xf32>, vector<10000x128xf32> -> vector<10000x128xf32>
    %get3A_47 = arith.constant 0 : index
    %get3A_48 = arith.constant 0 : index
    %get3A_49 = vector.load %arg8[%get3A_47, %get3A_48] : memref<1x128xf32, #tpu.memory_space<vmem>>, vector<1x128xf32>
    %add3A_50 = vector.broadcast %get3A_49 : vector<1x128xf32> to vector<10000x128xf32>
    %add3A_51 = arith.addf %dot_general3A_46, %add3A_50 : vector<10000x128xf32>
    %reduce_sum3A_52 = arith.constant dense<0.000000e+00> : vector<128xf32>
    %reduce_sum3A_53 = vector.multi_reduction <add>, %add3A_51, %reduce_sum3A_52 [0] : vector<10000x128xf32> to vector<128xf32>
    %broadcast_in_dim3A_54 = vector.shape_cast %reduce_sum3A_53 : vector<128xf32> to vector<1x128xf32>
    %div3A_55 = arith.constant 1.000000e+04 : f32
    %div3A_56 = vector.broadcast %div3A_55 : f32 to vector<1x128xf32>
    %div3A_57 = arith.divf %broadcast_in_dim3A_54, %div3A_56 : vector<1x128xf32>
    %sub3A_58 = vector.broadcast %div3A_57 : vector<1x128xf32> to vector<10000x128xf32>
    %sub3A_59 = arith.subf %add3A_51, %sub3A_58 : vector<10000x128xf32>
    %integer_pow3A_60 = arith.mulf %sub3A_59, %sub3A_59 : vector<10000x128xf32>
    %reduce_sum3A_61 = arith.constant dense<0.000000e+00> : vector<128xf32>
    %reduce_sum3A_62 = vector.multi_reduction <add>, %integer_pow3A_60, %reduce_sum3A_61 [0] : vector<10000x128xf32> to vector<128xf32>
    %broadcast_in_dim3A_63 = vector.shape_cast %reduce_sum3A_62 : vector<128xf32> to vector<1x128xf32>
    %div3A_64 = arith.constant 1.000000e+04 : f32
    %div3A_65 = vector.broadcast %div3A_64 : f32 to vector<1x128xf32>
    %div3A_66 = arith.divf %broadcast_in_dim3A_63, %div3A_65 : vector<1x128xf32>
    %sub3A_67 = vector.broadcast %div3A_57 : vector<1x128xf32> to vector<10000x128xf32>
    %sub3A_68 = arith.subf %add3A_51, %sub3A_67 : vector<10000x128xf32>
    %add3A_69 = arith.constant 9.99999974E-6 : f32
    %add3A_70 = vector.broadcast %add3A_69 : f32 to vector<1x128xf32>
    %add3A_71 = arith.addf %div3A_66, %add3A_70 : vector<1x128xf32>
    %rsqrt3A_72 = math.rsqrt %add3A_71 : vector<1x128xf32>
    %mul3A_73 = vector.broadcast %rsqrt3A_72 : vector<1x128xf32> to vector<10000x128xf32>
    %mul3A_74 = arith.mulf %sub3A_68, %mul3A_73 : vector<10000x128xf32>
    %get3A_75 = arith.constant 0 : index
    %get3A_76 = arith.constant 0 : index
    %get3A_77 = vector.load %arg9[%get3A_75, %get3A_76] : memref<1x128xf32, #tpu.memory_space<vmem>>, vector<1x128xf32>
    %mul3A_78 = vector.broadcast %get3A_77 : vector<1x128xf32> to vector<10000x128xf32>
    %mul3A_79 = arith.mulf %mul3A_74, %mul3A_78 : vector<10000x128xf32>
    %get3A_80 = arith.constant 0 : index
    %get3A_81 = arith.constant 0 : index
    %get3A_82 = vector.load %arg10[%get3A_80, %get3A_81] : memref<1x128xf32, #tpu.memory_space<vmem>>, vector<1x128xf32>
    %add3A_83 = vector.broadcast %get3A_82 : vector<1x128xf32> to vector<10000x128xf32>
    %add3A_84 = arith.addf %mul3A_79, %add3A_83 : vector<10000x128xf32>
    %max3A_85 = arith.constant 0.000000e+00 : f32
    %max3A_86 = vector.broadcast %max3A_85 : f32 to vector<10000x128xf32>
    %max3A_87 = arith.maximumf %add3A_84, %max3A_86 : vector<10000x128xf32>
    %swap3A = arith.constant 0 : index
    %swap3A_88 = arith.constant 0 : index
    %swap3A_89 = vector.load %arg11[%swap3A, %swap3A_88] : memref<10000x128xf32, #tpu.memory_space<vmem>>, vector<10000x128xf32>
    tpu.vector_store %arg11[%swap3A, %swap3A_88], %max3A_87 {strides = array<i32>} : memref<10000x128xf32, #tpu.memory_space<vmem>>, vector<10000x128xf32>,
    %iota3A = tpu.iota {dimensions = array<i32: 0>} : vector<128x10000xi32>
    %get3A_90 = arith.constant 0 : index
    %get3A_91 = arith.constant 0 : index
    %get3A_92 = vector.load %arg2[%get3A_90, %get3A_91] : memref<1x10000xi32, #tpu.memory_space<vmem>>, vector<1x10000xi32>
    %eq3A = vector.broadcast %get3A_92 : vector<1x10000xi32> to vector<128x10000xi32>
    %eq3A_93 = arith.cmpi eq, %iota3A, %eq3A : vector<128x10000xi32>
    %convert_element_type3A = arith.extui %eq3A_93 : vector<128x10000xi1> to vector<128x10000xi32>
    %convert_element_type3A_94 = arith.sitofp %convert_element_type3A : vector<128x10000xi32> to vector<128x10000xf32>
    %dot_general3A_95 = arith.constant dense<0.000000e+00> : vector<128x128xf32>
    %dot_general3A_96 = tpu.matmul %convert_element_type3A_94, %max3A_87, %dot_general3A_95 {dimension_numbers = #tpu.dot_dimension_numbers<[1], [0], [0], [1], [0, 0, 1, 1], [], []>, transpose_lhs_hint = false} : vector<128x10000xf32>, vector<10000x128xf32>, vector<128x128xf32> -> vector<128x128xf32>
    %swap3A_97 = arith.constant 0 : index
    %swap3A_98 = arith.constant 0 : index
    %swap3A_99 = vector.load %arg12[%swap3A_97, %swap3A_98] : memref<128x128xf32, #tpu.memory_space<vmem>>, vector<128x128xf32>
    tpu.vector_store %arg12[%swap3A_97, %swap3A_98], %dot_general3A_96 {strides = array<i32>} : memref<128x128xf32, #tpu.memory_space<vmem>>, vector<128x128xf32>,
    return
  }
}

module attributes {stable_mosaic.version = 14 : i64} {
  func.func @_last_body(%arg0: memref<10000x128xf32, #tpu.memory_space<vmem>>, %arg1: memref<10000x128xf32, #tpu.memory_space<vmem>>, %arg2: memref<1x10000xi32, #tpu.memory_space<vmem>>, %arg3: memref<128x128xf32, #tpu.memory_space<vmem>>, %arg4: memref<1x128xf32, #tpu.memory_space<vmem>>, %arg5: memref<1x128xf32, #tpu.memory_space<vmem>>, %arg6: memref<1x128xf32, #tpu.memory_space<vmem>>, %arg7: memref<128x128xf32, #tpu.memory_space<vmem>>, %arg8: memref<1x128xf32, #tpu.memory_space<vmem>>, %arg9: memref<1x128xf32, #tpu.memory_space<vmem>>, %arg10: memref<1x128xf32, #tpu.memory_space<vmem>>, %arg11: memref<128x128xf32, #tpu.memory_space<vmem>>, %arg12: memref<128x128xf32, #tpu.memory_space<vmem>>, %arg13: memref<128x128xf32, #tpu.memory_space<vmem>>, %arg14: memref<128x128xf32, #tpu.memory_space<vmem>>, %arg15: memref<128x128xf32, #tpu.memory_space<vmem>>, %arg16: memref<128x128xf32, #tpu.memory_space<vmem>>, %arg17: memref<128x128xf32, #tpu.memory_space<vmem>>, %arg18: memref<1x128xf32, #tpu.memory_space<vmem>>, %arg19: memref<128x10xf32, #tpu.memory_space<vmem>>, %arg20: memref<1x10xf32, #tpu.memory_space<vmem>>, %arg21: memref<128x10xf32, #tpu.memory_space<vmem>>) attributes {dimension_semantics = [], scalar_prefetch = 0 : i64, scratch_operands = 0 : i64, tpu.core_type = #tpu.core_type<tc>} {
    %get3A = arith.constant 0 : index
    %get3A_0 = arith.constant 0 : index
    %get3A_1 = vector.load %arg0[%get3A, %get3A_0] : memref<10000x128xf32, #tpu.memory_space<vmem>>, vector<10000x128xf32>
    %get3A_2 = arith.constant 0 : index
    %get3A_3 = arith.constant 0 : index
    %get3A_4 = vector.load %arg1[%get3A_2, %get3A_3] : memref<10000x128xf32, #tpu.memory_space<vmem>>, vector<10000x128xf32>
    %add3A = arith.addf %get3A_1, %get3A_4 : vector<10000x128xf32>
    %get3A_5 = arith.constant 0 : index
    %get3A_6 = arith.constant 0 : index
    %get3A_7 = vector.load %arg3[%get3A_5, %get3A_6] : memref<128x128xf32, #tpu.memory_space<vmem>>, vector<128x128xf32>
    %dot_general3A = arith.constant dense<0.000000e+00> : vector<10000x128xf32>
    %dot_general3A_8 = tpu.matmul %add3A, %get3A_7, %dot_general3A {dimension_numbers = #tpu.dot_dimension_numbers<[1], [0], [0], [1], [0, 0, 1, 1], [], []>, precision = #tpu.contract_precision<fp32>, transpose_lhs_hint = false} : vector<10000x128xf32>, vector<128x128xf32>, vector<10000x128xf32> -> vector<10000x128xf32>
    %get3A_9 = arith.constant 0 : index
    %get3A_10 = arith.constant 0 : index
    %get3A_11 = vector.load %arg4[%get3A_9, %get3A_10] : memref<1x128xf32, #tpu.memory_space<vmem>>, vector<1x128xf32>
    %add3A_12 = vector.broadcast %get3A_11 : vector<1x128xf32> to vector<10000x128xf32>
    %add3A_13 = arith.addf %dot_general3A_8, %add3A_12 : vector<10000x128xf32>
    %reduce_sum3A = arith.constant dense<0.000000e+00> : vector<128xf32>
    %reduce_sum3A_14 = vector.multi_reduction <add>, %add3A_13, %reduce_sum3A [0] : vector<10000x128xf32> to vector<128xf32>
    %broadcast_in_dim3A = vector.shape_cast %reduce_sum3A_14 : vector<128xf32> to vector<1x128xf32>
    %div3A = arith.constant 1.000000e+04 : f32
    %div3A_15 = vector.broadcast %div3A : f32 to vector<1x128xf32>
    %div3A_16 = arith.divf %broadcast_in_dim3A, %div3A_15 : vector<1x128xf32>
    %sub3A = vector.broadcast %div3A_16 : vector<1x128xf32> to vector<10000x128xf32>
    %sub3A_17 = arith.subf %add3A_13, %sub3A : vector<10000x128xf32>
    %integer_pow3A = arith.mulf %sub3A_17, %sub3A_17 : vector<10000x128xf32>
    %reduce_sum3A_18 = arith.constant dense<0.000000e+00> : vector<128xf32>
    %reduce_sum3A_19 = vector.multi_reduction <add>, %integer_pow3A, %reduce_sum3A_18 [0] : vector<10000x128xf32> to vector<128xf32>
    %broadcast_in_dim3A_20 = vector.shape_cast %reduce_sum3A_19 : vector<128xf32> to vector<1x128xf32>
    %div3A_21 = arith.constant 1.000000e+04 : f32
    %div3A_22 = vector.broadcast %div3A_21 : f32 to vector<1x128xf32>
    %div3A_23 = arith.divf %broadcast_in_dim3A_20, %div3A_22 : vector<1x128xf32>
    %sub3A_24 = vector.broadcast %div3A_16 : vector<1x128xf32> to vector<10000x128xf32>
    %sub3A_25 = arith.subf %add3A_13, %sub3A_24 : vector<10000x128xf32>
    %add3A_26 = arith.constant 9.99999974E-6 : f32
    %add3A_27 = vector.broadcast %add3A_26 : f32 to vector<1x128xf32>
    %add3A_28 = arith.addf %div3A_23, %add3A_27 : vector<1x128xf32>
    %rsqrt3A = math.rsqrt %add3A_28 : vector<1x128xf32>
    %mul3A = vector.broadcast %rsqrt3A : vector<1x128xf32> to vector<10000x128xf32>
    %mul3A_29 = arith.mulf %sub3A_25, %mul3A : vector<10000x128xf32>
    %get3A_30 = arith.constant 0 : index
    %get3A_31 = arith.constant 0 : index
    %get3A_32 = vector.load %arg5[%get3A_30, %get3A_31] : memref<1x128xf32, #tpu.memory_space<vmem>>, vector<1x128xf32>
    %mul3A_33 = vector.broadcast %get3A_32 : vector<1x128xf32> to vector<10000x128xf32>
    %mul3A_34 = arith.mulf %mul3A_29, %mul3A_33 : vector<10000x128xf32>
    %get3A_35 = arith.constant 0 : index
    %get3A_36 = arith.constant 0 : index
    %get3A_37 = vector.load %arg6[%get3A_35, %get3A_36] : memref<1x128xf32, #tpu.memory_space<vmem>>, vector<1x128xf32>
    %add3A_38 = vector.broadcast %get3A_37 : vector<1x128xf32> to vector<10000x128xf32>
    %add3A_39 = arith.addf %mul3A_34, %add3A_38 : vector<10000x128xf32>
    %max3A = arith.constant 0.000000e+00 : f32
    %max3A_40 = vector.broadcast %max3A : f32 to vector<10000x128xf32>
    %max3A_41 = arith.maximumf %add3A_39, %max3A_40 : vector<10000x128xf32>
    %get3A_42 = arith.constant 0 : index
    %get3A_43 = arith.constant 0 : index
    %get3A_44 = vector.load %arg7[%get3A_42, %get3A_43] : memref<128x128xf32, #tpu.memory_space<vmem>>, vector<128x128xf32>
    %dot_general3A_45 = arith.constant dense<0.000000e+00> : vector<10000x128xf32>
    %dot_general3A_46 = tpu.matmul %max3A_41, %get3A_44, %dot_general3A_45 {dimension_numbers = #tpu.dot_dimension_numbers<[1], [0], [0], [1], [0, 0, 1, 1], [], []>, precision = #tpu.contract_precision<fp32>, transpose_lhs_hint = false} : vector<10000x128xf32>, vector<128x128xf32>, vector<10000x128xf32> -> vector<10000x128xf32>
    %get3A_47 = arith.constant 0 : index
    %get3A_48 = arith.constant 0 : index
    %get3A_49 = vector.load %arg8[%get3A_47, %get3A_48] : memref<1x128xf32, #tpu.memory_space<vmem>>, vector<1x128xf32>
    %add3A_50 = vector.broadcast %get3A_49 : vector<1x128xf32> to vector<10000x128xf32>
    %add3A_51 = arith.addf %dot_general3A_46, %add3A_50 : vector<10000x128xf32>
    %reduce_sum3A_52 = arith.constant dense<0.000000e+00> : vector<128xf32>
    %reduce_sum3A_53 = vector.multi_reduction <add>, %add3A_51, %reduce_sum3A_52 [0] : vector<10000x128xf32> to vector<128xf32>
    %broadcast_in_dim3A_54 = vector.shape_cast %reduce_sum3A_53 : vector<128xf32> to vector<1x128xf32>
    %div3A_55 = arith.constant 1.000000e+04 : f32
    %div3A_56 = vector.broadcast %div3A_55 : f32 to vector<1x128xf32>
    %div3A_57 = arith.divf %broadcast_in_dim3A_54, %div3A_56 : vector<1x128xf32>
    %sub3A_58 = vector.broadcast %div3A_57 : vector<1x128xf32> to vector<10000x128xf32>
    %sub3A_59 = arith.subf %add3A_51, %sub3A_58 : vector<10000x128xf32>
    %integer_pow3A_60 = arith.mulf %sub3A_59, %sub3A_59 : vector<10000x128xf32>
    %reduce_sum3A_61 = arith.constant dense<0.000000e+00> : vector<128xf32>
    %reduce_sum3A_62 = vector.multi_reduction <add>, %integer_pow3A_60, %reduce_sum3A_61 [0] : vector<10000x128xf32> to vector<128xf32>
    %broadcast_in_dim3A_63 = vector.shape_cast %reduce_sum3A_62 : vector<128xf32> to vector<1x128xf32>
    %div3A_64 = arith.constant 1.000000e+04 : f32
    %div3A_65 = vector.broadcast %div3A_64 : f32 to vector<1x128xf32>
    %div3A_66 = arith.divf %broadcast_in_dim3A_63, %div3A_65 : vector<1x128xf32>
    %sub3A_67 = vector.broadcast %div3A_57 : vector<1x128xf32> to vector<10000x128xf32>
    %sub3A_68 = arith.subf %add3A_51, %sub3A_67 : vector<10000x128xf32>
    %add3A_69 = arith.constant 9.99999974E-6 : f32
    %add3A_70 = vector.broadcast %add3A_69 : f32 to vector<1x128xf32>
    %add3A_71 = arith.addf %div3A_66, %add3A_70 : vector<1x128xf32>
    %rsqrt3A_72 = math.rsqrt %add3A_71 : vector<1x128xf32>
    %mul3A_73 = vector.broadcast %rsqrt3A_72 : vector<1x128xf32> to vector<10000x128xf32>
    %mul3A_74 = arith.mulf %sub3A_68, %mul3A_73 : vector<10000x128xf32>
    %get3A_75 = arith.constant 0 : index
    %get3A_76 = arith.constant 0 : index
    %get3A_77 = vector.load %arg9[%get3A_75, %get3A_76] : memref<1x128xf32, #tpu.memory_space<vmem>>, vector<1x128xf32>
    %mul3A_78 = vector.broadcast %get3A_77 : vector<1x128xf32> to vector<10000x128xf32>
    %mul3A_79 = arith.mulf %mul3A_74, %mul3A_78 : vector<10000x128xf32>
    %get3A_80 = arith.constant 0 : index
    %get3A_81 = arith.constant 0 : index
    %get3A_82 = vector.load %arg10[%get3A_80, %get3A_81] : memref<1x128xf32, #tpu.memory_space<vmem>>, vector<1x128xf32>
    %add3A_83 = vector.broadcast %get3A_82 : vector<1x128xf32> to vector<10000x128xf32>
    %add3A_84 = arith.addf %mul3A_79, %add3A_83 : vector<10000x128xf32>
    %max3A_85 = arith.constant 0.000000e+00 : f32
    %max3A_86 = vector.broadcast %max3A_85 : f32 to vector<10000x128xf32>
    %max3A_87 = arith.maximumf %add3A_84, %max3A_86 : vector<10000x128xf32>
    %iota3A = tpu.iota {dimensions = array<i32: 0>} : vector<128x10000xi32>
    %get3A_88 = arith.constant 0 : index
    %get3A_89 = arith.constant 0 : index
    %get3A_90 = vector.load %arg2[%get3A_88, %get3A_89] : memref<1x10000xi32, #tpu.memory_space<vmem>>, vector<1x10000xi32>
    %eq3A = vector.broadcast %get3A_90 : vector<1x10000xi32> to vector<128x10000xi32>
    %eq3A_91 = arith.cmpi eq, %iota3A, %eq3A : vector<128x10000xi32>
    %convert_element_type3A = arith.extui %eq3A_91 : vector<128x10000xi1> to vector<128x10000xi32>
    %convert_element_type3A_92 = arith.sitofp %convert_element_type3A : vector<128x10000xi32> to vector<128x10000xf32>
    %dot_general3A_93 = arith.constant dense<0.000000e+00> : vector<128x128xf32>
    %dot_general3A_94 = tpu.matmul %convert_element_type3A_92, %max3A_87, %dot_general3A_93 {dimension_numbers = #tpu.dot_dimension_numbers<[1], [0], [0], [1], [0, 0, 1, 1], [], []>, transpose_lhs_hint = false} : vector<128x10000xf32>, vector<10000x128xf32>, vector<128x128xf32> -> vector<128x128xf32>
    %get3A_95 = arith.constant 0 : index
    %get3A_96 = arith.constant 0 : index
    %get3A_97 = vector.load %arg11[%get3A_95, %get3A_96] : memref<128x128xf32, #tpu.memory_space<vmem>>, vector<128x128xf32>
    %get3A_98 = arith.constant 0 : index
    %get3A_99 = arith.constant 0 : index
    %get3A_100 = vector.load %arg14[%get3A_98, %get3A_99] : memref<128x128xf32, #tpu.memory_space<vmem>>, vector<128x128xf32>
    %dot_general3A_101 = arith.constant dense<0.000000e+00> : vector<128x128xf32>
    %dot_general3A_102 = tpu.matmul %get3A_97, %get3A_100, %dot_general3A_101 {dimension_numbers = #tpu.dot_dimension_numbers<[1], [0], [0], [1], [0, 0, 1, 1], [], []>, precision = #tpu.contract_precision<fp32>, transpose_lhs_hint = false} : vector<128x128xf32>, vector<128x128xf32>, vector<128x128xf32> -> vector<128x128xf32>
    %get3A_103 = arith.constant 0 : index
    %get3A_104 = arith.constant 0 : index
    %get3A_105 = vector.load %arg12[%get3A_103, %get3A_104] : memref<128x128xf32, #tpu.memory_space<vmem>>, vector<128x128xf32>
    %get3A_106 = arith.constant 0 : index
    %get3A_107 = arith.constant 0 : index
    %get3A_108 = vector.load %arg15[%get3A_106, %get3A_107] : memref<128x128xf32, #tpu.memory_space<vmem>>, vector<128x128xf32>
    %dot_general3A_109 = arith.constant dense<0.000000e+00> : vector<128x128xf32>
    %dot_general3A_110 = tpu.matmul %get3A_105, %get3A_108, %dot_general3A_109 {dimension_numbers = #tpu.dot_dimension_numbers<[1], [0], [0], [1], [0, 0, 1, 1], [], []>, precision = #tpu.contract_precision<fp32>, transpose_lhs_hint = false} : vector<128x128xf32>, vector<128x128xf32>, vector<128x128xf32> -> vector<128x128xf32>
    %add3A_111 = arith.addf %dot_general3A_102, %dot_general3A_110 : vector<128x128xf32>
    %get3A_112 = arith.constant 0 : index
    %get3A_113 = arith.constant 0 : index
    %get3A_114 = vector.load %arg13[%get3A_112, %get3A_113] : memref<128x128xf32, #tpu.memory_space<vmem>>, vector<128x128xf32>
    %get3A_115 = arith.constant 0 : index
    %get3A_116 = arith.constant 0 : index
    %get3A_117 = vector.load %arg16[%get3A_115, %get3A_116] : memref<128x128xf32, #tpu.memory_space<vmem>>, vector<128x128xf32>
    %dot_general3A_118 = arith.constant dense<0.000000e+00> : vector<128x128xf32>
    %dot_general3A_119 = tpu.matmul %get3A_114, %get3A_117, %dot_general3A_118 {dimension_numbers = #tpu.dot_dimension_numbers<[1], [0], [0], [1], [0, 0, 1, 1], [], []>, precision = #tpu.contract_precision<fp32>, transpose_lhs_hint = false} : vector<128x128xf32>, vector<128x128xf32>, vector<128x128xf32> -> vector<128x128xf32>
    %add3A_120 = arith.addf %add3A_111, %dot_general3A_119 : vector<128x128xf32>
    %get3A_121 = arith.constant 0 : index
    %get3A_122 = arith.constant 0 : index
    %get3A_123 = vector.load %arg17[%get3A_121, %get3A_122] : memref<128x128xf32, #tpu.memory_space<vmem>>, vector<128x128xf32>
    %dot_general3A_124 = arith.constant dense<0.000000e+00> : vector<128x128xf32>
    %dot_general3A_125 = tpu.matmul %dot_general3A_94, %get3A_123, %dot_general3A_124 {dimension_numbers = #tpu.dot_dimension_numbers<[1], [0], [0], [1], [0, 0, 1, 1], [], []>, precision = #tpu.contract_precision<fp32>, transpose_lhs_hint = false} : vector<128x128xf32>, vector<128x128xf32>, vector<128x128xf32> -> vector<128x128xf32>
    %add3A_126 = arith.addf %add3A_120, %dot_general3A_125 : vector<128x128xf32>
    %get3A_127 = arith.constant 0 : index
    %get3A_128 = arith.constant 0 : index
    %get3A_129 = vector.load %arg18[%get3A_127, %get3A_128] : memref<1x128xf32, #tpu.memory_space<vmem>>, vector<1x128xf32>
    %add3A_130 = vector.broadcast %get3A_129 : vector<1x128xf32> to vector<128x128xf32>
    %add3A_131 = arith.addf %add3A_126, %add3A_130 : vector<128x128xf32>
    %max3A_132 = arith.constant 0.000000e+00 : f32
    %max3A_133 = vector.broadcast %max3A_132 : f32 to vector<128x128xf32>
    %max3A_134 = arith.maximumf %add3A_131, %max3A_133 : vector<128x128xf32>
    %get3A_135 = arith.constant 0 : index
    %get3A_136 = arith.constant 0 : index
    %get3A_137 = vector.load %arg19[%get3A_135, %get3A_136] : memref<128x10xf32, #tpu.memory_space<vmem>>, vector<128x10xf32>
    %dot_general3A_138 = arith.constant dense<0.000000e+00> : vector<128x10xf32>
    %dot_general3A_139 = tpu.matmul %max3A_134, %get3A_137, %dot_general3A_138 {dimension_numbers = #tpu.dot_dimension_numbers<[1], [0], [0], [1], [0, 0, 1, 1], [], []>, precision = #tpu.contract_precision<fp32>, transpose_lhs_hint = false} : vector<128x128xf32>, vector<128x10xf32>, vector<128x10xf32> -> vector<128x10xf32>
    %get3A_140 = arith.constant 0 : index
    %get3A_141 = arith.constant 0 : index
    %get3A_142 = vector.load %arg20[%get3A_140, %get3A_141] : memref<1x10xf32, #tpu.memory_space<vmem>>, vector<1x10xf32>
    %add3A_143 = vector.broadcast %get3A_142 : vector<1x10xf32> to vector<128x10xf32>
    %add3A_144 = arith.addf %dot_general3A_139, %add3A_143 : vector<128x10xf32>
    %swap3A = arith.constant 0 : index
    %swap3A_145 = arith.constant 0 : index
    %swap3A_146 = vector.load %arg21[%swap3A, %swap3A_145] : memref<128x10xf32, #tpu.memory_space<vmem>>, vector<128x10xf32>
    tpu.vector_store %arg21[%swap3A, %swap3A_145], %add3A_144 {strides = array<i32>} : memref<128x10xf32, #tpu.memory_space<vmem>>, vector<128x10xf32>,
    return
  }
}

</mosaic_0001>

<sc_bundles>
// kernel: kernel.10.cloned.1.call-start
scs
__scs_entry_jumppad:
0x0: {  	(pc) =	sbr.rel $0x88, $3  }
0x1: {  	(tag) =	ssettag $0x0;
	lr =	simm.s32 $0x1  }
0x2: {  	[smem:$0x3F7A] =	sst lr;
	_ =	strace $0xD0000000  }
0x3: {  	_ = 	snop  }
0x4: {  	_ = 	snop  }
0x5: {  	_ = 	snop  }
0x6: {  	_ = 	snop  }
0x7: {  	_ = 	snop  }
__scs_overlays_trampoline_lowered:
0x8: {  	[smem:$0x3F89] =	sst s0  }
0x9: {  	[smem:$0x3F8A] =	sst s1  }
0xa: {  	[smem:$0x3F8B] =	sst s2  }
0xb: {  	[smem:$0x3F8C] =	sst s3  }
0xc: {  	[smem:$0x3F8D] =	sst s4  }
0xd: {  	[smem:$0x3F8E] =	sst s5  }
0xe: {  	[smem:$0x3F8F] =	sst s6  }
0xf: {  	[smem:$0x3F90] =	sst s7  }
0x10: {  	[smem:$0x3F91] =	sst s8  }
0x11: {  	[smem:$0x3F92] =	sst s9;
	s0 =	simm.s32 @!p0 $0x0  }
0x12: {  	s1 =	sld [smem:$0x3F78];
	s0 =	simm.s32 @p0 $0x1  }
0x13: {  	[smem:$0x3F93] =	sst s0;
	s0 =	simm.s32 @!p1 $0x0  }
0x14: {  	s2 =	sld [smem:$0x3F77];
	s0 =	simm.s32 @p1 $0x1  }
0x15: {  	[smem:$0x3F94] =	sst s0;
	s0 =	simm.s32 @!p2 $0x0  }
0x16: {  	s3 =	sld [smem:$0x3FDB];
	s0 =	simm.s32 @p2 $0x1  }
0x17: {  	s4 =	simm.s32 $0x1BF5;
	[smem:$0x3F96] =	sst s0  }
0x18: {  	s0 =	sld [smem:$0x3F79];
	_ =	swait.ge [sflag:s4], $0x0  }
0x19: {  	s7 =	sld [smem:$0x3F7A]  }
0x1a: {  	s8 =	sadd.s32 $0xFFFFE003, lr  }
0x1b: {  	s9 =	sadd.s32 $0xFFFFFEF7, lr;
	s5 =	simm.s32 $0xFFFFFFFF;
	p2 =	slt.u32 s8, $0xFFFFF086  }
0x1c: {  	p1 =	slt.u32 s9, $0xF7A;
	s5 =	simm.s32 @!p2 $0x0  }
0x1d: {  	s5 =	simm.s32 @p1 $0x1;
	p0 =	seq.s32 s7, s2  }
0x1e: {  	s7 =	smul.u32 @!p0 $0xF7A, s2;
	p2 =	seq.s32 @!p0 s5, $0x0  }
0x1f: {  	s9 =	smul.u32 $0xF7A, s1;
	s8 =	simm.s32 @!p0 $0x1BF5;
	p2 =	por !p2, p0  }
0x20: {  	[sflag:s8] =	ssyncset.s32 @!p0 $0xFFFFF086;
	s6 =	sadd.s32 @!p0 s3, s7;
	s7 =	simm.s32 @!p0 $0x108  }
0x21: {  	s3 =	sadd.s32 s3, s9;
	s6 =	sadd.s32 @!p0 $0x88, s6;
	s7 =	simm.s32 @p2 $0x1082  }
0x22: {  	[simem:s7], [sflag:s8] =	dma.local @!p0 [hbm:s6], $0xF7A  }
0x23: {  	s9 =	sor.u32 $0xD0000000, s2;
	s6 =	simm.s32 $0x108;
	_ =	swait.ge @!p0 [sflag:s8], $0x0  }
0x24: {  	s3 =	sadd.s32 $0x88, s3;
	s6 =	simm.s32 @!p1 $0x1082;
	[sflag:s4] =	ssyncset.s32 $0xFFFFF086  }
0x25: {  	[simem:s6], [sflag:s4] =	dma.local [hbm:s3], $0xF7A  }
0x26: {  	[smem:$0x3F7A] =	sst s1;
	(tag) =	ssettag s2;
	_ =	strace s9  }
0x27: {  	s1 =	sld [smem:$0x3F8A]  }
0x28: {  	s2 =	sld [smem:$0x3F8B]  }
0x29: {  	s4 =	sld [smem:$0x3F8D]  }
0x2a: {  	p0 =	seq.s32 s5, $0x0;
	s5 =	sld [smem:$0x3F8E]  }
0x2b: {  	s6 =	sld [smem:$0x3F8F]  }
0x2c: {  	s7 =	sld [smem:$0x3F90]  }
0x2d: {  	s3 =	simm.s32 $0x108;
	s8 =	sld [smem:$0x3F91]  }
0x2e: {  	s3 =	simm.s32 @!p0 $0x1082;
	s9 =	sld [smem:$0x3F92]  }
0x2f: {  	lr =	sadd.s32 s0, s3;
	s0 =	sld [smem:$0x3F89]  }
0x30: {  	s3 =	sld [smem:$0x3F8C]  }
0x31: {  	[smem:$0x3F95] =	sst s10  }
0x32: {  	s10 =	sld [smem:$0x3F93];
	_ =	sdelay $0x3  }
0x33: {  	p0 =	seq.s32 s10, $0x1;
	s10 =	sld [smem:$0x3F95];
	_ =	sdelay $0x3  }
0x34: {  	[smem:$0x3F95] =	sst s10  }
0x35: {  	s10 =	sld [smem:$0x3F94];
	_ =	sdelay $0x3  }
0x36: {  	p1 =	seq.s32 s10, $0x1;
	s10 =	sld [smem:$0x3F95];
	_ =	sdelay $0x3  }
0x37: {  	[smem:$0x3F95] =	sst s10  }
0x38: {  	s10 =	sld [smem:$0x3F96]  }
0x39: {  	_ = 	snop;
	(pc) =	sbr.ind lr, $3  }
0x3a: {  	_ = 	snop  }
0x3b: {  	_ = 	snop  }
0x3c: {  	p2 =	seq.s32 s10, $0x1;
	s10 =	sld [smem:$0x3F95]  }
0x3d: {  	_ =	shalt  }
0x3e: {  	_ =	shalt  }
0x3f: {  	_ =	shalt  }
0x40: {  	_ =	shalt  }
0x41: {  	_ =	shalt  }
0x42: {  	_ =	shalt  }
0x43: {  	_ =	shalt  }
0x44: {  	_ =	shalt  }
0x45: {  	_ =	shalt  }
0x46: {  	_ =	shalt  }
0x47: {  	_ =	shalt  }
0x48: {  	_ =	shalt  }
0x49: {  	_ =	shalt  }
0x4a: {  	_ =	shalt  }
0x4b: {  	_ =	shalt  }
0x4c: {  	_ =	shalt  }
0x4d: {  	_ =	shalt  }
0x4e: {  	_ =	shalt  }
0x4f: {  	_ =	shalt  }
0x50: {  	_ =	shalt  }
0x51: {  	_ =	shalt  }
0x52: {  	_ =	shalt  }
0x53: {  	_ =	shalt  }
0x54: {  	_ =	shalt  }
0x55: {  	_ =	shalt  }
0x56: {  	_ =	shalt  }
0x57: {  	_ =	shalt  }
0x58: {  	_ =	shalt  }
0x59: {  	_ =	shalt  }
0x5a: {  	_ =	shalt  }
0x5b: {  	_ =	shalt  }
0x5c: {  	_ =	shalt  }
0x5d: {  	_ =	shalt  }
0x5e: {  	_ =	shalt  }
0x5f: {  	_ =	shalt  }
0x60: {  	_ =	shalt  }
0x61: {  	_ =	shalt  }
0x62: {  	_ =	shalt  }
0x63: {  	_ =	shalt  }
0x64: {  	_ =	shalt  }
0x65: {  	_ =	shalt  }
0x66: {  	_ =	shalt  }
0x67: {  	_ =	shalt  }
0x68: {  	_ =	shalt  }
0x69: {  	_ =	shalt  }
0x6a: {  	_ =	shalt  }
0x6b: {  	_ =	shalt  }
0x6c: {  	_ =	shalt  }
0x6d: {  	_ =	shalt  }
0x6e: {  	_ =	shalt  }
0x6f: {  	_ =	shalt  }
0x70: {  	_ =	shalt  }
0x71: {  	_ =	shalt  }
0x72: {  	_ =	shalt  }
0x73: {  	_ =	shalt  }
0x74: {  	_ =	shalt  }
0x75: {  	_ =	shalt  }
0x76: {  	_ =	shalt  }
0x77: {  	_ =	shalt  }
0x78: {  	_ =	shalt  }
0x79: {  	_ =	shalt  }
0x7a: {  	_ =	shalt  }
0x7b: {  	_ =	shalt  }
0x7c: {  	_ =	shalt  }
0x7d: {  	_ =	shalt  }
0x7e: {  	_ =	shalt  }
0x7f: {  	_ =	shalt  }
0x80: {  	_ =	shalt  }
0x81: {  	_ =	shalt  }
0x82: {  	_ =	shalt  }
0x83: {  	_ =	shalt  }
0x84: {  	_ =	shalt  }
0x85: {  	_ =	shalt  }
0x86: {  	_ =	shalt  }
0x87: {  	_ =	shalt  }
.Lfunc_end0:
.L_simem_size_0:
called_computation_lowered:
.L_overlay_start_0:
0x88: {  	s2 =	sld [smem:$0x3FD9]  }
0x89: {  	s3 =	sld [smem:$0x3FFE];
	_ =	sdelay $0x1  }
0x8a: {  	s1 =	srdreg.scid  }
0x8b: {  	s0 =	sand.u32 $0x1, s1  }
0x8c: {  	s17 =	sshll.u32 s0, $0xA;
	s2 =	sadd.s32 s3, s2  }
0x8d: {  	s2 =	sadd.s32 s2, s17  }
0x8e: {  	[smem:$0x3FA1] =	sst s2  }
0x8f: {  	_ = 	snop  }
0x90: {  	s2 =	sld [smem:$0x3FC9];
	(tm) =	ssettm $0x1  }
0x91: {  	s18 =	sld [smem:$0x3FFB];
	_ =	sdelay $0x3  }
0x92: {  	_ =	strace s18  }
0x93: {  	s3 =	sld [smem:$0x3FFC];
	_ =	sdelay $0x3  }
0x94: {  	_ =	strace s3  }
0x95: {  	s3 =	sld [smem:$0x3FFD];
	_ =	sdelay $0x3  }
0x96: {  	_ =	strace s3  }
0x97: {  	_ =	strace $0x8FFFFFFF  }
0x98: {  	s19 =	sld [smem:$0x3FDB];
	_ =	sdelay $0x1  }
0x99: {  	s4 =	simm.s32 $_scs_section_size  }
0x9a: {  	s5 =	simm.s32 $_size__tile_overlayer_lowered;
	s6 =	simm.s32 $_tile_overlayer_lowered  }
0x9b: {  	s22 =	simm.s32 $0x1BFF;
	s21 =	sshll.u32 s6, $0x1;
	s3 =	sadd.s32 s4, s19  }
0x9c: {  	s7 =	simm.s32 $0x0;
	s20 =	sshll.u32 s5, $0x1;
	s5 =	sadd.s32 s21, s3  }
0x9d: {  	[timem:s7], [sflag:s22] =	dma.local [hbm:s5], s20  }
0x9e: {  	_ =	swait.ge [sflag:s22], s20  }
0x9f: {  	s4 =	ssub.s32 $0x0, s20;
	[sflag:s22] =	ssyncset.done $0x0  }
0xa0: {  	[sflag:s22] =	ssyncadd.s32 s4;
	_ =	sdelay $0x1  }
0xa1: {  	s23 =	simm.s32 $0x1B8B  }
0xa2: {  	_ =	swait.ge [sflag:s23], $0x1  }
0xa3: {  	[sflag:s23] =	ssyncset.done $0x0  }
0xa4: {  	s25 =	simm.s32 $0x1B8E;
	s24 =	sld [smem:$0x3FFE];
	[sflag:s23] =	ssyncadd.s32 $0xFFFFFFFF  }
0xa5: {  	s26 =	simm.s32 $execute0_lowered;
	[smem:$0x3FD2] =	sst s25  }
0xa6: {  	s5 =	sshll.u32 s26, $0x1;
	_ =	strace $0x80000046;
	[dreg:$0x1] =	wrdreg $0xFFFFFFFF  }
0xa7: {  	s28 =	simm.s32 $_size_execute0_lowered;
	s3 =	sadd.s32 s3, s5;
	[dreg:$0x0] =	wrdreg $0x0  }
0xa8: {  	s5 =	sshll.u32 s28, $0x1;
	[dreg:$0x2] =	wrdreg s3  }
0xa9: {  	[dreg:$0x3] =	wrdreg s5  }
0xaa: {  	[dreg:$0x4] =	wrdreg $0xC0  }
0xab: {  	_ =	task [dreg:s7], $0x5FFFF  }
0xac: {  	[dreg:$0x1] =	wrdreg $0xFFFFFFFF  }
0xad: {  	[dreg:$0x0] =	wrdreg $0x60  }
0xae: {  	[dreg:$0x2] =	wrdreg s2  }
0xaf: {  	[dreg:$0x3] =	wrdreg s24  }
0xb0: {  	[dreg:$0x4] =	wrdreg $0x84000  }
0xb1: {  	[dreg:$0x5] =	wrdreg $0x9  }
0xb2: {  	_ =	task.clear_ibuf [dreg:s7], $0x6FFFF;
	_ =	strace $0x90000046  }
0xb3: {  	s29 =	simm.s32 $0x9;
	_ =	strace $0x80000048  }
0xb4: {  	_ =	swait.ge [sflag:s29], $0x1  }
0xb5: {  	[sflag:s29] =	ssyncadd.s32 $0xFFFFFFFF  }
0xb6: {  	_ =	strace $0x90000048  }
0xb7: {  	_ =	sfence  }
0xb8: {  	s30 =	sld [smem:$0x0];
	_ =	sdelay $0x2  }
0xb9: {  	s31 =	sshll.u32 s1, $0xD;
	s1 =	sshrl.u32 s1, $0x2  }
0xba: {  	s3 =	sand.u32 $0x4000, s31;
	s1 =	sadd.s32 s1, s30  }
0xbb: {  	s0 =	sor.u32 s3, s0;
	s1 =	sshll.u32 s1, $0x11  }
0xbc: {  	s0 =	sor.u32 s1, s0  }
0xbd: {  	s0 =	sadd.s32 $0x8F2B, s0  }
0xbe: {  	[sflag:s0] =	ssyncadd.remote.s32 $0x1  }
0xbf: {  	_ =	sfence.sel $0xFFFF  }
0xc0: {  	[dreg:$0x0] =	wrdreg $0xFFFFFFFF;
	(pc) =	sbr.abs _section_cstart, $3  }
0xc1: {  	[dreg:$0x1] =	wrdreg $0xFFFFFFFF  }
0xc2: {  	_ =	task.clear_ibuf [dreg:s7], $0x2FFFF;
	_ =	strace $0x9FFFFFFF  }
0xc3: {  	(tm) =	ssettm $0x7FFFFFFF  }
tec
execute0_lowered:
.L_overlay_start_1:
0x0: {  	(tag) =	ssettag $0x1  }
0x1: {  	s1 =	rddreg [dreg:$0x0]  }
0x2: {  	s0 =	rddreg [dreg:$0x1]  }
0x3: {  	s2 =	rddreg [dreg:$0x2]  }
0x4: {  	s3 =	srdreg.scid;
	s14 =	stileid.u32;
	s28 =	simm.s32 $0x100  }
0x5: {  	s29 =	simm.s32 $0x300;
	s30 =	simm.s32 $0x180;
	s31 =	simm.s32 $0x380  }
0x6: {  	s4 =	sand.u32 $0x1, s3;
	s3 =	simm.s32 $0x0;
	s16 =	smul.u32 $0x4E000, s14  }
0x7: {  	s7 =	sadd.s32 $0x10800, s0;
	s15 =	sadd.s32 $0x1A800, s0;
	s19 =	smul.u32 $0x13800, s14  }
0x8: {  	s23 =	sadd.s32 $0x138000, s2;
	p2 =	seq.s32 s14, $0x0;
	p0 =	sne.s32 s14, $0x0  }
0x9: {  	s5 =	sshll.u32 s4, $0x4;
	[smem:$0x7FF] =	sst s3;
	s8 =	ssub.s32 $0x2, s4  }
0xa: {  	s18 =	smul.u32 $0x138800, s4;
	p1 =	sne.s32 s4, $0x0;
	s6 =	sor.u32 s14, s5  }
0xb: {  	_ =	strace $0x80000047;
	s9 =	sshrl.u32 s8, $0x1;
	s6 =	smul.u32 $0x2800, s6  }
0xc: {  	s5 =	sadd.s32 $0x6800, s0;
	[dreg:$0x4] =	wrdreg s15;
	s8 =	ssub.s32 s8, s9  }
0xd: {  	[dreg:$0xf] =	wrdreg s23;
	s26 =	smax.u32 s8, $0x1;
	s10 =	sshrl.u32 s6, $0x3  }
0xe: {  	s0 =	sadd.s32 $0x41A00, s0;
	[dreg:$0x13] =	wrdreg s26;
	s11 =	sadd.s32 s5, s10  }
0xf: {  	s12 =	sor.u32 $0x10, s10;
	[dreg:$0x5] =	wrdreg s11;
	s11 =	sadd.s32 s7, s10  }
0x10: {  	s22 =	sadd.s32 s19, s18;
	s13 =	sadd.s32 s5, s12;
	[dreg:$0x6] =	wrdreg s11  }
0x11: {  	s17 =	sor.u32 $0x20, s10;
	s9 =	sadd.s32 s7, s12;
	[dreg:$0x7] =	wrdreg s13  }
0x12: {  	s8 =	simm.s32 $0x7D;
	[dreg:$0x8] =	wrdreg s9;
	s13 =	sadd.s32 s5, s17  }
0x13: {  	s10 =	sor.u32 $0x30, s10;
	s9 =	sadd.s32 s7, s17;
	[dreg:$0x9] =	wrdreg s13  }
0x14: {  	s11 =	sshrl.u32 s16, $0x2;
	s16 =	sadd.s32 s5, s10;
	[dreg:$0xa] =	wrdreg s9  }
0x15: {  	s12 =	smul.u32 $0x2700, s14;
	s10 =	sadd.s32 s7, s10;
	[dreg:$0xb] =	wrdreg s16  }
0x16: {  	s26 =	simm.s32 $0x280;
	s14 =	simm.s32 $0x8;
	[dreg:$0xc] =	wrdreg s10  }
0x17: {  	s20 =	sadd.s32 s11, s2;
	s21 =	sadd.s32 s15, s12;
	s9 =	sshrl.u32 s18, $0x3  }
0x18: {  	s10 =	sshrl.u32 s22, $0x3;
	s24 =	sadd.s32 s1, s12;
	s18 =	simm.s32 $0x400  }
0x19: {  	s11 =	simm.s32 $0x7;
	s12 =	simm.s32 $0x6;
	s13 =	simm.s32 $0x3  }
0x1a: {  	s15 =	simm.s32 $0x4;
	s16 =	simm.s32 $0x0;
	[dreg:$0xd] =	wrdreg s20  }
.Ltmp0:
0x1b: {  	[dreg:$0xe] =	wrdreg s21;
	s9 =	sadd.s32 s0, s9;
	(pc) =	sbr.rel .LBB2_1-.Ltmp0, $4  }
0x1c: {  	[dreg:$0x10] =	wrdreg s24;
	s0 =	sadd.s32 s0, s10;
	s24 =	simm.s32 $0x200  }
0x1d: {  	s21 =	simm.s32 $0x9;
	s20 =	simm.s32 $0x5;
	s10 =	simm.s32 $0x4400  }
0x1e: {  	[dreg:$0x11] =	wrdreg s0;
	s25 =	sadd.s32 $0x27000, s9;
	s0 =	simm.s32 $0x1  }
0x1f: {  	s9 =	simm.s32 $0x2;
	[dreg:$0x12] =	wrdreg s25;
	s25 =	simm.s32 $0x80  }
.LBB2_8:
0x20: {  	_ =	swait.ge [sflag:s12], $0x3E80  }
0x21: {  	[sflag:s12] =	ssyncset.done $0x0  }
0x22: {  	[sflag:s12] =	ssyncadd.s32 $0xFFFFC180  }
0x23: {  	[spmem:s2] =	stream.indirect.scatter.add.f32 [tilespmem:s10], [sflag:$0x8], $0x80, s31, s8, $0xb8;
	[tilespmem:$0x1BC80] =	vst v63  }
0x24: {  	_ =	swait.ge [sflag:s14], $0x3E80  }
0x25: {  	[sflag:s14] =	ssyncset.done $0x0  }
0x26: {  	[sflag:s14] =	ssyncadd.s32 $0xFFFFC180  }
0x27: {  	[bflag:$0x0] =	sbarrier.arrive $0xFFFF  }
0x28: {  	s22 =	rddreg [dreg:$0x11]  }
0x29: {  	s4 =	sor.u32 $0x1C09, s17;
	s21 =	simm.s32 $0x9;
	s19 =	rddreg [dreg:$0x14]  }
0x2a: {  	[hbm:s22], [sflag:s4] =	dma.local [spmem:s19], $0x2700  }
0x2b: {  	_ =	swait.ge [sflag:s21], $0x2700  }
0x2c: {  	[sflag:s21] =	ssyncset.done $0x0;
	s17 =	rddreg [dreg:$0xf]  }
0x2d: {  	s19 =	rddreg [dreg:$0x12];
	[sflag:s21] =	ssyncadd.s32 $0xFFFFD900;
	s17 =	sshrl.u32 @!p0 s17, $0x3  }
0x2e: {  	[hbm:s19], [sflag:s4] =	dma.local @!p0 [spmem:s17], $0x100  }
0x2f: {  	s4 =	simm.s32 @!p0 $0x9  }
0x30: {  	_ =	swait.ge @!p0 [sflag:s4], $0x100  }
0x31: {  	s16 =	sadd.s32 $0x1, s16;
	s23 =	rddreg [dreg:$0x13]  }
0x32: {  	p3 =	sne.s32 s16, s23  }
.Ltmp1:
0x33: {  	_ = 	snop;
	(pc) =	sbr.rel @!p3 .LBB2_9-.Ltmp1, $3  }
0x34: {  	_ =	sdelay $0x1  }
0x35: {  	[sflag:s4] =	ssyncset.done @!p0 $0x0  }
0x36: {  	[sflag:s4] =	ssyncadd.s32 @!p0 $0xFFFFFF00  }
.LBB2_1:
0x37: {  	s4 =	rddreg [dreg:$0x5]  }
0x38: {  	[tilespmem:s3], [sflag:$0x1] =	stream.linear.gather [hbm4b:s4+s3], $0x80, $0x38;
	[tilespmem:$0x1BC80] =	vst v63  }
0x39: {  	s23 =	rddreg [dreg:$0x6]  }
0x3a: {  	[tilespmem:s24], [sflag:$0x1] =	stream.linear.gather [hbm4b:s23+s3], $0x80, $0x38;
	[tilespmem:$0x1BC80] =	vst v63  }
0x3b: {  	s17 =	rddreg [dreg:$0x7]  }
0x3c: {  	[tilespmem:s25], [sflag:$0x2] =	stream.linear.gather [hbm4b:s17+s3], $0x80, $0x38;
	[tilespmem:$0x1BC80] =	vst v63  }
0x3d: {  	s19 =	rddreg [dreg:$0x8]  }
0x3e: {  	[tilespmem:s26], [sflag:$0x2] =	stream.linear.gather [hbm4b:s19+s3], $0x80, $0x38;
	[tilespmem:$0x1BC80] =	vst v63  }
0x3f: {  	s22 =	rddreg [dreg:$0x9]  }
0x40: {  	[tilespmem:s28], [sflag:$0x3] =	stream.linear.gather [hbm4b:s22+s3], $0x80, $0x38;
	[tilespmem:$0x1BC80] =	vst v63  }
0x41: {  	s23 =	rddreg [dreg:$0xa]  }
0x42: {  	[tilespmem:s29], [sflag:$0x3] =	stream.linear.gather [hbm4b:s23+s3], $0x80, $0x38;
	[tilespmem:$0x1BC80] =	vst v63  }
0x43: {  	s17 =	rddreg [dreg:$0xb]  }
0x44: {  	[tilespmem:s30], [sflag:$0x4] =	stream.linear.gather [hbm4b:s17+s3], $0x80, $0x38;
	[tilespmem:$0x1BC80] =	vst v63  }
0x45: {  	s19 =	rddreg [dreg:$0xc]  }
0x46: {  	[tilespmem:s31], [sflag:$0x4] =	stream.linear.gather [hbm4b:s19+s3], $0x80, $0x38;
	[tilespmem:$0x1BC80] =	vst v63  }
0x47: {  	_ =	swait.ge [sflag:s0], $0x80  }
0x48: {  	[sflag:s0] =	ssyncset.done $0x0  }
0x49: {  	[sflag:s0] =	ssyncadd.s32 $0xFFFFFF80  }
.Ltmp2:
0x4a: {  	_ =	swait.ge [sflag:s0], $0x80;
	(pc) =	sbr.rel @p1 .LBB2_3-.Ltmp2, $4  }
0x4b: {  	s22 =	stileid.u32;
	[sflag:s0] =	ssyncset.done $0x0;
	s23 =	rddreg [dreg:$0xd]  }
0x4c: {  	s17 =	sshll.u32 s22, $0x6;
	[sflag:s0] =	ssyncadd.s32 $0xFFFFFF80;
	s19 =	sshrl.u32 s23, $0x3  }
0x4d: {  	[tilespmem:s18], [sflag:$0x5] =	stream.indirect.gather [hbm4b:s1+s8], $0x80, s3, s8, $0xb8;
	[tilespmem:$0x1BC80] =	vst v63  }
0x4e: {  	s22 =	sor.u32 $0x1C09, s17;
	[dreg:$0x14] =	wrdreg s19  }
0x4f: {  	s22 =	sor.u32 $0x1C09, s17;
	s4 =	rddreg [dreg:$0x10]  }
0x50: {  	[spmem:s19], [sflag:s22] =	dma.local [hbm:s4], $0x2700  }
.Ltmp3:
0x51: {  	_ = 	snop;
	(pc) =	sbr.rel @!p2 .LBB2_5-.Ltmp3, $4  }
.Ltmp4:
0x52: {  	_ = 	snop;
	(pc) =	sbr.rel @p2 .LBB2_4-.Ltmp4, $4  }
0x53: {  	_ =	swait.ge [sflag:s21], $0x2700  }
0x54: {  	[sflag:s21] =	ssyncset.done $0x0  }
0x55: {  	s23 =	smov.u32 s1;
	[sflag:s21] =	ssyncadd.s32 $0xFFFFD900  }
0x56: {  	_ = 	snop  }
.LBB2_3:
.Ltmp5:
0x57: {  	s4 =	rddreg [dreg:$0xe];
	(pc) =	sbr.rel @p0 .LBB2_5-.Ltmp5, $4  }
0x58: {  	[spmem:s19], [sflag:s22] =	dma.local [hbm:s4], $0x2700  }
0x59: {  	_ =	swait.ge [sflag:s21], $0x2700  }
0x5a: {  	[sflag:s21] =	ssyncset.done $0x0  }
0x5b: {  	s23 =	rddreg [dreg:$0x4];
	[sflag:s21] =	ssyncadd.s32 $0xFFFFD900  }
.LBB2_4:
0x5c: {  	s4 =	rddreg [dreg:$0xf]  }
0x5d: {  	s23 =	sadd.s32 $0x27000, s23;
	s19 =	sshrl.u32 s4, $0x3  }
0x5e: {  	[spmem:s19], [sflag:s22] =	dma.local [hbm:s23], $0x100  }
0x5f: {  	_ =	swait.ge [sflag:s21], $0x100  }
0x60: {  	[sflag:s21] =	ssyncset.done $0x0  }
0x61: {  	[sflag:s21] =	ssyncadd.s32 $0xFFFFFF00  }
.LBB2_5:
0x62: {  	[bflag:$0x0] =	sbarrier.arrive $0xFFFF;
	s22 =	simm.s32 $0x380  }
.LBB2_6:
0x63: {  	_ =	swait.ge [sflag:s20], $0x3E80  }
0x64: {  	[sflag:s20] =	ssyncset.done $0x0  }
0x65: {  	[sflag:s20] =	ssyncadd.s32 $0xFFFFC180  }
0x66: {  	[spmem:s2] =	stream.indirect.scatter.add.f32 [tilespmem:s18], [sflag:$0x7], $0x80, s24, s8, $0xb8;
	[tilespmem:$0x1BC80] =	vst v63  }
0x67: {  	_ =	swait.ge [sflag:s9], $0x80  }
0x68: {  	[sflag:s9] =	ssyncset.done $0x0  }
0x69: {  	p3 =	seq.s32 s22, $0x2980;
	[sflag:s9] =	ssyncadd.s32 $0xFFFFFF80  }
0x6a: {  	s19 =	sadd.s32 @!p3 $0xFFFFFE80, s22;
	_ =	swait.ge [sflag:s9], $0x80  }
0x6b: {  	s23 =	sand.u32 @!p3 $0x7C00, s19;
	[sflag:s9] =	ssyncset.done $0x0  }
0x6c: {  	s19 =	sand.u32 @!p3 $0x200, s19;
	s23 =	sadd.s32 @!p3 s6, s23;
	[sflag:s9] =	ssyncadd.s32 $0xFFFFFF80  }
0x6d: {  	[tilespmem:s10], [sflag:$0x6] =	stream.indirect.gather [hbm4b:s1+s8], $0x80, s25, s8, $0xb8;
	[tilespmem:$0x1BC80] =	vst v63  }
0x6e: {  	s19 =	sor.u32 @!p3 s19, s23;
	_ =	swait.ge [sflag:s11], $0x3E80  }
0x6f: {  	s19 =	sshrl.u32 @!p3 s19, $0x3;
	[sflag:s11] =	ssyncset.done $0x0  }
0x70: {  	s4 =	simm.s32 @!p3 $0x0;
	s23 =	sadd.s32 @!p3 s5, s19;
	[sflag:s11] =	ssyncadd.s32 $0xFFFFC180  }
0x71: {  	[tilespmem:s4], [sflag:$0x1] =	stream.linear.gather @!p3 [hbm4b:s23+s4], $0x80, $0x38;
	[tilespmem:$0x1BC80] =	vst v63  }
0x72: {  	s19 =	sadd.s32 @!p3 s7, s19;
	s23 =	simm.s32 @!p3 $0x200  }
0x73: {  	[tilespmem:s23], [sflag:$0x1] =	stream.linear.gather @!p3 [hbm4b:s19+s4], $0x80, $0x38;
	[tilespmem:$0x1BC80] =	vst v63  }
0x74: {  	_ =	swait.ge [sflag:s12], $0x3E80  }
0x75: {  	[sflag:s12] =	ssyncset.done $0x0  }
0x76: {  	[sflag:s12] =	ssyncadd.s32 $0xFFFFC180  }
0x77: {  	[spmem:s2] =	stream.indirect.scatter.add.f32 [tilespmem:s10], [sflag:$0x8], $0x80, s26, s8, $0xb8;
	[tilespmem:$0x1BC80] =	vst v63  }
0x78: {  	_ =	swait.ge [sflag:s13], $0x80  }
0x79: {  	[sflag:s13] =	ssyncset.done $0x0  }
0x7a: {  	[sflag:s13] =	ssyncadd.s32 $0xFFFFFF80  }
0x7b: {  	s19 =	sadd.s32 @!p3 $0xFFFFFF00, s22;
	_ =	swait.ge [sflag:s13], $0x80  }
0x7c: {  	s23 =	sand.u32 @!p3 $0x7C00, s19;
	[sflag:s13] =	ssyncset.done $0x0  }
0x7d: {  	s19 =	sand.u32 @!p3 $0x280, s19;
	s23 =	sadd.s32 @!p3 s6, s23;
	[sflag:s13] =	ssyncadd.s32 $0xFFFFFF80  }
0x7e: {  	[tilespmem:s18], [sflag:$0x5] =	stream.indirect.gather [hbm4b:s1+s8], $0x80, s28, s8, $0xb8;
	[tilespmem:$0x1BC80] =	vst v63  }
0x7f: {  	s19 =	sor.u32 @!p3 s19, s23;
	_ =	swait.ge [sflag:s14], $0x3E80  }
0x80: {  	s19 =	sshrl.u32 @!p3 s19, $0x3;
	[sflag:s14] =	ssyncset.done $0x0  }
0x81: {  	s21 =	simm.s32 @!p3 $0x80;
	s23 =	sadd.s32 @!p3 s5, s19;
	[sflag:s14] =	ssyncadd.s32 $0xFFFFC180  }
0x82: {  	[tilespmem:s21], [sflag:$0x2] =	stream.linear.gather @!p3 [hbm4b:s23+s4], $0x80, $0x38;
	[tilespmem:$0x1BC80] =	vst v63  }
0x83: {  	s19 =	sadd.s32 @!p3 s7, s19;
	s21 =	simm.s32 @!p3 $0x280  }
0x84: {  	[tilespmem:s21], [sflag:$0x2] =	stream.linear.gather @!p3 [hbm4b:s19+s4], $0x80, $0x38;
	[tilespmem:$0x1BC80] =	vst v63  }
0x85: {  	_ =	swait.ge [sflag:s20], $0x3E80  }
0x86: {  	[sflag:s20] =	ssyncset.done $0x0  }
0x87: {  	[sflag:s20] =	ssyncadd.s32 $0xFFFFC180  }
0x88: {  	[spmem:s2] =	stream.indirect.scatter.add.f32 [tilespmem:s18], [sflag:$0x7], $0x80, s29, s8, $0xb8;
	[tilespmem:$0x1BC80] =	vst v63  }
0x89: {  	_ =	swait.ge [sflag:s15], $0x80  }
0x8a: {  	[sflag:s15] =	ssyncset.done $0x0  }
0x8b: {  	[sflag:s15] =	ssyncadd.s32 $0xFFFFFF80  }
0x8c: {  	_ =	swait.ge [sflag:s15], $0x80  }
0x8d: {  	[sflag:s15] =	ssyncset.done $0x0  }
.Ltmp6:
0x8e: {  	[sflag:s15] =	ssyncadd.s32 $0xFFFFFF80;
	(pc) =	sbr.rel @p3 .LBB2_8-.Ltmp6, $4  }
0x8f: {  	[tilespmem:s10], [sflag:$0x6] =	stream.indirect.gather [hbm4b:s1+s8], $0x80, s30, s8, $0xb8;
	[tilespmem:$0x1BC80] =	vst v63  }
0x90: {  	_ =	swait.ge [sflag:s11], $0x3E80  }
0x91: {  	[sflag:s11] =	ssyncset.done $0x0  }
0x92: {  	[sflag:s11] =	ssyncadd.s32 $0xFFFFC180  }
0x93: {  	s4 =	sadd.s32 $0xFFFFFF80, s22  }
0x94: {  	s19 =	sand.u32 $0x7C00, s4  }
0x95: {  	s4 =	sand.u32 $0x300, s4;
	s19 =	sadd.s32 s6, s19  }
0x96: {  	s4 =	sor.u32 s4, s19  }
0x97: {  	s4 =	sshrl.u32 s4, $0x3  }
0x98: {  	s23 =	sadd.s32 s5, s4  }
0x99: {  	[tilespmem:s28], [sflag:$0x3] =	stream.linear.gather [hbm4b:s23+s3], $0x80, $0x38;
	[tilespmem:$0x1BC80] =	vst v63  }
0x9a: {  	s4 =	sadd.s32 s7, s4  }
0x9b: {  	[tilespmem:s29], [sflag:$0x3] =	stream.linear.gather [hbm4b:s4+s3], $0x80, $0x38;
	[tilespmem:$0x1BC80] =	vst v63  }
0x9c: {  	_ =	swait.ge [sflag:s12], $0x3E80  }
0x9d: {  	[sflag:s12] =	ssyncset.done $0x0  }
0x9e: {  	[sflag:s12] =	ssyncadd.s32 $0xFFFFC180  }
0x9f: {  	[spmem:s2] =	stream.indirect.scatter.add.f32 [tilespmem:s10], [sflag:$0x8], $0x80, s31, s8, $0xb8;
	[tilespmem:$0x1BC80] =	vst v63  }
0xa0: {  	_ =	swait.ge [sflag:s0], $0x80  }
0xa1: {  	[sflag:s0] =	ssyncset.done $0x0  }
0xa2: {  	[sflag:s0] =	ssyncadd.s32 $0xFFFFFF80  }
0xa3: {  	_ =	swait.ge [sflag:s0], $0x80  }
0xa4: {  	s19 =	sand.u32 $0x7C00, s22;
	[sflag:s0] =	ssyncset.done $0x0  }
0xa5: {  	s21 =	sand.u32 $0x380, s22;
	s4 =	sadd.s32 s6, s19;
	[sflag:s0] =	ssyncadd.s32 $0xFFFFFF80  }
0xa6: {  	[tilespmem:s18], [sflag:$0x5] =	stream.indirect.gather [hbm4b:s1+s8], $0x80, s3, s8, $0xb8;
	[tilespmem:$0x1BC80] =	vst v63  }
0xa7: {  	s4 =	sor.u32 s21, s4;
	_ =	swait.ge [sflag:s14], $0x3E80  }
.Ltmp7:
0xa8: {  	s4 =	sshrl.u32 s4, $0x3;
	[sflag:s14] =	ssyncset.done $0x0;
	(pc) =	sbr.rel .LBB2_6-.Ltmp7, $4  }
0xa9: {  	s23 =	sadd.s32 s5, s4;
	[sflag:s14] =	ssyncadd.s32 $0xFFFFC180  }
0xaa: {  	[tilespmem:s30], [sflag:$0x4] =	stream.linear.gather [hbm4b:s23+s3], $0x80, $0x38;
	[tilespmem:$0x1BC80] =	vst v63  }
0xab: {  	s22 =	sadd.s32 $0x200, s22;
	s4 =	sadd.s32 s7, s4  }
0xac: {  	[tilespmem:s31], [sflag:$0x4] =	stream.linear.gather [hbm4b:s4+s3], $0x80, $0x38;
	[tilespmem:$0x1BC80] =	vst v63  }
.LBB2_9:
0xad: {  	_ =	sfence.sel $0x180000  }
0xae: {  	[bflag:$0x0] =	sbarrier.arrive $0xFFFF  }
0xaf: {  	_ =	strace $0x90000047  }
0xb0: {  	[bflag:$0x2] =	sbarrier.arrive $0xFFFF  }
0xb1: {  	s0 =	rddreg [dreg:$0x3]  }
0xb2: {  	s0 =	sadd.s32 @!p0 $0x100000, s0  }
0xb3: {  	[sflag:s0] =	ssyncadd.tile.s32 @!p0 $0x1;
	_ =	shalt  }
.Lfunc_end2:
_tile_overlayer_lowered:
.L_overlay_start_2:
0xb4: {  	(tag) =	ssettag $0x2  }
0xb5: {  	s0 =	rddreg [dreg:$0x0];
	s2 =	stileid.u32  }
0xb6: {  	s1 =	rddreg [dreg:$0x1];
	p0 =	sne.s32 s2, $0x0  }
0xb7: {  	s3 =	rddreg [dreg:$0x2];
	[bflag:$0x3] =	sbarrier.arrive $0xFFFF;
	s2 =	simm.s32 @!p0 $0x1C09  }
0xb8: {  	[timem:s3], [sflag:s2] =	dma.local @!p0 [hbm:s0], s1  }
0xb9: {  	s0 =	simm.s32 @!p0 $0x9  }
0xba: {  	_ =	swait.ge @!p0 [sflag:s0], s1  }
0xbb: {  	s1 =	ssub.s32 @!p0 $0x0, s1;
	[sflag:s0] =	ssyncset.done @!p0 $0x0  }
0xbc: {  	[sflag:s0] =	ssyncadd.s32 @!p0 s1  }
0xbd: {  	[bflag:$0x3] =	sbarrier.arrive $0xFFFF  }
0xbe: {  	_ =	shalt  }

// kernel: kernel.13.cloned.1.call-start
scs
__scs_entry_jumppad:
0x0: {  	(pc) =	sbr.rel $0x88, $3  }
0x1: {  	(tag) =	ssettag $0x0;
	lr =	simm.s32 $0x1  }
0x2: {  	[smem:$0x3F7A] =	sst lr;
	_ =	strace $0xD0000000  }
0x3: {  	_ = 	snop  }
0x4: {  	_ = 	snop  }
0x5: {  	_ = 	snop  }
0x6: {  	_ = 	snop  }
0x7: {  	_ = 	snop  }
__scs_overlays_trampoline_lowered:
0x8: {  	[smem:$0x3F89] =	sst s0  }
0x9: {  	[smem:$0x3F8A] =	sst s1  }
0xa: {  	[smem:$0x3F8B] =	sst s2  }
0xb: {  	[smem:$0x3F8C] =	sst s3  }
0xc: {  	[smem:$0x3F8D] =	sst s4  }
0xd: {  	[smem:$0x3F8E] =	sst s5  }
0xe: {  	[smem:$0x3F8F] =	sst s6  }
0xf: {  	[smem:$0x3F90] =	sst s7  }
0x10: {  	[smem:$0x3F91] =	sst s8  }
0x11: {  	[smem:$0x3F92] =	sst s9;
	s0 =	simm.s32 @!p0 $0x0  }
0x12: {  	s1 =	sld [smem:$0x3F78];
	s0 =	simm.s32 @p0 $0x1  }
0x13: {  	[smem:$0x3F93] =	sst s0;
	s0 =	simm.s32 @!p1 $0x0  }
0x14: {  	s2 =	sld [smem:$0x3F77];
	s0 =	simm.s32 @p1 $0x1  }
0x15: {  	[smem:$0x3F94] =	sst s0;
	s0 =	simm.s32 @!p2 $0x0  }
0x16: {  	s3 =	sld [smem:$0x3FDB];
	s0 =	simm.s32 @p2 $0x1  }
0x17: {  	s4 =	simm.s32 $0x1BF5;
	[smem:$0x3F96] =	sst s0  }
0x18: {  	s0 =	sld [smem:$0x3F79];
	_ =	swait.ge [sflag:s4], $0x0  }
0x19: {  	s7 =	sld [smem:$0x3F7A]  }
0x1a: {  	s8 =	sadd.s32 $0xFFFFE003, lr  }
0x1b: {  	s9 =	sadd.s32 $0xFFFFFEF7, lr;
	s5 =	simm.s32 $0xFFFFFFFF;
	p2 =	slt.u32 s8, $0xFFFFF086  }
0x1c: {  	p1 =	slt.u32 s9, $0xF7A;
	s5 =	simm.s32 @!p2 $0x0  }
0x1d: {  	s5 =	simm.s32 @p1 $0x1;
	p0 =	seq.s32 s7, s2  }
0x1e: {  	s7 =	smul.u32 @!p0 $0xF7A, s2;
	p2 =	seq.s32 @!p0 s5, $0x0  }
0x1f: {  	s9 =	smul.u32 $0xF7A, s1;
	s8 =	simm.s32 @!p0 $0x1BF5;
	p2 =	por !p2, p0  }
0x20: {  	[sflag:s8] =	ssyncset.s32 @!p0 $0xFFFFF086;
	s6 =	sadd.s32 @!p0 s3, s7;
	s7 =	simm.s32 @!p0 $0x108  }
0x21: {  	s3 =	sadd.s32 s3, s9;
	s6 =	sadd.s32 @!p0 $0x88, s6;
	s7 =	simm.s32 @p2 $0x1082  }
0x22: {  	[simem:s7], [sflag:s8] =	dma.local @!p0 [hbm:s6], $0xF7A  }
0x23: {  	s9 =	sor.u32 $0xD0000000, s2;
	s6 =	simm.s32 $0x108;
	_ =	swait.ge @!p0 [sflag:s8], $0x0  }
0x24: {  	s3 =	sadd.s32 $0x88, s3;
	s6 =	simm.s32 @!p1 $0x1082;
	[sflag:s4] =	ssyncset.s32 $0xFFFFF086  }
0x25: {  	[simem:s6], [sflag:s4] =	dma.local [hbm:s3], $0xF7A  }
0x26: {  	[smem:$0x3F7A] =	sst s1;
	(tag) =	ssettag s2;
	_ =	strace s9  }
0x27: {  	s1 =	sld [smem:$0x3F8A]  }
0x28: {  	s2 =	sld [smem:$0x3F8B]  }
0x29: {  	s4 =	sld [smem:$0x3F8D]  }
0x2a: {  	p0 =	seq.s32 s5, $0x0;
	s5 =	sld [smem:$0x3F8E]  }
0x2b: {  	s6 =	sld [smem:$0x3F8F]  }
0x2c: {  	s7 =	sld [smem:$0x3F90]  }
0x2d: {  	s3 =	simm.s32 $0x108;
	s8 =	sld [smem:$0x3F91]  }
0x2e: {  	s3 =	simm.s32 @!p0 $0x1082;
	s9 =	sld [smem:$0x3F92]  }
0x2f: {  	lr =	sadd.s32 s0, s3;
	s0 =	sld [smem:$0x3F89]  }
0x30: {  	s3 =	sld [smem:$0x3F8C]  }
0x31: {  	[smem:$0x3F95] =	sst s10  }
0x32: {  	s10 =	sld [smem:$0x3F93];
	_ =	sdelay $0x3  }
0x33: {  	p0 =	seq.s32 s10, $0x1;
	s10 =	sld [smem:$0x3F95];
	_ =	sdelay $0x3  }
0x34: {  	[smem:$0x3F95] =	sst s10  }
0x35: {  	s10 =	sld [smem:$0x3F94];
	_ =	sdelay $0x3  }
0x36: {  	p1 =	seq.s32 s10, $0x1;
	s10 =	sld [smem:$0x3F95];
	_ =	sdelay $0x3  }
0x37: {  	[smem:$0x3F95] =	sst s10  }
0x38: {  	s10 =	sld [smem:$0x3F96]  }
0x39: {  	_ = 	snop;
	(pc) =	sbr.ind lr, $3  }
0x3a: {  	_ = 	snop  }
0x3b: {  	_ = 	snop  }
0x3c: {  	p2 =	seq.s32 s10, $0x1;
	s10 =	sld [smem:$0x3F95]  }
0x3d: {  	_ =	shalt  }
0x3e: {  	_ =	shalt  }
0x3f: {  	_ =	shalt  }
0x40: {  	_ =	shalt  }
0x41: {  	_ =	shalt  }
0x42: {  	_ =	shalt  }
0x43: {  	_ =	shalt  }
0x44: {  	_ =	shalt  }
0x45: {  	_ =	shalt  }
0x46: {  	_ =	shalt  }
0x47: {  	_ =	shalt  }
0x48: {  	_ =	shalt  }
0x49: {  	_ =	shalt  }
0x4a: {  	_ =	shalt  }
0x4b: {  	_ =	shalt  }
0x4c: {  	_ =	shalt  }
0x4d: {  	_ =	shalt  }
0x4e: {  	_ =	shalt  }
0x4f: {  	_ =	shalt  }
0x50: {  	_ =	shalt  }
0x51: {  	_ =	shalt  }
0x52: {  	_ =	shalt  }
0x53: {  	_ =	shalt  }
0x54: {  	_ =	shalt  }
0x55: {  	_ =	shalt  }
0x56: {  	_ =	shalt  }
0x57: {  	_ =	shalt  }
0x58: {  	_ =	shalt  }
0x59: {  	_ =	shalt  }
0x5a: {  	_ =	shalt  }
0x5b: {  	_ =	shalt  }
0x5c: {  	_ =	shalt  }
0x5d: {  	_ =	shalt  }
0x5e: {  	_ =	shalt  }
0x5f: {  	_ =	shalt  }
0x60: {  	_ =	shalt  }
0x61: {  	_ =	shalt  }
0x62: {  	_ =	shalt  }
0x63: {  	_ =	shalt  }
0x64: {  	_ =	shalt  }
0x65: {  	_ =	shalt  }
0x66: {  	_ =	shalt  }
0x67: {  	_ =	shalt  }
0x68: {  	_ =	shalt  }
0x69: {  	_ =	shalt  }
0x6a: {  	_ =	shalt  }
0x6b: {  	_ =	shalt  }
0x6c: {  	_ =	shalt  }
0x6d: {  	_ =	shalt  }
0x6e: {  	_ =	shalt  }
0x6f: {  	_ =	shalt  }
0x70: {  	_ =	shalt  }
0x71: {  	_ =	shalt  }
0x72: {  	_ =	shalt  }
0x73: {  	_ =	shalt  }
0x74: {  	_ =	shalt  }
0x75: {  	_ =	shalt  }
0x76: {  	_ =	shalt  }
0x77: {  	_ =	shalt  }
0x78: {  	_ =	shalt  }
0x79: {  	_ =	shalt  }
0x7a: {  	_ =	shalt  }
0x7b: {  	_ =	shalt  }
0x7c: {  	_ =	shalt  }
0x7d: {  	_ =	shalt  }
0x7e: {  	_ =	shalt  }
0x7f: {  	_ =	shalt  }
0x80: {  	_ =	shalt  }
0x81: {  	_ =	shalt  }
0x82: {  	_ =	shalt  }
0x83: {  	_ =	shalt  }
0x84: {  	_ =	shalt  }
0x85: {  	_ =	shalt  }
0x86: {  	_ =	shalt  }
0x87: {  	_ =	shalt  }
.Lfunc_end0:
.L_simem_size_0:
called_computation.1_lowered:
.L_overlay_start_0:
0x88: {  	s2 =	sld [smem:$0x3FD9]  }
0x89: {  	s3 =	sld [smem:$0x3FFE];
	_ =	sdelay $0x1  }
0x8a: {  	s1 =	srdreg.scid  }
0x8b: {  	s0 =	sand.u32 $0x1, s1  }
0x8c: {  	s16 =	sshll.u32 s0, $0xA;
	s2 =	sadd.s32 s3, s2  }
0x8d: {  	s2 =	sadd.s32 s2, s16  }
0x8e: {  	[smem:$0x3FA1] =	sst s2  }
0x8f: {  	_ = 	snop  }
0x90: {  	(tm) =	ssettm $0x1  }
0x91: {  	s17 =	sld [smem:$0x3FFB];
	_ =	sdelay $0x3  }
0x92: {  	_ =	strace s17  }
0x93: {  	s2 =	sld [smem:$0x3FFC];
	_ =	sdelay $0x3  }
0x94: {  	_ =	strace s2  }
0x95: {  	s2 =	sld [smem:$0x3FFD];
	_ =	sdelay $0x3  }
0x96: {  	_ =	strace s2  }
0x97: {  	_ =	strace $0x8FFFFFFF  }
0x98: {  	s18 =	sld [smem:$0x3FDB];
	_ =	sdelay $0x1  }
0x99: {  	s19 =	simm.s32 $_scs_section_size  }
0x9a: {  	s4 =	simm.s32 $_size__tile_overlayer_lowered;
	s5 =	simm.s32 $_tile_overlayer_lowered  }
0x9b: {  	s22 =	simm.s32 $0x1BFF;
	s21 =	sshll.u32 s5, $0x1;
	s2 =	sadd.s32 s19, s18  }
0x9c: {  	s6 =	simm.s32 $0x0;
	s20 =	sshll.u32 s4, $0x1;
	s4 =	sadd.s32 s21, s2  }
0x9d: {  	[timem:s6], [sflag:s22] =	dma.local [hbm:s4], s20  }
0x9e: {  	_ =	swait.ge [sflag:s22], s20  }
0x9f: {  	s3 =	ssub.s32 $0x0, s20;
	[sflag:s22] =	ssyncset.done $0x0  }
0xa0: {  	[sflag:s22] =	ssyncadd.s32 s3;
	_ =	sdelay $0x1  }
0xa1: {  	s23 =	simm.s32 $0x1B8B  }
0xa2: {  	_ =	swait.ge [sflag:s23], $0x1  }
0xa3: {  	[sflag:s23] =	ssyncset.done $0x0  }
0xa4: {  	s25 =	simm.s32 $0x1B8E;
	s24 =	sld [smem:$0x3FFE];
	[sflag:s23] =	ssyncadd.s32 $0xFFFFFFFF  }
0xa5: {  	s26 =	simm.s32 $execute0_lowered;
	[smem:$0x3FD2] =	sst s25  }
0xa6: {  	s4 =	sshll.u32 s26, $0x1;
	_ =	strace $0x80000049;
	[dreg:$0x1] =	wrdreg $0xFFFFFFFF  }
0xa7: {  	s28 =	simm.s32 $_size_execute0_lowered;
	s2 =	sadd.s32 s2, s4;
	[dreg:$0x0] =	wrdreg $0x0  }
0xa8: {  	s4 =	sshll.u32 s28, $0x1;
	[dreg:$0x2] =	wrdreg s2  }
0xa9: {  	[dreg:$0x3] =	wrdreg s4  }
0xaa: {  	[dreg:$0x4] =	wrdreg $0xC0  }
0xab: {  	_ =	task [dreg:s6], $0x5FFFF  }
0xac: {  	[dreg:$0x1] =	wrdreg $0xFFFFFFFF  }
0xad: {  	[dreg:$0x0] =	wrdreg $0x60  }
0xae: {  	[dreg:$0x2] =	wrdreg s24  }
0xaf: {  	[dreg:$0x3] =	wrdreg $0x84000  }
0xb0: {  	[dreg:$0x4] =	wrdreg $0x9  }
0xb1: {  	_ =	task.clear_ibuf [dreg:s6], $0x5FFFF;
	_ =	strace $0x90000049  }
0xb2: {  	s29 =	simm.s32 $0x9;
	_ =	strace $0x8000004B  }
0xb3: {  	_ =	swait.ge [sflag:s29], $0x1  }
0xb4: {  	[sflag:s29] =	ssyncadd.s32 $0xFFFFFFFF  }
0xb5: {  	_ =	strace $0x9000004B  }
0xb6: {  	_ =	sfence  }
0xb7: {  	s30 =	sld [smem:$0x0];
	_ =	sdelay $0x2  }
0xb8: {  	s31 =	sshll.u32 s1, $0xD;
	s1 =	sshrl.u32 s1, $0x2  }
0xb9: {  	s3 =	sand.u32 $0x4000, s31;
	s1 =	sadd.s32 s1, s30  }
0xba: {  	s0 =	sor.u32 s3, s0;
	s1 =	sshll.u32 s1, $0x11  }
0xbb: {  	s0 =	sor.u32 s1, s0  }
0xbc: {  	s0 =	sadd.s32 $0x8F2B, s0  }
0xbd: {  	[sflag:s0] =	ssyncadd.remote.s32 $0x1  }
0xbe: {  	_ =	sfence.sel $0xFFFF  }
0xbf: {  	[dreg:$0x0] =	wrdreg $0xFFFFFFFF;
	(pc) =	sbr.abs _section_cstart, $3  }
0xc0: {  	[dreg:$0x1] =	wrdreg $0xFFFFFFFF  }
0xc1: {  	_ =	task.clear_ibuf [dreg:s6], $0x2FFFF;
	_ =	strace $0x9FFFFFFF  }
0xc2: {  	(tm) =	ssettm $0x7FFFFFFF  }
0xc3: {  	_ =	shalt  }
tec
execute0_lowered:
.L_overlay_start_1:
0x0: {  	(tag) =	ssettag $0x1  }
0x1: {  	s0 =	rddreg [dreg:$0x0]  }
0x2: {  	s1 =	rddreg [dreg:$0x1];
	s3 =	srdreg.scid  }
0x3: {  	s2 =	simm.s32 $0x0;
	s14 =	stileid.u32;
	s28 =	simm.s32 $0x100  }
0x4: {  	s29 =	simm.s32 $0x300;
	s30 =	simm.s32 $0x180;
	s31 =	simm.s32 $0x380  }
0x5: {  	s3 =	sand.u32 $0x1, s3;
	[smem:$0x7FF] =	sst s2;
	s5 =	sadd.s32 $0x6800, s0  }
0x6: {  	s7 =	sadd.s32 $0x10800, s0;
	s15 =	sadd.s32 $0x1A800, s0;
	s16 =	smul.u32 $0x4E000, s14  }
0x7: {  	s19 =	smul.u32 $0x13800, s14;
	s23 =	sadd.s32 $0x138000, s1;
	p2 =	seq.s32 s14, $0x0  }
0x8: {  	p0 =	sne.s32 s14, $0x0;
	s4 =	sshll.u32 s3, $0x4;
	_ =	strace $0x8000004A  }
0x9: {  	s8 =	ssub.s32 $0x2, s3;
	s18 =	smul.u32 $0x138800, s3;
	s6 =	sor.u32 s14, s4  }
0xa: {  	[dreg:$0x3] =	wrdreg s15;
	s9 =	sshrl.u32 s8, $0x1;
	s6 =	smul.u32 $0x2800, s6  }
0xb: {  	[dreg:$0xe] =	wrdreg s23;
	p1 =	sne.s32 s3, $0x0;
	s8 =	ssub.s32 s8, s9  }
0xc: {  	s4 =	sadd.s32 $0x41A00, s0;
	s26 =	smax.u32 s8, $0x1;
	s10 =	sshrl.u32 s6, $0x3  }
0xd: {  	s0 =	sadd.s32 $0x68C00, s0;
	[dreg:$0x12] =	wrdreg s26;
	s11 =	sadd.s32 s5, s10  }
0xe: {  	s12 =	sor.u32 $0x10, s10;
	[dreg:$0x4] =	wrdreg s11;
	s11 =	sadd.s32 s7, s10  }
0xf: {  	s22 =	sadd.s32 s19, s18;
	s13 =	sadd.s32 s5, s12;
	[dreg:$0x5] =	wrdreg s11  }
0x10: {  	s17 =	sor.u32 $0x20, s10;
	s9 =	sadd.s32 s7, s12;
	[dreg:$0x6] =	wrdreg s13  }
0x11: {  	s8 =	simm.s32 $0x7D;
	[dreg:$0x7] =	wrdreg s9;
	s13 =	sadd.s32 s5, s17  }
0x12: {  	s10 =	sor.u32 $0x30, s10;
	s9 =	sadd.s32 s7, s17;
	[dreg:$0x8] =	wrdreg s13  }
0x13: {  	s11 =	sshrl.u32 s16, $0x2;
	s16 =	sadd.s32 s5, s10;
	[dreg:$0x9] =	wrdreg s9  }
0x14: {  	s12 =	smul.u32 $0x2700, s14;
	s10 =	sadd.s32 s7, s10;
	[dreg:$0xa] =	wrdreg s16  }
0x15: {  	s26 =	simm.s32 $0x280;
	s14 =	simm.s32 $0x8;
	[dreg:$0xb] =	wrdreg s10  }
0x16: {  	s20 =	sadd.s32 s11, s1;
	s21 =	sadd.s32 s15, s12;
	s9 =	sshrl.u32 s18, $0x3  }
0x17: {  	s10 =	sshrl.u32 s22, $0x3;
	s24 =	sadd.s32 s4, s12;
	s18 =	simm.s32 $0x400  }
0x18: {  	s11 =	simm.s32 $0x7;
	s12 =	simm.s32 $0x6;
	s13 =	simm.s32 $0x3  }
0x19: {  	s15 =	simm.s32 $0x4;
	s16 =	simm.s32 $0x0;
	[dreg:$0xc] =	wrdreg s20  }
.Ltmp0:
0x1a: {  	[dreg:$0xd] =	wrdreg s21;
	s9 =	sadd.s32 s0, s9;
	(pc) =	sbr.rel .LBB2_1-.Ltmp0, $4  }
0x1b: {  	[dreg:$0xf] =	wrdreg s24;
	s0 =	sadd.s32 s0, s10;
	s24 =	simm.s32 $0x200  }
0x1c: {  	s21 =	simm.s32 $0x9;
	s20 =	simm.s32 $0x5;
	s10 =	simm.s32 $0x4400  }
0x1d: {  	[dreg:$0x10] =	wrdreg s0;
	s25 =	sadd.s32 $0x27000, s9;
	s0 =	simm.s32 $0x1  }
0x1e: {  	s9 =	simm.s32 $0x2;
	[dreg:$0x11] =	wrdreg s25;
	s25 =	simm.s32 $0x80  }
.LBB2_8:
0x1f: {  	_ =	swait.ge [sflag:s12], $0x3E80  }
0x20: {  	[sflag:s12] =	ssyncset.done $0x0  }
0x21: {  	[sflag:s12] =	ssyncadd.s32 $0xFFFFC180  }
0x22: {  	[spmem:s1] =	stream.indirect.scatter.add.f32 [tilespmem:s10], [sflag:$0x8], $0x80, s31, s8, $0xb8;
	[tilespmem:$0x1BC80] =	vst v63  }
0x23: {  	_ =	swait.ge [sflag:s14], $0x3E80  }
0x24: {  	[sflag:s14] =	ssyncset.done $0x0  }
0x25: {  	[sflag:s14] =	ssyncadd.s32 $0xFFFFC180  }
0x26: {  	[bflag:$0x0] =	sbarrier.arrive $0xFFFF  }
0x27: {  	s22 =	rddreg [dreg:$0x10]  }
0x28: {  	s3 =	sor.u32 $0x1C09, s17;
	s21 =	simm.s32 $0x9;
	s19 =	rddreg [dreg:$0x13]  }
0x29: {  	[hbm:s22], [sflag:s3] =	dma.local [spmem:s19], $0x2700  }
0x2a: {  	_ =	swait.ge [sflag:s21], $0x2700  }
0x2b: {  	[sflag:s21] =	ssyncset.done $0x0;
	s17 =	rddreg [dreg:$0xe]  }
0x2c: {  	s19 =	rddreg [dreg:$0x11];
	[sflag:s21] =	ssyncadd.s32 $0xFFFFD900;
	s17 =	sshrl.u32 @!p0 s17, $0x3  }
0x2d: {  	[hbm:s19], [sflag:s3] =	dma.local @!p0 [spmem:s17], $0x100  }
0x2e: {  	s3 =	simm.s32 @!p0 $0x9  }
0x2f: {  	_ =	swait.ge @!p0 [sflag:s3], $0x100  }
0x30: {  	s16 =	sadd.s32 $0x1, s16;
	s23 =	rddreg [dreg:$0x12]  }
0x31: {  	p3 =	sne.s32 s16, s23  }
.Ltmp1:
0x32: {  	_ = 	snop;
	(pc) =	sbr.rel @!p3 .LBB2_9-.Ltmp1, $3  }
0x33: {  	_ =	sdelay $0x1  }
0x34: {  	[sflag:s3] =	ssyncset.done @!p0 $0x0  }
0x35: {  	[sflag:s3] =	ssyncadd.s32 @!p0 $0xFFFFFF00  }
.LBB2_1:
0x36: {  	s3 =	rddreg [dreg:$0x4]  }
0x37: {  	[tilespmem:s2], [sflag:$0x1] =	stream.linear.gather [hbm4b:s3+s2], $0x80, $0x38;
	[tilespmem:$0x1BC80] =	vst v63  }
0x38: {  	s23 =	rddreg [dreg:$0x5]  }
0x39: {  	[tilespmem:s24], [sflag:$0x1] =	stream.linear.gather [hbm4b:s23+s2], $0x80, $0x38;
	[tilespmem:$0x1BC80] =	vst v63  }
0x3a: {  	s17 =	rddreg [dreg:$0x6]  }
0x3b: {  	[tilespmem:s25], [sflag:$0x2] =	stream.linear.gather [hbm4b:s17+s2], $0x80, $0x38;
	[tilespmem:$0x1BC80] =	vst v63  }
0x3c: {  	s19 =	rddreg [dreg:$0x7]  }
0x3d: {  	[tilespmem:s26], [sflag:$0x2] =	stream.linear.gather [hbm4b:s19+s2], $0x80, $0x38;
	[tilespmem:$0x1BC80] =	vst v63  }
0x3e: {  	s22 =	rddreg [dreg:$0x8]  }
0x3f: {  	[tilespmem:s28], [sflag:$0x3] =	stream.linear.gather [hbm4b:s22+s2], $0x80, $0x38;
	[tilespmem:$0x1BC80] =	vst v63  }
0x40: {  	s23 =	rddreg [dreg:$0x9]  }
0x41: {  	[tilespmem:s29], [sflag:$0x3] =	stream.linear.gather [hbm4b:s23+s2], $0x80, $0x38;
	[tilespmem:$0x1BC80] =	vst v63  }
0x42: {  	s17 =	rddreg [dreg:$0xa]  }
0x43: {  	[tilespmem:s30], [sflag:$0x4] =	stream.linear.gather [hbm4b:s17+s2], $0x80, $0x38;
	[tilespmem:$0x1BC80] =	vst v63  }
0x44: {  	s19 =	rddreg [dreg:$0xb]  }
0x45: {  	[tilespmem:s31], [sflag:$0x4] =	stream.linear.gather [hbm4b:s19+s2], $0x80, $0x38;
	[tilespmem:$0x1BC80] =	vst v63  }
0x46: {  	_ =	swait.ge [sflag:s0], $0x80  }
0x47: {  	[sflag:s0] =	ssyncset.done $0x0  }
0x48: {  	[sflag:s0] =	ssyncadd.s32 $0xFFFFFF80  }
.Ltmp2:
0x49: {  	_ =	swait.ge [sflag:s0], $0x80;
	(pc) =	sbr.rel @p1 .LBB2_3-.Ltmp2, $4  }
0x4a: {  	s22 =	stileid.u32;
	[sflag:s0] =	ssyncset.done $0x0;
	s23 =	rddreg [dreg:$0xc]  }
0x4b: {  	s17 =	sshll.u32 s22, $0x6;
	[sflag:s0] =	ssyncadd.s32 $0xFFFFFF80;
	s19 =	sshrl.u32 s23, $0x3  }
0x4c: {  	[tilespmem:s18], [sflag:$0x5] =	stream.indirect.gather [hbm4b:s4+s8], $0x80, s2, s8, $0xb8;
	[tilespmem:$0x1BC80] =	vst v63  }
0x4d: {  	s22 =	sor.u32 $0x1C09, s17;
	[dreg:$0x13] =	wrdreg s19  }
0x4e: {  	s22 =	sor.u32 $0x1C09, s17;
	s3 =	rddreg [dreg:$0xf]  }
0x4f: {  	[spmem:s19], [sflag:s22] =	dma.local [hbm:s3], $0x2700  }
.Ltmp3:
0x50: {  	_ = 	snop;
	(pc) =	sbr.rel @!p2 .LBB2_5-.Ltmp3, $4  }
.Ltmp4:
0x51: {  	_ = 	snop;
	(pc) =	sbr.rel @p2 .LBB2_4-.Ltmp4, $4  }
0x52: {  	_ =	swait.ge [sflag:s21], $0x2700  }
0x53: {  	[sflag:s21] =	ssyncset.done $0x0  }
0x54: {  	s23 =	smov.u32 s4;
	[sflag:s21] =	ssyncadd.s32 $0xFFFFD900  }
0x55: {  	_ = 	snop  }
.LBB2_3:
.Ltmp5:
0x56: {  	s3 =	rddreg [dreg:$0xd];
	(pc) =	sbr.rel @p0 .LBB2_5-.Ltmp5, $4  }
0x57: {  	[spmem:s19], [sflag:s22] =	dma.local [hbm:s3], $0x2700  }
0x58: {  	_ =	swait.ge [sflag:s21], $0x2700  }
0x59: {  	[sflag:s21] =	ssyncset.done $0x0  }
0x5a: {  	s23 =	rddreg [dreg:$0x3];
	[sflag:s21] =	ssyncadd.s32 $0xFFFFD900  }
.LBB2_4:
0x5b: {  	s3 =	rddreg [dreg:$0xe]  }
0x5c: {  	s23 =	sadd.s32 $0x27000, s23;
	s19 =	sshrl.u32 s3, $0x3  }
0x5d: {  	[spmem:s19], [sflag:s22] =	dma.local [hbm:s23], $0x100  }
0x5e: {  	_ =	swait.ge [sflag:s21], $0x100  }
0x5f: {  	[sflag:s21] =	ssyncset.done $0x0  }
0x60: {  	[sflag:s21] =	ssyncadd.s32 $0xFFFFFF00  }
.LBB2_5:
0x61: {  	[bflag:$0x0] =	sbarrier.arrive $0xFFFF;
	s22 =	simm.s32 $0x380  }
.LBB2_6:
0x62: {  	_ =	swait.ge [sflag:s20], $0x3E80  }
0x63: {  	[sflag:s20] =	ssyncset.done $0x0  }
0x64: {  	[sflag:s20] =	ssyncadd.s32 $0xFFFFC180  }
0x65: {  	[spmem:s1] =	stream.indirect.scatter.add.f32 [tilespmem:s18], [sflag:$0x7], $0x80, s24, s8, $0xb8;
	[tilespmem:$0x1BC80] =	vst v63  }
0x66: {  	_ =	swait.ge [sflag:s9], $0x80  }
0x67: {  	[sflag:s9] =	ssyncset.done $0x0  }
0x68: {  	p3 =	seq.s32 s22, $0x2980;
	[sflag:s9] =	ssyncadd.s32 $0xFFFFFF80  }
0x69: {  	s19 =	sadd.s32 @!p3 $0xFFFFFE80, s22;
	_ =	swait.ge [sflag:s9], $0x80  }
0x6a: {  	s23 =	sand.u32 @!p3 $0x7C00, s19;
	[sflag:s9] =	ssyncset.done $0x0  }
0x6b: {  	s19 =	sand.u32 @!p3 $0x200, s19;
	s23 =	sadd.s32 @!p3 s6, s23;
	[sflag:s9] =	ssyncadd.s32 $0xFFFFFF80  }
0x6c: {  	[tilespmem:s10], [sflag:$0x6] =	stream.indirect.gather [hbm4b:s4+s8], $0x80, s25, s8, $0xb8;
	[tilespmem:$0x1BC80] =	vst v63  }
0x6d: {  	s19 =	sor.u32 @!p3 s19, s23;
	_ =	swait.ge [sflag:s11], $0x3E80  }
0x6e: {  	s19 =	sshrl.u32 @!p3 s19, $0x3;
	[sflag:s11] =	ssyncset.done $0x0  }
0x6f: {  	s3 =	simm.s32 @!p3 $0x0;
	s23 =	sadd.s32 @!p3 s5, s19;
	[sflag:s11] =	ssyncadd.s32 $0xFFFFC180  }
0x70: {  	[tilespmem:s3], [sflag:$0x1] =	stream.linear.gather @!p3 [hbm4b:s23+s3], $0x80, $0x38;
	[tilespmem:$0x1BC80] =	vst v63  }
0x71: {  	s19 =	sadd.s32 @!p3 s7, s19;
	s23 =	simm.s32 @!p3 $0x200  }
0x72: {  	[tilespmem:s23], [sflag:$0x1] =	stream.linear.gather @!p3 [hbm4b:s19+s3], $0x80, $0x38;
	[tilespmem:$0x1BC80] =	vst v63  }
0x73: {  	_ =	swait.ge [sflag:s12], $0x3E80  }
0x74: {  	[sflag:s12] =	ssyncset.done $0x0  }
0x75: {  	[sflag:s12] =	ssyncadd.s32 $0xFFFFC180  }
0x76: {  	[spmem:s1] =	stream.indirect.scatter.add.f32 [tilespmem:s10], [sflag:$0x8], $0x80, s26, s8, $0xb8;
	[tilespmem:$0x1BC80] =	vst v63  }
0x77: {  	_ =	swait.ge [sflag:s13], $0x80  }
0x78: {  	[sflag:s13] =	ssyncset.done $0x0  }
0x79: {  	[sflag:s13] =	ssyncadd.s32 $0xFFFFFF80  }
0x7a: {  	s19 =	sadd.s32 @!p3 $0xFFFFFF00, s22;
	_ =	swait.ge [sflag:s13], $0x80  }
0x7b: {  	s23 =	sand.u32 @!p3 $0x7C00, s19;
	[sflag:s13] =	ssyncset.done $0x0  }
0x7c: {  	s19 =	sand.u32 @!p3 $0x280, s19;
	s23 =	sadd.s32 @!p3 s6, s23;
	[sflag:s13] =	ssyncadd.s32 $0xFFFFFF80  }
0x7d: {  	[tilespmem:s18], [sflag:$0x5] =	stream.indirect.gather [hbm4b:s4+s8], $0x80, s28, s8, $0xb8;
	[tilespmem:$0x1BC80] =	vst v63  }
0x7e: {  	s19 =	sor.u32 @!p3 s19, s23;
	_ =	swait.ge [sflag:s14], $0x3E80  }
0x7f: {  	s19 =	sshrl.u32 @!p3 s19, $0x3;
	[sflag:s14] =	ssyncset.done $0x0  }
0x80: {  	s21 =	simm.s32 @!p3 $0x80;
	s23 =	sadd.s32 @!p3 s5, s19;
	[sflag:s14] =	ssyncadd.s32 $0xFFFFC180  }
0x81: {  	[tilespmem:s21], [sflag:$0x2] =	stream.linear.gather @!p3 [hbm4b:s23+s3], $0x80, $0x38;
	[tilespmem:$0x1BC80] =	vst v63  }
0x82: {  	s19 =	sadd.s32 @!p3 s7, s19;
	s21 =	simm.s32 @!p3 $0x280  }
0x83: {  	[tilespmem:s21], [sflag:$0x2] =	stream.linear.gather @!p3 [hbm4b:s19+s3], $0x80, $0x38;
	[tilespmem:$0x1BC80] =	vst v63  }
0x84: {  	_ =	swait.ge [sflag:s20], $0x3E80  }
0x85: {  	[sflag:s20] =	ssyncset.done $0x0  }
0x86: {  	[sflag:s20] =	ssyncadd.s32 $0xFFFFC180  }
0x87: {  	[spmem:s1] =	stream.indirect.scatter.add.f32 [tilespmem:s18], [sflag:$0x7], $0x80, s29, s8, $0xb8;
	[tilespmem:$0x1BC80] =	vst v63  }
0x88: {  	_ =	swait.ge [sflag:s15], $0x80  }
0x89: {  	[sflag:s15] =	ssyncset.done $0x0  }
0x8a: {  	[sflag:s15] =	ssyncadd.s32 $0xFFFFFF80  }
0x8b: {  	_ =	swait.ge [sflag:s15], $0x80  }
0x8c: {  	[sflag:s15] =	ssyncset.done $0x0  }
.Ltmp6:
0x8d: {  	[sflag:s15] =	ssyncadd.s32 $0xFFFFFF80;
	(pc) =	sbr.rel @p3 .LBB2_8-.Ltmp6, $4  }
0x8e: {  	[tilespmem:s10], [sflag:$0x6] =	stream.indirect.gather [hbm4b:s4+s8], $0x80, s30, s8, $0xb8;
	[tilespmem:$0x1BC80] =	vst v63  }
0x8f: {  	_ =	swait.ge [sflag:s11], $0x3E80  }
0x90: {  	[sflag:s11] =	ssyncset.done $0x0  }
0x91: {  	[sflag:s11] =	ssyncadd.s32 $0xFFFFC180  }
0x92: {  	s3 =	sadd.s32 $0xFFFFFF80, s22  }
0x93: {  	s19 =	sand.u32 $0x7C00, s3  }
0x94: {  	s3 =	sand.u32 $0x300, s3;
	s19 =	sadd.s32 s6, s19  }
0x95: {  	s3 =	sor.u32 s3, s19  }
0x96: {  	s3 =	sshrl.u32 s3, $0x3  }
0x97: {  	s23 =	sadd.s32 s5, s3  }
0x98: {  	[tilespmem:s28], [sflag:$0x3] =	stream.linear.gather [hbm4b:s23+s2], $0x80, $0x38;
	[tilespmem:$0x1BC80] =	vst v63  }
0x99: {  	s3 =	sadd.s32 s7, s3  }
0x9a: {  	[tilespmem:s29], [sflag:$0x3] =	stream.linear.gather [hbm4b:s3+s2], $0x80, $0x38;
	[tilespmem:$0x1BC80] =	vst v63  }
0x9b: {  	_ =	swait.ge [sflag:s12], $0x3E80  }
0x9c: {  	[sflag:s12] =	ssyncset.done $0x0  }
0x9d: {  	[sflag:s12] =	ssyncadd.s32 $0xFFFFC180  }
0x9e: {  	[spmem:s1] =	stream.indirect.scatter.add.f32 [tilespmem:s10], [sflag:$0x8], $0x80, s31, s8, $0xb8;
	[tilespmem:$0x1BC80] =	vst v63  }
0x9f: {  	_ =	swait.ge [sflag:s0], $0x80  }
0xa0: {  	[sflag:s0] =	ssyncset.done $0x0  }
0xa1: {  	[sflag:s0] =	ssyncadd.s32 $0xFFFFFF80  }
0xa2: {  	_ =	swait.ge [sflag:s0], $0x80  }
0xa3: {  	s19 =	sand.u32 $0x7C00, s22;
	[sflag:s0] =	ssyncset.done $0x0  }
0xa4: {  	s21 =	sand.u32 $0x380, s22;
	s3 =	sadd.s32 s6, s19;
	[sflag:s0] =	ssyncadd.s32 $0xFFFFFF80  }
0xa5: {  	[tilespmem:s18], [sflag:$0x5] =	stream.indirect.gather [hbm4b:s4+s8], $0x80, s2, s8, $0xb8;
	[tilespmem:$0x1BC80] =	vst v63  }
0xa6: {  	s3 =	sor.u32 s21, s3;
	_ =	swait.ge [sflag:s14], $0x3E80  }
.Ltmp7:
0xa7: {  	s3 =	sshrl.u32 s3, $0x3;
	[sflag:s14] =	ssyncset.done $0x0;
	(pc) =	sbr.rel .LBB2_6-.Ltmp7, $4  }
0xa8: {  	s23 =	sadd.s32 s5, s3;
	[sflag:s14] =	ssyncadd.s32 $0xFFFFC180  }
0xa9: {  	[tilespmem:s30], [sflag:$0x4] =	stream.linear.gather [hbm4b:s23+s2], $0x80, $0x38;
	[tilespmem:$0x1BC80] =	vst v63  }
0xaa: {  	s22 =	sadd.s32 $0x200, s22;
	s3 =	sadd.s32 s7, s3  }
0xab: {  	[tilespmem:s31], [sflag:$0x4] =	stream.linear.gather [hbm4b:s3+s2], $0x80, $0x38;
	[tilespmem:$0x1BC80] =	vst v63  }
.LBB2_9:
0xac: {  	_ =	sfence.sel $0x180000  }
0xad: {  	[bflag:$0x0] =	sbarrier.arrive $0xFFFF  }
0xae: {  	_ =	strace $0x9000004A  }
0xaf: {  	[bflag:$0x2] =	sbarrier.arrive $0xFFFF  }
0xb0: {  	s0 =	rddreg [dreg:$0x2]  }
0xb1: {  	s0 =	sadd.s32 @!p0 $0x100000, s0  }
0xb2: {  	[sflag:s0] =	ssyncadd.tile.s32 @!p0 $0x1;
	_ =	shalt  }
.Lfunc_end2:
_tile_overlayer_lowered:
.L_overlay_start_2:
0xb3: {  	(tag) =	ssettag $0x2  }
0xb4: {  	s0 =	rddreg [dreg:$0x0];
	s2 =	stileid.u32  }
0xb5: {  	s1 =	rddreg [dreg:$0x1];
	p0 =	sne.s32 s2, $0x0  }
0xb6: {  	s3 =	rddreg [dreg:$0x2];
	[bflag:$0x3] =	sbarrier.arrive $0xFFFF;
	s2 =	simm.s32 @!p0 $0x1C09  }
0xb7: {  	[timem:s3], [sflag:s2] =	dma.local @!p0 [hbm:s0], s1  }
0xb8: {  	s0 =	simm.s32 @!p0 $0x9  }
0xb9: {  	_ =	swait.ge @!p0 [sflag:s0], s1  }
0xba: {  	s1 =	ssub.s32 @!p0 $0x0, s1;
	[sflag:s0] =	ssyncset.done @!p0 $0x0  }
0xbb: {  	[sflag:s0] =	ssyncadd.s32 @!p0 s1  }
0xbc: {  	[bflag:$0x3] =	sbarrier.arrive $0xFFFF  }
0xbd: {  	_ =	shalt  }

// kernel: kernel.16.cloned.1.call-start
scs
__scs_entry_jumppad:
0x0: {  	(pc) =	sbr.rel $0x88, $3  }
0x1: {  	(tag) =	ssettag $0x0;
	lr =	simm.s32 $0x1  }
0x2: {  	[smem:$0x3F7A] =	sst lr;
	_ =	strace $0xD0000000  }
0x3: {  	_ = 	snop  }
0x4: {  	_ = 	snop  }
0x5: {  	_ = 	snop  }
0x6: {  	_ = 	snop  }
0x7: {  	_ = 	snop  }
__scs_overlays_trampoline_lowered:
0x8: {  	[smem:$0x3F89] =	sst s0  }
0x9: {  	[smem:$0x3F8A] =	sst s1  }
0xa: {  	[smem:$0x3F8B] =	sst s2  }
0xb: {  	[smem:$0x3F8C] =	sst s3  }
0xc: {  	[smem:$0x3F8D] =	sst s4  }
0xd: {  	[smem:$0x3F8E] =	sst s5  }
0xe: {  	[smem:$0x3F8F] =	sst s6  }
0xf: {  	[smem:$0x3F90] =	sst s7  }
0x10: {  	[smem:$0x3F91] =	sst s8  }
0x11: {  	[smem:$0x3F92] =	sst s9;
	s0 =	simm.s32 @!p0 $0x0  }
0x12: {  	s1 =	sld [smem:$0x3F78];
	s0 =	simm.s32 @p0 $0x1  }
0x13: {  	[smem:$0x3F93] =	sst s0;
	s0 =	simm.s32 @!p1 $0x0  }
0x14: {  	s2 =	sld [smem:$0x3F77];
	s0 =	simm.s32 @p1 $0x1  }
0x15: {  	[smem:$0x3F94] =	sst s0;
	s0 =	simm.s32 @!p2 $0x0  }
0x16: {  	s3 =	sld [smem:$0x3FDB];
	s0 =	simm.s32 @p2 $0x1  }
0x17: {  	s4 =	simm.s32 $0x1BF5;
	[smem:$0x3F96] =	sst s0  }
0x18: {  	s0 =	sld [smem:$0x3F79];
	_ =	swait.ge [sflag:s4], $0x0  }
0x19: {  	s7 =	sld [smem:$0x3F7A]  }
0x1a: {  	s8 =	sadd.s32 $0xFFFFE003, lr  }
0x1b: {  	s9 =	sadd.s32 $0xFFFFFEF7, lr;
	s5 =	simm.s32 $0xFFFFFFFF;
	p2 =	slt.u32 s8, $0xFFFFF086  }
0x1c: {  	p1 =	slt.u32 s9, $0xF7A;
	s5 =	simm.s32 @!p2 $0x0  }
0x1d: {  	s5 =	simm.s32 @p1 $0x1;
	p0 =	seq.s32 s7, s2  }
0x1e: {  	s7 =	smul.u32 @!p0 $0xF7A, s2;
	p2 =	seq.s32 @!p0 s5, $0x0  }
0x1f: {  	s9 =	smul.u32 $0xF7A, s1;
	s8 =	simm.s32 @!p0 $0x1BF5;
	p2 =	por !p2, p0  }
0x20: {  	[sflag:s8] =	ssyncset.s32 @!p0 $0xFFFFF086;
	s6 =	sadd.s32 @!p0 s3, s7;
	s7 =	simm.s32 @!p0 $0x108  }
0x21: {  	s3 =	sadd.s32 s3, s9;
	s6 =	sadd.s32 @!p0 $0x88, s6;
	s7 =	simm.s32 @p2 $0x1082  }
0x22: {  	[simem:s7], [sflag:s8] =	dma.local @!p0 [hbm:s6], $0xF7A  }
0x23: {  	s9 =	sor.u32 $0xD0000000, s2;
	s6 =	simm.s32 $0x108;
	_ =	swait.ge @!p0 [sflag:s8], $0x0  }
0x24: {  	s3 =	sadd.s32 $0x88, s3;
	s6 =	simm.s32 @!p1 $0x1082;
	[sflag:s4] =	ssyncset.s32 $0xFFFFF086  }
0x25: {  	[simem:s6], [sflag:s4] =	dma.local [hbm:s3], $0xF7A  }
0x26: {  	[smem:$0x3F7A] =	sst s1;
	(tag) =	ssettag s2;
	_ =	strace s9  }
0x27: {  	s1 =	sld [smem:$0x3F8A]  }
0x28: {  	s2 =	sld [smem:$0x3F8B]  }
0x29: {  	s4 =	sld [smem:$0x3F8D]  }
0x2a: {  	p0 =	seq.s32 s5, $0x0;
	s5 =	sld [smem:$0x3F8E]  }
0x2b: {  	s6 =	sld [smem:$0x3F8F]  }
0x2c: {  	s7 =	sld [smem:$0x3F90]  }
0x2d: {  	s3 =	simm.s32 $0x108;
	s8 =	sld [smem:$0x3F91]  }
0x2e: {  	s3 =	simm.s32 @!p0 $0x1082;
	s9 =	sld [smem:$0x3F92]  }
0x2f: {  	lr =	sadd.s32 s0, s3;
	s0 =	sld [smem:$0x3F89]  }
0x30: {  	s3 =	sld [smem:$0x3F8C]  }
0x31: {  	[smem:$0x3F95] =	sst s10  }
0x32: {  	s10 =	sld [smem:$0x3F93];
	_ =	sdelay $0x3  }
0x33: {  	p0 =	seq.s32 s10, $0x1;
	s10 =	sld [smem:$0x3F95];
	_ =	sdelay $0x3  }
0x34: {  	[smem:$0x3F95] =	sst s10  }
0x35: {  	s10 =	sld [smem:$0x3F94];
	_ =	sdelay $0x3  }
0x36: {  	p1 =	seq.s32 s10, $0x1;
	s10 =	sld [smem:$0x3F95];
	_ =	sdelay $0x3  }
0x37: {  	[smem:$0x3F95] =	sst s10  }
0x38: {  	s10 =	sld [smem:$0x3F96]  }
0x39: {  	_ = 	snop;
	(pc) =	sbr.ind lr, $3  }
0x3a: {  	_ = 	snop  }
0x3b: {  	_ = 	snop  }
0x3c: {  	p2 =	seq.s32 s10, $0x1;
	s10 =	sld [smem:$0x3F95]  }
0x3d: {  	_ =	shalt  }
0x3e: {  	_ =	shalt  }
0x3f: {  	_ =	shalt  }
0x40: {  	_ =	shalt  }
0x41: {  	_ =	shalt  }
0x42: {  	_ =	shalt  }
0x43: {  	_ =	shalt  }
0x44: {  	_ =	shalt  }
0x45: {  	_ =	shalt  }
0x46: {  	_ =	shalt  }
0x47: {  	_ =	shalt  }
0x48: {  	_ =	shalt  }
0x49: {  	_ =	shalt  }
0x4a: {  	_ =	shalt  }
0x4b: {  	_ =	shalt  }
0x4c: {  	_ =	shalt  }
0x4d: {  	_ =	shalt  }
0x4e: {  	_ =	shalt  }
0x4f: {  	_ =	shalt  }
0x50: {  	_ =	shalt  }
0x51: {  	_ =	shalt  }
0x52: {  	_ =	shalt  }
0x53: {  	_ =	shalt  }
0x54: {  	_ =	shalt  }
0x55: {  	_ =	shalt  }
0x56: {  	_ =	shalt  }
0x57: {  	_ =	shalt  }
0x58: {  	_ =	shalt  }
0x59: {  	_ =	shalt  }
0x5a: {  	_ =	shalt  }
0x5b: {  	_ =	shalt  }
0x5c: {  	_ =	shalt  }
0x5d: {  	_ =	shalt  }
0x5e: {  	_ =	shalt  }
0x5f: {  	_ =	shalt  }
0x60: {  	_ =	shalt  }
0x61: {  	_ =	shalt  }
0x62: {  	_ =	shalt  }
0x63: {  	_ =	shalt  }
0x64: {  	_ =	shalt  }
0x65: {  	_ =	shalt  }
0x66: {  	_ =	shalt  }
0x67: {  	_ =	shalt  }
0x68: {  	_ =	shalt  }
0x69: {  	_ =	shalt  }
0x6a: {  	_ =	shalt  }
0x6b: {  	_ =	shalt  }
0x6c: {  	_ =	shalt  }
0x6d: {  	_ =	shalt  }
0x6e: {  	_ =	shalt  }
0x6f: {  	_ =	shalt  }
0x70: {  	_ =	shalt  }
0x71: {  	_ =	shalt  }
0x72: {  	_ =	shalt  }
0x73: {  	_ =	shalt  }
0x74: {  	_ =	shalt  }
0x75: {  	_ =	shalt  }
0x76: {  	_ =	shalt  }
0x77: {  	_ =	shalt  }
0x78: {  	_ =	shalt  }
0x79: {  	_ =	shalt  }
0x7a: {  	_ =	shalt  }
0x7b: {  	_ =	shalt  }
0x7c: {  	_ =	shalt  }
0x7d: {  	_ =	shalt  }
0x7e: {  	_ =	shalt  }
0x7f: {  	_ =	shalt  }
0x80: {  	_ =	shalt  }
0x81: {  	_ =	shalt  }
0x82: {  	_ =	shalt  }
0x83: {  	_ =	shalt  }
0x84: {  	_ =	shalt  }
0x85: {  	_ =	shalt  }
0x86: {  	_ =	shalt  }
0x87: {  	_ =	shalt  }
.Lfunc_end0:
.L_simem_size_0:
called_computation.2_lowered:
.L_overlay_start_0:
0x88: {  	s2 =	sld [smem:$0x3FD9]  }
0x89: {  	s3 =	sld [smem:$0x3FFE];
	_ =	sdelay $0x1  }
0x8a: {  	s1 =	srdreg.scid  }
0x8b: {  	s0 =	sand.u32 $0x1, s1  }
0x8c: {  	s16 =	sshll.u32 s0, $0xA;
	s2 =	sadd.s32 s3, s2  }
0x8d: {  	s2 =	sadd.s32 s2, s16  }
0x8e: {  	[smem:$0x3FA1] =	sst s2  }
0x8f: {  	_ = 	snop  }
0x90: {  	(tm) =	ssettm $0x1  }
0x91: {  	s17 =	sld [smem:$0x3FFB];
	_ =	sdelay $0x3  }
0x92: {  	_ =	strace s17  }
0x93: {  	s2 =	sld [smem:$0x3FFC];
	_ =	sdelay $0x3  }
0x94: {  	_ =	strace s2  }
0x95: {  	s2 =	sld [smem:$0x3FFD];
	_ =	sdelay $0x3  }
0x96: {  	_ =	strace s2  }
0x97: {  	_ =	strace $0x8FFFFFFF  }
0x98: {  	s18 =	sld [smem:$0x3FDB];
	_ =	sdelay $0x1  }
0x99: {  	s19 =	simm.s32 $_scs_section_size  }
0x9a: {  	s4 =	simm.s32 $_size__tile_overlayer_lowered;
	s5 =	simm.s32 $_tile_overlayer_lowered  }
0x9b: {  	s22 =	simm.s32 $0x1BFF;
	s21 =	sshll.u32 s5, $0x1;
	s2 =	sadd.s32 s19, s18  }
0x9c: {  	s6 =	simm.s32 $0x0;
	s20 =	sshll.u32 s4, $0x1;
	s4 =	sadd.s32 s21, s2  }
0x9d: {  	[timem:s6], [sflag:s22] =	dma.local [hbm:s4], s20  }
0x9e: {  	_ =	swait.ge [sflag:s22], s20  }
0x9f: {  	s3 =	ssub.s32 $0x0, s20;
	[sflag:s22] =	ssyncset.done $0x0  }
0xa0: {  	[sflag:s22] =	ssyncadd.s32 s3;
	_ =	sdelay $0x1  }
0xa1: {  	s23 =	simm.s32 $0x1B8B  }
0xa2: {  	_ =	swait.ge [sflag:s23], $0x1  }
0xa3: {  	[sflag:s23] =	ssyncset.done $0x0  }
0xa4: {  	s25 =	simm.s32 $0x1B8E;
	s24 =	sld [smem:$0x3FFE];
	[sflag:s23] =	ssyncadd.s32 $0xFFFFFFFF  }
0xa5: {  	s26 =	simm.s32 $execute0_lowered;
	[smem:$0x3FD2] =	sst s25  }
0xa6: {  	s4 =	sshll.u32 s26, $0x1;
	_ =	strace $0x8000004C;
	[dreg:$0x1] =	wrdreg $0xFFFFFFFF  }
0xa7: {  	s28 =	simm.s32 $_size_execute0_lowered;
	s2 =	sadd.s32 s2, s4;
	[dreg:$0x0] =	wrdreg $0x0  }
0xa8: {  	s4 =	sshll.u32 s28, $0x1;
	[dreg:$0x2] =	wrdreg s2  }
0xa9: {  	[dreg:$0x3] =	wrdreg s4  }
0xaa: {  	[dreg:$0x4] =	wrdreg $0xC0  }
0xab: {  	_ =	task [dreg:s6], $0x5FFFF  }
0xac: {  	[dreg:$0x1] =	wrdreg $0xFFFFFFFF  }
0xad: {  	[dreg:$0x0] =	wrdreg $0x60  }
0xae: {  	[dreg:$0x2] =	wrdreg s24  }
0xaf: {  	[dreg:$0x3] =	wrdreg $0x84000  }
0xb0: {  	[dreg:$0x4] =	wrdreg $0x9  }
0xb1: {  	_ =	task.clear_ibuf [dreg:s6], $0x5FFFF;
	_ =	strace $0x9000004C  }
0xb2: {  	s29 =	simm.s32 $0x9;
	_ =	strace $0x8000004E  }
0xb3: {  	_ =	swait.ge [sflag:s29], $0x1  }
0xb4: {  	[sflag:s29] =	ssyncadd.s32 $0xFFFFFFFF  }
0xb5: {  	_ =	strace $0x9000004E  }
0xb6: {  	_ =	sfence  }
0xb7: {  	s30 =	sld [smem:$0x0];
	_ =	sdelay $0x2  }
0xb8: {  	s31 =	sshll.u32 s1, $0xD;
	s1 =	sshrl.u32 s1, $0x2  }
0xb9: {  	s3 =	sand.u32 $0x4000, s31;
	s1 =	sadd.s32 s1, s30  }
0xba: {  	s0 =	sor.u32 s3, s0;
	s1 =	sshll.u32 s1, $0x11  }
0xbb: {  	s0 =	sor.u32 s1, s0  }
0xbc: {  	s0 =	sadd.s32 $0x8F2B, s0  }
0xbd: {  	[sflag:s0] =	ssyncadd.remote.s32 $0x1  }
0xbe: {  	_ =	sfence.sel $0xFFFF  }
0xbf: {  	[dreg:$0x0] =	wrdreg $0xFFFFFFFF;
	(pc) =	sbr.abs _section_cstart, $3  }
0xc0: {  	[dreg:$0x1] =	wrdreg $0xFFFFFFFF  }
0xc1: {  	_ =	task.clear_ibuf [dreg:s6], $0x2FFFF;
	_ =	strace $0x9FFFFFFF  }
0xc2: {  	(tm) =	ssettm $0x7FFFFFFF  }
0xc3: {  	_ =	shalt  }
tec
execute0_lowered:
.L_overlay_start_1:
0x0: {  	(tag) =	ssettag $0x1  }
0x1: {  	s0 =	rddreg [dreg:$0x0]  }
0x2: {  	s1 =	rddreg [dreg:$0x1];
	s3 =	srdreg.scid  }
0x3: {  	s2 =	simm.s32 $0x0;
	s14 =	stileid.u32;
	s28 =	simm.s32 $0x100  }
0x4: {  	s29 =	simm.s32 $0x300;
	s30 =	simm.s32 $0x180;
	s31 =	simm.s32 $0x380  }
0x5: {  	s3 =	sand.u32 $0x1, s3;
	[smem:$0x7FF] =	sst s2;
	s5 =	sadd.s32 $0x6800, s0  }
0x6: {  	s7 =	sadd.s32 $0x10800, s0;
	s15 =	sadd.s32 $0x1A800, s0;
	s16 =	smul.u32 $0x4E000, s14  }
0x7: {  	s19 =	smul.u32 $0x13800, s14;
	s23 =	sadd.s32 $0x138000, s1;
	p2 =	seq.s32 s14, $0x0  }
0x8: {  	p0 =	sne.s32 s14, $0x0;
	s4 =	sshll.u32 s3, $0x4;
	_ =	strace $0x8000004D  }
0x9: {  	s8 =	ssub.s32 $0x2, s3;
	s18 =	smul.u32 $0x138800, s3;
	s6 =	sor.u32 s14, s4  }
0xa: {  	[dreg:$0x3] =	wrdreg s15;
	s9 =	sshrl.u32 s8, $0x1;
	s6 =	smul.u32 $0x2800, s6  }
0xb: {  	[dreg:$0xe] =	wrdreg s23;
	p1 =	sne.s32 s3, $0x0;
	s8 =	ssub.s32 s8, s9  }
0xc: {  	s4 =	sadd.s32 $0x41A00, s0;
	s26 =	smax.u32 s8, $0x1;
	s10 =	sshrl.u32 s6, $0x3  }
0xd: {  	s0 =	sadd.s32 $0x68C00, s0;
	[dreg:$0x12] =	wrdreg s26;
	s11 =	sadd.s32 s5, s10  }
0xe: {  	s12 =	sor.u32 $0x10, s10;
	[dreg:$0x4] =	wrdreg s11;
	s11 =	sadd.s32 s7, s10  }
0xf: {  	s22 =	sadd.s32 s19, s18;
	s13 =	sadd.s32 s5, s12;
	[dreg:$0x5] =	wrdreg s11  }
0x10: {  	s17 =	sor.u32 $0x20, s10;
	s9 =	sadd.s32 s7, s12;
	[dreg:$0x6] =	wrdreg s13  }
0x11: {  	s8 =	simm.s32 $0x7D;
	[dreg:$0x7] =	wrdreg s9;
	s13 =	sadd.s32 s5, s17  }
0x12: {  	s10 =	sor.u32 $0x30, s10;
	s9 =	sadd.s32 s7, s17;
	[dreg:$0x8] =	wrdreg s13  }
0x13: {  	s11 =	sshrl.u32 s16, $0x2;
	s16 =	sadd.s32 s5, s10;
	[dreg:$0x9] =	wrdreg s9  }
0x14: {  	s12 =	smul.u32 $0x2700, s14;
	s10 =	sadd.s32 s7, s10;
	[dreg:$0xa] =	wrdreg s16  }
0x15: {  	s26 =	simm.s32 $0x280;
	s14 =	simm.s32 $0x8;
	[dreg:$0xb] =	wrdreg s10  }
0x16: {  	s20 =	sadd.s32 s11, s1;
	s21 =	sadd.s32 s15, s12;
	s9 =	sshrl.u32 s18, $0x3  }
0x17: {  	s10 =	sshrl.u32 s22, $0x3;
	s24 =	sadd.s32 s4, s12;
	s18 =	simm.s32 $0x400  }
0x18: {  	s11 =	simm.s32 $0x7;
	s12 =	simm.s32 $0x6;
	s13 =	simm.s32 $0x3  }
0x19: {  	s15 =	simm.s32 $0x4;
	s16 =	simm.s32 $0x0;
	[dreg:$0xc] =	wrdreg s20  }
.Ltmp0:
0x1a: {  	[dreg:$0xd] =	wrdreg s21;
	s9 =	sadd.s32 s0, s9;
	(pc) =	sbr.rel .LBB2_1-.Ltmp0, $4  }
0x1b: {  	[dreg:$0xf] =	wrdreg s24;
	s0 =	sadd.s32 s0, s10;
	s24 =	simm.s32 $0x200  }
0x1c: {  	s21 =	simm.s32 $0x9;
	s20 =	simm.s32 $0x5;
	s10 =	simm.s32 $0x4400  }
0x1d: {  	[dreg:$0x10] =	wrdreg s0;
	s25 =	sadd.s32 $0x27000, s9;
	s0 =	simm.s32 $0x1  }
0x1e: {  	s9 =	simm.s32 $0x2;
	[dreg:$0x11] =	wrdreg s25;
	s25 =	simm.s32 $0x80  }
.LBB2_8:
0x1f: {  	_ =	swait.ge [sflag:s12], $0x3E80  }
0x20: {  	[sflag:s12] =	ssyncset.done $0x0  }
0x21: {  	[sflag:s12] =	ssyncadd.s32 $0xFFFFC180  }
0x22: {  	[spmem:s1] =	stream.indirect.scatter.add.f32 [tilespmem:s10], [sflag:$0x8], $0x80, s31, s8, $0xb8;
	[tilespmem:$0x1BC80] =	vst v63  }
0x23: {  	_ =	swait.ge [sflag:s14], $0x3E80  }
0x24: {  	[sflag:s14] =	ssyncset.done $0x0  }
0x25: {  	[sflag:s14] =	ssyncadd.s32 $0xFFFFC180  }
0x26: {  	[bflag:$0x0] =	sbarrier.arrive $0xFFFF  }
0x27: {  	s22 =	rddreg [dreg:$0x10]  }
0x28: {  	s3 =	sor.u32 $0x1C09, s17;
	s21 =	simm.s32 $0x9;
	s19 =	rddreg [dreg:$0x13]  }
0x29: {  	[hbm:s22], [sflag:s3] =	dma.local [spmem:s19], $0x2700  }
0x2a: {  	_ =	swait.ge [sflag:s21], $0x2700  }
0x2b: {  	[sflag:s21] =	ssyncset.done $0x0;
	s17 =	rddreg [dreg:$0xe]  }
0x2c: {  	s19 =	rddreg [dreg:$0x11];
	[sflag:s21] =	ssyncadd.s32 $0xFFFFD900;
	s17 =	sshrl.u32 @!p0 s17, $0x3  }
0x2d: {  	[hbm:s19], [sflag:s3] =	dma.local @!p0 [spmem:s17], $0x100  }
0x2e: {  	s3 =	simm.s32 @!p0 $0x9  }
0x2f: {  	_ =	swait.ge @!p0 [sflag:s3], $0x100  }
0x30: {  	s16 =	sadd.s32 $0x1, s16;
	s23 =	rddreg [dreg:$0x12]  }
0x31: {  	p3 =	sne.s32 s16, s23  }
.Ltmp1:
0x32: {  	_ = 	snop;
	(pc) =	sbr.rel @!p3 .LBB2_9-.Ltmp1, $3  }
0x33: {  	_ =	sdelay $0x1  }
0x34: {  	[sflag:s3] =	ssyncset.done @!p0 $0x0  }
0x35: {  	[sflag:s3] =	ssyncadd.s32 @!p0 $0xFFFFFF00  }
.LBB2_1:
0x36: {  	s3 =	rddreg [dreg:$0x4]  }
0x37: {  	[tilespmem:s2], [sflag:$0x1] =	stream.linear.gather [hbm4b:s3+s2], $0x80, $0x38;
	[tilespmem:$0x1BC80] =	vst v63  }
0x38: {  	s23 =	rddreg [dreg:$0x5]  }
0x39: {  	[tilespmem:s24], [sflag:$0x1] =	stream.linear.gather [hbm4b:s23+s2], $0x80, $0x38;
	[tilespmem:$0x1BC80] =	vst v63  }
0x3a: {  	s17 =	rddreg [dreg:$0x6]  }
0x3b: {  	[tilespmem:s25], [sflag:$0x2] =	stream.linear.gather [hbm4b:s17+s2], $0x80, $0x38;
	[tilespmem:$0x1BC80] =	vst v63  }
0x3c: {  	s19 =	rddreg [dreg:$0x7]  }
0x3d: {  	[tilespmem:s26], [sflag:$0x2] =	stream.linear.gather [hbm4b:s19+s2], $0x80, $0x38;
	[tilespmem:$0x1BC80] =	vst v63  }
0x3e: {  	s22 =	rddreg [dreg:$0x8]  }
0x3f: {  	[tilespmem:s28], [sflag:$0x3] =	stream.linear.gather [hbm4b:s22+s2], $0x80, $0x38;
	[tilespmem:$0x1BC80] =	vst v63  }
0x40: {  	s23 =	rddreg [dreg:$0x9]  }
0x41: {  	[tilespmem:s29], [sflag:$0x3] =	stream.linear.gather [hbm4b:s23+s2], $0x80, $0x38;
	[tilespmem:$0x1BC80] =	vst v63  }
0x42: {  	s17 =	rddreg [dreg:$0xa]  }
0x43: {  	[tilespmem:s30], [sflag:$0x4] =	stream.linear.gather [hbm4b:s17+s2], $0x80, $0x38;
	[tilespmem:$0x1BC80] =	vst v63  }
0x44: {  	s19 =	rddreg [dreg:$0xb]  }
0x45: {  	[tilespmem:s31], [sflag:$0x4] =	stream.linear.gather [hbm4b:s19+s2], $0x80, $0x38;
	[tilespmem:$0x1BC80] =	vst v63  }
0x46: {  	_ =	swait.ge [sflag:s0], $0x80  }
0x47: {  	[sflag:s0] =	ssyncset.done $0x0  }
0x48: {  	[sflag:s0] =	ssyncadd.s32 $0xFFFFFF80  }
.Ltmp2:
0x49: {  	_ =	swait.ge [sflag:s0], $0x80;
	(pc) =	sbr.rel @p1 .LBB2_3-.Ltmp2, $4  }
0x4a: {  	s22 =	stileid.u32;
	[sflag:s0] =	ssyncset.done $0x0;
	s23 =	rddreg [dreg:$0xc]  }
0x4b: {  	s17 =	sshll.u32 s22, $0x6;
	[sflag:s0] =	ssyncadd.s32 $0xFFFFFF80;
	s19 =	sshrl.u32 s23, $0x3  }
0x4c: {  	[tilespmem:s18], [sflag:$0x5] =	stream.indirect.gather [hbm4b:s4+s8], $0x80, s2, s8, $0xb8;
	[tilespmem:$0x1BC80] =	vst v63  }
0x4d: {  	s22 =	sor.u32 $0x1C09, s17;
	[dreg:$0x13] =	wrdreg s19  }
0x4e: {  	s22 =	sor.u32 $0x1C09, s17;
	s3 =	rddreg [dreg:$0xf]  }
0x4f: {  	[spmem:s19], [sflag:s22] =	dma.local [hbm:s3], $0x2700  }
.Ltmp3:
0x50: {  	_ = 	snop;
	(pc) =	sbr.rel @!p2 .LBB2_5-.Ltmp3, $4  }
.Ltmp4:
0x51: {  	_ = 	snop;
	(pc) =	sbr.rel @p2 .LBB2_4-.Ltmp4, $4  }
0x52: {  	_ =	swait.ge [sflag:s21], $0x2700  }
0x53: {  	[sflag:s21] =	ssyncset.done $0x0  }
0x54: {  	s23 =	smov.u32 s4;
	[sflag:s21] =	ssyncadd.s32 $0xFFFFD900  }
0x55: {  	_ = 	snop  }
.LBB2_3:
.Ltmp5:
0x56: {  	s3 =	rddreg [dreg:$0xd];
	(pc) =	sbr.rel @p0 .LBB2_5-.Ltmp5, $4  }
0x57: {  	[spmem:s19], [sflag:s22] =	dma.local [hbm:s3], $0x2700  }
0x58: {  	_ =	swait.ge [sflag:s21], $0x2700  }
0x59: {  	[sflag:s21] =	ssyncset.done $0x0  }
0x5a: {  	s23 =	rddreg [dreg:$0x3];
	[sflag:s21] =	ssyncadd.s32 $0xFFFFD900  }
.LBB2_4:
0x5b: {  	s3 =	rddreg [dreg:$0xe]  }
0x5c: {  	s23 =	sadd.s32 $0x27000, s23;
	s19 =	sshrl.u32 s3, $0x3  }
0x5d: {  	[spmem:s19], [sflag:s22] =	dma.local [hbm:s23], $0x100  }
0x5e: {  	_ =	swait.ge [sflag:s21], $0x100  }
0x5f: {  	[sflag:s21] =	ssyncset.done $0x0  }
0x60: {  	[sflag:s21] =	ssyncadd.s32 $0xFFFFFF00  }
.LBB2_5:
0x61: {  	[bflag:$0x0] =	sbarrier.arrive $0xFFFF;
	s22 =	simm.s32 $0x380  }
.LBB2_6:
0x62: {  	_ =	swait.ge [sflag:s20], $0x3E80  }
0x63: {  	[sflag:s20] =	ssyncset.done $0x0  }
0x64: {  	[sflag:s20] =	ssyncadd.s32 $0xFFFFC180  }
0x65: {  	[spmem:s1] =	stream.indirect.scatter.add.f32 [tilespmem:s18], [sflag:$0x7], $0x80, s24, s8, $0xb8;
	[tilespmem:$0x1BC80] =	vst v63  }
0x66: {  	_ =	swait.ge [sflag:s9], $0x80  }
0x67: {  	[sflag:s9] =	ssyncset.done $0x0  }
0x68: {  	p3 =	seq.s32 s22, $0x2980;
	[sflag:s9] =	ssyncadd.s32 $0xFFFFFF80  }
0x69: {  	s19 =	sadd.s32 @!p3 $0xFFFFFE80, s22;
	_ =	swait.ge [sflag:s9], $0x80  }
0x6a: {  	s23 =	sand.u32 @!p3 $0x7C00, s19;
	[sflag:s9] =	ssyncset.done $0x0  }
0x6b: {  	s19 =	sand.u32 @!p3 $0x200, s19;
	s23 =	sadd.s32 @!p3 s6, s23;
	[sflag:s9] =	ssyncadd.s32 $0xFFFFFF80  }
0x6c: {  	[tilespmem:s10], [sflag:$0x6] =	stream.indirect.gather [hbm4b:s4+s8], $0x80, s25, s8, $0xb8;
	[tilespmem:$0x1BC80] =	vst v63  }
0x6d: {  	s19 =	sor.u32 @!p3 s19, s23;
	_ =	swait.ge [sflag:s11], $0x3E80  }
0x6e: {  	s19 =	sshrl.u32 @!p3 s19, $0x3;
	[sflag:s11] =	ssyncset.done $0x0  }
0x6f: {  	s3 =	simm.s32 @!p3 $0x0;
	s23 =	sadd.s32 @!p3 s5, s19;
	[sflag:s11] =	ssyncadd.s32 $0xFFFFC180  }
0x70: {  	[tilespmem:s3], [sflag:$0x1] =	stream.linear.gather @!p3 [hbm4b:s23+s3], $0x80, $0x38;
	[tilespmem:$0x1BC80] =	vst v63  }
0x71: {  	s19 =	sadd.s32 @!p3 s7, s19;
	s23 =	simm.s32 @!p3 $0x200  }
0x72: {  	[tilespmem:s23], [sflag:$0x1] =	stream.linear.gather @!p3 [hbm4b:s19+s3], $0x80, $0x38;
	[tilespmem:$0x1BC80] =	vst v63  }
0x73: {  	_ =	swait.ge [sflag:s12], $0x3E80  }
0x74: {  	[sflag:s12] =	ssyncset.done $0x0  }
0x75: {  	[sflag:s12] =	ssyncadd.s32 $0xFFFFC180  }
0x76: {  	[spmem:s1] =	stream.indirect.scatter.add.f32 [tilespmem:s10], [sflag:$0x8], $0x80, s26, s8, $0xb8;
	[tilespmem:$0x1BC80] =	vst v63  }
0x77: {  	_ =	swait.ge [sflag:s13], $0x80  }
0x78: {  	[sflag:s13] =	ssyncset.done $0x0  }
0x79: {  	[sflag:s13] =	ssyncadd.s32 $0xFFFFFF80  }
0x7a: {  	s19 =	sadd.s32 @!p3 $0xFFFFFF00, s22;
	_ =	swait.ge [sflag:s13], $0x80  }
0x7b: {  	s23 =	sand.u32 @!p3 $0x7C00, s19;
	[sflag:s13] =	ssyncset.done $0x0  }
0x7c: {  	s19 =	sand.u32 @!p3 $0x280, s19;
	s23 =	sadd.s32 @!p3 s6, s23;
	[sflag:s13] =	ssyncadd.s32 $0xFFFFFF80  }
0x7d: {  	[tilespmem:s18], [sflag:$0x5] =	stream.indirect.gather [hbm4b:s4+s8], $0x80, s28, s8, $0xb8;
	[tilespmem:$0x1BC80] =	vst v63  }
0x7e: {  	s19 =	sor.u32 @!p3 s19, s23;
	_ =	swait.ge [sflag:s14], $0x3E80  }
0x7f: {  	s19 =	sshrl.u32 @!p3 s19, $0x3;
	[sflag:s14] =	ssyncset.done $0x0  }
0x80: {  	s21 =	simm.s32 @!p3 $0x80;
	s23 =	sadd.s32 @!p3 s5, s19;
	[sflag:s14] =	ssyncadd.s32 $0xFFFFC180  }
0x81: {  	[tilespmem:s21], [sflag:$0x2] =	stream.linear.gather @!p3 [hbm4b:s23+s3], $0x80, $0x38;
	[tilespmem:$0x1BC80] =	vst v63  }
0x82: {  	s19 =	sadd.s32 @!p3 s7, s19;
	s21 =	simm.s32 @!p3 $0x280  }
0x83: {  	[tilespmem:s21], [sflag:$0x2] =	stream.linear.gather @!p3 [hbm4b:s19+s3], $0x80, $0x38;
	[tilespmem:$0x1BC80] =	vst v63  }
0x84: {  	_ =	swait.ge [sflag:s20], $0x3E80  }
0x85: {  	[sflag:s20] =	ssyncset.done $0x0  }
0x86: {  	[sflag:s20] =	ssyncadd.s32 $0xFFFFC180  }
0x87: {  	[spmem:s1] =	stream.indirect.scatter.add.f32 [tilespmem:s18], [sflag:$0x7], $0x80, s29, s8, $0xb8;
	[tilespmem:$0x1BC80] =	vst v63  }
0x88: {  	_ =	swait.ge [sflag:s15], $0x80  }
0x89: {  	[sflag:s15] =	ssyncset.done $0x0  }
0x8a: {  	[sflag:s15] =	ssyncadd.s32 $0xFFFFFF80  }
0x8b: {  	_ =	swait.ge [sflag:s15], $0x80  }
0x8c: {  	[sflag:s15] =	ssyncset.done $0x0  }
.Ltmp6:
0x8d: {  	[sflag:s15] =	ssyncadd.s32 $0xFFFFFF80;
	(pc) =	sbr.rel @p3 .LBB2_8-.Ltmp6, $4  }
0x8e: {  	[tilespmem:s10], [sflag:$0x6] =	stream.indirect.gather [hbm4b:s4+s8], $0x80, s30, s8, $0xb8;
	[tilespmem:$0x1BC80] =	vst v63  }
0x8f: {  	_ =	swait.ge [sflag:s11], $0x3E80  }
0x90: {  	[sflag:s11] =	ssyncset.done $0x0  }
0x91: {  	[sflag:s11] =	ssyncadd.s32 $0xFFFFC180  }
0x92: {  	s3 =	sadd.s32 $0xFFFFFF80, s22  }
0x93: {  	s19 =	sand.u32 $0x7C00, s3  }
0x94: {  	s3 =	sand.u32 $0x300, s3;
	s19 =	sadd.s32 s6, s19  }
0x95: {  	s3 =	sor.u32 s3, s19  }
0x96: {  	s3 =	sshrl.u32 s3, $0x3  }
0x97: {  	s23 =	sadd.s32 s5, s3  }
0x98: {  	[tilespmem:s28], [sflag:$0x3] =	stream.linear.gather [hbm4b:s23+s2], $0x80, $0x38;
	[tilespmem:$0x1BC80] =	vst v63  }
0x99: {  	s3 =	sadd.s32 s7, s3  }
0x9a: {  	[tilespmem:s29], [sflag:$0x3] =	stream.linear.gather [hbm4b:s3+s2], $0x80, $0x38;
	[tilespmem:$0x1BC80] =	vst v63  }
0x9b: {  	_ =	swait.ge [sflag:s12], $0x3E80  }
0x9c: {  	[sflag:s12] =	ssyncset.done $0x0  }
0x9d: {  	[sflag:s12] =	ssyncadd.s32 $0xFFFFC180  }
0x9e: {  	[spmem:s1] =	stream.indirect.scatter.add.f32 [tilespmem:s10], [sflag:$0x8], $0x80, s31, s8, $0xb8;
	[tilespmem:$0x1BC80] =	vst v63  }
0x9f: {  	_ =	swait.ge [sflag:s0], $0x80  }
0xa0: {  	[sflag:s0] =	ssyncset.done $0x0  }
0xa1: {  	[sflag:s0] =	ssyncadd.s32 $0xFFFFFF80  }
0xa2: {  	_ =	swait.ge [sflag:s0], $0x80  }
0xa3: {  	s19 =	sand.u32 $0x7C00, s22;
	[sflag:s0] =	ssyncset.done $0x0  }
0xa4: {  	s21 =	sand.u32 $0x380, s22;
	s3 =	sadd.s32 s6, s19;
	[sflag:s0] =	ssyncadd.s32 $0xFFFFFF80  }
0xa5: {  	[tilespmem:s18], [sflag:$0x5] =	stream.indirect.gather [hbm4b:s4+s8], $0x80, s2, s8, $0xb8;
	[tilespmem:$0x1BC80] =	vst v63  }
0xa6: {  	s3 =	sor.u32 s21, s3;
	_ =	swait.ge [sflag:s14], $0x3E80  }
.Ltmp7:
0xa7: {  	s3 =	sshrl.u32 s3, $0x3;
	[sflag:s14] =	ssyncset.done $0x0;
	(pc) =	sbr.rel .LBB2_6-.Ltmp7, $4  }
0xa8: {  	s23 =	sadd.s32 s5, s3;
	[sflag:s14] =	ssyncadd.s32 $0xFFFFC180  }
0xa9: {  	[tilespmem:s30], [sflag:$0x4] =	stream.linear.gather [hbm4b:s23+s2], $0x80, $0x38;
	[tilespmem:$0x1BC80] =	vst v63  }
0xaa: {  	s22 =	sadd.s32 $0x200, s22;
	s3 =	sadd.s32 s7, s3  }
0xab: {  	[tilespmem:s31], [sflag:$0x4] =	stream.linear.gather [hbm4b:s3+s2], $0x80, $0x38;
	[tilespmem:$0x1BC80] =	vst v63  }
.LBB2_9:
0xac: {  	_ =	sfence.sel $0x180000  }
0xad: {  	[bflag:$0x0] =	sbarrier.arrive $0xFFFF  }
0xae: {  	_ =	strace $0x9000004D  }
0xaf: {  	[bflag:$0x2] =	sbarrier.arrive $0xFFFF  }
0xb0: {  	s0 =	rddreg [dreg:$0x2]  }
0xb1: {  	s0 =	sadd.s32 @!p0 $0x100000, s0  }
0xb2: {  	[sflag:s0] =	ssyncadd.tile.s32 @!p0 $0x1;
	_ =	shalt  }
.Lfunc_end2:
_tile_overlayer_lowered:
.L_overlay_start_2:
0xb3: {  	(tag) =	ssettag $0x2  }
0xb4: {  	s0 =	rddreg [dreg:$0x0];
	s2 =	stileid.u32  }
0xb5: {  	s1 =	rddreg [dreg:$0x1];
	p0 =	sne.s32 s2, $0x0  }
0xb6: {  	s3 =	rddreg [dreg:$0x2];
	[bflag:$0x3] =	sbarrier.arrive $0xFFFF;
	s2 =	simm.s32 @!p0 $0x1C09  }
0xb7: {  	[timem:s3], [sflag:s2] =	dma.local @!p0 [hbm:s0], s1  }
0xb8: {  	s0 =	simm.s32 @!p0 $0x9  }
0xb9: {  	_ =	swait.ge @!p0 [sflag:s0], s1  }
0xba: {  	s1 =	ssub.s32 @!p0 $0x0, s1;
	[sflag:s0] =	ssyncset.done @!p0 $0x0  }
0xbb: {  	[sflag:s0] =	ssyncadd.s32 @!p0 s1  }
0xbc: {  	[bflag:$0x3] =	sbarrier.arrive $0xFFFF  }
0xbd: {  	_ =	shalt  }

// kernel: kernel.19.cloned.1.call-start
scs
__scs_entry_jumppad:
0x0: {  	(pc) =	sbr.rel $0x88, $3  }
0x1: {  	(tag) =	ssettag $0x0;
	lr =	simm.s32 $0x1  }
0x2: {  	[smem:$0x3F7A] =	sst lr;
	_ =	strace $0xD0000000  }
0x3: {  	_ = 	snop  }
0x4: {  	_ = 	snop  }
0x5: {  	_ = 	snop  }
0x6: {  	_ = 	snop  }
0x7: {  	_ = 	snop  }
__scs_overlays_trampoline_lowered:
0x8: {  	[smem:$0x3F89] =	sst s0  }
0x9: {  	[smem:$0x3F8A] =	sst s1  }
0xa: {  	[smem:$0x3F8B] =	sst s2  }
0xb: {  	[smem:$0x3F8C] =	sst s3  }
0xc: {  	[smem:$0x3F8D] =	sst s4  }
0xd: {  	[smem:$0x3F8E] =	sst s5  }
0xe: {  	[smem:$0x3F8F] =	sst s6  }
0xf: {  	[smem:$0x3F90] =	sst s7  }
0x10: {  	[smem:$0x3F91] =	sst s8  }
0x11: {  	[smem:$0x3F92] =	sst s9;
	s0 =	simm.s32 @!p0 $0x0  }
0x12: {  	s1 =	sld [smem:$0x3F78];
	s0 =	simm.s32 @p0 $0x1  }
0x13: {  	[smem:$0x3F93] =	sst s0;
	s0 =	simm.s32 @!p1 $0x0  }
0x14: {  	s2 =	sld [smem:$0x3F77];
	s0 =	simm.s32 @p1 $0x1  }
0x15: {  	[smem:$0x3F94] =	sst s0;
	s0 =	simm.s32 @!p2 $0x0  }
0x16: {  	s3 =	sld [smem:$0x3FDB];
	s0 =	simm.s32 @p2 $0x1  }
0x17: {  	s4 =	simm.s32 $0x1BF5;
	[smem:$0x3F96] =	sst s0  }
0x18: {  	s0 =	sld [smem:$0x3F79];
	_ =	swait.ge [sflag:s4], $0x0  }
0x19: {  	s7 =	sld [smem:$0x3F7A]  }
0x1a: {  	s8 =	sadd.s32 $0xFFFFE003, lr  }
0x1b: {  	s9 =	sadd.s32 $0xFFFFFEF7, lr;
	s5 =	simm.s32 $0xFFFFFFFF;
	p2 =	slt.u32 s8, $0xFFFFF086  }
0x1c: {  	p1 =	slt.u32 s9, $0xF7A;
	s5 =	simm.s32 @!p2 $0x0  }
0x1d: {  	s5 =	simm.s32 @p1 $0x1;
	p0 =	seq.s32 s7, s2  }
0x1e: {  	s7 =	smul.u32 @!p0 $0xF7A, s2;
	p2 =	seq.s32 @!p0 s5, $0x0  }
0x1f: {  	s9 =	smul.u32 $0xF7A, s1;
	s8 =	simm.s32 @!p0 $0x1BF5;
	p2 =	por !p2, p0  }
0x20: {  	[sflag:s8] =	ssyncset.s32 @!p0 $0xFFFFF086;
	s6 =	sadd.s32 @!p0 s3, s7;
	s7 =	simm.s32 @!p0 $0x108  }
0x21: {  	s3 =	sadd.s32 s3, s9;
	s6 =	sadd.s32 @!p0 $0x88, s6;
	s7 =	simm.s32 @p2 $0x1082  }
0x22: {  	[simem:s7], [sflag:s8] =	dma.local @!p0 [hbm:s6], $0xF7A  }
0x23: {  	s9 =	sor.u32 $0xD0000000, s2;
	s6 =	simm.s32 $0x108;
	_ =	swait.ge @!p0 [sflag:s8], $0x0  }
0x24: {  	s3 =	sadd.s32 $0x88, s3;
	s6 =	simm.s32 @!p1 $0x1082;
	[sflag:s4] =	ssyncset.s32 $0xFFFFF086  }
0x25: {  	[simem:s6], [sflag:s4] =	dma.local [hbm:s3], $0xF7A  }
0x26: {  	[smem:$0x3F7A] =	sst s1;
	(tag) =	ssettag s2;
	_ =	strace s9  }
0x27: {  	s1 =	sld [smem:$0x3F8A]  }
0x28: {  	s2 =	sld [smem:$0x3F8B]  }
0x29: {  	s4 =	sld [smem:$0x3F8D]  }
0x2a: {  	p0 =	seq.s32 s5, $0x0;
	s5 =	sld [smem:$0x3F8E]  }
0x2b: {  	s6 =	sld [smem:$0x3F8F]  }
0x2c: {  	s7 =	sld [smem:$0x3F90]  }
0x2d: {  	s3 =	simm.s32 $0x108;
	s8 =	sld [smem:$0x3F91]  }
0x2e: {  	s3 =	simm.s32 @!p0 $0x1082;
	s9 =	sld [smem:$0x3F92]  }
0x2f: {  	lr =	sadd.s32 s0, s3;
	s0 =	sld [smem:$0x3F89]  }
0x30: {  	s3 =	sld [smem:$0x3F8C]  }
0x31: {  	[smem:$0x3F95] =	sst s10  }
0x32: {  	s10 =	sld [smem:$0x3F93];
	_ =	sdelay $0x3  }
0x33: {  	p0 =	seq.s32 s10, $0x1;
	s10 =	sld [smem:$0x3F95];
	_ =	sdelay $0x3  }
0x34: {  	[smem:$0x3F95] =	sst s10  }
0x35: {  	s10 =	sld [smem:$0x3F94];
	_ =	sdelay $0x3  }
0x36: {  	p1 =	seq.s32 s10, $0x1;
	s10 =	sld [smem:$0x3F95];
	_ =	sdelay $0x3  }
0x37: {  	[smem:$0x3F95] =	sst s10  }
0x38: {  	s10 =	sld [smem:$0x3F96]  }
0x39: {  	_ = 	snop;
	(pc) =	sbr.ind lr, $3  }
0x3a: {  	_ = 	snop  }
0x3b: {  	_ = 	snop  }
0x3c: {  	p2 =	seq.s32 s10, $0x1;
	s10 =	sld [smem:$0x3F95]  }
0x3d: {  	_ =	shalt  }
0x3e: {  	_ =	shalt  }
0x3f: {  	_ =	shalt  }
0x40: {  	_ =	shalt  }
0x41: {  	_ =	shalt  }
0x42: {  	_ =	shalt  }
0x43: {  	_ =	shalt  }
0x44: {  	_ =	shalt  }
0x45: {  	_ =	shalt  }
0x46: {  	_ =	shalt  }
0x47: {  	_ =	shalt  }
0x48: {  	_ =	shalt  }
0x49: {  	_ =	shalt  }
0x4a: {  	_ =	shalt  }
0x4b: {  	_ =	shalt  }
0x4c: {  	_ =	shalt  }
0x4d: {  	_ =	shalt  }
0x4e: {  	_ =	shalt  }
0x4f: {  	_ =	shalt  }
0x50: {  	_ =	shalt  }
0x51: {  	_ =	shalt  }
0x52: {  	_ =	shalt  }
0x53: {  	_ =	shalt  }
0x54: {  	_ =	shalt  }
0x55: {  	_ =	shalt  }
0x56: {  	_ =	shalt  }
0x57: {  	_ =	shalt  }
0x58: {  	_ =	shalt  }
0x59: {  	_ =	shalt  }
0x5a: {  	_ =	shalt  }
0x5b: {  	_ =	shalt  }
0x5c: {  	_ =	shalt  }
0x5d: {  	_ =	shalt  }
0x5e: {  	_ =	shalt  }
0x5f: {  	_ =	shalt  }
0x60: {  	_ =	shalt  }
0x61: {  	_ =	shalt  }
0x62: {  	_ =	shalt  }
0x63: {  	_ =	shalt  }
0x64: {  	_ =	shalt  }
0x65: {  	_ =	shalt  }
0x66: {  	_ =	shalt  }
0x67: {  	_ =	shalt  }
0x68: {  	_ =	shalt  }
0x69: {  	_ =	shalt  }
0x6a: {  	_ =	shalt  }
0x6b: {  	_ =	shalt  }
0x6c: {  	_ =	shalt  }
0x6d: {  	_ =	shalt  }
0x6e: {  	_ =	shalt  }
0x6f: {  	_ =	shalt  }
0x70: {  	_ =	shalt  }
0x71: {  	_ =	shalt  }
0x72: {  	_ =	shalt  }
0x73: {  	_ =	shalt  }
0x74: {  	_ =	shalt  }
0x75: {  	_ =	shalt  }
0x76: {  	_ =	shalt  }
0x77: {  	_ =	shalt  }
0x78: {  	_ =	shalt  }
0x79: {  	_ =	shalt  }
0x7a: {  	_ =	shalt  }
0x7b: {  	_ =	shalt  }
0x7c: {  	_ =	shalt  }
0x7d: {  	_ =	shalt  }
0x7e: {  	_ =	shalt  }
0x7f: {  	_ =	shalt  }
0x80: {  	_ =	shalt  }
0x81: {  	_ =	shalt  }
0x82: {  	_ =	shalt  }
0x83: {  	_ =	shalt  }
0x84: {  	_ =	shalt  }
0x85: {  	_ =	shalt  }
0x86: {  	_ =	shalt  }
0x87: {  	_ =	shalt  }
.Lfunc_end0:
.L_simem_size_0:
called_computation.3_lowered:
.L_overlay_start_0:
0x88: {  	s2 =	sld [smem:$0x3FD9]  }
0x89: {  	s3 =	sld [smem:$0x3FFE];
	_ =	sdelay $0x1  }
0x8a: {  	s1 =	srdreg.scid  }
0x8b: {  	s0 =	sand.u32 $0x1, s1  }
0x8c: {  	s16 =	sshll.u32 s0, $0xA;
	s2 =	sadd.s32 s3, s2  }
0x8d: {  	s2 =	sadd.s32 s2, s16  }
0x8e: {  	[smem:$0x3FA1] =	sst s2  }
0x8f: {  	_ = 	snop  }
0x90: {  	(tm) =	ssettm $0x1  }
0x91: {  	s17 =	sld [smem:$0x3FFB];
	_ =	sdelay $0x3  }
0x92: {  	_ =	strace s17  }
0x93: {  	s2 =	sld [smem:$0x3FFC];
	_ =	sdelay $0x3  }
0x94: {  	_ =	strace s2  }
0x95: {  	s2 =	sld [smem:$0x3FFD];
	_ =	sdelay $0x3  }
0x96: {  	_ =	strace s2  }
0x97: {  	_ =	strace $0x8FFFFFFF  }
0x98: {  	s18 =	sld [smem:$0x3FDB];
	_ =	sdelay $0x1  }
0x99: {  	s19 =	simm.s32 $_scs_section_size  }
0x9a: {  	s4 =	simm.s32 $_size__tile_overlayer_lowered;
	s5 =	simm.s32 $_tile_overlayer_lowered  }
0x9b: {  	s22 =	simm.s32 $0x1BFF;
	s21 =	sshll.u32 s5, $0x1;
	s2 =	sadd.s32 s19, s18  }
0x9c: {  	s6 =	simm.s32 $0x0;
	s20 =	sshll.u32 s4, $0x1;
	s4 =	sadd.s32 s21, s2  }
0x9d: {  	[timem:s6], [sflag:s22] =	dma.local [hbm:s4], s20  }
0x9e: {  	_ =	swait.ge [sflag:s22], s20  }
0x9f: {  	s3 =	ssub.s32 $0x0, s20;
	[sflag:s22] =	ssyncset.done $0x0  }
0xa0: {  	[sflag:s22] =	ssyncadd.s32 s3;
	_ =	sdelay $0x1  }
0xa1: {  	s23 =	simm.s32 $0x1B8B  }
0xa2: {  	_ =	swait.ge [sflag:s23], $0x1  }
0xa3: {  	[sflag:s23] =	ssyncset.done $0x0  }
0xa4: {  	s25 =	simm.s32 $0x1B8E;
	s24 =	sld [smem:$0x3FFE];
	[sflag:s23] =	ssyncadd.s32 $0xFFFFFFFF  }
0xa5: {  	s26 =	simm.s32 $execute0_lowered;
	[smem:$0x3FD2] =	sst s25  }
0xa6: {  	s4 =	sshll.u32 s26, $0x1;
	_ =	strace $0x8000004F;
	[dreg:$0x1] =	wrdreg $0xFFFFFFFF  }
0xa7: {  	s28 =	simm.s32 $_size_execute0_lowered;
	s2 =	sadd.s32 s2, s4;
	[dreg:$0x0] =	wrdreg $0x0  }
0xa8: {  	s4 =	sshll.u32 s28, $0x1;
	[dreg:$0x2] =	wrdreg s2  }
0xa9: {  	[dreg:$0x3] =	wrdreg s4  }
0xaa: {  	[dreg:$0x4] =	wrdreg $0xC0  }
0xab: {  	_ =	task [dreg:s6], $0x5FFFF  }
0xac: {  	[dreg:$0x1] =	wrdreg $0xFFFFFFFF  }
0xad: {  	[dreg:$0x0] =	wrdreg $0x60  }
0xae: {  	[dreg:$0x2] =	wrdreg s24  }
0xaf: {  	[dreg:$0x3] =	wrdreg $0x84000  }
0xb0: {  	[dreg:$0x4] =	wrdreg $0x9  }
0xb1: {  	_ =	task.clear_ibuf [dreg:s6], $0x5FFFF;
	_ =	strace $0x9000004F  }
0xb2: {  	s29 =	simm.s32 $0x9;
	_ =	strace $0x80000051  }
0xb3: {  	_ =	swait.ge [sflag:s29], $0x1  }
0xb4: {  	[sflag:s29] =	ssyncadd.s32 $0xFFFFFFFF  }
0xb5: {  	_ =	strace $0x90000051  }
0xb6: {  	_ =	sfence  }
0xb7: {  	s30 =	sld [smem:$0x0];
	_ =	sdelay $0x2  }
0xb8: {  	s31 =	sshll.u32 s1, $0xD;
	s1 =	sshrl.u32 s1, $0x2  }
0xb9: {  	s3 =	sand.u32 $0x4000, s31;
	s1 =	sadd.s32 s1, s30  }
0xba: {  	s0 =	sor.u32 s3, s0;
	s1 =	sshll.u32 s1, $0x11  }
0xbb: {  	s0 =	sor.u32 s1, s0  }
0xbc: {  	s0 =	sadd.s32 $0x8F2B, s0  }
0xbd: {  	[sflag:s0] =	ssyncadd.remote.s32 $0x1  }
0xbe: {  	_ =	sfence.sel $0xFFFF  }
0xbf: {  	[dreg:$0x0] =	wrdreg $0xFFFFFFFF;
	(pc) =	sbr.abs _section_cstart, $3  }
0xc0: {  	[dreg:$0x1] =	wrdreg $0xFFFFFFFF  }
0xc1: {  	_ =	task.clear_ibuf [dreg:s6], $0x2FFFF;
	_ =	strace $0x9FFFFFFF  }
0xc2: {  	(tm) =	ssettm $0x7FFFFFFF  }
0xc3: {  	_ =	shalt  }
tec
execute0_lowered:
.L_overlay_start_1:
0x0: {  	(tag) =	ssettag $0x1  }
0x1: {  	s0 =	rddreg [dreg:$0x0]  }
0x2: {  	s1 =	rddreg [dreg:$0x1];
	s3 =	srdreg.scid  }
0x3: {  	s2 =	simm.s32 $0x0;
	s14 =	stileid.u32;
	s28 =	simm.s32 $0x100  }
0x4: {  	s29 =	simm.s32 $0x300;
	s30 =	simm.s32 $0x180;
	s31 =	simm.s32 $0x380  }
0x5: {  	s3 =	sand.u32 $0x1, s3;
	[smem:$0x7FF] =	sst s2;
	s5 =	sadd.s32 $0x6800, s0  }
0x6: {  	s7 =	sadd.s32 $0x10800, s0;
	s15 =	sadd.s32 $0x1A800, s0;
	s16 =	smul.u32 $0x4E000, s14  }
0x7: {  	s19 =	smul.u32 $0x13800, s14;
	s23 =	sadd.s32 $0x138000, s1;
	p2 =	seq.s32 s14, $0x0  }
0x8: {  	p0 =	sne.s32 s14, $0x0;
	s4 =	sshll.u32 s3, $0x4;
	_ =	strace $0x80000050  }
0x9: {  	s8 =	ssub.s32 $0x2, s3;
	s18 =	smul.u32 $0x138800, s3;
	s6 =	sor.u32 s14, s4  }
0xa: {  	[dreg:$0x3] =	wrdreg s15;
	s9 =	sshrl.u32 s8, $0x1;
	s6 =	smul.u32 $0x2800, s6  }
0xb: {  	[dreg:$0xe] =	wrdreg s23;
	p1 =	sne.s32 s3, $0x0;
	s8 =	ssub.s32 s8, s9  }
0xc: {  	s4 =	sadd.s32 $0x41A00, s0;
	s26 =	smax.u32 s8, $0x1;
	s10 =	sshrl.u32 s6, $0x3  }
0xd: {  	s0 =	sadd.s32 $0x68C00, s0;
	[dreg:$0x12] =	wrdreg s26;
	s11 =	sadd.s32 s5, s10  }
0xe: {  	s12 =	sor.u32 $0x10, s10;
	[dreg:$0x4] =	wrdreg s11;
	s11 =	sadd.s32 s7, s10  }
0xf: {  	s22 =	sadd.s32 s19, s18;
	s13 =	sadd.s32 s5, s12;
	[dreg:$0x5] =	wrdreg s11  }
0x10: {  	s17 =	sor.u32 $0x20, s10;
	s9 =	sadd.s32 s7, s12;
	[dreg:$0x6] =	wrdreg s13  }
0x11: {  	s8 =	simm.s32 $0x7D;
	[dreg:$0x7] =	wrdreg s9;
	s13 =	sadd.s32 s5, s17  }
0x12: {  	s10 =	sor.u32 $0x30, s10;
	s9 =	sadd.s32 s7, s17;
	[dreg:$0x8] =	wrdreg s13  }
0x13: {  	s11 =	sshrl.u32 s16, $0x2;
	s16 =	sadd.s32 s5, s10;
	[dreg:$0x9] =	wrdreg s9  }
0x14: {  	s12 =	smul.u32 $0x2700, s14;
	s10 =	sadd.s32 s7, s10;
	[dreg:$0xa] =	wrdreg s16  }
0x15: {  	s26 =	simm.s32 $0x280;
	s14 =	simm.s32 $0x8;
	[dreg:$0xb] =	wrdreg s10  }
0x16: {  	s20 =	sadd.s32 s11, s1;
	s21 =	sadd.s32 s15, s12;
	s9 =	sshrl.u32 s18, $0x3  }
0x17: {  	s10 =	sshrl.u32 s22, $0x3;
	s24 =	sadd.s32 s4, s12;
	s18 =	simm.s32 $0x400  }
0x18: {  	s11 =	simm.s32 $0x7;
	s12 =	simm.s32 $0x6;
	s13 =	simm.s32 $0x3  }
0x19: {  	s15 =	simm.s32 $0x4;
	s16 =	simm.s32 $0x0;
	[dreg:$0xc] =	wrdreg s20  }
.Ltmp0:
0x1a: {  	[dreg:$0xd] =	wrdreg s21;
	s9 =	sadd.s32 s0, s9;
	(pc) =	sbr.rel .LBB2_1-.Ltmp0, $4  }
0x1b: {  	[dreg:$0xf] =	wrdreg s24;
	s0 =	sadd.s32 s0, s10;
	s24 =	simm.s32 $0x200  }
0x1c: {  	s21 =	simm.s32 $0x9;
	s20 =	simm.s32 $0x5;
	s10 =	simm.s32 $0x4400  }
0x1d: {  	[dreg:$0x10] =	wrdreg s0;
	s25 =	sadd.s32 $0x27000, s9;
	s0 =	simm.s32 $0x1  }
0x1e: {  	s9 =	simm.s32 $0x2;
	[dreg:$0x11] =	wrdreg s25;
	s25 =	simm.s32 $0x80  }
.LBB2_8:
0x1f: {  	_ =	swait.ge [sflag:s12], $0x3E80  }
0x20: {  	[sflag:s12] =	ssyncset.done $0x0  }
0x21: {  	[sflag:s12] =	ssyncadd.s32 $0xFFFFC180  }
0x22: {  	[spmem:s1] =	stream.indirect.scatter.add.f32 [tilespmem:s10], [sflag:$0x8], $0x80, s31, s8, $0xb8;
	[tilespmem:$0x1BC80] =	vst v63  }
0x23: {  	_ =	swait.ge [sflag:s14], $0x3E80  }
0x24: {  	[sflag:s14] =	ssyncset.done $0x0  }
0x25: {  	[sflag:s14] =	ssyncadd.s32 $0xFFFFC180  }
0x26: {  	[bflag:$0x0] =	sbarrier.arrive $0xFFFF  }
0x27: {  	s22 =	rddreg [dreg:$0x10]  }
0x28: {  	s3 =	sor.u32 $0x1C09, s17;
	s21 =	simm.s32 $0x9;
	s19 =	rddreg [dreg:$0x13]  }
0x29: {  	[hbm:s22], [sflag:s3] =	dma.local [spmem:s19], $0x2700  }
0x2a: {  	_ =	swait.ge [sflag:s21], $0x2700  }
0x2b: {  	[sflag:s21] =	ssyncset.done $0x0;
	s17 =	rddreg [dreg:$0xe]  }
0x2c: {  	s19 =	rddreg [dreg:$0x11];
	[sflag:s21] =	ssyncadd.s32 $0xFFFFD900;
	s17 =	sshrl.u32 @!p0 s17, $0x3  }
0x2d: {  	[hbm:s19], [sflag:s3] =	dma.local @!p0 [spmem:s17], $0x100  }
0x2e: {  	s3 =	simm.s32 @!p0 $0x9  }
0x2f: {  	_ =	swait.ge @!p0 [sflag:s3], $0x100  }
0x30: {  	s16 =	sadd.s32 $0x1, s16;
	s23 =	rddreg [dreg:$0x12]  }
0x31: {  	p3 =	sne.s32 s16, s23  }
.Ltmp1:
0x32: {  	_ = 	snop;
	(pc) =	sbr.rel @!p3 .LBB2_9-.Ltmp1, $3  }
0x33: {  	_ =	sdelay $0x1  }
0x34: {  	[sflag:s3] =	ssyncset.done @!p0 $0x0  }
0x35: {  	[sflag:s3] =	ssyncadd.s32 @!p0 $0xFFFFFF00  }
.LBB2_1:
0x36: {  	s3 =	rddreg [dreg:$0x4]  }
0x37: {  	[tilespmem:s2], [sflag:$0x1] =	stream.linear.gather [hbm4b:s3+s2], $0x80, $0x38;
	[tilespmem:$0x1BC80] =	vst v63  }
0x38: {  	s23 =	rddreg [dreg:$0x5]  }
0x39: {  	[tilespmem:s24], [sflag:$0x1] =	stream.linear.gather [hbm4b:s23+s2], $0x80, $0x38;
	[tilespmem:$0x1BC80] =	vst v63  }
0x3a: {  	s17 =	rddreg [dreg:$0x6]  }
0x3b: {  	[tilespmem:s25], [sflag:$0x2] =	stream.linear.gather [hbm4b:s17+s2], $0x80, $0x38;
	[tilespmem:$0x1BC80] =	vst v63  }
0x3c: {  	s19 =	rddreg [dreg:$0x7]  }
0x3d: {  	[tilespmem:s26], [sflag:$0x2] =	stream.linear.gather [hbm4b:s19+s2], $0x80, $0x38;
	[tilespmem:$0x1BC80] =	vst v63  }
0x3e: {  	s22 =	rddreg [dreg:$0x8]  }
0x3f: {  	[tilespmem:s28], [sflag:$0x3] =	stream.linear.gather [hbm4b:s22+s2], $0x80, $0x38;
	[tilespmem:$0x1BC80] =	vst v63  }
0x40: {  	s23 =	rddreg [dreg:$0x9]  }
0x41: {  	[tilespmem:s29], [sflag:$0x3] =	stream.linear.gather [hbm4b:s23+s2], $0x80, $0x38;
	[tilespmem:$0x1BC80] =	vst v63  }
0x42: {  	s17 =	rddreg [dreg:$0xa]  }
0x43: {  	[tilespmem:s30], [sflag:$0x4] =	stream.linear.gather [hbm4b:s17+s2], $0x80, $0x38;
	[tilespmem:$0x1BC80] =	vst v63  }
0x44: {  	s19 =	rddreg [dreg:$0xb]  }
0x45: {  	[tilespmem:s31], [sflag:$0x4] =	stream.linear.gather [hbm4b:s19+s2], $0x80, $0x38;
	[tilespmem:$0x1BC80] =	vst v63  }
0x46: {  	_ =	swait.ge [sflag:s0], $0x80  }
0x47: {  	[sflag:s0] =	ssyncset.done $0x0  }
0x48: {  	[sflag:s0] =	ssyncadd.s32 $0xFFFFFF80  }
.Ltmp2:
0x49: {  	_ =	swait.ge [sflag:s0], $0x80;
	(pc) =	sbr.rel @p1 .LBB2_3-.Ltmp2, $4  }
0x4a: {  	s22 =	stileid.u32;
	[sflag:s0] =	ssyncset.done $0x0;
	s23 =	rddreg [dreg:$0xc]  }
0x4b: {  	s17 =	sshll.u32 s22, $0x6;
	[sflag:s0] =	ssyncadd.s32 $0xFFFFFF80;
	s19 =	sshrl.u32 s23, $0x3  }
0x4c: {  	[tilespmem:s18], [sflag:$0x5] =	stream.indirect.gather [hbm4b:s4+s8], $0x80, s2, s8, $0xb8;
	[tilespmem:$0x1BC80] =	vst v63  }
0x4d: {  	s22 =	sor.u32 $0x1C09, s17;
	[dreg:$0x13] =	wrdreg s19  }
0x4e: {  	s22 =	sor.u32 $0x1C09, s17;
	s3 =	rddreg [dreg:$0xf]  }
0x4f: {  	[spmem:s19], [sflag:s22] =	dma.local [hbm:s3], $0x2700  }
.Ltmp3:
0x50: {  	_ = 	snop;
	(pc) =	sbr.rel @!p2 .LBB2_5-.Ltmp3, $4  }
.Ltmp4:
0x51: {  	_ = 	snop;
	(pc) =	sbr.rel @p2 .LBB2_4-.Ltmp4, $4  }
0x52: {  	_ =	swait.ge [sflag:s21], $0x2700  }
0x53: {  	[sflag:s21] =	ssyncset.done $0x0  }
0x54: {  	s23 =	smov.u32 s4;
	[sflag:s21] =	ssyncadd.s32 $0xFFFFD900  }
0x55: {  	_ = 	snop  }
.LBB2_3:
.Ltmp5:
0x56: {  	s3 =	rddreg [dreg:$0xd];
	(pc) =	sbr.rel @p0 .LBB2_5-.Ltmp5, $4  }
0x57: {  	[spmem:s19], [sflag:s22] =	dma.local [hbm:s3], $0x2700  }
0x58: {  	_ =	swait.ge [sflag:s21], $0x2700  }
0x59: {  	[sflag:s21] =	ssyncset.done $0x0  }
0x5a: {  	s23 =	rddreg [dreg:$0x3];
	[sflag:s21] =	ssyncadd.s32 $0xFFFFD900  }
.LBB2_4:
0x5b: {  	s3 =	rddreg [dreg:$0xe]  }
0x5c: {  	s23 =	sadd.s32 $0x27000, s23;
	s19 =	sshrl.u32 s3, $0x3  }
0x5d: {  	[spmem:s19], [sflag:s22] =	dma.local [hbm:s23], $0x100  }
0x5e: {  	_ =	swait.ge [sflag:s21], $0x100  }
0x5f: {  	[sflag:s21] =	ssyncset.done $0x0  }
0x60: {  	[sflag:s21] =	ssyncadd.s32 $0xFFFFFF00  }
.LBB2_5:
0x61: {  	[bflag:$0x0] =	sbarrier.arrive $0xFFFF;
	s22 =	simm.s32 $0x380  }
.LBB2_6:
0x62: {  	_ =	swait.ge [sflag:s20], $0x3E80  }
0x63: {  	[sflag:s20] =	ssyncset.done $0x0  }
0x64: {  	[sflag:s20] =	ssyncadd.s32 $0xFFFFC180  }
0x65: {  	[spmem:s1] =	stream.indirect.scatter.add.f32 [tilespmem:s18], [sflag:$0x7], $0x80, s24, s8, $0xb8;
	[tilespmem:$0x1BC80] =	vst v63  }
0x66: {  	_ =	swait.ge [sflag:s9], $0x80  }
0x67: {  	[sflag:s9] =	ssyncset.done $0x0  }
0x68: {  	p3 =	seq.s32 s22, $0x2980;
	[sflag:s9] =	ssyncadd.s32 $0xFFFFFF80  }
0x69: {  	s19 =	sadd.s32 @!p3 $0xFFFFFE80, s22;
	_ =	swait.ge [sflag:s9], $0x80  }
0x6a: {  	s23 =	sand.u32 @!p3 $0x7C00, s19;
	[sflag:s9] =	ssyncset.done $0x0  }
0x6b: {  	s19 =	sand.u32 @!p3 $0x200, s19;
	s23 =	sadd.s32 @!p3 s6, s23;
	[sflag:s9] =	ssyncadd.s32 $0xFFFFFF80  }
0x6c: {  	[tilespmem:s10], [sflag:$0x6] =	stream.indirect.gather [hbm4b:s4+s8], $0x80, s25, s8, $0xb8;
	[tilespmem:$0x1BC80] =	vst v63  }
0x6d: {  	s19 =	sor.u32 @!p3 s19, s23;
	_ =	swait.ge [sflag:s11], $0x3E80  }
0x6e: {  	s19 =	sshrl.u32 @!p3 s19, $0x3;
	[sflag:s11] =	ssyncset.done $0x0  }
0x6f: {  	s3 =	simm.s32 @!p3 $0x0;
	s23 =	sadd.s32 @!p3 s5, s19;
	[sflag:s11] =	ssyncadd.s32 $0xFFFFC180  }
0x70: {  	[tilespmem:s3], [sflag:$0x1] =	stream.linear.gather @!p3 [hbm4b:s23+s3], $0x80, $0x38;
	[tilespmem:$0x1BC80] =	vst v63  }
0x71: {  	s19 =	sadd.s32 @!p3 s7, s19;
	s23 =	simm.s32 @!p3 $0x200  }
0x72: {  	[tilespmem:s23], [sflag:$0x1] =	stream.linear.gather @!p3 [hbm4b:s19+s3], $0x80, $0x38;
	[tilespmem:$0x1BC80] =	vst v63  }
0x73: {  	_ =	swait.ge [sflag:s12], $0x3E80  }
0x74: {  	[sflag:s12] =	ssyncset.done $0x0  }
0x75: {  	[sflag:s12] =	ssyncadd.s32 $0xFFFFC180  }
0x76: {  	[spmem:s1] =	stream.indirect.scatter.add.f32 [tilespmem:s10], [sflag:$0x8], $0x80, s26, s8, $0xb8;
	[tilespmem:$0x1BC80] =	vst v63  }
0x77: {  	_ =	swait.ge [sflag:s13], $0x80  }
0x78: {  	[sflag:s13] =	ssyncset.done $0x0  }
0x79: {  	[sflag:s13] =	ssyncadd.s32 $0xFFFFFF80  }
0x7a: {  	s19 =	sadd.s32 @!p3 $0xFFFFFF00, s22;
	_ =	swait.ge [sflag:s13], $0x80  }
0x7b: {  	s23 =	sand.u32 @!p3 $0x7C00, s19;
	[sflag:s13] =	ssyncset.done $0x0  }
0x7c: {  	s19 =	sand.u32 @!p3 $0x280, s19;
	s23 =	sadd.s32 @!p3 s6, s23;
	[sflag:s13] =	ssyncadd.s32 $0xFFFFFF80  }
0x7d: {  	[tilespmem:s18], [sflag:$0x5] =	stream.indirect.gather [hbm4b:s4+s8], $0x80, s28, s8, $0xb8;
	[tilespmem:$0x1BC80] =	vst v63  }
0x7e: {  	s19 =	sor.u32 @!p3 s19, s23;
	_ =	swait.ge [sflag:s14], $0x3E80  }
0x7f: {  	s19 =	sshrl.u32 @!p3 s19, $0x3;
	[sflag:s14] =	ssyncset.done $0x0  }
0x80: {  	s21 =	simm.s32 @!p3 $0x80;
	s23 =	sadd.s32 @!p3 s5, s19;
	[sflag:s14] =	ssyncadd.s32 $0xFFFFC180  }
0x81: {  	[tilespmem:s21], [sflag:$0x2] =	stream.linear.gather @!p3 [hbm4b:s23+s3], $0x80, $0x38;
	[tilespmem:$0x1BC80] =	vst v63  }
0x82: {  	s19 =	sadd.s32 @!p3 s7, s19;
	s21 =	simm.s32 @!p3 $0x280  }
0x83: {  	[tilespmem:s21], [sflag:$0x2] =	stream.linear.gather @!p3 [hbm4b:s19+s3], $0x80, $0x38;
	[tilespmem:$0x1BC80] =	vst v63  }
0x84: {  	_ =	swait.ge [sflag:s20], $0x3E80  }
0x85: {  	[sflag:s20] =	ssyncset.done $0x0  }
0x86: {  	[sflag:s20] =	ssyncadd.s32 $0xFFFFC180  }
0x87: {  	[spmem:s1] =	stream.indirect.scatter.add.f32 [tilespmem:s18], [sflag:$0x7], $0x80, s29, s8, $0xb8;
	[tilespmem:$0x1BC80] =	vst v63  }
0x88: {  	_ =	swait.ge [sflag:s15], $0x80  }
0x89: {  	[sflag:s15] =	ssyncset.done $0x0  }
0x8a: {  	[sflag:s15] =	ssyncadd.s32 $0xFFFFFF80  }
0x8b: {  	_ =	swait.ge [sflag:s15], $0x80  }
0x8c: {  	[sflag:s15] =	ssyncset.done $0x0  }
.Ltmp6:
0x8d: {  	[sflag:s15] =	ssyncadd.s32 $0xFFFFFF80;
	(pc) =	sbr.rel @p3 .LBB2_8-.Ltmp6, $4  }
0x8e: {  	[tilespmem:s10], [sflag:$0x6] =	stream.indirect.gather [hbm4b:s4+s8], $0x80, s30, s8, $0xb8;
	[tilespmem:$0x1BC80] =	vst v63  }
0x8f: {  	_ =	swait.ge [sflag:s11], $0x3E80  }
0x90: {  	[sflag:s11] =	ssyncset.done $0x0  }
0x91: {  	[sflag:s11] =	ssyncadd.s32 $0xFFFFC180  }
0x92: {  	s3 =	sadd.s32 $0xFFFFFF80, s22  }
0x93: {  	s19 =	sand.u32 $0x7C00, s3  }
0x94: {  	s3 =	sand.u32 $0x300, s3;
	s19 =	sadd.s32 s6, s19  }
0x95: {  	s3 =	sor.u32 s3, s19  }
0x96: {  	s3 =	sshrl.u32 s3, $0x3  }
0x97: {  	s23 =	sadd.s32 s5, s3  }
0x98: {  	[tilespmem:s28], [sflag:$0x3] =	stream.linear.gather [hbm4b:s23+s2], $0x80, $0x38;
	[tilespmem:$0x1BC80] =	vst v63  }
0x99: {  	s3 =	sadd.s32 s7, s3  }
0x9a: {  	[tilespmem:s29], [sflag:$0x3] =	stream.linear.gather [hbm4b:s3+s2], $0x80, $0x38;
	[tilespmem:$0x1BC80] =	vst v63  }
0x9b: {  	_ =	swait.ge [sflag:s12], $0x3E80  }
0x9c: {  	[sflag:s12] =	ssyncset.done $0x0  }
0x9d: {  	[sflag:s12] =	ssyncadd.s32 $0xFFFFC180  }
0x9e: {  	[spmem:s1] =	stream.indirect.scatter.add.f32 [tilespmem:s10], [sflag:$0x8], $0x80, s31, s8, $0xb8;
	[tilespmem:$0x1BC80] =	vst v63  }
0x9f: {  	_ =	swait.ge [sflag:s0], $0x80  }
0xa0: {  	[sflag:s0] =	ssyncset.done $0x0  }
0xa1: {  	[sflag:s0] =	ssyncadd.s32 $0xFFFFFF80  }
0xa2: {  	_ =	swait.ge [sflag:s0], $0x80  }
0xa3: {  	s19 =	sand.u32 $0x7C00, s22;
	[sflag:s0] =	ssyncset.done $0x0  }
0xa4: {  	s21 =	sand.u32 $0x380, s22;
	s3 =	sadd.s32 s6, s19;
	[sflag:s0] =	ssyncadd.s32 $0xFFFFFF80  }
0xa5: {  	[tilespmem:s18], [sflag:$0x5] =	stream.indirect.gather [hbm4b:s4+s8], $0x80, s2, s8, $0xb8;
	[tilespmem:$0x1BC80] =	vst v63  }
0xa6: {  	s3 =	sor.u32 s21, s3;
	_ =	swait.ge [sflag:s14], $0x3E80  }
.Ltmp7:
0xa7: {  	s3 =	sshrl.u32 s3, $0x3;
	[sflag:s14] =	ssyncset.done $0x0;
	(pc) =	sbr.rel .LBB2_6-.Ltmp7, $4  }
0xa8: {  	s23 =	sadd.s32 s5, s3;
	[sflag:s14] =	ssyncadd.s32 $0xFFFFC180  }
0xa9: {  	[tilespmem:s30], [sflag:$0x4] =	stream.linear.gather [hbm4b:s23+s2], $0x80, $0x38;
	[tilespmem:$0x1BC80] =	vst v63  }
0xaa: {  	s22 =	sadd.s32 $0x200, s22;
	s3 =	sadd.s32 s7, s3  }
0xab: {  	[tilespmem:s31], [sflag:$0x4] =	stream.linear.gather [hbm4b:s3+s2], $0x80, $0x38;
	[tilespmem:$0x1BC80] =	vst v63  }
.LBB2_9:
0xac: {  	_ =	sfence.sel $0x180000  }
0xad: {  	[bflag:$0x0] =	sbarrier.arrive $0xFFFF  }
0xae: {  	_ =	strace $0x90000050  }
0xaf: {  	[bflag:$0x2] =	sbarrier.arrive $0xFFFF  }
0xb0: {  	s0 =	rddreg [dreg:$0x2]  }
0xb1: {  	s0 =	sadd.s32 @!p0 $0x100000, s0  }
0xb2: {  	[sflag:s0] =	ssyncadd.tile.s32 @!p0 $0x1;
	_ =	shalt  }
.Lfunc_end2:
_tile_overlayer_lowered:
.L_overlay_start_2:
0xb3: {  	(tag) =	ssettag $0x2  }
0xb4: {  	s0 =	rddreg [dreg:$0x0];
	s2 =	stileid.u32  }
0xb5: {  	s1 =	rddreg [dreg:$0x1];
	p0 =	sne.s32 s2, $0x0  }
0xb6: {  	s3 =	rddreg [dreg:$0x2];
	[bflag:$0x3] =	sbarrier.arrive $0xFFFF;
	s2 =	simm.s32 @!p0 $0x1C09  }
0xb7: {  	[timem:s3], [sflag:s2] =	dma.local @!p0 [hbm:s0], s1  }
0xb8: {  	s0 =	simm.s32 @!p0 $0x9  }
0xb9: {  	_ =	swait.ge @!p0 [sflag:s0], s1  }
0xba: {  	s1 =	ssub.s32 @!p0 $0x0, s1;
	[sflag:s0] =	ssyncset.done @!p0 $0x0  }
0xbb: {  	[sflag:s0] =	ssyncadd.s32 @!p0 s1  }
0xbc: {  	[bflag:$0x3] =	sbarrier.arrive $0xFFFF  }
0xbd: {  	_ =	shalt  }

</sc_bundles>
